<compile_context>
chip_gen: v7x
topology: tpu7x:2x2x1
jax: 0.10.2.dev20260603
libtpu: 0.0.44.dev20260713+nightly
codegen_flags: <defaults>
</compile_context>

<pallas_src>
import functools

import jax
import jax.numpy as jnp
from jax import lax
from jax.experimental import pallas as pl
from jax.experimental.pallas import tpu as pltpu
from jax.experimental.pallas import tpu_sc as plsc
from jax._src.pallas import mpmd

EMBED = 128
SEQ = 512
PE_LEN = 1024
TEC_I = 12
TEC_I_TOTAL = 32 * TEC_I
SCS_I = (SEQ - TEC_I_TOTAL) // 2
WIN = 528
WAVE = 16


@functools.partial(jax.jit, static_argnums=(1,))
def _run(pe, batch):
    info = plsc.get_sparse_core_info()
    nc = info.num_cores
    scalar_mesh = plsc.ScalarSubcoreMesh(axis_name="c", num_cores=nc)
    vector_mesh = plsc.VectorSubcoreMesh(core_axis_name="c",
                                         subcore_axis_name="s")

    def scs_fn(pe_hbm, out_hbm, pe_sh):
        c = lax.axis_index("c")
        i_base = TEC_I_TOTAL + SCS_I * c

        def inner(sem):
            pltpu.sync_copy(pe_hbm, pe_sh)
            tasks = SCS_I * batch
            prev = []
            for wave0 in range(0, tasks, WAVE):
                cur = []
                for t in range(wave0, min(wave0 + WAVE, tasks)):
                    i = i_base + t // batch
                    b = t % batch
                    row = (b * SEQ + i) * SEQ
                    cur.append(pltpu.async_copy(
                        pe_sh.at[pl.ds(SEQ - i, SEQ)],
                        out_hbm.at[pl.ds(row, SEQ)], sem))
                for h in prev:
                    h.wait()
                prev = cur
            for h in prev:
                h.wait()

        pl.run_scoped(inner, pltpu.SemaphoreType.DMA)

    def tec_fn(pe_hbm, out_hbm, pe_sh):
        del pe_sh
        t = lax.axis_index("s") * nc + lax.axis_index("c")
        i0 = t * TEC_I
        lo = ((SEQ - i0 - (TEC_I - 1)) // 8) * 8

        def inner(buf, sem):
            pltpu.sync_copy(pe_hbm.at[pl.ds(lo, WIN)], buf)
            handles = []
            for k in range(TEC_I):
                off = (SEQ - (i0 + k)) - lo
                src = buf.at[pl.ds(off, SEQ)]
                for b in range(batch):
                    row = (b * SEQ + i0 + k) * SEQ
                    handles.append(pltpu.async_copy(
                        src, out_hbm.at[pl.ds(row, SEQ)], sem))
            for h in handles:
                h.wait()

        pl.run_scoped(inner, pltpu.VMEM((WIN, EMBED), jnp.float32),
                      pltpu.SemaphoreType.DMA)

    call = mpmd.mpmd_map(
        [(vector_mesh, tec_fn), (scalar_mesh, scs_fn)],
        out_types=jax.ShapeDtypeStruct((batch * SEQ * SEQ, EMBED),
                                       jnp.float32),
        scratch_types=[pltpu.VMEM_SHARED((PE_LEN, EMBED), jnp.float32)],
    )
    return call(pe).reshape(batch, SEQ, SEQ, EMBED)


def kernel(x, pe):
    return _run(pe, x.shape[0])

# --- scband reference (transcript-rebuilt; emitter-appended) ---
"""Pipeline reference for scband-relative-positional-encoding-45921790329083 (READ-ONLY COPY).

The authoritative reference and input builder live on the scoring server;
editing this copy changes nothing except your own understanding.
"""

import jax, jax.numpy as jnp
import numpy as np

EMBED_DIM = 128
MAX_LENGTH = 1024

def setup_inputs(seed: int = 0) -> dict:
    key = jax.random.key(seed)
    k1, k2 = jax.random.split(key)
    x = jax.random.normal(k1, (2, 512, EMBED_DIM), dtype=jnp.float32)
    pe = jax.random.normal(k2, (MAX_LENGTH, EMBED_DIM), dtype=jnp.float32)
    return {"x": x, "pe": pe}

def reference(x, pe):
    batch_size, num_tokens, _ = x.shape
    pos = jnp.arange(num_tokens)
    rel_pos = pos[None, :] - pos[:, None]
    rel_pos = rel_pos + MAX_LENGTH // 2
    rel_pos = jnp.clip(rel_pos, 0, MAX_LENGTH - 1)
    gathered = jnp.take(pe, rel_pos, axis=0)  # (T, T, D)
    out = jnp.tile(gathered[None, :, :, :], (batch_size, 1, 1, 1))
    return out

if __name__ == "__main__":
    import jax
    _d = setup_inputs()
    print(jax.jit(kernel)(*tuple(_d.values())))

</pallas_src>

<mosaic_0001>
#map = affine_map<(d0, d1) -> (0, 0)>
#map1 = affine_map<(d0) -> (0, 0)>
module attributes {stable_mosaic.version = 14 : i64} {
  func.func @tec_fn(%arg0: i32, %arg1: i32, %arg2: memref<1024x128xf32, #tpu.memory_space<hbm>>, %arg3: memref<524288x128xf32, #tpu.memory_space<hbm>>, %arg4: memref<1024x128xf32, #tpu.memory_space<vmem_shared>>) attributes {dimension_semantics = [#tpu.dimension_semantics<core_parallel>, #tpu.dimension_semantics<subcore_parallel>], iteration_bounds = array<i64: 2, 16>, scalar_prefetch = 0 : i64, scratch_operands = 1 : i64, tpu.core_type = #tpu.core_type<sc_vector_subcore>, window_params = [{transform_indices = #map}, {transform_indices = #map}]} {
    %mul3A = arith.constant 2 : i32
    %mul3A_0 = arith.muli %arg1, %mul3A : i32
    %add3A = arith.addi %mul3A_0, %arg0 : i32
    %mul3A_1 = arith.constant 12 : i32
    %mul3A_2 = arith.muli %add3A, %mul3A_1 : i32
    %sub3A = arith.constant 512 : i32
    %sub3A_3 = arith.subi %sub3A, %mul3A_2 : i32
    %sub3A_4 = arith.constant 11 : i32
    %sub3A_5 = arith.subi %sub3A_3, %sub3A_4 : i32
    %jit3A = arith.constant 8 : i32
    %div3A = arith.divsi %sub3A_5, %jit3A : i32
    %sign3A = arith.constant 0 : i32
    %sign3A_6 = arith.cmpi sgt, %sub3A_5, %sign3A : i32
    %sign3A_7 = arith.extui %sign3A_6 : i1 to i32
    %sign3A_8 = arith.constant 0 : i32
    %sign3A_9 = arith.cmpi slt, %sub3A_5, %sign3A_8 : i32
    %sign3A_10 = arith.extui %sign3A_9 : i1 to i32
    %sign3A_11 = arith.subi %sign3A_7, %sign3A_10 : i32
    %sign3A_12 = arith.constant 0 : i32
    %sign3A_13 = arith.cmpi sgt, %jit3A, %sign3A_12 : i32
    %sign3A_14 = arith.extui %sign3A_13 : i1 to i32
    %sign3A_15 = arith.constant 0 : i32
    %sign3A_16 = arith.cmpi slt, %jit3A, %sign3A_15 : i32
    %sign3A_17 = arith.extui %sign3A_16 : i1 to i32
    %sign3A_18 = arith.subi %sign3A_14, %sign3A_17 : i32
    %ne3A = arith.cmpi ne, %sign3A_11, %sign3A_18 : i32
    %rem3A = arith.remsi %sub3A_5, %jit3A : i32
    %ne3A_19 = arith.constant 0 : i32
    %ne3A_20 = arith.cmpi ne, %rem3A, %ne3A_19 : i32
    %and3A = arith.andi %ne3A, %ne3A_20 : i1
    %sub3A_21 = arith.constant 1 : i32
    %sub3A_22 = arith.subi %div3A, %sub3A_21 : i32
    %select_n3A = arith.select %and3A, %sub3A_22, %div3A : i32
    %mul3A_23 = arith.constant 8 : i32
    %mul3A_24 = arith.muli %select_n3A, %mul3A_23 : i32
    "tpu.region"() ({
      %run_scoped3A = memref.alloca() : memref<528x128xf32, #tpu.memory_space<vmem>>
      %run_scoped3A_25 = tpu.sem_alloc : memref<!tpu.dma_semaphore, #tpu.memory_space<semaphore_mem>>
      "tpu.region"() ({
        %run_scoped3A_612 = tpu.sem_alloc : memref<!tpu.dma_semaphore, #tpu.memory_space<semaphore_mem>>
        %dma_start3A_613 = arith.constant 0 : i32
        %dma_start3A_614 = tpu.memref_slice %arg2[%mul3A_24, %dma_start3A_613] : memref<1024x128xf32, #tpu.memory_space<hbm>> -> memref<528x128xf32, #tpu.memory_space<hbm>>
        %dma_start3A_615 = arith.constant 0 : i32
        %dma_start3A_616 = tpu.memref_slice %arg2[%mul3A_24, %dma_start3A_615] : memref<1024x128xf32, #tpu.memory_space<hbm>> -> memref<528x128xf32, #tpu.memory_space<hbm>>
        tpu.enqueue_dma source(%dma_start3A_616 : memref<528x128xf32, #tpu.memory_space<hbm>>) target(%run_scoped3A : memref<528x128xf32, #tpu.memory_space<vmem>>) target_semaphore(%run_scoped3A_612 : memref<!tpu.dma_semaphore, #tpu.memory_space<semaphore_mem>>)
        %dma_wait3A_617 = arith.constant 0 : i32
        %dma_wait3A_618 = tpu.memref_slice %arg2[%mul3A_24, %dma_wait3A_617] : memref<1024x128xf32, #tpu.memory_space<hbm>> -> memref<528x128xf32, #tpu.memory_space<hbm>>
        %dma_wait3A_619 = arith.constant 0 : i32
        %dma_wait3A_620 = tpu.memref_slice %arg2[%mul3A_24, %dma_wait3A_619] : memref<1024x128xf32, #tpu.memory_space<hbm>> -> memref<528x128xf32, #tpu.memory_space<hbm>>
        tpu.wait_dma2 semaphore(%run_scoped3A_612 : memref<!tpu.dma_semaphore, #tpu.memory_space<semaphore_mem>>) src(%dma_wait3A_620 : memref<528x128xf32, #tpu.memory_space<hbm>>) dst(%run_scoped3A : memref<528x128xf32, #tpu.memory_space<vmem>>)
        tpu.yield
      }) : () -> ()
      %add3A_26 = arith.constant 0 : i32
      %add3A_27 = arith.addi %mul3A_2, %add3A_26 : i32
      %sub3A_28 = arith.constant 512 : i32
      %sub3A_29 = arith.subi %sub3A_28, %add3A_27 : i32
      %sub3A_30 = arith.subi %sub3A_29, %mul3A_24 : i32
      %add3A_31 = arith.constant 0 : i32
      %add3A_32 = arith.addi %add3A_31, %mul3A_2 : i32
      %add3A_33 = arith.constant 0 : i32
      %add3A_34 = arith.addi %add3A_32, %add3A_33 : i32
      %mul3A_35 = arith.constant 512 : i32
      %mul3A_36 = arith.muli %add3A_34, %mul3A_35 : i32
      %dma_start3A = arith.constant 0 : i32
      %dma_start3A_37 = tpu.memref_slice %run_scoped3A[%sub3A_30, %dma_start3A] : memref<528x128xf32, #tpu.memory_space<vmem>> -> memref<512x128xf32, #tpu.memory_space<vmem>>
      %dma_start3A_38 = arith.constant 0 : i32
      %dma_start3A_39 = tpu.memref_slice %arg3[%mul3A_36, %dma_start3A_38] : memref<524288x128xf32, #tpu.memory_space<hbm>> -> memref<512x128xf32, #tpu.memory_space<hbm>>
      %dma_start3A_40 = arith.constant 0 : i32
      %dma_start3A_41 = tpu.memref_slice %arg3[%mul3A_36, %dma_start3A_40] : memref<524288x128xf32, #tpu.memory_space<hbm>> -> memref<512x128xf32, #tpu.memory_space<hbm>>
      %dma_start3A_42 = arith.constant 0 : i32
      %dma_start3A_43 = tpu.memref_slice %run_scoped3A[%sub3A_30, %dma_start3A_42] : memref<528x128xf32, #tpu.memory_space<vmem>> -> memref<512x128xf32, #tpu.memory_space<vmem>>
      tpu.enqueue_dma source(%dma_start3A_43 : memref<512x128xf32, #tpu.memory_space<vmem>>) target(%dma_start3A_41 : memref<512x128xf32, #tpu.memory_space<hbm>>) target_semaphore(%run_scoped3A_25 : memref<!tpu.dma_semaphore, #tpu.memory_space<semaphore_mem>>)
      %add3A_44 = arith.constant 512 : i32
      %add3A_45 = arith.addi %add3A_44, %mul3A_2 : i32
      %add3A_46 = arith.constant 0 : i32
      %add3A_47 = arith.addi %add3A_45, %add3A_46 : i32
      %mul3A_48 = arith.constant 512 : i32
      %mul3A_49 = arith.muli %add3A_47, %mul3A_48 : i32
      %dma_start3A_50 = arith.constant 0 : i32
      %dma_start3A_51 = tpu.memref_slice %run_scoped3A[%sub3A_30, %dma_start3A_50] : memref<528x128xf32, #tpu.memory_space<vmem>> -> memref<512x128xf32, #tpu.memory_space<vmem>>
      %dma_start3A_52 = arith.constant 0 : i32
      %dma_start3A_53 = tpu.memref_slice %arg3[%mul3A_49, %dma_start3A_52] : memref<524288x128xf32, #tpu.memory_space<hbm>> -> memref<512x128xf32, #tpu.memory_space<hbm>>
      %dma_start3A_54 = arith.constant 0 : i32
      %dma_start3A_55 = tpu.memref_slice %arg3[%mul3A_49, %dma_start3A_54] : memref<524288x128xf32, #tpu.memory_space<hbm>> -> memref<512x128xf32, #tpu.memory_space<hbm>>
      %dma_start3A_56 = arith.constant 0 : i32
      %dma_start3A_57 = tpu.memref_slice %run_scoped3A[%sub3A_30, %dma_start3A_56] : memref<528x128xf32, #tpu.memory_space<vmem>> -> memref<512x128xf32, #tpu.memory_space<vmem>>
      tpu.enqueue_dma source(%dma_start3A_57 : memref<512x128xf32, #tpu.memory_space<vmem>>) target(%dma_start3A_55 : memref<512x128xf32, #tpu.memory_space<hbm>>) target_semaphore(%run_scoped3A_25 : memref<!tpu.dma_semaphore, #tpu.memory_space<semaphore_mem>>)
      %add3A_58 = arith.constant 1 : i32
      %add3A_59 = arith.addi %mul3A_2, %add3A_58 : i32
      %sub3A_60 = arith.constant 512 : i32
      %sub3A_61 = arith.subi %sub3A_60, %add3A_59 : i32
      %sub3A_62 = arith.subi %sub3A_61, %mul3A_24 : i32
      %add3A_63 = arith.constant 0 : i32
      %add3A_64 = arith.addi %add3A_63, %mul3A_2 : i32
      %add3A_65 = arith.constant 1 : i32
      %add3A_66 = arith.addi %add3A_64, %add3A_65 : i32
      %mul3A_67 = arith.constant 512 : i32
      %mul3A_68 = arith.muli %add3A_66, %mul3A_67 : i32
      %dma_start3A_69 = arith.constant 0 : i32
      %dma_start3A_70 = tpu.memref_slice %run_scoped3A[%sub3A_62, %dma_start3A_69] : memref<528x128xf32, #tpu.memory_space<vmem>> -> memref<512x128xf32, #tpu.memory_space<vmem>>
      %dma_start3A_71 = arith.constant 0 : i32
      %dma_start3A_72 = tpu.memref_slice %arg3[%mul3A_68, %dma_start3A_71] : memref<524288x128xf32, #tpu.memory_space<hbm>> -> memref<512x128xf32, #tpu.memory_space<hbm>>
      %dma_start3A_73 = arith.constant 0 : i32
      %dma_start3A_74 = tpu.memref_slice %arg3[%mul3A_68, %dma_start3A_73] : memref<524288x128xf32, #tpu.memory_space<hbm>> -> memref<512x128xf32, #tpu.memory_space<hbm>>
      %dma_start3A_75 = arith.constant 0 : i32
      %dma_start3A_76 = tpu.memref_slice %run_scoped3A[%sub3A_62, %dma_start3A_75] : memref<528x128xf32, #tpu.memory_space<vmem>> -> memref<512x128xf32, #tpu.memory_space<vmem>>
      tpu.enqueue_dma source(%dma_start3A_76 : memref<512x128xf32, #tpu.memory_space<vmem>>) target(%dma_start3A_74 : memref<512x128xf32, #tpu.memory_space<hbm>>) target_semaphore(%run_scoped3A_25 : memref<!tpu.dma_semaphore, #tpu.memory_space<semaphore_mem>>)
      %add3A_77 = arith.constant 512 : i32
      %add3A_78 = arith.addi %add3A_77, %mul3A_2 : i32
      %add3A_79 = arith.constant 1 : i32
      %add3A_80 = arith.addi %add3A_78, %add3A_79 : i32
      %mul3A_81 = arith.constant 512 : i32
      %mul3A_82 = arith.muli %add3A_80, %mul3A_81 : i32
      %dma_start3A_83 = arith.constant 0 : i32
      %dma_start3A_84 = tpu.memref_slice %run_scoped3A[%sub3A_62, %dma_start3A_83] : memref<528x128xf32, #tpu.memory_space<vmem>> -> memref<512x128xf32, #tpu.memory_space<vmem>>
      %dma_start3A_85 = arith.constant 0 : i32
      %dma_start3A_86 = tpu.memref_slice %arg3[%mul3A_82, %dma_start3A_85] : memref<524288x128xf32, #tpu.memory_space<hbm>> -> memref<512x128xf32, #tpu.memory_space<hbm>>
      %dma_start3A_87 = arith.constant 0 : i32
      %dma_start3A_88 = tpu.memref_slice %arg3[%mul3A_82, %dma_start3A_87] : memref<524288x128xf32, #tpu.memory_space<hbm>> -> memref<512x128xf32, #tpu.memory_space<hbm>>
      %dma_start3A_89 = arith.constant 0 : i32
      %dma_start3A_90 = tpu.memref_slice %run_scoped3A[%sub3A_62, %dma_start3A_89] : memref<528x128xf32, #tpu.memory_space<vmem>> -> memref<512x128xf32, #tpu.memory_space<vmem>>
      tpu.enqueue_dma source(%dma_start3A_90 : memref<512x128xf32, #tpu.memory_space<vmem>>) target(%dma_start3A_88 : memref<512x128xf32, #tpu.memory_space<hbm>>) target_semaphore(%run_scoped3A_25 : memref<!tpu.dma_semaphore, #tpu.memory_space<semaphore_mem>>)
      %add3A_91 = arith.constant 2 : i32
      %add3A_92 = arith.addi %mul3A_2, %add3A_91 : i32
      %sub3A_93 = arith.constant 512 : i32
      %sub3A_94 = arith.subi %sub3A_93, %add3A_92 : i32
      %sub3A_95 = arith.subi %sub3A_94, %mul3A_24 : i32
      %add3A_96 = arith.constant 0 : i32
      %add3A_97 = arith.addi %add3A_96, %mul3A_2 : i32
      %add3A_98 = arith.constant 2 : i32
      %add3A_99 = arith.addi %add3A_97, %add3A_98 : i32
      %mul3A_100 = arith.constant 512 : i32
      %mul3A_101 = arith.muli %add3A_99, %mul3A_100 : i32
      %dma_start3A_102 = arith.constant 0 : i32
      %dma_start3A_103 = tpu.memref_slice %run_scoped3A[%sub3A_95, %dma_start3A_102] : memref<528x128xf32, #tpu.memory_space<vmem>> -> memref<512x128xf32, #tpu.memory_space<vmem>>
      %dma_start3A_104 = arith.constant 0 : i32
      %dma_start3A_105 = tpu.memref_slice %arg3[%mul3A_101, %dma_start3A_104] : memref<524288x128xf32, #tpu.memory_space<hbm>> -> memref<512x128xf32, #tpu.memory_space<hbm>>
      %dma_start3A_106 = arith.constant 0 : i32
      %dma_start3A_107 = tpu.memref_slice %arg3[%mul3A_101, %dma_start3A_106] : memref<524288x128xf32, #tpu.memory_space<hbm>> -> memref<512x128xf32, #tpu.memory_space<hbm>>
      %dma_start3A_108 = arith.constant 0 : i32
      %dma_start3A_109 = tpu.memref_slice %run_scoped3A[%sub3A_95, %dma_start3A_108] : memref<528x128xf32, #tpu.memory_space<vmem>> -> memref<512x128xf32, #tpu.memory_space<vmem>>
      tpu.enqueue_dma source(%dma_start3A_109 : memref<512x128xf32, #tpu.memory_space<vmem>>) target(%dma_start3A_107 : memref<512x128xf32, #tpu.memory_space<hbm>>) target_semaphore(%run_scoped3A_25 : memref<!tpu.dma_semaphore, #tpu.memory_space<semaphore_mem>>)
      %add3A_110 = arith.constant 512 : i32
      %add3A_111 = arith.addi %add3A_110, %mul3A_2 : i32
      %add3A_112 = arith.constant 2 : i32
      %add3A_113 = arith.addi %add3A_111, %add3A_112 : i32
      %mul3A_114 = arith.constant 512 : i32
      %mul3A_115 = arith.muli %add3A_113, %mul3A_114 : i32
      %dma_start3A_116 = arith.constant 0 : i32
      %dma_start3A_117 = tpu.memref_slice %run_scoped3A[%sub3A_95, %dma_start3A_116] : memref<528x128xf32, #tpu.memory_space<vmem>> -> memref<512x128xf32, #tpu.memory_space<vmem>>
      %dma_start3A_118 = arith.constant 0 : i32
      %dma_start3A_119 = tpu.memref_slice %arg3[%mul3A_115, %dma_start3A_118] : memref<524288x128xf32, #tpu.memory_space<hbm>> -> memref<512x128xf32, #tpu.memory_space<hbm>>
      %dma_start3A_120 = arith.constant 0 : i32
      %dma_start3A_121 = tpu.memref_slice %arg3[%mul3A_115, %dma_start3A_120] : memref<524288x128xf32, #tpu.memory_space<hbm>> -> memref<512x128xf32, #tpu.memory_space<hbm>>
      %dma_start3A_122 = arith.constant 0 : i32
      %dma_start3A_123 = tpu.memref_slice %run_scoped3A[%sub3A_95, %dma_start3A_122] : memref<528x128xf32, #tpu.memory_space<vmem>> -> memref<512x128xf32, #tpu.memory_space<vmem>>
      tpu.enqueue_dma source(%dma_start3A_123 : memref<512x128xf32, #tpu.memory_space<vmem>>) target(%dma_start3A_121 : memref<512x128xf32, #tpu.memory_space<hbm>>) target_semaphore(%run_scoped3A_25 : memref<!tpu.dma_semaphore, #tpu.memory_space<semaphore_mem>>)
      %add3A_124 = arith.constant 3 : i32
      %add3A_125 = arith.addi %mul3A_2, %add3A_124 : i32
      %sub3A_126 = arith.constant 512 : i32
      %sub3A_127 = arith.subi %sub3A_126, %add3A_125 : i32
      %sub3A_128 = arith.subi %sub3A_127, %mul3A_24 : i32
      %add3A_129 = arith.constant 0 : i32
      %add3A_130 = arith.addi %add3A_129, %mul3A_2 : i32
      %add3A_131 = arith.constant 3 : i32
      %add3A_132 = arith.addi %add3A_130, %add3A_131 : i32
      %mul3A_133 = arith.constant 512 : i32
      %mul3A_134 = arith.muli %add3A_132, %mul3A_133 : i32
      %dma_start3A_135 = arith.constant 0 : i32
      %dma_start3A_136 = tpu.memref_slice %run_scoped3A[%sub3A_128, %dma_start3A_135] : memref<528x128xf32, #tpu.memory_space<vmem>> -> memref<512x128xf32, #tpu.memory_space<vmem>>
      %dma_start3A_137 = arith.constant 0 : i32
      %dma_start3A_138 = tpu.memref_slice %arg3[%mul3A_134, %dma_start3A_137] : memref<524288x128xf32, #tpu.memory_space<hbm>> -> memref<512x128xf32, #tpu.memory_space<hbm>>
      %dma_start3A_139 = arith.constant 0 : i32
      %dma_start3A_140 = tpu.memref_slice %arg3[%mul3A_134, %dma_start3A_139] : memref<524288x128xf32, #tpu.memory_space<hbm>> -> memref<512x128xf32, #tpu.memory_space<hbm>>
      %dma_start3A_141 = arith.constant 0 : i32
      %dma_start3A_142 = tpu.memref_slice %run_scoped3A[%sub3A_128, %dma_start3A_141] : memref<528x128xf32, #tpu.memory_space<vmem>> -> memref<512x128xf32, #tpu.memory_space<vmem>>
      tpu.enqueue_dma source(%dma_start3A_142 : memref<512x128xf32, #tpu.memory_space<vmem>>) target(%dma_start3A_140 : memref<512x128xf32, #tpu.memory_space<hbm>>) target_semaphore(%run_scoped3A_25 : memref<!tpu.dma_semaphore, #tpu.memory_space<semaphore_mem>>)
      %add3A_143 = arith.constant 512 : i32
      %add3A_144 = arith.addi %add3A_143, %mul3A_2 : i32
      %add3A_145 = arith.constant 3 : i32
      %add3A_146 = arith.addi %add3A_144, %add3A_145 : i32
      %mul3A_147 = arith.constant 512 : i32
      %mul3A_148 = arith.muli %add3A_146, %mul3A_147 : i32
      %dma_start3A_149 = arith.constant 0 : i32
      %dma_start3A_150 = tpu.memref_slice %run_scoped3A[%sub3A_128, %dma_start3A_149] : memref<528x128xf32, #tpu.memory_space<vmem>> -> memref<512x128xf32, #tpu.memory_space<vmem>>
      %dma_start3A_151 = arith.constant 0 : i32
      %dma_start3A_152 = tpu.memref_slice %arg3[%mul3A_148, %dma_start3A_151] : memref<524288x128xf32, #tpu.memory_space<hbm>> -> memref<512x128xf32, #tpu.memory_space<hbm>>
      %dma_start3A_153 = arith.constant 0 : i32
      %dma_start3A_154 = tpu.memref_slice %arg3[%mul3A_148, %dma_start3A_153] : memref<524288x128xf32, #tpu.memory_space<hbm>> -> memref<512x128xf32, #tpu.memory_space<hbm>>
      %dma_start3A_155 = arith.constant 0 : i32
      %dma_start3A_156 = tpu.memref_slice %run_scoped3A[%sub3A_128, %dma_start3A_155] : memref<528x128xf32, #tpu.memory_space<vmem>> -> memref<512x128xf32, #tpu.memory_space<vmem>>
      tpu.enqueue_dma source(%dma_start3A_156 : memref<512x128xf32, #tpu.memory_space<vmem>>) target(%dma_start3A_154 : memref<512x128xf32, #tpu.memory_space<hbm>>) target_semaphore(%run_scoped3A_25 : memref<!tpu.dma_semaphore, #tpu.memory_space<semaphore_mem>>)
      %add3A_157 = arith.constant 4 : i32
      %add3A_158 = arith.addi %mul3A_2, %add3A_157 : i32
      %sub3A_159 = arith.constant 512 : i32
      %sub3A_160 = arith.subi %sub3A_159, %add3A_158 : i32
      %sub3A_161 = arith.subi %sub3A_160, %mul3A_24 : i32
      %add3A_162 = arith.constant 0 : i32
      %add3A_163 = arith.addi %add3A_162, %mul3A_2 : i32
      %add3A_164 = arith.constant 4 : i32
      %add3A_165 = arith.addi %add3A_163, %add3A_164 : i32
      %mul3A_166 = arith.constant 512 : i32
      %mul3A_167 = arith.muli %add3A_165, %mul3A_166 : i32
      %dma_start3A_168 = arith.constant 0 : i32
      %dma_start3A_169 = tpu.memref_slice %run_scoped3A[%sub3A_161, %dma_start3A_168] : memref<528x128xf32, #tpu.memory_space<vmem>> -> memref<512x128xf32, #tpu.memory_space<vmem>>
      %dma_start3A_170 = arith.constant 0 : i32
      %dma_start3A_171 = tpu.memref_slice %arg3[%mul3A_167, %dma_start3A_170] : memref<524288x128xf32, #tpu.memory_space<hbm>> -> memref<512x128xf32, #tpu.memory_space<hbm>>
      %dma_start3A_172 = arith.constant 0 : i32
      %dma_start3A_173 = tpu.memref_slice %arg3[%mul3A_167, %dma_start3A_172] : memref<524288x128xf32, #tpu.memory_space<hbm>> -> memref<512x128xf32, #tpu.memory_space<hbm>>
      %dma_start3A_174 = arith.constant 0 : i32
      %dma_start3A_175 = tpu.memref_slice %run_scoped3A[%sub3A_161, %dma_start3A_174] : memref<528x128xf32, #tpu.memory_space<vmem>> -> memref<512x128xf32, #tpu.memory_space<vmem>>
      tpu.enqueue_dma source(%dma_start3A_175 : memref<512x128xf32, #tpu.memory_space<vmem>>) target(%dma_start3A_173 : memref<512x128xf32, #tpu.memory_space<hbm>>) target_semaphore(%run_scoped3A_25 : memref<!tpu.dma_semaphore, #tpu.memory_space<semaphore_mem>>)
      %add3A_176 = arith.constant 512 : i32
      %add3A_177 = arith.addi %add3A_176, %mul3A_2 : i32
      %add3A_178 = arith.constant 4 : i32
      %add3A_179 = arith.addi %add3A_177, %add3A_178 : i32
      %mul3A_180 = arith.constant 512 : i32
      %mul3A_181 = arith.muli %add3A_179, %mul3A_180 : i32
      %dma_start3A_182 = arith.constant 0 : i32
      %dma_start3A_183 = tpu.memref_slice %run_scoped3A[%sub3A_161, %dma_start3A_182] : memref<528x128xf32, #tpu.memory_space<vmem>> -> memref<512x128xf32, #tpu.memory_space<vmem>>
      %dma_start3A_184 = arith.constant 0 : i32
      %dma_start3A_185 = tpu.memref_slice %arg3[%mul3A_181, %dma_start3A_184] : memref<524288x128xf32, #tpu.memory_space<hbm>> -> memref<512x128xf32, #tpu.memory_space<hbm>>
      %dma_start3A_186 = arith.constant 0 : i32
      %dma_start3A_187 = tpu.memref_slice %arg3[%mul3A_181, %dma_start3A_186] : memref<524288x128xf32, #tpu.memory_space<hbm>> -> memref<512x128xf32, #tpu.memory_space<hbm>>
      %dma_start3A_188 = arith.constant 0 : i32
      %dma_start3A_189 = tpu.memref_slice %run_scoped3A[%sub3A_161, %dma_start3A_188] : memref<528x128xf32, #tpu.memory_space<vmem>> -> memref<512x128xf32, #tpu.memory_space<vmem>>
      tpu.enqueue_dma source(%dma_start3A_189 : memref<512x128xf32, #tpu.memory_space<vmem>>) target(%dma_start3A_187 : memref<512x128xf32, #tpu.memory_space<hbm>>) target_semaphore(%run_scoped3A_25 : memref<!tpu.dma_semaphore, #tpu.memory_space<semaphore_mem>>)
      %add3A_190 = arith.constant 5 : i32
      %add3A_191 = arith.addi %mul3A_2, %add3A_190 : i32
      %sub3A_192 = arith.constant 512 : i32
      %sub3A_193 = arith.subi %sub3A_192, %add3A_191 : i32
      %sub3A_194 = arith.subi %sub3A_193, %mul3A_24 : i32
      %add3A_195 = arith.constant 0 : i32
      %add3A_196 = arith.addi %add3A_195, %mul3A_2 : i32
      %add3A_197 = arith.constant 5 : i32
      %add3A_198 = arith.addi %add3A_196, %add3A_197 : i32
      %mul3A_199 = arith.constant 512 : i32
      %mul3A_200 = arith.muli %add3A_198, %mul3A_199 : i32
      %dma_start3A_201 = arith.constant 0 : i32
      %dma_start3A_202 = tpu.memref_slice %run_scoped3A[%sub3A_194, %dma_start3A_201] : memref<528x128xf32, #tpu.memory_space<vmem>> -> memref<512x128xf32, #tpu.memory_space<vmem>>
      %dma_start3A_203 = arith.constant 0 : i32
      %dma_start3A_204 = tpu.memref_slice %arg3[%mul3A_200, %dma_start3A_203] : memref<524288x128xf32, #tpu.memory_space<hbm>> -> memref<512x128xf32, #tpu.memory_space<hbm>>
      %dma_start3A_205 = arith.constant 0 : i32
      %dma_start3A_206 = tpu.memref_slice %arg3[%mul3A_200, %dma_start3A_205] : memref<524288x128xf32, #tpu.memory_space<hbm>> -> memref<512x128xf32, #tpu.memory_space<hbm>>
      %dma_start3A_207 = arith.constant 0 : i32
      %dma_start3A_208 = tpu.memref_slice %run_scoped3A[%sub3A_194, %dma_start3A_207] : memref<528x128xf32, #tpu.memory_space<vmem>> -> memref<512x128xf32, #tpu.memory_space<vmem>>
      tpu.enqueue_dma source(%dma_start3A_208 : memref<512x128xf32, #tpu.memory_space<vmem>>) target(%dma_start3A_206 : memref<512x128xf32, #tpu.memory_space<hbm>>) target_semaphore(%run_scoped3A_25 : memref<!tpu.dma_semaphore, #tpu.memory_space<semaphore_mem>>)
      %add3A_209 = arith.constant 512 : i32
      %add3A_210 = arith.addi %add3A_209, %mul3A_2 : i32
      %add3A_211 = arith.constant 5 : i32
      %add3A_212 = arith.addi %add3A_210, %add3A_211 : i32
      %mul3A_213 = arith.constant 512 : i32
      %mul3A_214 = arith.muli %add3A_212, %mul3A_213 : i32
      %dma_start3A_215 = arith.constant 0 : i32
      %dma_start3A_216 = tpu.memref_slice %run_scoped3A[%sub3A_194, %dma_start3A_215] : memref<528x128xf32, #tpu.memory_space<vmem>> -> memref<512x128xf32, #tpu.memory_space<vmem>>
      %dma_start3A_217 = arith.constant 0 : i32
      %dma_start3A_218 = tpu.memref_slice %arg3[%mul3A_214, %dma_start3A_217] : memref<524288x128xf32, #tpu.memory_space<hbm>> -> memref<512x128xf32, #tpu.memory_space<hbm>>
      %dma_start3A_219 = arith.constant 0 : i32
      %dma_start3A_220 = tpu.memref_slice %arg3[%mul3A_214, %dma_start3A_219] : memref<524288x128xf32, #tpu.memory_space<hbm>> -> memref<512x128xf32, #tpu.memory_space<hbm>>
      %dma_start3A_221 = arith.constant 0 : i32
      %dma_start3A_222 = tpu.memref_slice %run_scoped3A[%sub3A_194, %dma_start3A_221] : memref<528x128xf32, #tpu.memory_space<vmem>> -> memref<512x128xf32, #tpu.memory_space<vmem>>
      tpu.enqueue_dma source(%dma_start3A_222 : memref<512x128xf32, #tpu.memory_space<vmem>>) target(%dma_start3A_220 : memref<512x128xf32, #tpu.memory_space<hbm>>) target_semaphore(%run_scoped3A_25 : memref<!tpu.dma_semaphore, #tpu.memory_space<semaphore_mem>>)
      %add3A_223 = arith.constant 6 : i32
      %add3A_224 = arith.addi %mul3A_2, %add3A_223 : i32
      %sub3A_225 = arith.constant 512 : i32
      %sub3A_226 = arith.subi %sub3A_225, %add3A_224 : i32
      %sub3A_227 = arith.subi %sub3A_226, %mul3A_24 : i32
      %add3A_228 = arith.constant 0 : i32
      %add3A_229 = arith.addi %add3A_228, %mul3A_2 : i32
      %add3A_230 = arith.constant 6 : i32
      %add3A_231 = arith.addi %add3A_229, %add3A_230 : i32
      %mul3A_232 = arith.constant 512 : i32
      %mul3A_233 = arith.muli %add3A_231, %mul3A_232 : i32
      %dma_start3A_234 = arith.constant 0 : i32
      %dma_start3A_235 = tpu.memref_slice %run_scoped3A[%sub3A_227, %dma_start3A_234] : memref<528x128xf32, #tpu.memory_space<vmem>> -> memref<512x128xf32, #tpu.memory_space<vmem>>
      %dma_start3A_236 = arith.constant 0 : i32
      %dma_start3A_237 = tpu.memref_slice %arg3[%mul3A_233, %dma_start3A_236] : memref<524288x128xf32, #tpu.memory_space<hbm>> -> memref<512x128xf32, #tpu.memory_space<hbm>>
      %dma_start3A_238 = arith.constant 0 : i32
      %dma_start3A_239 = tpu.memref_slice %arg3[%mul3A_233, %dma_start3A_238] : memref<524288x128xf32, #tpu.memory_space<hbm>> -> memref<512x128xf32, #tpu.memory_space<hbm>>
      %dma_start3A_240 = arith.constant 0 : i32
      %dma_start3A_241 = tpu.memref_slice %run_scoped3A[%sub3A_227, %dma_start3A_240] : memref<528x128xf32, #tpu.memory_space<vmem>> -> memref<512x128xf32, #tpu.memory_space<vmem>>
      tpu.enqueue_dma source(%dma_start3A_241 : memref<512x128xf32, #tpu.memory_space<vmem>>) target(%dma_start3A_239 : memref<512x128xf32, #tpu.memory_space<hbm>>) target_semaphore(%run_scoped3A_25 : memref<!tpu.dma_semaphore, #tpu.memory_space<semaphore_mem>>)
      %add3A_242 = arith.constant 512 : i32
      %add3A_243 = arith.addi %add3A_242, %mul3A_2 : i32
      %add3A_244 = arith.constant 6 : i32
      %add3A_245 = arith.addi %add3A_243, %add3A_244 : i32
      %mul3A_246 = arith.constant 512 : i32
      %mul3A_247 = arith.muli %add3A_245, %mul3A_246 : i32
      %dma_start3A_248 = arith.constant 0 : i32
      %dma_start3A_249 = tpu.memref_slice %run_scoped3A[%sub3A_227, %dma_start3A_248] : memref<528x128xf32, #tpu.memory_space<vmem>> -> memref<512x128xf32, #tpu.memory_space<vmem>>
      %dma_start3A_250 = arith.constant 0 : i32
      %dma_start3A_251 = tpu.memref_slice %arg3[%mul3A_247, %dma_start3A_250] : memref<524288x128xf32, #tpu.memory_space<hbm>> -> memref<512x128xf32, #tpu.memory_space<hbm>>
      %dma_start3A_252 = arith.constant 0 : i32
      %dma_start3A_253 = tpu.memref_slice %arg3[%mul3A_247, %dma_start3A_252] : memref<524288x128xf32, #tpu.memory_space<hbm>> -> memref<512x128xf32, #tpu.memory_space<hbm>>
      %dma_start3A_254 = arith.constant 0 : i32
      %dma_start3A_255 = tpu.memref_slice %run_scoped3A[%sub3A_227, %dma_start3A_254] : memref<528x128xf32, #tpu.memory_space<vmem>> -> memref<512x128xf32, #tpu.memory_space<vmem>>
      tpu.enqueue_dma source(%dma_start3A_255 : memref<512x128xf32, #tpu.memory_space<vmem>>) target(%dma_start3A_253 : memref<512x128xf32, #tpu.memory_space<hbm>>) target_semaphore(%run_scoped3A_25 : memref<!tpu.dma_semaphore, #tpu.memory_space<semaphore_mem>>)
      %add3A_256 = arith.constant 7 : i32
      %add3A_257 = arith.addi %mul3A_2, %add3A_256 : i32
      %sub3A_258 = arith.constant 512 : i32
      %sub3A_259 = arith.subi %sub3A_258, %add3A_257 : i32
      %sub3A_260 = arith.subi %sub3A_259, %mul3A_24 : i32
      %add3A_261 = arith.constant 0 : i32
      %add3A_262 = arith.addi %add3A_261, %mul3A_2 : i32
      %add3A_263 = arith.constant 7 : i32
      %add3A_264 = arith.addi %add3A_262, %add3A_263 : i32
      %mul3A_265 = arith.constant 512 : i32
      %mul3A_266 = arith.muli %add3A_264, %mul3A_265 : i32
      %dma_start3A_267 = arith.constant 0 : i32
      %dma_start3A_268 = tpu.memref_slice %run_scoped3A[%sub3A_260, %dma_start3A_267] : memref<528x128xf32, #tpu.memory_space<vmem>> -> memref<512x128xf32, #tpu.memory_space<vmem>>
      %dma_start3A_269 = arith.constant 0 : i32
      %dma_start3A_270 = tpu.memref_slice %arg3[%mul3A_266, %dma_start3A_269] : memref<524288x128xf32, #tpu.memory_space<hbm>> -> memref<512x128xf32, #tpu.memory_space<hbm>>
      %dma_start3A_271 = arith.constant 0 : i32
      %dma_start3A_272 = tpu.memref_slice %arg3[%mul3A_266, %dma_start3A_271] : memref<524288x128xf32, #tpu.memory_space<hbm>> -> memref<512x128xf32, #tpu.memory_space<hbm>>
      %dma_start3A_273 = arith.constant 0 : i32
      %dma_start3A_274 = tpu.memref_slice %run_scoped3A[%sub3A_260, %dma_start3A_273] : memref<528x128xf32, #tpu.memory_space<vmem>> -> memref<512x128xf32, #tpu.memory_space<vmem>>
      tpu.enqueue_dma source(%dma_start3A_274 : memref<512x128xf32, #tpu.memory_space<vmem>>) target(%dma_start3A_272 : memref<512x128xf32, #tpu.memory_space<hbm>>) target_semaphore(%run_scoped3A_25 : memref<!tpu.dma_semaphore, #tpu.memory_space<semaphore_mem>>)
      %add3A_275 = arith.constant 512 : i32
      %add3A_276 = arith.addi %add3A_275, %mul3A_2 : i32
      %add3A_277 = arith.constant 7 : i32
      %add3A_278 = arith.addi %add3A_276, %add3A_277 : i32
      %mul3A_279 = arith.constant 512 : i32
      %mul3A_280 = arith.muli %add3A_278, %mul3A_279 : i32
      %dma_start3A_281 = arith.constant 0 : i32
      %dma_start3A_282 = tpu.memref_slice %run_scoped3A[%sub3A_260, %dma_start3A_281] : memref<528x128xf32, #tpu.memory_space<vmem>> -> memref<512x128xf32, #tpu.memory_space<vmem>>
      %dma_start3A_283 = arith.constant 0 : i32
      %dma_start3A_284 = tpu.memref_slice %arg3[%mul3A_280, %dma_start3A_283] : memref<524288x128xf32, #tpu.memory_space<hbm>> -> memref<512x128xf32, #tpu.memory_space<hbm>>
      %dma_start3A_285 = arith.constant 0 : i32
      %dma_start3A_286 = tpu.memref_slice %arg3[%mul3A_280, %dma_start3A_285] : memref<524288x128xf32, #tpu.memory_space<hbm>> -> memref<512x128xf32, #tpu.memory_space<hbm>>
      %dma_start3A_287 = arith.constant 0 : i32
      %dma_start3A_288 = tpu.memref_slice %run_scoped3A[%sub3A_260, %dma_start3A_287] : memref<528x128xf32, #tpu.memory_space<vmem>> -> memref<512x128xf32, #tpu.memory_space<vmem>>
      tpu.enqueue_dma source(%dma_start3A_288 : memref<512x128xf32, #tpu.memory_space<vmem>>) target(%dma_start3A_286 : memref<512x128xf32, #tpu.memory_space<hbm>>) target_semaphore(%run_scoped3A_25 : memref<!tpu.dma_semaphore, #tpu.memory_space<semaphore_mem>>)
      %add3A_289 = arith.constant 8 : i32
      %add3A_290 = arith.addi %mul3A_2, %add3A_289 : i32
      %sub3A_291 = arith.constant 512 : i32
      %sub3A_292 = arith.subi %sub3A_291, %add3A_290 : i32
      %sub3A_293 = arith.subi %sub3A_292, %mul3A_24 : i32
      %add3A_294 = arith.constant 0 : i32
      %add3A_295 = arith.addi %add3A_294, %mul3A_2 : i32
      %add3A_296 = arith.constant 8 : i32
      %add3A_297 = arith.addi %add3A_295, %add3A_296 : i32
      %mul3A_298 = arith.constant 512 : i32
      %mul3A_299 = arith.muli %add3A_297, %mul3A_298 : i32
      %dma_start3A_300 = arith.constant 0 : i32
      %dma_start3A_301 = tpu.memref_slice %run_scoped3A[%sub3A_293, %dma_start3A_300] : memref<528x128xf32, #tpu.memory_space<vmem>> -> memref<512x128xf32, #tpu.memory_space<vmem>>
      %dma_start3A_302 = arith.constant 0 : i32
      %dma_start3A_303 = tpu.memref_slice %arg3[%mul3A_299, %dma_start3A_302] : memref<524288x128xf32, #tpu.memory_space<hbm>> -> memref<512x128xf32, #tpu.memory_space<hbm>>
      %dma_start3A_304 = arith.constant 0 : i32
      %dma_start3A_305 = tpu.memref_slice %arg3[%mul3A_299, %dma_start3A_304] : memref<524288x128xf32, #tpu.memory_space<hbm>> -> memref<512x128xf32, #tpu.memory_space<hbm>>
      %dma_start3A_306 = arith.constant 0 : i32
      %dma_start3A_307 = tpu.memref_slice %run_scoped3A[%sub3A_293, %dma_start3A_306] : memref<528x128xf32, #tpu.memory_space<vmem>> -> memref<512x128xf32, #tpu.memory_space<vmem>>
      tpu.enqueue_dma source(%dma_start3A_307 : memref<512x128xf32, #tpu.memory_space<vmem>>) target(%dma_start3A_305 : memref<512x128xf32, #tpu.memory_space<hbm>>) target_semaphore(%run_scoped3A_25 : memref<!tpu.dma_semaphore, #tpu.memory_space<semaphore_mem>>)
      %add3A_308 = arith.constant 512 : i32
      %add3A_309 = arith.addi %add3A_308, %mul3A_2 : i32
      %add3A_310 = arith.constant 8 : i32
      %add3A_311 = arith.addi %add3A_309, %add3A_310 : i32
      %mul3A_312 = arith.constant 512 : i32
      %mul3A_313 = arith.muli %add3A_311, %mul3A_312 : i32
      %dma_start3A_314 = arith.constant 0 : i32
      %dma_start3A_315 = tpu.memref_slice %run_scoped3A[%sub3A_293, %dma_start3A_314] : memref<528x128xf32, #tpu.memory_space<vmem>> -> memref<512x128xf32, #tpu.memory_space<vmem>>
      %dma_start3A_316 = arith.constant 0 : i32
      %dma_start3A_317 = tpu.memref_slice %arg3[%mul3A_313, %dma_start3A_316] : memref<524288x128xf32, #tpu.memory_space<hbm>> -> memref<512x128xf32, #tpu.memory_space<hbm>>
      %dma_start3A_318 = arith.constant 0 : i32
      %dma_start3A_319 = tpu.memref_slice %arg3[%mul3A_313, %dma_start3A_318] : memref<524288x128xf32, #tpu.memory_space<hbm>> -> memref<512x128xf32, #tpu.memory_space<hbm>>
      %dma_start3A_320 = arith.constant 0 : i32
      %dma_start3A_321 = tpu.memref_slice %run_scoped3A[%sub3A_293, %dma_start3A_320] : memref<528x128xf32, #tpu.memory_space<vmem>> -> memref<512x128xf32, #tpu.memory_space<vmem>>
      tpu.enqueue_dma source(%dma_start3A_321 : memref<512x128xf32, #tpu.memory_space<vmem>>) target(%dma_start3A_319 : memref<512x128xf32, #tpu.memory_space<hbm>>) target_semaphore(%run_scoped3A_25 : memref<!tpu.dma_semaphore, #tpu.memory_space<semaphore_mem>>)
      %add3A_322 = arith.constant 9 : i32
      %add3A_323 = arith.addi %mul3A_2, %add3A_322 : i32
      %sub3A_324 = arith.constant 512 : i32
      %sub3A_325 = arith.subi %sub3A_324, %add3A_323 : i32
      %sub3A_326 = arith.subi %sub3A_325, %mul3A_24 : i32
      %add3A_327 = arith.constant 0 : i32
      %add3A_328 = arith.addi %add3A_327, %mul3A_2 : i32
      %add3A_329 = arith.constant 9 : i32
      %add3A_330 = arith.addi %add3A_328, %add3A_329 : i32
      %mul3A_331 = arith.constant 512 : i32
      %mul3A_332 = arith.muli %add3A_330, %mul3A_331 : i32
      %dma_start3A_333 = arith.constant 0 : i32
      %dma_start3A_334 = tpu.memref_slice %run_scoped3A[%sub3A_326, %dma_start3A_333] : memref<528x128xf32, #tpu.memory_space<vmem>> -> memref<512x128xf32, #tpu.memory_space<vmem>>
      %dma_start3A_335 = arith.constant 0 : i32
      %dma_start3A_336 = tpu.memref_slice %arg3[%mul3A_332, %dma_start3A_335] : memref<524288x128xf32, #tpu.memory_space<hbm>> -> memref<512x128xf32, #tpu.memory_space<hbm>>
      %dma_start3A_337 = arith.constant 0 : i32
      %dma_start3A_338 = tpu.memref_slice %arg3[%mul3A_332, %dma_start3A_337] : memref<524288x128xf32, #tpu.memory_space<hbm>> -> memref<512x128xf32, #tpu.memory_space<hbm>>
      %dma_start3A_339 = arith.constant 0 : i32
      %dma_start3A_340 = tpu.memref_slice %run_scoped3A[%sub3A_326, %dma_start3A_339] : memref<528x128xf32, #tpu.memory_space<vmem>> -> memref<512x128xf32, #tpu.memory_space<vmem>>
      tpu.enqueue_dma source(%dma_start3A_340 : memref<512x128xf32, #tpu.memory_space<vmem>>) target(%dma_start3A_338 : memref<512x128xf32, #tpu.memory_space<hbm>>) target_semaphore(%run_scoped3A_25 : memref<!tpu.dma_semaphore, #tpu.memory_space<semaphore_mem>>)
      %add3A_341 = arith.constant 512 : i32
      %add3A_342 = arith.addi %add3A_341, %mul3A_2 : i32
      %add3A_343 = arith.constant 9 : i32
      %add3A_344 = arith.addi %add3A_342, %add3A_343 : i32
      %mul3A_345 = arith.constant 512 : i32
      %mul3A_346 = arith.muli %add3A_344, %mul3A_345 : i32
      %dma_start3A_347 = arith.constant 0 : i32
      %dma_start3A_348 = tpu.memref_slice %run_scoped3A[%sub3A_326, %dma_start3A_347] : memref<528x128xf32, #tpu.memory_space<vmem>> -> memref<512x128xf32, #tpu.memory_space<vmem>>
      %dma_start3A_349 = arith.constant 0 : i32
      %dma_start3A_350 = tpu.memref_slice %arg3[%mul3A_346, %dma_start3A_349] : memref<524288x128xf32, #tpu.memory_space<hbm>> -> memref<512x128xf32, #tpu.memory_space<hbm>>
      %dma_start3A_351 = arith.constant 0 : i32
      %dma_start3A_352 = tpu.memref_slice %arg3[%mul3A_346, %dma_start3A_351] : memref<524288x128xf32, #tpu.memory_space<hbm>> -> memref<512x128xf32, #tpu.memory_space<hbm>>
      %dma_start3A_353 = arith.constant 0 : i32
      %dma_start3A_354 = tpu.memref_slice %run_scoped3A[%sub3A_326, %dma_start3A_353] : memref<528x128xf32, #tpu.memory_space<vmem>> -> memref<512x128xf32, #tpu.memory_space<vmem>>
      tpu.enqueue_dma source(%dma_start3A_354 : memref<512x128xf32, #tpu.memory_space<vmem>>) target(%dma_start3A_352 : memref<512x128xf32, #tpu.memory_space<hbm>>) target_semaphore(%run_scoped3A_25 : memref<!tpu.dma_semaphore, #tpu.memory_space<semaphore_mem>>)
      %add3A_355 = arith.constant 10 : i32
      %add3A_356 = arith.addi %mul3A_2, %add3A_355 : i32
      %sub3A_357 = arith.constant 512 : i32
      %sub3A_358 = arith.subi %sub3A_357, %add3A_356 : i32
      %sub3A_359 = arith.subi %sub3A_358, %mul3A_24 : i32
      %add3A_360 = arith.constant 0 : i32
      %add3A_361 = arith.addi %add3A_360, %mul3A_2 : i32
      %add3A_362 = arith.constant 10 : i32
      %add3A_363 = arith.addi %add3A_361, %add3A_362 : i32
      %mul3A_364 = arith.constant 512 : i32
      %mul3A_365 = arith.muli %add3A_363, %mul3A_364 : i32
      %dma_start3A_366 = arith.constant 0 : i32
      %dma_start3A_367 = tpu.memref_slice %run_scoped3A[%sub3A_359, %dma_start3A_366] : memref<528x128xf32, #tpu.memory_space<vmem>> -> memref<512x128xf32, #tpu.memory_space<vmem>>
      %dma_start3A_368 = arith.constant 0 : i32
      %dma_start3A_369 = tpu.memref_slice %arg3[%mul3A_365, %dma_start3A_368] : memref<524288x128xf32, #tpu.memory_space<hbm>> -> memref<512x128xf32, #tpu.memory_space<hbm>>
      %dma_start3A_370 = arith.constant 0 : i32
      %dma_start3A_371 = tpu.memref_slice %arg3[%mul3A_365, %dma_start3A_370] : memref<524288x128xf32, #tpu.memory_space<hbm>> -> memref<512x128xf32, #tpu.memory_space<hbm>>
      %dma_start3A_372 = arith.constant 0 : i32
      %dma_start3A_373 = tpu.memref_slice %run_scoped3A[%sub3A_359, %dma_start3A_372] : memref<528x128xf32, #tpu.memory_space<vmem>> -> memref<512x128xf32, #tpu.memory_space<vmem>>
      tpu.enqueue_dma source(%dma_start3A_373 : memref<512x128xf32, #tpu.memory_space<vmem>>) target(%dma_start3A_371 : memref<512x128xf32, #tpu.memory_space<hbm>>) target_semaphore(%run_scoped3A_25 : memref<!tpu.dma_semaphore, #tpu.memory_space<semaphore_mem>>)
      %add3A_374 = arith.constant 512 : i32
      %add3A_375 = arith.addi %add3A_374, %mul3A_2 : i32
      %add3A_376 = arith.constant 10 : i32
      %add3A_377 = arith.addi %add3A_375, %add3A_376 : i32
      %mul3A_378 = arith.constant 512 : i32
      %mul3A_379 = arith.muli %add3A_377, %mul3A_378 : i32
      %dma_start3A_380 = arith.constant 0 : i32
      %dma_start3A_381 = tpu.memref_slice %run_scoped3A[%sub3A_359, %dma_start3A_380] : memref<528x128xf32, #tpu.memory_space<vmem>> -> memref<512x128xf32, #tpu.memory_space<vmem>>
      %dma_start3A_382 = arith.constant 0 : i32
      %dma_start3A_383 = tpu.memref_slice %arg3[%mul3A_379, %dma_start3A_382] : memref<524288x128xf32, #tpu.memory_space<hbm>> -> memref<512x128xf32, #tpu.memory_space<hbm>>
      %dma_start3A_384 = arith.constant 0 : i32
      %dma_start3A_385 = tpu.memref_slice %arg3[%mul3A_379, %dma_start3A_384] : memref<524288x128xf32, #tpu.memory_space<hbm>> -> memref<512x128xf32, #tpu.memory_space<hbm>>
      %dma_start3A_386 = arith.constant 0 : i32
      %dma_start3A_387 = tpu.memref_slice %run_scoped3A[%sub3A_359, %dma_start3A_386] : memref<528x128xf32, #tpu.memory_space<vmem>> -> memref<512x128xf32, #tpu.memory_space<vmem>>
      tpu.enqueue_dma source(%dma_start3A_387 : memref<512x128xf32, #tpu.memory_space<vmem>>) target(%dma_start3A_385 : memref<512x128xf32, #tpu.memory_space<hbm>>) target_semaphore(%run_scoped3A_25 : memref<!tpu.dma_semaphore, #tpu.memory_space<semaphore_mem>>)
      %add3A_388 = arith.constant 11 : i32
      %add3A_389 = arith.addi %mul3A_2, %add3A_388 : i32
      %sub3A_390 = arith.constant 512 : i32
      %sub3A_391 = arith.subi %sub3A_390, %add3A_389 : i32
      %sub3A_392 = arith.subi %sub3A_391, %mul3A_24 : i32
      %add3A_393 = arith.constant 0 : i32
      %add3A_394 = arith.addi %add3A_393, %mul3A_2 : i32
      %add3A_395 = arith.constant 11 : i32
      %add3A_396 = arith.addi %add3A_394, %add3A_395 : i32
      %mul3A_397 = arith.constant 512 : i32
      %mul3A_398 = arith.muli %add3A_396, %mul3A_397 : i32
      %dma_start3A_399 = arith.constant 0 : i32
      %dma_start3A_400 = tpu.memref_slice %run_scoped3A[%sub3A_392, %dma_start3A_399] : memref<528x128xf32, #tpu.memory_space<vmem>> -> memref<512x128xf32, #tpu.memory_space<vmem>>
      %dma_start3A_401 = arith.constant 0 : i32
      %dma_start3A_402 = tpu.memref_slice %arg3[%mul3A_398, %dma_start3A_401] : memref<524288x128xf32, #tpu.memory_space<hbm>> -> memref<512x128xf32, #tpu.memory_space<hbm>>
      %dma_start3A_403 = arith.constant 0 : i32
      %dma_start3A_404 = tpu.memref_slice %arg3[%mul3A_398, %dma_start3A_403] : memref<524288x128xf32, #tpu.memory_space<hbm>> -> memref<512x128xf32, #tpu.memory_space<hbm>>
      %dma_start3A_405 = arith.constant 0 : i32
      %dma_start3A_406 = tpu.memref_slice %run_scoped3A[%sub3A_392, %dma_start3A_405] : memref<528x128xf32, #tpu.memory_space<vmem>> -> memref<512x128xf32, #tpu.memory_space<vmem>>
      tpu.enqueue_dma source(%dma_start3A_406 : memref<512x128xf32, #tpu.memory_space<vmem>>) target(%dma_start3A_404 : memref<512x128xf32, #tpu.memory_space<hbm>>) target_semaphore(%run_scoped3A_25 : memref<!tpu.dma_semaphore, #tpu.memory_space<semaphore_mem>>)
      %add3A_407 = arith.constant 512 : i32
      %add3A_408 = arith.addi %add3A_407, %mul3A_2 : i32
      %add3A_409 = arith.constant 11 : i32
      %add3A_410 = arith.addi %add3A_408, %add3A_409 : i32
      %mul3A_411 = arith.constant 512 : i32
      %mul3A_412 = arith.muli %add3A_410, %mul3A_411 : i32
      %dma_start3A_413 = arith.constant 0 : i32
      %dma_start3A_414 = tpu.memref_slice %run_scoped3A[%sub3A_392, %dma_start3A_413] : memref<528x128xf32, #tpu.memory_space<vmem>> -> memref<512x128xf32, #tpu.memory_space<vmem>>
      %dma_start3A_415 = arith.constant 0 : i32
      %dma_start3A_416 = tpu.memref_slice %arg3[%mul3A_412, %dma_start3A_415] : memref<524288x128xf32, #tpu.memory_space<hbm>> -> memref<512x128xf32, #tpu.memory_space<hbm>>
      %dma_start3A_417 = arith.constant 0 : i32
      %dma_start3A_418 = tpu.memref_slice %arg3[%mul3A_412, %dma_start3A_417] : memref<524288x128xf32, #tpu.memory_space<hbm>> -> memref<512x128xf32, #tpu.memory_space<hbm>>
      %dma_start3A_419 = arith.constant 0 : i32
      %dma_start3A_420 = tpu.memref_slice %run_scoped3A[%sub3A_392, %dma_start3A_419] : memref<528x128xf32, #tpu.memory_space<vmem>> -> memref<512x128xf32, #tpu.memory_space<vmem>>
      tpu.enqueue_dma source(%dma_start3A_420 : memref<512x128xf32, #tpu.memory_space<vmem>>) target(%dma_start3A_418 : memref<512x128xf32, #tpu.memory_space<hbm>>) target_semaphore(%run_scoped3A_25 : memref<!tpu.dma_semaphore, #tpu.memory_space<semaphore_mem>>)
      %dma_wait3A = arith.constant 0 : i32
      %dma_wait3A_421 = tpu.memref_slice %run_scoped3A[%sub3A_30, %dma_wait3A] : memref<528x128xf32, #tpu.memory_space<vmem>> -> memref<512x128xf32, #tpu.memory_space<vmem>>
      %dma_wait3A_422 = arith.constant 0 : i32
      %dma_wait3A_423 = tpu.memref_slice %arg3[%mul3A_36, %dma_wait3A_422] : memref<524288x128xf32, #tpu.memory_space<hbm>> -> memref<512x128xf32, #tpu.memory_space<hbm>>
      %dma_wait3A_424 = arith.constant 0 : i32
      %dma_wait3A_425 = tpu.memref_slice %arg3[%mul3A_36, %dma_wait3A_424] : memref<524288x128xf32, #tpu.memory_space<hbm>> -> memref<512x128xf32, #tpu.memory_space<hbm>>
      %dma_wait3A_426 = arith.constant 0 : i32
      %dma_wait3A_427 = tpu.memref_slice %run_scoped3A[%sub3A_30, %dma_wait3A_426] : memref<528x128xf32, #tpu.memory_space<vmem>> -> memref<512x128xf32, #tpu.memory_space<vmem>>
      tpu.wait_dma2 semaphore(%run_scoped3A_25 : memref<!tpu.dma_semaphore, #tpu.memory_space<semaphore_mem>>) src(%dma_wait3A_427 : memref<512x128xf32, #tpu.memory_space<vmem>>) dst(%dma_wait3A_425 : memref<512x128xf32, #tpu.memory_space<hbm>>)
      %dma_wait3A_428 = arith.constant 0 : i32
      %dma_wait3A_429 = tpu.memref_slice %run_scoped3A[%sub3A_30, %dma_wait3A_428] : memref<528x128xf32, #tpu.memory_space<vmem>> -> memref<512x128xf32, #tpu.memory_space<vmem>>
      %dma_wait3A_430 = arith.constant 0 : i32
      %dma_wait3A_431 = tpu.memref_slice %arg3[%mul3A_49, %dma_wait3A_430] : memref<524288x128xf32, #tpu.memory_space<hbm>> -> memref<512x128xf32, #tpu.memory_space<hbm>>
      %dma_wait3A_432 = arith.constant 0 : i32
      %dma_wait3A_433 = tpu.memref_slice %arg3[%mul3A_49, %dma_wait3A_432] : memref<524288x128xf32, #tpu.memory_space<hbm>> -> memref<512x128xf32, #tpu.memory_space<hbm>>
      %dma_wait3A_434 = arith.constant 0 : i32
      %dma_wait3A_435 = tpu.memref_slice %run_scoped3A[%sub3A_30, %dma_wait3A_434] : memref<528x128xf32, #tpu.memory_space<vmem>> -> memref<512x128xf32, #tpu.memory_space<vmem>>
      tpu.wait_dma2 semaphore(%run_scoped3A_25 : memref<!tpu.dma_semaphore, #tpu.memory_space<semaphore_mem>>) src(%dma_wait3A_435 : memref<512x128xf32, #tpu.memory_space<vmem>>) dst(%dma_wait3A_433 : memref<512x128xf32, #tpu.memory_space<hbm>>)
      %dma_wait3A_436 = arith.constant 0 : i32
      %dma_wait3A_437 = tpu.memref_slice %run_scoped3A[%sub3A_62, %dma_wait3A_436] : memref<528x128xf32, #tpu.memory_space<vmem>> -> memref<512x128xf32, #tpu.memory_space<vmem>>
      %dma_wait3A_438 = arith.constant 0 : i32
      %dma_wait3A_439 = tpu.memref_slice %arg3[%mul3A_68, %dma_wait3A_438] : memref<524288x128xf32, #tpu.memory_space<hbm>> -> memref<512x128xf32, #tpu.memory_space<hbm>>
      %dma_wait3A_440 = arith.constant 0 : i32
      %dma_wait3A_441 = tpu.memref_slice %arg3[%mul3A_68, %dma_wait3A_440] : memref<524288x128xf32, #tpu.memory_space<hbm>> -> memref<512x128xf32, #tpu.memory_space<hbm>>
      %dma_wait3A_442 = arith.constant 0 : i32
      %dma_wait3A_443 = tpu.memref_slice %run_scoped3A[%sub3A_62, %dma_wait3A_442] : memref<528x128xf32, #tpu.memory_space<vmem>> -> memref<512x128xf32, #tpu.memory_space<vmem>>
      tpu.wait_dma2 semaphore(%run_scoped3A_25 : memref<!tpu.dma_semaphore, #tpu.memory_space<semaphore_mem>>) src(%dma_wait3A_443 : memref<512x128xf32, #tpu.memory_space<vmem>>) dst(%dma_wait3A_441 : memref<512x128xf32, #tpu.memory_space<hbm>>)
      %dma_wait3A_444 = arith.constant 0 : i32
      %dma_wait3A_445 = tpu.memref_slice %run_scoped3A[%sub3A_62, %dma_wait3A_444] : memref<528x128xf32, #tpu.memory_space<vmem>> -> memref<512x128xf32, #tpu.memory_space<vmem>>
      %dma_wait3A_446 = arith.constant 0 : i32
      %dma_wait3A_447 = tpu.memref_slice %arg3[%mul3A_82, %dma_wait3A_446] : memref<524288x128xf32, #tpu.memory_space<hbm>> -> memref<512x128xf32, #tpu.memory_space<hbm>>
      %dma_wait3A_448 = arith.constant 0 : i32
      %dma_wait3A_449 = tpu.memref_slice %arg3[%mul3A_82, %dma_wait3A_448] : memref<524288x128xf32, #tpu.memory_space<hbm>> -> memref<512x128xf32, #tpu.memory_space<hbm>>
      %dma_wait3A_450 = arith.constant 0 : i32
      %dma_wait3A_451 = tpu.memref_slice %run_scoped3A[%sub3A_62, %dma_wait3A_450] : memref<528x128xf32, #tpu.memory_space<vmem>> -> memref<512x128xf32, #tpu.memory_space<vmem>>
      tpu.wait_dma2 semaphore(%run_scoped3A_25 : memref<!tpu.dma_semaphore, #tpu.memory_space<semaphore_mem>>) src(%dma_wait3A_451 : memref<512x128xf32, #tpu.memory_space<vmem>>) dst(%dma_wait3A_449 : memref<512x128xf32, #tpu.memory_space<hbm>>)
      %dma_wait3A_452 = arith.constant 0 : i32
      %dma_wait3A_453 = tpu.memref_slice %run_scoped3A[%sub3A_95, %dma_wait3A_452] : memref<528x128xf32, #tpu.memory_space<vmem>> -> memref<512x128xf32, #tpu.memory_space<vmem>>
      %dma_wait3A_454 = arith.constant 0 : i32
      %dma_wait3A_455 = tpu.memref_slice %arg3[%mul3A_101, %dma_wait3A_454] : memref<524288x128xf32, #tpu.memory_space<hbm>> -> memref<512x128xf32, #tpu.memory_space<hbm>>
      %dma_wait3A_456 = arith.constant 0 : i32
      %dma_wait3A_457 = tpu.memref_slice %arg3[%mul3A_101, %dma_wait3A_456] : memref<524288x128xf32, #tpu.memory_space<hbm>> -> memref<512x128xf32, #tpu.memory_space<hbm>>
      %dma_wait3A_458 = arith.constant 0 : i32
      %dma_wait3A_459 = tpu.memref_slice %run_scoped3A[%sub3A_95, %dma_wait3A_458] : memref<528x128xf32, #tpu.memory_space<vmem>> -> memref<512x128xf32, #tpu.memory_space<vmem>>
      tpu.wait_dma2 semaphore(%run_scoped3A_25 : memref<!tpu.dma_semaphore, #tpu.memory_space<semaphore_mem>>) src(%dma_wait3A_459 : memref<512x128xf32, #tpu.memory_space<vmem>>) dst(%dma_wait3A_457 : memref<512x128xf32, #tpu.memory_space<hbm>>)
      %dma_wait3A_460 = arith.constant 0 : i32
      %dma_wait3A_461 = tpu.memref_slice %run_scoped3A[%sub3A_95, %dma_wait3A_460] : memref<528x128xf32, #tpu.memory_space<vmem>> -> memref<512x128xf32, #tpu.memory_space<vmem>>
      %dma_wait3A_462 = arith.constant 0 : i32
      %dma_wait3A_463 = tpu.memref_slice %arg3[%mul3A_115, %dma_wait3A_462] : memref<524288x128xf32, #tpu.memory_space<hbm>> -> memref<512x128xf32, #tpu.memory_space<hbm>>
      %dma_wait3A_464 = arith.constant 0 : i32
      %dma_wait3A_465 = tpu.memref_slice %arg3[%mul3A_115, %dma_wait3A_464] : memref<524288x128xf32, #tpu.memory_space<hbm>> -> memref<512x128xf32, #tpu.memory_space<hbm>>
      %dma_wait3A_466 = arith.constant 0 : i32
      %dma_wait3A_467 = tpu.memref_slice %run_scoped3A[%sub3A_95, %dma_wait3A_466] : memref<528x128xf32, #tpu.memory_space<vmem>> -> memref<512x128xf32, #tpu.memory_space<vmem>>
      tpu.wait_dma2 semaphore(%run_scoped3A_25 : memref<!tpu.dma_semaphore, #tpu.memory_space<semaphore_mem>>) src(%dma_wait3A_467 : memref<512x128xf32, #tpu.memory_space<vmem>>) dst(%dma_wait3A_465 : memref<512x128xf32, #tpu.memory_space<hbm>>)
      %dma_wait3A_468 = arith.constant 0 : i32
      %dma_wait3A_469 = tpu.memref_slice %run_scoped3A[%sub3A_128, %dma_wait3A_468] : memref<528x128xf32, #tpu.memory_space<vmem>> -> memref<512x128xf32, #tpu.memory_space<vmem>>
      %dma_wait3A_470 = arith.constant 0 : i32
      %dma_wait3A_471 = tpu.memref_slice %arg3[%mul3A_134, %dma_wait3A_470] : memref<524288x128xf32, #tpu.memory_space<hbm>> -> memref<512x128xf32, #tpu.memory_space<hbm>>
      %dma_wait3A_472 = arith.constant 0 : i32
      %dma_wait3A_473 = tpu.memref_slice %arg3[%mul3A_134, %dma_wait3A_472] : memref<524288x128xf32, #tpu.memory_space<hbm>> -> memref<512x128xf32, #tpu.memory_space<hbm>>
      %dma_wait3A_474 = arith.constant 0 : i32
      %dma_wait3A_475 = tpu.memref_slice %run_scoped3A[%sub3A_128, %dma_wait3A_474] : memref<528x128xf32, #tpu.memory_space<vmem>> -> memref<512x128xf32, #tpu.memory_space<vmem>>
      tpu.wait_dma2 semaphore(%run_scoped3A_25 : memref<!tpu.dma_semaphore, #tpu.memory_space<semaphore_mem>>) src(%dma_wait3A_475 : memref<512x128xf32, #tpu.memory_space<vmem>>) dst(%dma_wait3A_473 : memref<512x128xf32, #tpu.memory_space<hbm>>)
      %dma_wait3A_476 = arith.constant 0 : i32
      %dma_wait3A_477 = tpu.memref_slice %run_scoped3A[%sub3A_128, %dma_wait3A_476] : memref<528x128xf32, #tpu.memory_space<vmem>> -> memref<512x128xf32, #tpu.memory_space<vmem>>
      %dma_wait3A_478 = arith.constant 0 : i32
      %dma_wait3A_479 = tpu.memref_slice %arg3[%mul3A_148, %dma_wait3A_478] : memref<524288x128xf32, #tpu.memory_space<hbm>> -> memref<512x128xf32, #tpu.memory_space<hbm>>
      %dma_wait3A_480 = arith.constant 0 : i32
      %dma_wait3A_481 = tpu.memref_slice %arg3[%mul3A_148, %dma_wait3A_480] : memref<524288x128xf32, #tpu.memory_space<hbm>> -> memref<512x128xf32, #tpu.memory_space<hbm>>
      %dma_wait3A_482 = arith.constant 0 : i32
      %dma_wait3A_483 = tpu.memref_slice %run_scoped3A[%sub3A_128, %dma_wait3A_482] : memref<528x128xf32, #tpu.memory_space<vmem>> -> memref<512x128xf32, #tpu.memory_space<vmem>>
      tpu.wait_dma2 semaphore(%run_scoped3A_25 : memref<!tpu.dma_semaphore, #tpu.memory_space<semaphore_mem>>) src(%dma_wait3A_483 : memref<512x128xf32, #tpu.memory_space<vmem>>) dst(%dma_wait3A_481 : memref<512x128xf32, #tpu.memory_space<hbm>>)
      %dma_wait3A_484 = arith.constant 0 : i32
      %dma_wait3A_485 = tpu.memref_slice %run_scoped3A[%sub3A_161, %dma_wait3A_484] : memref<528x128xf32, #tpu.memory_space<vmem>> -> memref<512x128xf32, #tpu.memory_space<vmem>>
      %dma_wait3A_486 = arith.constant 0 : i32
      %dma_wait3A_487 = tpu.memref_slice %arg3[%mul3A_167, %dma_wait3A_486] : memref<524288x128xf32, #tpu.memory_space<hbm>> -> memref<512x128xf32, #tpu.memory_space<hbm>>
      %dma_wait3A_488 = arith.constant 0 : i32
      %dma_wait3A_489 = tpu.memref_slice %arg3[%mul3A_167, %dma_wait3A_488] : memref<524288x128xf32, #tpu.memory_space<hbm>> -> memref<512x128xf32, #tpu.memory_space<hbm>>
      %dma_wait3A_490 = arith.constant 0 : i32
      %dma_wait3A_491 = tpu.memref_slice %run_scoped3A[%sub3A_161, %dma_wait3A_490] : memref<528x128xf32, #tpu.memory_space<vmem>> -> memref<512x128xf32, #tpu.memory_space<vmem>>
      tpu.wait_dma2 semaphore(%run_scoped3A_25 : memref<!tpu.dma_semaphore, #tpu.memory_space<semaphore_mem>>) src(%dma_wait3A_491 : memref<512x128xf32, #tpu.memory_space<vmem>>) dst(%dma_wait3A_489 : memref<512x128xf32, #tpu.memory_space<hbm>>)
      %dma_wait3A_492 = arith.constant 0 : i32
      %dma_wait3A_493 = tpu.memref_slice %run_scoped3A[%sub3A_161, %dma_wait3A_492] : memref<528x128xf32, #tpu.memory_space<vmem>> -> memref<512x128xf32, #tpu.memory_space<vmem>>
      %dma_wait3A_494 = arith.constant 0 : i32
      %dma_wait3A_495 = tpu.memref_slice %arg3[%mul3A_181, %dma_wait3A_494] : memref<524288x128xf32, #tpu.memory_space<hbm>> -> memref<512x128xf32, #tpu.memory_space<hbm>>
      %dma_wait3A_496 = arith.constant 0 : i32
      %dma_wait3A_497 = tpu.memref_slice %arg3[%mul3A_181, %dma_wait3A_496] : memref<524288x128xf32, #tpu.memory_space<hbm>> -> memref<512x128xf32, #tpu.memory_space<hbm>>
      %dma_wait3A_498 = arith.constant 0 : i32
      %dma_wait3A_499 = tpu.memref_slice %run_scoped3A[%sub3A_161, %dma_wait3A_498] : memref<528x128xf32, #tpu.memory_space<vmem>> -> memref<512x128xf32, #tpu.memory_space<vmem>>
      tpu.wait_dma2 semaphore(%run_scoped3A_25 : memref<!tpu.dma_semaphore, #tpu.memory_space<semaphore_mem>>) src(%dma_wait3A_499 : memref<512x128xf32, #tpu.memory_space<vmem>>) dst(%dma_wait3A_497 : memref<512x128xf32, #tpu.memory_space<hbm>>)
      %dma_wait3A_500 = arith.constant 0 : i32
      %dma_wait3A_501 = tpu.memref_slice %run_scoped3A[%sub3A_194, %dma_wait3A_500] : memref<528x128xf32, #tpu.memory_space<vmem>> -> memref<512x128xf32, #tpu.memory_space<vmem>>
      %dma_wait3A_502 = arith.constant 0 : i32
      %dma_wait3A_503 = tpu.memref_slice %arg3[%mul3A_200, %dma_wait3A_502] : memref<524288x128xf32, #tpu.memory_space<hbm>> -> memref<512x128xf32, #tpu.memory_space<hbm>>
      %dma_wait3A_504 = arith.constant 0 : i32
      %dma_wait3A_505 = tpu.memref_slice %arg3[%mul3A_200, %dma_wait3A_504] : memref<524288x128xf32, #tpu.memory_space<hbm>> -> memref<512x128xf32, #tpu.memory_space<hbm>>
      %dma_wait3A_506 = arith.constant 0 : i32
      %dma_wait3A_507 = tpu.memref_slice %run_scoped3A[%sub3A_194, %dma_wait3A_506] : memref<528x128xf32, #tpu.memory_space<vmem>> -> memref<512x128xf32, #tpu.memory_space<vmem>>
      tpu.wait_dma2 semaphore(%run_scoped3A_25 : memref<!tpu.dma_semaphore, #tpu.memory_space<semaphore_mem>>) src(%dma_wait3A_507 : memref<512x128xf32, #tpu.memory_space<vmem>>) dst(%dma_wait3A_505 : memref<512x128xf32, #tpu.memory_space<hbm>>)
      %dma_wait3A_508 = arith.constant 0 : i32
      %dma_wait3A_509 = tpu.memref_slice %run_scoped3A[%sub3A_194, %dma_wait3A_508] : memref<528x128xf32, #tpu.memory_space<vmem>> -> memref<512x128xf32, #tpu.memory_space<vmem>>
      %dma_wait3A_510 = arith.constant 0 : i32
      %dma_wait3A_511 = tpu.memref_slice %arg3[%mul3A_214, %dma_wait3A_510] : memref<524288x128xf32, #tpu.memory_space<hbm>> -> memref<512x128xf32, #tpu.memory_space<hbm>>
      %dma_wait3A_512 = arith.constant 0 : i32
      %dma_wait3A_513 = tpu.memref_slice %arg3[%mul3A_214, %dma_wait3A_512] : memref<524288x128xf32, #tpu.memory_space<hbm>> -> memref<512x128xf32, #tpu.memory_space<hbm>>
      %dma_wait3A_514 = arith.constant 0 : i32
      %dma_wait3A_515 = tpu.memref_slice %run_scoped3A[%sub3A_194, %dma_wait3A_514] : memref<528x128xf32, #tpu.memory_space<vmem>> -> memref<512x128xf32, #tpu.memory_space<vmem>>
      tpu.wait_dma2 semaphore(%run_scoped3A_25 : memref<!tpu.dma_semaphore, #tpu.memory_space<semaphore_mem>>) src(%dma_wait3A_515 : memref<512x128xf32, #tpu.memory_space<vmem>>) dst(%dma_wait3A_513 : memref<512x128xf32, #tpu.memory_space<hbm>>)
      %dma_wait3A_516 = arith.constant 0 : i32
      %dma_wait3A_517 = tpu.memref_slice %run_scoped3A[%sub3A_227, %dma_wait3A_516] : memref<528x128xf32, #tpu.memory_space<vmem>> -> memref<512x128xf32, #tpu.memory_space<vmem>>
      %dma_wait3A_518 = arith.constant 0 : i32
      %dma_wait3A_519 = tpu.memref_slice %arg3[%mul3A_233, %dma_wait3A_518] : memref<524288x128xf32, #tpu.memory_space<hbm>> -> memref<512x128xf32, #tpu.memory_space<hbm>>
      %dma_wait3A_520 = arith.constant 0 : i32
      %dma_wait3A_521 = tpu.memref_slice %arg3[%mul3A_233, %dma_wait3A_520] : memref<524288x128xf32, #tpu.memory_space<hbm>> -> memref<512x128xf32, #tpu.memory_space<hbm>>
      %dma_wait3A_522 = arith.constant 0 : i32
      %dma_wait3A_523 = tpu.memref_slice %run_scoped3A[%sub3A_227, %dma_wait3A_522] : memref<528x128xf32, #tpu.memory_space<vmem>> -> memref<512x128xf32, #tpu.memory_space<vmem>>
      tpu.wait_dma2 semaphore(%run_scoped3A_25 : memref<!tpu.dma_semaphore, #tpu.memory_space<semaphore_mem>>) src(%dma_wait3A_523 : memref<512x128xf32, #tpu.memory_space<vmem>>) dst(%dma_wait3A_521 : memref<512x128xf32, #tpu.memory_space<hbm>>)
      %dma_wait3A_524 = arith.constant 0 : i32
      %dma_wait3A_525 = tpu.memref_slice %run_scoped3A[%sub3A_227, %dma_wait3A_524] : memref<528x128xf32, #tpu.memory_space<vmem>> -> memref<512x128xf32, #tpu.memory_space<vmem>>
      %dma_wait3A_526 = arith.constant 0 : i32
      %dma_wait3A_527 = tpu.memref_slice %arg3[%mul3A_247, %dma_wait3A_526] : memref<524288x128xf32, #tpu.memory_space<hbm>> -> memref<512x128xf32, #tpu.memory_space<hbm>>
      %dma_wait3A_528 = arith.constant 0 : i32
      %dma_wait3A_529 = tpu.memref_slice %arg3[%mul3A_247, %dma_wait3A_528] : memref<524288x128xf32, #tpu.memory_space<hbm>> -> memref<512x128xf32, #tpu.memory_space<hbm>>
      %dma_wait3A_530 = arith.constant 0 : i32
      %dma_wait3A_531 = tpu.memref_slice %run_scoped3A[%sub3A_227, %dma_wait3A_530] : memref<528x128xf32, #tpu.memory_space<vmem>> -> memref<512x128xf32, #tpu.memory_space<vmem>>
      tpu.wait_dma2 semaphore(%run_scoped3A_25 : memref<!tpu.dma_semaphore, #tpu.memory_space<semaphore_mem>>) src(%dma_wait3A_531 : memref<512x128xf32, #tpu.memory_space<vmem>>) dst(%dma_wait3A_529 : memref<512x128xf32, #tpu.memory_space<hbm>>)
      %dma_wait3A_532 = arith.constant 0 : i32
      %dma_wait3A_533 = tpu.memref_slice %run_scoped3A[%sub3A_260, %dma_wait3A_532] : memref<528x128xf32, #tpu.memory_space<vmem>> -> memref<512x128xf32, #tpu.memory_space<vmem>>
      %dma_wait3A_534 = arith.constant 0 : i32
      %dma_wait3A_535 = tpu.memref_slice %arg3[%mul3A_266, %dma_wait3A_534] : memref<524288x128xf32, #tpu.memory_space<hbm>> -> memref<512x128xf32, #tpu.memory_space<hbm>>
      %dma_wait3A_536 = arith.constant 0 : i32
      %dma_wait3A_537 = tpu.memref_slice %arg3[%mul3A_266, %dma_wait3A_536] : memref<524288x128xf32, #tpu.memory_space<hbm>> -> memref<512x128xf32, #tpu.memory_space<hbm>>
      %dma_wait3A_538 = arith.constant 0 : i32
      %dma_wait3A_539 = tpu.memref_slice %run_scoped3A[%sub3A_260, %dma_wait3A_538] : memref<528x128xf32, #tpu.memory_space<vmem>> -> memref<512x128xf32, #tpu.memory_space<vmem>>
      tpu.wait_dma2 semaphore(%run_scoped3A_25 : memref<!tpu.dma_semaphore, #tpu.memory_space<semaphore_mem>>) src(%dma_wait3A_539 : memref<512x128xf32, #tpu.memory_space<vmem>>) dst(%dma_wait3A_537 : memref<512x128xf32, #tpu.memory_space<hbm>>)
      %dma_wait3A_540 = arith.constant 0 : i32
      %dma_wait3A_541 = tpu.memref_slice %run_scoped3A[%sub3A_260, %dma_wait3A_540] : memref<528x128xf32, #tpu.memory_space<vmem>> -> memref<512x128xf32, #tpu.memory_space<vmem>>
      %dma_wait3A_542 = arith.constant 0 : i32
      %dma_wait3A_543 = tpu.memref_slice %arg3[%mul3A_280, %dma_wait3A_542] : memref<524288x128xf32, #tpu.memory_space<hbm>> -> memref<512x128xf32, #tpu.memory_space<hbm>>
      %dma_wait3A_544 = arith.constant 0 : i32
      %dma_wait3A_545 = tpu.memref_slice %arg3[%mul3A_280, %dma_wait3A_544] : memref<524288x128xf32, #tpu.memory_space<hbm>> -> memref<512x128xf32, #tpu.memory_space<hbm>>
      %dma_wait3A_546 = arith.constant 0 : i32
      %dma_wait3A_547 = tpu.memref_slice %run_scoped3A[%sub3A_260, %dma_wait3A_546] : memref<528x128xf32, #tpu.memory_space<vmem>> -> memref<512x128xf32, #tpu.memory_space<vmem>>
      tpu.wait_dma2 semaphore(%run_scoped3A_25 : memref<!tpu.dma_semaphore, #tpu.memory_space<semaphore_mem>>) src(%dma_wait3A_547 : memref<512x128xf32, #tpu.memory_space<vmem>>) dst(%dma_wait3A_545 : memref<512x128xf32, #tpu.memory_space<hbm>>)
      %dma_wait3A_548 = arith.constant 0 : i32
      %dma_wait3A_549 = tpu.memref_slice %run_scoped3A[%sub3A_293, %dma_wait3A_548] : memref<528x128xf32, #tpu.memory_space<vmem>> -> memref<512x128xf32, #tpu.memory_space<vmem>>
      %dma_wait3A_550 = arith.constant 0 : i32
      %dma_wait3A_551 = tpu.memref_slice %arg3[%mul3A_299, %dma_wait3A_550] : memref<524288x128xf32, #tpu.memory_space<hbm>> -> memref<512x128xf32, #tpu.memory_space<hbm>>
      %dma_wait3A_552 = arith.constant 0 : i32
      %dma_wait3A_553 = tpu.memref_slice %arg3[%mul3A_299, %dma_wait3A_552] : memref<524288x128xf32, #tpu.memory_space<hbm>> -> memref<512x128xf32, #tpu.memory_space<hbm>>
      %dma_wait3A_554 = arith.constant 0 : i32
      %dma_wait3A_555 = tpu.memref_slice %run_scoped3A[%sub3A_293, %dma_wait3A_554] : memref<528x128xf32, #tpu.memory_space<vmem>> -> memref<512x128xf32, #tpu.memory_space<vmem>>
      tpu.wait_dma2 semaphore(%run_scoped3A_25 : memref<!tpu.dma_semaphore, #tpu.memory_space<semaphore_mem>>) src(%dma_wait3A_555 : memref<512x128xf32, #tpu.memory_space<vmem>>) dst(%dma_wait3A_553 : memref<512x128xf32, #tpu.memory_space<hbm>>)
      %dma_wait3A_556 = arith.constant 0 : i32
      %dma_wait3A_557 = tpu.memref_slice %run_scoped3A[%sub3A_293, %dma_wait3A_556] : memref<528x128xf32, #tpu.memory_space<vmem>> -> memref<512x128xf32, #tpu.memory_space<vmem>>
      %dma_wait3A_558 = arith.constant 0 : i32
      %dma_wait3A_559 = tpu.memref_slice %arg3[%mul3A_313, %dma_wait3A_558] : memref<524288x128xf32, #tpu.memory_space<hbm>> -> memref<512x128xf32, #tpu.memory_space<hbm>>
      %dma_wait3A_560 = arith.constant 0 : i32
      %dma_wait3A_561 = tpu.memref_slice %arg3[%mul3A_313, %dma_wait3A_560] : memref<524288x128xf32, #tpu.memory_space<hbm>> -> memref<512x128xf32, #tpu.memory_space<hbm>>
      %dma_wait3A_562 = arith.constant 0 : i32
      %dma_wait3A_563 = tpu.memref_slice %run_scoped3A[%sub3A_293, %dma_wait3A_562] : memref<528x128xf32, #tpu.memory_space<vmem>> -> memref<512x128xf32, #tpu.memory_space<vmem>>
      tpu.wait_dma2 semaphore(%run_scoped3A_25 : memref<!tpu.dma_semaphore, #tpu.memory_space<semaphore_mem>>) src(%dma_wait3A_563 : memref<512x128xf32, #tpu.memory_space<vmem>>) dst(%dma_wait3A_561 : memref<512x128xf32, #tpu.memory_space<hbm>>)
      %dma_wait3A_564 = arith.constant 0 : i32
      %dma_wait3A_565 = tpu.memref_slice %run_scoped3A[%sub3A_326, %dma_wait3A_564] : memref<528x128xf32, #tpu.memory_space<vmem>> -> memref<512x128xf32, #tpu.memory_space<vmem>>
      %dma_wait3A_566 = arith.constant 0 : i32
      %dma_wait3A_567 = tpu.memref_slice %arg3[%mul3A_332, %dma_wait3A_566] : memref<524288x128xf32, #tpu.memory_space<hbm>> -> memref<512x128xf32, #tpu.memory_space<hbm>>
      %dma_wait3A_568 = arith.constant 0 : i32
      %dma_wait3A_569 = tpu.memref_slice %arg3[%mul3A_332, %dma_wait3A_568] : memref<524288x128xf32, #tpu.memory_space<hbm>> -> memref<512x128xf32, #tpu.memory_space<hbm>>
      %dma_wait3A_570 = arith.constant 0 : i32
      %dma_wait3A_571 = tpu.memref_slice %run_scoped3A[%sub3A_326, %dma_wait3A_570] : memref<528x128xf32, #tpu.memory_space<vmem>> -> memref<512x128xf32, #tpu.memory_space<vmem>>
      tpu.wait_dma2 semaphore(%run_scoped3A_25 : memref<!tpu.dma_semaphore, #tpu.memory_space<semaphore_mem>>) src(%dma_wait3A_571 : memref<512x128xf32, #tpu.memory_space<vmem>>) dst(%dma_wait3A_569 : memref<512x128xf32, #tpu.memory_space<hbm>>)
      %dma_wait3A_572 = arith.constant 0 : i32
      %dma_wait3A_573 = tpu.memref_slice %run_scoped3A[%sub3A_326, %dma_wait3A_572] : memref<528x128xf32, #tpu.memory_space<vmem>> -> memref<512x128xf32, #tpu.memory_space<vmem>>
      %dma_wait3A_574 = arith.constant 0 : i32
      %dma_wait3A_575 = tpu.memref_slice %arg3[%mul3A_346, %dma_wait3A_574] : memref<524288x128xf32, #tpu.memory_space<hbm>> -> memref<512x128xf32, #tpu.memory_space<hbm>>
      %dma_wait3A_576 = arith.constant 0 : i32
      %dma_wait3A_577 = tpu.memref_slice %arg3[%mul3A_346, %dma_wait3A_576] : memref<524288x128xf32, #tpu.memory_space<hbm>> -> memref<512x128xf32, #tpu.memory_space<hbm>>
      %dma_wait3A_578 = arith.constant 0 : i32
      %dma_wait3A_579 = tpu.memref_slice %run_scoped3A[%sub3A_326, %dma_wait3A_578] : memref<528x128xf32, #tpu.memory_space<vmem>> -> memref<512x128xf32, #tpu.memory_space<vmem>>
      tpu.wait_dma2 semaphore(%run_scoped3A_25 : memref<!tpu.dma_semaphore, #tpu.memory_space<semaphore_mem>>) src(%dma_wait3A_579 : memref<512x128xf32, #tpu.memory_space<vmem>>) dst(%dma_wait3A_577 : memref<512x128xf32, #tpu.memory_space<hbm>>)
      %dma_wait3A_580 = arith.constant 0 : i32
      %dma_wait3A_581 = tpu.memref_slice %run_scoped3A[%sub3A_359, %dma_wait3A_580] : memref<528x128xf32, #tpu.memory_space<vmem>> -> memref<512x128xf32, #tpu.memory_space<vmem>>
      %dma_wait3A_582 = arith.constant 0 : i32
      %dma_wait3A_583 = tpu.memref_slice %arg3[%mul3A_365, %dma_wait3A_582] : memref<524288x128xf32, #tpu.memory_space<hbm>> -> memref<512x128xf32, #tpu.memory_space<hbm>>
      %dma_wait3A_584 = arith.constant 0 : i32
      %dma_wait3A_585 = tpu.memref_slice %arg3[%mul3A_365, %dma_wait3A_584] : memref<524288x128xf32, #tpu.memory_space<hbm>> -> memref<512x128xf32, #tpu.memory_space<hbm>>
      %dma_wait3A_586 = arith.constant 0 : i32
      %dma_wait3A_587 = tpu.memref_slice %run_scoped3A[%sub3A_359, %dma_wait3A_586] : memref<528x128xf32, #tpu.memory_space<vmem>> -> memref<512x128xf32, #tpu.memory_space<vmem>>
      tpu.wait_dma2 semaphore(%run_scoped3A_25 : memref<!tpu.dma_semaphore, #tpu.memory_space<semaphore_mem>>) src(%dma_wait3A_587 : memref<512x128xf32, #tpu.memory_space<vmem>>) dst(%dma_wait3A_585 : memref<512x128xf32, #tpu.memory_space<hbm>>)
      %dma_wait3A_588 = arith.constant 0 : i32
      %dma_wait3A_589 = tpu.memref_slice %run_scoped3A[%sub3A_359, %dma_wait3A_588] : memref<528x128xf32, #tpu.memory_space<vmem>> -> memref<512x128xf32, #tpu.memory_space<vmem>>
      %dma_wait3A_590 = arith.constant 0 : i32
      %dma_wait3A_591 = tpu.memref_slice %arg3[%mul3A_379, %dma_wait3A_590] : memref<524288x128xf32, #tpu.memory_space<hbm>> -> memref<512x128xf32, #tpu.memory_space<hbm>>
      %dma_wait3A_592 = arith.constant 0 : i32
      %dma_wait3A_593 = tpu.memref_slice %arg3[%mul3A_379, %dma_wait3A_592] : memref<524288x128xf32, #tpu.memory_space<hbm>> -> memref<512x128xf32, #tpu.memory_space<hbm>>
      %dma_wait3A_594 = arith.constant 0 : i32
      %dma_wait3A_595 = tpu.memref_slice %run_scoped3A[%sub3A_359, %dma_wait3A_594] : memref<528x128xf32, #tpu.memory_space<vmem>> -> memref<512x128xf32, #tpu.memory_space<vmem>>
      tpu.wait_dma2 semaphore(%run_scoped3A_25 : memref<!tpu.dma_semaphore, #tpu.memory_space<semaphore_mem>>) src(%dma_wait3A_595 : memref<512x128xf32, #tpu.memory_space<vmem>>) dst(%dma_wait3A_593 : memref<512x128xf32, #tpu.memory_space<hbm>>)
      %dma_wait3A_596 = arith.constant 0 : i32
      %dma_wait3A_597 = tpu.memref_slice %run_scoped3A[%sub3A_392, %dma_wait3A_596] : memref<528x128xf32, #tpu.memory_space<vmem>> -> memref<512x128xf32, #tpu.memory_space<vmem>>
      %dma_wait3A_598 = arith.constant 0 : i32
      %dma_wait3A_599 = tpu.memref_slice %arg3[%mul3A_398, %dma_wait3A_598] : memref<524288x128xf32, #tpu.memory_space<hbm>> -> memref<512x128xf32, #tpu.memory_space<hbm>>
      %dma_wait3A_600 = arith.constant 0 : i32
      %dma_wait3A_601 = tpu.memref_slice %arg3[%mul3A_398, %dma_wait3A_600] : memref<524288x128xf32, #tpu.memory_space<hbm>> -> memref<512x128xf32, #tpu.memory_space<hbm>>
      %dma_wait3A_602 = arith.constant 0 : i32
      %dma_wait3A_603 = tpu.memref_slice %run_scoped3A[%sub3A_392, %dma_wait3A_602] : memref<528x128xf32, #tpu.memory_space<vmem>> -> memref<512x128xf32, #tpu.memory_space<vmem>>
      tpu.wait_dma2 semaphore(%run_scoped3A_25 : memref<!tpu.dma_semaphore, #tpu.memory_space<semaphore_mem>>) src(%dma_wait3A_603 : memref<512x128xf32, #tpu.memory_space<vmem>>) dst(%dma_wait3A_601 : memref<512x128xf32, #tpu.memory_space<hbm>>)
      %dma_wait3A_604 = arith.constant 0 : i32
      %dma_wait3A_605 = tpu.memref_slice %run_scoped3A[%sub3A_392, %dma_wait3A_604] : memref<528x128xf32, #tpu.memory_space<vmem>> -> memref<512x128xf32, #tpu.memory_space<vmem>>
      %dma_wait3A_606 = arith.constant 0 : i32
      %dma_wait3A_607 = tpu.memref_slice %arg3[%mul3A_412, %dma_wait3A_606] : memref<524288x128xf32, #tpu.memory_space<hbm>> -> memref<512x128xf32, #tpu.memory_space<hbm>>
      %dma_wait3A_608 = arith.constant 0 : i32
      %dma_wait3A_609 = tpu.memref_slice %arg3[%mul3A_412, %dma_wait3A_608] : memref<524288x128xf32, #tpu.memory_space<hbm>> -> memref<512x128xf32, #tpu.memory_space<hbm>>
      %dma_wait3A_610 = arith.constant 0 : i32
      %dma_wait3A_611 = tpu.memref_slice %run_scoped3A[%sub3A_392, %dma_wait3A_610] : memref<528x128xf32, #tpu.memory_space<vmem>> -> memref<512x128xf32, #tpu.memory_space<vmem>>
      tpu.wait_dma2 semaphore(%run_scoped3A_25 : memref<!tpu.dma_semaphore, #tpu.memory_space<semaphore_mem>>) src(%dma_wait3A_611 : memref<512x128xf32, #tpu.memory_space<vmem>>) dst(%dma_wait3A_609 : memref<512x128xf32, #tpu.memory_space<hbm>>)
      tpu.yield
    }) : () -> ()
    return
  }
  func.func @scs_fn(%arg0: i32, %arg1: memref<1024x128xf32, #tpu.memory_space<hbm>>, %arg2: memref<524288x128xf32, #tpu.memory_space<hbm>>, %arg3: memref<1024x128xf32, #tpu.memory_space<vmem_shared>>) attributes {dimension_semantics = [#tpu.dimension_semantics<core_parallel>], iteration_bounds = array<i64: 2>, scalar_prefetch = 0 : i64, scratch_operands = 1 : i64, tpu.core_type = #tpu.core_type<sc_scalar_subcore>, window_params = [{transform_indices = #map1}, {transform_indices = #map1}]} {
    %mul3A = arith.constant 64 : i32
    %mul3A_0 = arith.muli %mul3A, %arg0 : i32
    %add3A = arith.constant 384 : i32
    %add3A_1 = arith.addi %add3A, %mul3A_0 : i32
    "tpu.region"() ({
      %run_scoped3A = tpu.sem_alloc : memref<!tpu.dma_semaphore, #tpu.memory_space<semaphore_mem>>
      "tpu.region"() ({
        %run_scoped3A_2047 = tpu.sem_alloc : memref<!tpu.dma_semaphore, #tpu.memory_space<semaphore_mem>>
        tpu.enqueue_dma source(%arg1 : memref<1024x128xf32, #tpu.memory_space<hbm>>) target(%arg3 : memref<1024x128xf32, #tpu.memory_space<vmem_shared>>) target_semaphore(%run_scoped3A_2047 : memref<!tpu.dma_semaphore, #tpu.memory_space<semaphore_mem>>)
        tpu.wait_dma2 semaphore(%run_scoped3A_2047 : memref<!tpu.dma_semaphore, #tpu.memory_space<semaphore_mem>>) src(%arg1 : memref<1024x128xf32, #tpu.memory_space<hbm>>) dst(%arg3 : memref<1024x128xf32, #tpu.memory_space<vmem_shared>>)
        tpu.yield
      }) : () -> ()
      %add3A_2 = arith.constant 0 : i32
      %add3A_3 = arith.addi %add3A_1, %add3A_2 : i32
      %add3A_4 = arith.constant 0 : i32
      %add3A_5 = arith.addi %add3A_4, %add3A_3 : i32
      %mul3A_6 = arith.constant 512 : i32
      %mul3A_7 = arith.muli %add3A_5, %mul3A_6 : i32
      %sub3A = arith.constant 512 : i32
      %sub3A_8 = arith.subi %sub3A, %add3A_3 : i32
      %dma_start3A = arith.constant 0 : i32
      %dma_start3A_9 = tpu.memref_slice %arg2[%mul3A_7, %dma_start3A] : memref<524288x128xf32, #tpu.memory_space<hbm>> -> memref<512x128xf32, #tpu.memory_space<hbm>>
      %dma_start3A_10 = arith.constant 0 : i32
      %dma_start3A_11 = tpu.memref_slice %arg3[%sub3A_8, %dma_start3A_10] : memref<1024x128xf32, #tpu.memory_space<vmem_shared>> -> memref<512x128xf32, #tpu.memory_space<vmem_shared>>
      tpu.enqueue_dma source(%dma_start3A_11 : memref<512x128xf32, #tpu.memory_space<vmem_shared>>) target(%dma_start3A_9 : memref<512x128xf32, #tpu.memory_space<hbm>>) target_semaphore(%run_scoped3A : memref<!tpu.dma_semaphore, #tpu.memory_space<semaphore_mem>>)
      %add3A_12 = arith.constant 0 : i32
      %add3A_13 = arith.addi %add3A_1, %add3A_12 : i32
      %add3A_14 = arith.constant 512 : i32
      %add3A_15 = arith.addi %add3A_14, %add3A_13 : i32
      %mul3A_16 = arith.constant 512 : i32
      %mul3A_17 = arith.muli %add3A_15, %mul3A_16 : i32
      %sub3A_18 = arith.constant 512 : i32
      %sub3A_19 = arith.subi %sub3A_18, %add3A_13 : i32
      %dma_start3A_20 = arith.constant 0 : i32
      %dma_start3A_21 = tpu.memref_slice %arg2[%mul3A_17, %dma_start3A_20] : memref<524288x128xf32, #tpu.memory_space<hbm>> -> memref<512x128xf32, #tpu.memory_space<hbm>>
      %dma_start3A_22 = arith.constant 0 : i32
      %dma_start3A_23 = tpu.memref_slice %arg3[%sub3A_19, %dma_start3A_22] : memref<1024x128xf32, #tpu.memory_space<vmem_shared>> -> memref<512x128xf32, #tpu.memory_space<vmem_shared>>
      tpu.enqueue_dma source(%dma_start3A_23 : memref<512x128xf32, #tpu.memory_space<vmem_shared>>) target(%dma_start3A_21 : memref<512x128xf32, #tpu.memory_space<hbm>>) target_semaphore(%run_scoped3A : memref<!tpu.dma_semaphore, #tpu.memory_space<semaphore_mem>>)
      %add3A_24 = arith.constant 1 : i32
      %add3A_25 = arith.addi %add3A_1, %add3A_24 : i32
      %add3A_26 = arith.constant 0 : i32
      %add3A_27 = arith.addi %add3A_26, %add3A_25 : i32
      %mul3A_28 = arith.constant 512 : i32
      %mul3A_29 = arith.muli %add3A_27, %mul3A_28 : i32
      %sub3A_30 = arith.constant 512 : i32
      %sub3A_31 = arith.subi %sub3A_30, %add3A_25 : i32
      %dma_start3A_32 = arith.constant 0 : i32
      %dma_start3A_33 = tpu.memref_slice %arg2[%mul3A_29, %dma_start3A_32] : memref<524288x128xf32, #tpu.memory_space<hbm>> -> memref<512x128xf32, #tpu.memory_space<hbm>>
      %dma_start3A_34 = arith.constant 0 : i32
      %dma_start3A_35 = tpu.memref_slice %arg3[%sub3A_31, %dma_start3A_34] : memref<1024x128xf32, #tpu.memory_space<vmem_shared>> -> memref<512x128xf32, #tpu.memory_space<vmem_shared>>
      tpu.enqueue_dma source(%dma_start3A_35 : memref<512x128xf32, #tpu.memory_space<vmem_shared>>) target(%dma_start3A_33 : memref<512x128xf32, #tpu.memory_space<hbm>>) target_semaphore(%run_scoped3A : memref<!tpu.dma_semaphore, #tpu.memory_space<semaphore_mem>>)
      %add3A_36 = arith.constant 1 : i32
      %add3A_37 = arith.addi %add3A_1, %add3A_36 : i32
      %add3A_38 = arith.constant 512 : i32
      %add3A_39 = arith.addi %add3A_38, %add3A_37 : i32
      %mul3A_40 = arith.constant 512 : i32
      %mul3A_41 = arith.muli %add3A_39, %mul3A_40 : i32
      %sub3A_42 = arith.constant 512 : i32
      %sub3A_43 = arith.subi %sub3A_42, %add3A_37 : i32
      %dma_start3A_44 = arith.constant 0 : i32
      %dma_start3A_45 = tpu.memref_slice %arg2[%mul3A_41, %dma_start3A_44] : memref<524288x128xf32, #tpu.memory_space<hbm>> -> memref<512x128xf32, #tpu.memory_space<hbm>>
      %dma_start3A_46 = arith.constant 0 : i32
      %dma_start3A_47 = tpu.memref_slice %arg3[%sub3A_43, %dma_start3A_46] : memref<1024x128xf32, #tpu.memory_space<vmem_shared>> -> memref<512x128xf32, #tpu.memory_space<vmem_shared>>
      tpu.enqueue_dma source(%dma_start3A_47 : memref<512x128xf32, #tpu.memory_space<vmem_shared>>) target(%dma_start3A_45 : memref<512x128xf32, #tpu.memory_space<hbm>>) target_semaphore(%run_scoped3A : memref<!tpu.dma_semaphore, #tpu.memory_space<semaphore_mem>>)
      %add3A_48 = arith.constant 2 : i32
      %add3A_49 = arith.addi %add3A_1, %add3A_48 : i32
      %add3A_50 = arith.constant 0 : i32
      %add3A_51 = arith.addi %add3A_50, %add3A_49 : i32
      %mul3A_52 = arith.constant 512 : i32
      %mul3A_53 = arith.muli %add3A_51, %mul3A_52 : i32
      %sub3A_54 = arith.constant 512 : i32
      %sub3A_55 = arith.subi %sub3A_54, %add3A_49 : i32
      %dma_start3A_56 = arith.constant 0 : i32
      %dma_start3A_57 = tpu.memref_slice %arg2[%mul3A_53, %dma_start3A_56] : memref<524288x128xf32, #tpu.memory_space<hbm>> -> memref<512x128xf32, #tpu.memory_space<hbm>>
      %dma_start3A_58 = arith.constant 0 : i32
      %dma_start3A_59 = tpu.memref_slice %arg3[%sub3A_55, %dma_start3A_58] : memref<1024x128xf32, #tpu.memory_space<vmem_shared>> -> memref<512x128xf32, #tpu.memory_space<vmem_shared>>
      tpu.enqueue_dma source(%dma_start3A_59 : memref<512x128xf32, #tpu.memory_space<vmem_shared>>) target(%dma_start3A_57 : memref<512x128xf32, #tpu.memory_space<hbm>>) target_semaphore(%run_scoped3A : memref<!tpu.dma_semaphore, #tpu.memory_space<semaphore_mem>>)
      %add3A_60 = arith.constant 2 : i32
      %add3A_61 = arith.addi %add3A_1, %add3A_60 : i32
      %add3A_62 = arith.constant 512 : i32
      %add3A_63 = arith.addi %add3A_62, %add3A_61 : i32
      %mul3A_64 = arith.constant 512 : i32
      %mul3A_65 = arith.muli %add3A_63, %mul3A_64 : i32
      %sub3A_66 = arith.constant 512 : i32
      %sub3A_67 = arith.subi %sub3A_66, %add3A_61 : i32
      %dma_start3A_68 = arith.constant 0 : i32
      %dma_start3A_69 = tpu.memref_slice %arg2[%mul3A_65, %dma_start3A_68] : memref<524288x128xf32, #tpu.memory_space<hbm>> -> memref<512x128xf32, #tpu.memory_space<hbm>>
      %dma_start3A_70 = arith.constant 0 : i32
      %dma_start3A_71 = tpu.memref_slice %arg3[%sub3A_67, %dma_start3A_70] : memref<1024x128xf32, #tpu.memory_space<vmem_shared>> -> memref<512x128xf32, #tpu.memory_space<vmem_shared>>
      tpu.enqueue_dma source(%dma_start3A_71 : memref<512x128xf32, #tpu.memory_space<vmem_shared>>) target(%dma_start3A_69 : memref<512x128xf32, #tpu.memory_space<hbm>>) target_semaphore(%run_scoped3A : memref<!tpu.dma_semaphore, #tpu.memory_space<semaphore_mem>>)
      %add3A_72 = arith.constant 3 : i32
      %add3A_73 = arith.addi %add3A_1, %add3A_72 : i32
      %add3A_74 = arith.constant 0 : i32
      %add3A_75 = arith.addi %add3A_74, %add3A_73 : i32
      %mul3A_76 = arith.constant 512 : i32
      %mul3A_77 = arith.muli %add3A_75, %mul3A_76 : i32
      %sub3A_78 = arith.constant 512 : i32
      %sub3A_79 = arith.subi %sub3A_78, %add3A_73 : i32
      %dma_start3A_80 = arith.constant 0 : i32
      %dma_start3A_81 = tpu.memref_slice %arg2[%mul3A_77, %dma_start3A_80] : memref<524288x128xf32, #tpu.memory_space<hbm>> -> memref<512x128xf32, #tpu.memory_space<hbm>>
      %dma_start3A_82 = arith.constant 0 : i32
      %dma_start3A_83 = tpu.memref_slice %arg3[%sub3A_79, %dma_start3A_82] : memref<1024x128xf32, #tpu.memory_space<vmem_shared>> -> memref<512x128xf32, #tpu.memory_space<vmem_shared>>
      tpu.enqueue_dma source(%dma_start3A_83 : memref<512x128xf32, #tpu.memory_space<vmem_shared>>) target(%dma_start3A_81 : memref<512x128xf32, #tpu.memory_space<hbm>>) target_semaphore(%run_scoped3A : memref<!tpu.dma_semaphore, #tpu.memory_space<semaphore_mem>>)
      %add3A_84 = arith.constant 3 : i32
      %add3A_85 = arith.addi %add3A_1, %add3A_84 : i32
      %add3A_86 = arith.constant 512 : i32
      %add3A_87 = arith.addi %add3A_86, %add3A_85 : i32
      %mul3A_88 = arith.constant 512 : i32
      %mul3A_89 = arith.muli %add3A_87, %mul3A_88 : i32
      %sub3A_90 = arith.constant 512 : i32
      %sub3A_91 = arith.subi %sub3A_90, %add3A_85 : i32
      %dma_start3A_92 = arith.constant 0 : i32
      %dma_start3A_93 = tpu.memref_slice %arg2[%mul3A_89, %dma_start3A_92] : memref<524288x128xf32, #tpu.memory_space<hbm>> -> memref<512x128xf32, #tpu.memory_space<hbm>>
      %dma_start3A_94 = arith.constant 0 : i32
      %dma_start3A_95 = tpu.memref_slice %arg3[%sub3A_91, %dma_start3A_94] : memref<1024x128xf32, #tpu.memory_space<vmem_shared>> -> memref<512x128xf32, #tpu.memory_space<vmem_shared>>
      tpu.enqueue_dma source(%dma_start3A_95 : memref<512x128xf32, #tpu.memory_space<vmem_shared>>) target(%dma_start3A_93 : memref<512x128xf32, #tpu.memory_space<hbm>>) target_semaphore(%run_scoped3A : memref<!tpu.dma_semaphore, #tpu.memory_space<semaphore_mem>>)
      %add3A_96 = arith.constant 4 : i32
      %add3A_97 = arith.addi %add3A_1, %add3A_96 : i32
      %add3A_98 = arith.constant 0 : i32
      %add3A_99 = arith.addi %add3A_98, %add3A_97 : i32
      %mul3A_100 = arith.constant 512 : i32
      %mul3A_101 = arith.muli %add3A_99, %mul3A_100 : i32
      %sub3A_102 = arith.constant 512 : i32
      %sub3A_103 = arith.subi %sub3A_102, %add3A_97 : i32
      %dma_start3A_104 = arith.constant 0 : i32
      %dma_start3A_105 = tpu.memref_slice %arg2[%mul3A_101, %dma_start3A_104] : memref<524288x128xf32, #tpu.memory_space<hbm>> -> memref<512x128xf32, #tpu.memory_space<hbm>>
      %dma_start3A_106 = arith.constant 0 : i32
      %dma_start3A_107 = tpu.memref_slice %arg3[%sub3A_103, %dma_start3A_106] : memref<1024x128xf32, #tpu.memory_space<vmem_shared>> -> memref<512x128xf32, #tpu.memory_space<vmem_shared>>
      tpu.enqueue_dma source(%dma_start3A_107 : memref<512x128xf32, #tpu.memory_space<vmem_shared>>) target(%dma_start3A_105 : memref<512x128xf32, #tpu.memory_space<hbm>>) target_semaphore(%run_scoped3A : memref<!tpu.dma_semaphore, #tpu.memory_space<semaphore_mem>>)
      %add3A_108 = arith.constant 4 : i32
      %add3A_109 = arith.addi %add3A_1, %add3A_108 : i32
      %add3A_110 = arith.constant 512 : i32
      %add3A_111 = arith.addi %add3A_110, %add3A_109 : i32
      %mul3A_112 = arith.constant 512 : i32
      %mul3A_113 = arith.muli %add3A_111, %mul3A_112 : i32
      %sub3A_114 = arith.constant 512 : i32
      %sub3A_115 = arith.subi %sub3A_114, %add3A_109 : i32
      %dma_start3A_116 = arith.constant 0 : i32
      %dma_start3A_117 = tpu.memref_slice %arg2[%mul3A_113, %dma_start3A_116] : memref<524288x128xf32, #tpu.memory_space<hbm>> -> memref<512x128xf32, #tpu.memory_space<hbm>>
      %dma_start3A_118 = arith.constant 0 : i32
      %dma_start3A_119 = tpu.memref_slice %arg3[%sub3A_115, %dma_start3A_118] : memref<1024x128xf32, #tpu.memory_space<vmem_shared>> -> memref<512x128xf32, #tpu.memory_space<vmem_shared>>
      tpu.enqueue_dma source(%dma_start3A_119 : memref<512x128xf32, #tpu.memory_space<vmem_shared>>) target(%dma_start3A_117 : memref<512x128xf32, #tpu.memory_space<hbm>>) target_semaphore(%run_scoped3A : memref<!tpu.dma_semaphore, #tpu.memory_space<semaphore_mem>>)
      %add3A_120 = arith.constant 5 : i32
      %add3A_121 = arith.addi %add3A_1, %add3A_120 : i32
      %add3A_122 = arith.constant 0 : i32
      %add3A_123 = arith.addi %add3A_122, %add3A_121 : i32
      %mul3A_124 = arith.constant 512 : i32
      %mul3A_125 = arith.muli %add3A_123, %mul3A_124 : i32
      %sub3A_126 = arith.constant 512 : i32
      %sub3A_127 = arith.subi %sub3A_126, %add3A_121 : i32
      %dma_start3A_128 = arith.constant 0 : i32
      %dma_start3A_129 = tpu.memref_slice %arg2[%mul3A_125, %dma_start3A_128] : memref<524288x128xf32, #tpu.memory_space<hbm>> -> memref<512x128xf32, #tpu.memory_space<hbm>>
      %dma_start3A_130 = arith.constant 0 : i32
      %dma_start3A_131 = tpu.memref_slice %arg3[%sub3A_127, %dma_start3A_130] : memref<1024x128xf32, #tpu.memory_space<vmem_shared>> -> memref<512x128xf32, #tpu.memory_space<vmem_shared>>
      tpu.enqueue_dma source(%dma_start3A_131 : memref<512x128xf32, #tpu.memory_space<vmem_shared>>) target(%dma_start3A_129 : memref<512x128xf32, #tpu.memory_space<hbm>>) target_semaphore(%run_scoped3A : memref<!tpu.dma_semaphore, #tpu.memory_space<semaphore_mem>>)
      %add3A_132 = arith.constant 5 : i32
      %add3A_133 = arith.addi %add3A_1, %add3A_132 : i32
      %add3A_134 = arith.constant 512 : i32
      %add3A_135 = arith.addi %add3A_134, %add3A_133 : i32
      %mul3A_136 = arith.constant 512 : i32
      %mul3A_137 = arith.muli %add3A_135, %mul3A_136 : i32
      %sub3A_138 = arith.constant 512 : i32
      %sub3A_139 = arith.subi %sub3A_138, %add3A_133 : i32
      %dma_start3A_140 = arith.constant 0 : i32
      %dma_start3A_141 = tpu.memref_slice %arg2[%mul3A_137, %dma_start3A_140] : memref<524288x128xf32, #tpu.memory_space<hbm>> -> memref<512x128xf32, #tpu.memory_space<hbm>>
      %dma_start3A_142 = arith.constant 0 : i32
      %dma_start3A_143 = tpu.memref_slice %arg3[%sub3A_139, %dma_start3A_142] : memref<1024x128xf32, #tpu.memory_space<vmem_shared>> -> memref<512x128xf32, #tpu.memory_space<vmem_shared>>
      tpu.enqueue_dma source(%dma_start3A_143 : memref<512x128xf32, #tpu.memory_space<vmem_shared>>) target(%dma_start3A_141 : memref<512x128xf32, #tpu.memory_space<hbm>>) target_semaphore(%run_scoped3A : memref<!tpu.dma_semaphore, #tpu.memory_space<semaphore_mem>>)
      %add3A_144 = arith.constant 6 : i32
      %add3A_145 = arith.addi %add3A_1, %add3A_144 : i32
      %add3A_146 = arith.constant 0 : i32
      %add3A_147 = arith.addi %add3A_146, %add3A_145 : i32
      %mul3A_148 = arith.constant 512 : i32
      %mul3A_149 = arith.muli %add3A_147, %mul3A_148 : i32
      %sub3A_150 = arith.constant 512 : i32
      %sub3A_151 = arith.subi %sub3A_150, %add3A_145 : i32
      %dma_start3A_152 = arith.constant 0 : i32
      %dma_start3A_153 = tpu.memref_slice %arg2[%mul3A_149, %dma_start3A_152] : memref<524288x128xf32, #tpu.memory_space<hbm>> -> memref<512x128xf32, #tpu.memory_space<hbm>>
      %dma_start3A_154 = arith.constant 0 : i32
      %dma_start3A_155 = tpu.memref_slice %arg3[%sub3A_151, %dma_start3A_154] : memref<1024x128xf32, #tpu.memory_space<vmem_shared>> -> memref<512x128xf32, #tpu.memory_space<vmem_shared>>
      tpu.enqueue_dma source(%dma_start3A_155 : memref<512x128xf32, #tpu.memory_space<vmem_shared>>) target(%dma_start3A_153 : memref<512x128xf32, #tpu.memory_space<hbm>>) target_semaphore(%run_scoped3A : memref<!tpu.dma_semaphore, #tpu.memory_space<semaphore_mem>>)
      %add3A_156 = arith.constant 6 : i32
      %add3A_157 = arith.addi %add3A_1, %add3A_156 : i32
      %add3A_158 = arith.constant 512 : i32
      %add3A_159 = arith.addi %add3A_158, %add3A_157 : i32
      %mul3A_160 = arith.constant 512 : i32
      %mul3A_161 = arith.muli %add3A_159, %mul3A_160 : i32
      %sub3A_162 = arith.constant 512 : i32
      %sub3A_163 = arith.subi %sub3A_162, %add3A_157 : i32
      %dma_start3A_164 = arith.constant 0 : i32
      %dma_start3A_165 = tpu.memref_slice %arg2[%mul3A_161, %dma_start3A_164] : memref<524288x128xf32, #tpu.memory_space<hbm>> -> memref<512x128xf32, #tpu.memory_space<hbm>>
      %dma_start3A_166 = arith.constant 0 : i32
      %dma_start3A_167 = tpu.memref_slice %arg3[%sub3A_163, %dma_start3A_166] : memref<1024x128xf32, #tpu.memory_space<vmem_shared>> -> memref<512x128xf32, #tpu.memory_space<vmem_shared>>
      tpu.enqueue_dma source(%dma_start3A_167 : memref<512x128xf32, #tpu.memory_space<vmem_shared>>) target(%dma_start3A_165 : memref<512x128xf32, #tpu.memory_space<hbm>>) target_semaphore(%run_scoped3A : memref<!tpu.dma_semaphore, #tpu.memory_space<semaphore_mem>>)
      %add3A_168 = arith.constant 7 : i32
      %add3A_169 = arith.addi %add3A_1, %add3A_168 : i32
      %add3A_170 = arith.constant 0 : i32
      %add3A_171 = arith.addi %add3A_170, %add3A_169 : i32
      %mul3A_172 = arith.constant 512 : i32
      %mul3A_173 = arith.muli %add3A_171, %mul3A_172 : i32
      %sub3A_174 = arith.constant 512 : i32
      %sub3A_175 = arith.subi %sub3A_174, %add3A_169 : i32
      %dma_start3A_176 = arith.constant 0 : i32
      %dma_start3A_177 = tpu.memref_slice %arg2[%mul3A_173, %dma_start3A_176] : memref<524288x128xf32, #tpu.memory_space<hbm>> -> memref<512x128xf32, #tpu.memory_space<hbm>>
      %dma_start3A_178 = arith.constant 0 : i32
      %dma_start3A_179 = tpu.memref_slice %arg3[%sub3A_175, %dma_start3A_178] : memref<1024x128xf32, #tpu.memory_space<vmem_shared>> -> memref<512x128xf32, #tpu.memory_space<vmem_shared>>
      tpu.enqueue_dma source(%dma_start3A_179 : memref<512x128xf32, #tpu.memory_space<vmem_shared>>) target(%dma_start3A_177 : memref<512x128xf32, #tpu.memory_space<hbm>>) target_semaphore(%run_scoped3A : memref<!tpu.dma_semaphore, #tpu.memory_space<semaphore_mem>>)
      %add3A_180 = arith.constant 7 : i32
      %add3A_181 = arith.addi %add3A_1, %add3A_180 : i32
      %add3A_182 = arith.constant 512 : i32
      %add3A_183 = arith.addi %add3A_182, %add3A_181 : i32
      %mul3A_184 = arith.constant 512 : i32
      %mul3A_185 = arith.muli %add3A_183, %mul3A_184 : i32
      %sub3A_186 = arith.constant 512 : i32
      %sub3A_187 = arith.subi %sub3A_186, %add3A_181 : i32
      %dma_start3A_188 = arith.constant 0 : i32
      %dma_start3A_189 = tpu.memref_slice %arg2[%mul3A_185, %dma_start3A_188] : memref<524288x128xf32, #tpu.memory_space<hbm>> -> memref<512x128xf32, #tpu.memory_space<hbm>>
      %dma_start3A_190 = arith.constant 0 : i32
      %dma_start3A_191 = tpu.memref_slice %arg3[%sub3A_187, %dma_start3A_190] : memref<1024x128xf32, #tpu.memory_space<vmem_shared>> -> memref<512x128xf32, #tpu.memory_space<vmem_shared>>
      tpu.enqueue_dma source(%dma_start3A_191 : memref<512x128xf32, #tpu.memory_space<vmem_shared>>) target(%dma_start3A_189 : memref<512x128xf32, #tpu.memory_space<hbm>>) target_semaphore(%run_scoped3A : memref<!tpu.dma_semaphore, #tpu.memory_space<semaphore_mem>>)
      %add3A_192 = arith.constant 8 : i32
      %add3A_193 = arith.addi %add3A_1, %add3A_192 : i32
      %add3A_194 = arith.constant 0 : i32
      %add3A_195 = arith.addi %add3A_194, %add3A_193 : i32
      %mul3A_196 = arith.constant 512 : i32
      %mul3A_197 = arith.muli %add3A_195, %mul3A_196 : i32
      %sub3A_198 = arith.constant 512 : i32
      %sub3A_199 = arith.subi %sub3A_198, %add3A_193 : i32
      %dma_start3A_200 = arith.constant 0 : i32
      %dma_start3A_201 = tpu.memref_slice %arg2[%mul3A_197, %dma_start3A_200] : memref<524288x128xf32, #tpu.memory_space<hbm>> -> memref<512x128xf32, #tpu.memory_space<hbm>>
      %dma_start3A_202 = arith.constant 0 : i32
      %dma_start3A_203 = tpu.memref_slice %arg3[%sub3A_199, %dma_start3A_202] : memref<1024x128xf32, #tpu.memory_space<vmem_shared>> -> memref<512x128xf32, #tpu.memory_space<vmem_shared>>
      tpu.enqueue_dma source(%dma_start3A_203 : memref<512x128xf32, #tpu.memory_space<vmem_shared>>) target(%dma_start3A_201 : memref<512x128xf32, #tpu.memory_space<hbm>>) target_semaphore(%run_scoped3A : memref<!tpu.dma_semaphore, #tpu.memory_space<semaphore_mem>>)
      %add3A_204 = arith.constant 8 : i32
      %add3A_205 = arith.addi %add3A_1, %add3A_204 : i32
      %add3A_206 = arith.constant 512 : i32
      %add3A_207 = arith.addi %add3A_206, %add3A_205 : i32
      %mul3A_208 = arith.constant 512 : i32
      %mul3A_209 = arith.muli %add3A_207, %mul3A_208 : i32
      %sub3A_210 = arith.constant 512 : i32
      %sub3A_211 = arith.subi %sub3A_210, %add3A_205 : i32
      %dma_start3A_212 = arith.constant 0 : i32
      %dma_start3A_213 = tpu.memref_slice %arg2[%mul3A_209, %dma_start3A_212] : memref<524288x128xf32, #tpu.memory_space<hbm>> -> memref<512x128xf32, #tpu.memory_space<hbm>>
      %dma_start3A_214 = arith.constant 0 : i32
      %dma_start3A_215 = tpu.memref_slice %arg3[%sub3A_211, %dma_start3A_214] : memref<1024x128xf32, #tpu.memory_space<vmem_shared>> -> memref<512x128xf32, #tpu.memory_space<vmem_shared>>
      tpu.enqueue_dma source(%dma_start3A_215 : memref<512x128xf32, #tpu.memory_space<vmem_shared>>) target(%dma_start3A_213 : memref<512x128xf32, #tpu.memory_space<hbm>>) target_semaphore(%run_scoped3A : memref<!tpu.dma_semaphore, #tpu.memory_space<semaphore_mem>>)
      %add3A_216 = arith.constant 9 : i32
      %add3A_217 = arith.addi %add3A_1, %add3A_216 : i32
      %add3A_218 = arith.constant 0 : i32
      %add3A_219 = arith.addi %add3A_218, %add3A_217 : i32
      %mul3A_220 = arith.constant 512 : i32
      %mul3A_221 = arith.muli %add3A_219, %mul3A_220 : i32
      %sub3A_222 = arith.constant 512 : i32
      %sub3A_223 = arith.subi %sub3A_222, %add3A_217 : i32
      %dma_start3A_224 = arith.constant 0 : i32
      %dma_start3A_225 = tpu.memref_slice %arg2[%mul3A_221, %dma_start3A_224] : memref<524288x128xf32, #tpu.memory_space<hbm>> -> memref<512x128xf32, #tpu.memory_space<hbm>>
      %dma_start3A_226 = arith.constant 0 : i32
      %dma_start3A_227 = tpu.memref_slice %arg3[%sub3A_223, %dma_start3A_226] : memref<1024x128xf32, #tpu.memory_space<vmem_shared>> -> memref<512x128xf32, #tpu.memory_space<vmem_shared>>
      tpu.enqueue_dma source(%dma_start3A_227 : memref<512x128xf32, #tpu.memory_space<vmem_shared>>) target(%dma_start3A_225 : memref<512x128xf32, #tpu.memory_space<hbm>>) target_semaphore(%run_scoped3A : memref<!tpu.dma_semaphore, #tpu.memory_space<semaphore_mem>>)
      %add3A_228 = arith.constant 9 : i32
      %add3A_229 = arith.addi %add3A_1, %add3A_228 : i32
      %add3A_230 = arith.constant 512 : i32
      %add3A_231 = arith.addi %add3A_230, %add3A_229 : i32
      %mul3A_232 = arith.constant 512 : i32
      %mul3A_233 = arith.muli %add3A_231, %mul3A_232 : i32
      %sub3A_234 = arith.constant 512 : i32
      %sub3A_235 = arith.subi %sub3A_234, %add3A_229 : i32
      %dma_start3A_236 = arith.constant 0 : i32
      %dma_start3A_237 = tpu.memref_slice %arg2[%mul3A_233, %dma_start3A_236] : memref<524288x128xf32, #tpu.memory_space<hbm>> -> memref<512x128xf32, #tpu.memory_space<hbm>>
      %dma_start3A_238 = arith.constant 0 : i32
      %dma_start3A_239 = tpu.memref_slice %arg3[%sub3A_235, %dma_start3A_238] : memref<1024x128xf32, #tpu.memory_space<vmem_shared>> -> memref<512x128xf32, #tpu.memory_space<vmem_shared>>
      tpu.enqueue_dma source(%dma_start3A_239 : memref<512x128xf32, #tpu.memory_space<vmem_shared>>) target(%dma_start3A_237 : memref<512x128xf32, #tpu.memory_space<hbm>>) target_semaphore(%run_scoped3A : memref<!tpu.dma_semaphore, #tpu.memory_space<semaphore_mem>>)
      %add3A_240 = arith.constant 10 : i32
      %add3A_241 = arith.addi %add3A_1, %add3A_240 : i32
      %add3A_242 = arith.constant 0 : i32
      %add3A_243 = arith.addi %add3A_242, %add3A_241 : i32
      %mul3A_244 = arith.constant 512 : i32
      %mul3A_245 = arith.muli %add3A_243, %mul3A_244 : i32
      %sub3A_246 = arith.constant 512 : i32
      %sub3A_247 = arith.subi %sub3A_246, %add3A_241 : i32
      %dma_start3A_248 = arith.constant 0 : i32
      %dma_start3A_249 = tpu.memref_slice %arg2[%mul3A_245, %dma_start3A_248] : memref<524288x128xf32, #tpu.memory_space<hbm>> -> memref<512x128xf32, #tpu.memory_space<hbm>>
      %dma_start3A_250 = arith.constant 0 : i32
      %dma_start3A_251 = tpu.memref_slice %arg3[%sub3A_247, %dma_start3A_250] : memref<1024x128xf32, #tpu.memory_space<vmem_shared>> -> memref<512x128xf32, #tpu.memory_space<vmem_shared>>
      tpu.enqueue_dma source(%dma_start3A_251 : memref<512x128xf32, #tpu.memory_space<vmem_shared>>) target(%dma_start3A_249 : memref<512x128xf32, #tpu.memory_space<hbm>>) target_semaphore(%run_scoped3A : memref<!tpu.dma_semaphore, #tpu.memory_space<semaphore_mem>>)
      %add3A_252 = arith.constant 10 : i32
      %add3A_253 = arith.addi %add3A_1, %add3A_252 : i32
      %add3A_254 = arith.constant 512 : i32
      %add3A_255 = arith.addi %add3A_254, %add3A_253 : i32
      %mul3A_256 = arith.constant 512 : i32
      %mul3A_257 = arith.muli %add3A_255, %mul3A_256 : i32
      %sub3A_258 = arith.constant 512 : i32
      %sub3A_259 = arith.subi %sub3A_258, %add3A_253 : i32
      %dma_start3A_260 = arith.constant 0 : i32
      %dma_start3A_261 = tpu.memref_slice %arg2[%mul3A_257, %dma_start3A_260] : memref<524288x128xf32, #tpu.memory_space<hbm>> -> memref<512x128xf32, #tpu.memory_space<hbm>>
      %dma_start3A_262 = arith.constant 0 : i32
      %dma_start3A_263 = tpu.memref_slice %arg3[%sub3A_259, %dma_start3A_262] : memref<1024x128xf32, #tpu.memory_space<vmem_shared>> -> memref<512x128xf32, #tpu.memory_space<vmem_shared>>
      tpu.enqueue_dma source(%dma_start3A_263 : memref<512x128xf32, #tpu.memory_space<vmem_shared>>) target(%dma_start3A_261 : memref<512x128xf32, #tpu.memory_space<hbm>>) target_semaphore(%run_scoped3A : memref<!tpu.dma_semaphore, #tpu.memory_space<semaphore_mem>>)
      %add3A_264 = arith.constant 11 : i32
      %add3A_265 = arith.addi %add3A_1, %add3A_264 : i32
      %add3A_266 = arith.constant 0 : i32
      %add3A_267 = arith.addi %add3A_266, %add3A_265 : i32
      %mul3A_268 = arith.constant 512 : i32
      %mul3A_269 = arith.muli %add3A_267, %mul3A_268 : i32
      %sub3A_270 = arith.constant 512 : i32
      %sub3A_271 = arith.subi %sub3A_270, %add3A_265 : i32
      %dma_start3A_272 = arith.constant 0 : i32
      %dma_start3A_273 = tpu.memref_slice %arg2[%mul3A_269, %dma_start3A_272] : memref<524288x128xf32, #tpu.memory_space<hbm>> -> memref<512x128xf32, #tpu.memory_space<hbm>>
      %dma_start3A_274 = arith.constant 0 : i32
      %dma_start3A_275 = tpu.memref_slice %arg3[%sub3A_271, %dma_start3A_274] : memref<1024x128xf32, #tpu.memory_space<vmem_shared>> -> memref<512x128xf32, #tpu.memory_space<vmem_shared>>
      tpu.enqueue_dma source(%dma_start3A_275 : memref<512x128xf32, #tpu.memory_space<vmem_shared>>) target(%dma_start3A_273 : memref<512x128xf32, #tpu.memory_space<hbm>>) target_semaphore(%run_scoped3A : memref<!tpu.dma_semaphore, #tpu.memory_space<semaphore_mem>>)
      %add3A_276 = arith.constant 11 : i32
      %add3A_277 = arith.addi %add3A_1, %add3A_276 : i32
      %add3A_278 = arith.constant 512 : i32
      %add3A_279 = arith.addi %add3A_278, %add3A_277 : i32
      %mul3A_280 = arith.constant 512 : i32
      %mul3A_281 = arith.muli %add3A_279, %mul3A_280 : i32
      %sub3A_282 = arith.constant 512 : i32
      %sub3A_283 = arith.subi %sub3A_282, %add3A_277 : i32
      %dma_start3A_284 = arith.constant 0 : i32
      %dma_start3A_285 = tpu.memref_slice %arg2[%mul3A_281, %dma_start3A_284] : memref<524288x128xf32, #tpu.memory_space<hbm>> -> memref<512x128xf32, #tpu.memory_space<hbm>>
      %dma_start3A_286 = arith.constant 0 : i32
      %dma_start3A_287 = tpu.memref_slice %arg3[%sub3A_283, %dma_start3A_286] : memref<1024x128xf32, #tpu.memory_space<vmem_shared>> -> memref<512x128xf32, #tpu.memory_space<vmem_shared>>
      tpu.enqueue_dma source(%dma_start3A_287 : memref<512x128xf32, #tpu.memory_space<vmem_shared>>) target(%dma_start3A_285 : memref<512x128xf32, #tpu.memory_space<hbm>>) target_semaphore(%run_scoped3A : memref<!tpu.dma_semaphore, #tpu.memory_space<semaphore_mem>>)
      %add3A_288 = arith.constant 12 : i32
      %add3A_289 = arith.addi %add3A_1, %add3A_288 : i32
      %add3A_290 = arith.constant 0 : i32
      %add3A_291 = arith.addi %add3A_290, %add3A_289 : i32
      %mul3A_292 = arith.constant 512 : i32
      %mul3A_293 = arith.muli %add3A_291, %mul3A_292 : i32
      %sub3A_294 = arith.constant 512 : i32
      %sub3A_295 = arith.subi %sub3A_294, %add3A_289 : i32
      %dma_start3A_296 = arith.constant 0 : i32
      %dma_start3A_297 = tpu.memref_slice %arg2[%mul3A_293, %dma_start3A_296] : memref<524288x128xf32, #tpu.memory_space<hbm>> -> memref<512x128xf32, #tpu.memory_space<hbm>>
      %dma_start3A_298 = arith.constant 0 : i32
      %dma_start3A_299 = tpu.memref_slice %arg3[%sub3A_295, %dma_start3A_298] : memref<1024x128xf32, #tpu.memory_space<vmem_shared>> -> memref<512x128xf32, #tpu.memory_space<vmem_shared>>
      tpu.enqueue_dma source(%dma_start3A_299 : memref<512x128xf32, #tpu.memory_space<vmem_shared>>) target(%dma_start3A_297 : memref<512x128xf32, #tpu.memory_space<hbm>>) target_semaphore(%run_scoped3A : memref<!tpu.dma_semaphore, #tpu.memory_space<semaphore_mem>>)
      %add3A_300 = arith.constant 12 : i32
      %add3A_301 = arith.addi %add3A_1, %add3A_300 : i32
      %add3A_302 = arith.constant 512 : i32
      %add3A_303 = arith.addi %add3A_302, %add3A_301 : i32
      %mul3A_304 = arith.constant 512 : i32
      %mul3A_305 = arith.muli %add3A_303, %mul3A_304 : i32
      %sub3A_306 = arith.constant 512 : i32
      %sub3A_307 = arith.subi %sub3A_306, %add3A_301 : i32
      %dma_start3A_308 = arith.constant 0 : i32
      %dma_start3A_309 = tpu.memref_slice %arg2[%mul3A_305, %dma_start3A_308] : memref<524288x128xf32, #tpu.memory_space<hbm>> -> memref<512x128xf32, #tpu.memory_space<hbm>>
      %dma_start3A_310 = arith.constant 0 : i32
      %dma_start3A_311 = tpu.memref_slice %arg3[%sub3A_307, %dma_start3A_310] : memref<1024x128xf32, #tpu.memory_space<vmem_shared>> -> memref<512x128xf32, #tpu.memory_space<vmem_shared>>
      tpu.enqueue_dma source(%dma_start3A_311 : memref<512x128xf32, #tpu.memory_space<vmem_shared>>) target(%dma_start3A_309 : memref<512x128xf32, #tpu.memory_space<hbm>>) target_semaphore(%run_scoped3A : memref<!tpu.dma_semaphore, #tpu.memory_space<semaphore_mem>>)
      %add3A_312 = arith.constant 13 : i32
      %add3A_313 = arith.addi %add3A_1, %add3A_312 : i32
      %add3A_314 = arith.constant 0 : i32
      %add3A_315 = arith.addi %add3A_314, %add3A_313 : i32
      %mul3A_316 = arith.constant 512 : i32
      %mul3A_317 = arith.muli %add3A_315, %mul3A_316 : i32
      %sub3A_318 = arith.constant 512 : i32
      %sub3A_319 = arith.subi %sub3A_318, %add3A_313 : i32
      %dma_start3A_320 = arith.constant 0 : i32
      %dma_start3A_321 = tpu.memref_slice %arg2[%mul3A_317, %dma_start3A_320] : memref<524288x128xf32, #tpu.memory_space<hbm>> -> memref<512x128xf32, #tpu.memory_space<hbm>>
      %dma_start3A_322 = arith.constant 0 : i32
      %dma_start3A_323 = tpu.memref_slice %arg3[%sub3A_319, %dma_start3A_322] : memref<1024x128xf32, #tpu.memory_space<vmem_shared>> -> memref<512x128xf32, #tpu.memory_space<vmem_shared>>
      tpu.enqueue_dma source(%dma_start3A_323 : memref<512x128xf32, #tpu.memory_space<vmem_shared>>) target(%dma_start3A_321 : memref<512x128xf32, #tpu.memory_space<hbm>>) target_semaphore(%run_scoped3A : memref<!tpu.dma_semaphore, #tpu.memory_space<semaphore_mem>>)
      %add3A_324 = arith.constant 13 : i32
      %add3A_325 = arith.addi %add3A_1, %add3A_324 : i32
      %add3A_326 = arith.constant 512 : i32
      %add3A_327 = arith.addi %add3A_326, %add3A_325 : i32
      %mul3A_328 = arith.constant 512 : i32
      %mul3A_329 = arith.muli %add3A_327, %mul3A_328 : i32
      %sub3A_330 = arith.constant 512 : i32
      %sub3A_331 = arith.subi %sub3A_330, %add3A_325 : i32
      %dma_start3A_332 = arith.constant 0 : i32
      %dma_start3A_333 = tpu.memref_slice %arg2[%mul3A_329, %dma_start3A_332] : memref<524288x128xf32, #tpu.memory_space<hbm>> -> memref<512x128xf32, #tpu.memory_space<hbm>>
      %dma_start3A_334 = arith.constant 0 : i32
      %dma_start3A_335 = tpu.memref_slice %arg3[%sub3A_331, %dma_start3A_334] : memref<1024x128xf32, #tpu.memory_space<vmem_shared>> -> memref<512x128xf32, #tpu.memory_space<vmem_shared>>
      tpu.enqueue_dma source(%dma_start3A_335 : memref<512x128xf32, #tpu.memory_space<vmem_shared>>) target(%dma_start3A_333 : memref<512x128xf32, #tpu.memory_space<hbm>>) target_semaphore(%run_scoped3A : memref<!tpu.dma_semaphore, #tpu.memory_space<semaphore_mem>>)
      %add3A_336 = arith.constant 14 : i32
      %add3A_337 = arith.addi %add3A_1, %add3A_336 : i32
      %add3A_338 = arith.constant 0 : i32
      %add3A_339 = arith.addi %add3A_338, %add3A_337 : i32
      %mul3A_340 = arith.constant 512 : i32
      %mul3A_341 = arith.muli %add3A_339, %mul3A_340 : i32
      %sub3A_342 = arith.constant 512 : i32
      %sub3A_343 = arith.subi %sub3A_342, %add3A_337 : i32
      %dma_start3A_344 = arith.constant 0 : i32
      %dma_start3A_345 = tpu.memref_slice %arg2[%mul3A_341, %dma_start3A_344] : memref<524288x128xf32, #tpu.memory_space<hbm>> -> memref<512x128xf32, #tpu.memory_space<hbm>>
      %dma_start3A_346 = arith.constant 0 : i32
      %dma_start3A_347 = tpu.memref_slice %arg3[%sub3A_343, %dma_start3A_346] : memref<1024x128xf32, #tpu.memory_space<vmem_shared>> -> memref<512x128xf32, #tpu.memory_space<vmem_shared>>
      tpu.enqueue_dma source(%dma_start3A_347 : memref<512x128xf32, #tpu.memory_space<vmem_shared>>) target(%dma_start3A_345 : memref<512x128xf32, #tpu.memory_space<hbm>>) target_semaphore(%run_scoped3A : memref<!tpu.dma_semaphore, #tpu.memory_space<semaphore_mem>>)
      %add3A_348 = arith.constant 14 : i32
      %add3A_349 = arith.addi %add3A_1, %add3A_348 : i32
      %add3A_350 = arith.constant 512 : i32
      %add3A_351 = arith.addi %add3A_350, %add3A_349 : i32
      %mul3A_352 = arith.constant 512 : i32
      %mul3A_353 = arith.muli %add3A_351, %mul3A_352 : i32
      %sub3A_354 = arith.constant 512 : i32
      %sub3A_355 = arith.subi %sub3A_354, %add3A_349 : i32
      %dma_start3A_356 = arith.constant 0 : i32
      %dma_start3A_357 = tpu.memref_slice %arg2[%mul3A_353, %dma_start3A_356] : memref<524288x128xf32, #tpu.memory_space<hbm>> -> memref<512x128xf32, #tpu.memory_space<hbm>>
      %dma_start3A_358 = arith.constant 0 : i32
      %dma_start3A_359 = tpu.memref_slice %arg3[%sub3A_355, %dma_start3A_358] : memref<1024x128xf32, #tpu.memory_space<vmem_shared>> -> memref<512x128xf32, #tpu.memory_space<vmem_shared>>
      tpu.enqueue_dma source(%dma_start3A_359 : memref<512x128xf32, #tpu.memory_space<vmem_shared>>) target(%dma_start3A_357 : memref<512x128xf32, #tpu.memory_space<hbm>>) target_semaphore(%run_scoped3A : memref<!tpu.dma_semaphore, #tpu.memory_space<semaphore_mem>>)
      %add3A_360 = arith.constant 15 : i32
      %add3A_361 = arith.addi %add3A_1, %add3A_360 : i32
      %add3A_362 = arith.constant 0 : i32
      %add3A_363 = arith.addi %add3A_362, %add3A_361 : i32
      %mul3A_364 = arith.constant 512 : i32
      %mul3A_365 = arith.muli %add3A_363, %mul3A_364 : i32
      %sub3A_366 = arith.constant 512 : i32
      %sub3A_367 = arith.subi %sub3A_366, %add3A_361 : i32
      %dma_start3A_368 = arith.constant 0 : i32
      %dma_start3A_369 = tpu.memref_slice %arg2[%mul3A_365, %dma_start3A_368] : memref<524288x128xf32, #tpu.memory_space<hbm>> -> memref<512x128xf32, #tpu.memory_space<hbm>>
      %dma_start3A_370 = arith.constant 0 : i32
      %dma_start3A_371 = tpu.memref_slice %arg3[%sub3A_367, %dma_start3A_370] : memref<1024x128xf32, #tpu.memory_space<vmem_shared>> -> memref<512x128xf32, #tpu.memory_space<vmem_shared>>
      tpu.enqueue_dma source(%dma_start3A_371 : memref<512x128xf32, #tpu.memory_space<vmem_shared>>) target(%dma_start3A_369 : memref<512x128xf32, #tpu.memory_space<hbm>>) target_semaphore(%run_scoped3A : memref<!tpu.dma_semaphore, #tpu.memory_space<semaphore_mem>>)
      %add3A_372 = arith.constant 15 : i32
      %add3A_373 = arith.addi %add3A_1, %add3A_372 : i32
      %add3A_374 = arith.constant 512 : i32
      %add3A_375 = arith.addi %add3A_374, %add3A_373 : i32
      %mul3A_376 = arith.constant 512 : i32
      %mul3A_377 = arith.muli %add3A_375, %mul3A_376 : i32
      %sub3A_378 = arith.constant 512 : i32
      %sub3A_379 = arith.subi %sub3A_378, %add3A_373 : i32
      %dma_start3A_380 = arith.constant 0 : i32
      %dma_start3A_381 = tpu.memref_slice %arg2[%mul3A_377, %dma_start3A_380] : memref<524288x128xf32, #tpu.memory_space<hbm>> -> memref<512x128xf32, #tpu.memory_space<hbm>>
      %dma_start3A_382 = arith.constant 0 : i32
      %dma_start3A_383 = tpu.memref_slice %arg3[%sub3A_379, %dma_start3A_382] : memref<1024x128xf32, #tpu.memory_space<vmem_shared>> -> memref<512x128xf32, #tpu.memory_space<vmem_shared>>
      tpu.enqueue_dma source(%dma_start3A_383 : memref<512x128xf32, #tpu.memory_space<vmem_shared>>) target(%dma_start3A_381 : memref<512x128xf32, #tpu.memory_space<hbm>>) target_semaphore(%run_scoped3A : memref<!tpu.dma_semaphore, #tpu.memory_space<semaphore_mem>>)
      %dma_wait3A = arith.constant 0 : i32
      %dma_wait3A_384 = tpu.memref_slice %arg2[%mul3A_7, %dma_wait3A] : memref<524288x128xf32, #tpu.memory_space<hbm>> -> memref<512x128xf32, #tpu.memory_space<hbm>>
      %dma_wait3A_385 = arith.constant 0 : i32
      %dma_wait3A_386 = tpu.memref_slice %arg3[%sub3A_8, %dma_wait3A_385] : memref<1024x128xf32, #tpu.memory_space<vmem_shared>> -> memref<512x128xf32, #tpu.memory_space<vmem_shared>>
      tpu.wait_dma2 semaphore(%run_scoped3A : memref<!tpu.dma_semaphore, #tpu.memory_space<semaphore_mem>>) src(%dma_wait3A_386 : memref<512x128xf32, #tpu.memory_space<vmem_shared>>) dst(%dma_wait3A_384 : memref<512x128xf32, #tpu.memory_space<hbm>>)
      %dma_wait3A_387 = arith.constant 0 : i32
      %dma_wait3A_388 = tpu.memref_slice %arg2[%mul3A_17, %dma_wait3A_387] : memref<524288x128xf32, #tpu.memory_space<hbm>> -> memref<512x128xf32, #tpu.memory_space<hbm>>
      %dma_wait3A_389 = arith.constant 0 : i32
      %dma_wait3A_390 = tpu.memref_slice %arg3[%sub3A_19, %dma_wait3A_389] : memref<1024x128xf32, #tpu.memory_space<vmem_shared>> -> memref<512x128xf32, #tpu.memory_space<vmem_shared>>
      tpu.wait_dma2 semaphore(%run_scoped3A : memref<!tpu.dma_semaphore, #tpu.memory_space<semaphore_mem>>) src(%dma_wait3A_390 : memref<512x128xf32, #tpu.memory_space<vmem_shared>>) dst(%dma_wait3A_388 : memref<512x128xf32, #tpu.memory_space<hbm>>)
      %dma_wait3A_391 = arith.constant 0 : i32
      %dma_wait3A_392 = tpu.memref_slice %arg2[%mul3A_29, %dma_wait3A_391] : memref<524288x128xf32, #tpu.memory_space<hbm>> -> memref<512x128xf32, #tpu.memory_space<hbm>>
      %dma_wait3A_393 = arith.constant 0 : i32
      %dma_wait3A_394 = tpu.memref_slice %arg3[%sub3A_31, %dma_wait3A_393] : memref<1024x128xf32, #tpu.memory_space<vmem_shared>> -> memref<512x128xf32, #tpu.memory_space<vmem_shared>>
      tpu.wait_dma2 semaphore(%run_scoped3A : memref<!tpu.dma_semaphore, #tpu.memory_space<semaphore_mem>>) src(%dma_wait3A_394 : memref<512x128xf32, #tpu.memory_space<vmem_shared>>) dst(%dma_wait3A_392 : memref<512x128xf32, #tpu.memory_space<hbm>>)
      %dma_wait3A_395 = arith.constant 0 : i32
      %dma_wait3A_396 = tpu.memref_slice %arg2[%mul3A_41, %dma_wait3A_395] : memref<524288x128xf32, #tpu.memory_space<hbm>> -> memref<512x128xf32, #tpu.memory_space<hbm>>
      %dma_wait3A_397 = arith.constant 0 : i32
      %dma_wait3A_398 = tpu.memref_slice %arg3[%sub3A_43, %dma_wait3A_397] : memref<1024x128xf32, #tpu.memory_space<vmem_shared>> -> memref<512x128xf32, #tpu.memory_space<vmem_shared>>
      tpu.wait_dma2 semaphore(%run_scoped3A : memref<!tpu.dma_semaphore, #tpu.memory_space<semaphore_mem>>) src(%dma_wait3A_398 : memref<512x128xf32, #tpu.memory_space<vmem_shared>>) dst(%dma_wait3A_396 : memref<512x128xf32, #tpu.memory_space<hbm>>)
      %dma_wait3A_399 = arith.constant 0 : i32
      %dma_wait3A_400 = tpu.memref_slice %arg2[%mul3A_53, %dma_wait3A_399] : memref<524288x128xf32, #tpu.memory_space<hbm>> -> memref<512x128xf32, #tpu.memory_space<hbm>>
      %dma_wait3A_401 = arith.constant 0 : i32
      %dma_wait3A_402 = tpu.memref_slice %arg3[%sub3A_55, %dma_wait3A_401] : memref<1024x128xf32, #tpu.memory_space<vmem_shared>> -> memref<512x128xf32, #tpu.memory_space<vmem_shared>>
      tpu.wait_dma2 semaphore(%run_scoped3A : memref<!tpu.dma_semaphore, #tpu.memory_space<semaphore_mem>>) src(%dma_wait3A_402 : memref<512x128xf32, #tpu.memory_space<vmem_shared>>) dst(%dma_wait3A_400 : memref<512x128xf32, #tpu.memory_space<hbm>>)
      %dma_wait3A_403 = arith.constant 0 : i32
      %dma_wait3A_404 = tpu.memref_slice %arg2[%mul3A_65, %dma_wait3A_403] : memref<524288x128xf32, #tpu.memory_space<hbm>> -> memref<512x128xf32, #tpu.memory_space<hbm>>
      %dma_wait3A_405 = arith.constant 0 : i32
      %dma_wait3A_406 = tpu.memref_slice %arg3[%sub3A_67, %dma_wait3A_405] : memref<1024x128xf32, #tpu.memory_space<vmem_shared>> -> memref<512x128xf32, #tpu.memory_space<vmem_shared>>
      tpu.wait_dma2 semaphore(%run_scoped3A : memref<!tpu.dma_semaphore, #tpu.memory_space<semaphore_mem>>) src(%dma_wait3A_406 : memref<512x128xf32, #tpu.memory_space<vmem_shared>>) dst(%dma_wait3A_404 : memref<512x128xf32, #tpu.memory_space<hbm>>)
      %dma_wait3A_407 = arith.constant 0 : i32
      %dma_wait3A_408 = tpu.memref_slice %arg2[%mul3A_77, %dma_wait3A_407] : memref<524288x128xf32, #tpu.memory_space<hbm>> -> memref<512x128xf32, #tpu.memory_space<hbm>>
      %dma_wait3A_409 = arith.constant 0 : i32
      %dma_wait3A_410 = tpu.memref_slice %arg3[%sub3A_79, %dma_wait3A_409] : memref<1024x128xf32, #tpu.memory_space<vmem_shared>> -> memref<512x128xf32, #tpu.memory_space<vmem_shared>>
      tpu.wait_dma2 semaphore(%run_scoped3A : memref<!tpu.dma_semaphore, #tpu.memory_space<semaphore_mem>>) src(%dma_wait3A_410 : memref<512x128xf32, #tpu.memory_space<vmem_shared>>) dst(%dma_wait3A_408 : memref<512x128xf32, #tpu.memory_space<hbm>>)
      %dma_wait3A_411 = arith.constant 0 : i32
      %dma_wait3A_412 = tpu.memref_slice %arg2[%mul3A_89, %dma_wait3A_411] : memref<524288x128xf32, #tpu.memory_space<hbm>> -> memref<512x128xf32, #tpu.memory_space<hbm>>
      %dma_wait3A_413 = arith.constant 0 : i32
      %dma_wait3A_414 = tpu.memref_slice %arg3[%sub3A_91, %dma_wait3A_413] : memref<1024x128xf32, #tpu.memory_space<vmem_shared>> -> memref<512x128xf32, #tpu.memory_space<vmem_shared>>
      tpu.wait_dma2 semaphore(%run_scoped3A : memref<!tpu.dma_semaphore, #tpu.memory_space<semaphore_mem>>) src(%dma_wait3A_414 : memref<512x128xf32, #tpu.memory_space<vmem_shared>>) dst(%dma_wait3A_412 : memref<512x128xf32, #tpu.memory_space<hbm>>)
      %dma_wait3A_415 = arith.constant 0 : i32
      %dma_wait3A_416 = tpu.memref_slice %arg2[%mul3A_101, %dma_wait3A_415] : memref<524288x128xf32, #tpu.memory_space<hbm>> -> memref<512x128xf32, #tpu.memory_space<hbm>>
      %dma_wait3A_417 = arith.constant 0 : i32
      %dma_wait3A_418 = tpu.memref_slice %arg3[%sub3A_103, %dma_wait3A_417] : memref<1024x128xf32, #tpu.memory_space<vmem_shared>> -> memref<512x128xf32, #tpu.memory_space<vmem_shared>>
      tpu.wait_dma2 semaphore(%run_scoped3A : memref<!tpu.dma_semaphore, #tpu.memory_space<semaphore_mem>>) src(%dma_wait3A_418 : memref<512x128xf32, #tpu.memory_space<vmem_shared>>) dst(%dma_wait3A_416 : memref<512x128xf32, #tpu.memory_space<hbm>>)
      %dma_wait3A_419 = arith.constant 0 : i32
      %dma_wait3A_420 = tpu.memref_slice %arg2[%mul3A_113, %dma_wait3A_419] : memref<524288x128xf32, #tpu.memory_space<hbm>> -> memref<512x128xf32, #tpu.memory_space<hbm>>
      %dma_wait3A_421 = arith.constant 0 : i32
      %dma_wait3A_422 = tpu.memref_slice %arg3[%sub3A_115, %dma_wait3A_421] : memref<1024x128xf32, #tpu.memory_space<vmem_shared>> -> memref<512x128xf32, #tpu.memory_space<vmem_shared>>
      tpu.wait_dma2 semaphore(%run_scoped3A : memref<!tpu.dma_semaphore, #tpu.memory_space<semaphore_mem>>) src(%dma_wait3A_422 : memref<512x128xf32, #tpu.memory_space<vmem_shared>>) dst(%dma_wait3A_420 : memref<512x128xf32, #tpu.memory_space<hbm>>)
      %dma_wait3A_423 = arith.constant 0 : i32
      %dma_wait3A_424 = tpu.memref_slice %arg2[%mul3A_125, %dma_wait3A_423] : memref<524288x128xf32, #tpu.memory_space<hbm>> -> memref<512x128xf32, #tpu.memory_space<hbm>>
      %dma_wait3A_425 = arith.constant 0 : i32
      %dma_wait3A_426 = tpu.memref_slice %arg3[%sub3A_127, %dma_wait3A_425] : memref<1024x128xf32, #tpu.memory_space<vmem_shared>> -> memref<512x128xf32, #tpu.memory_space<vmem_shared>>
      tpu.wait_dma2 semaphore(%run_scoped3A : memref<!tpu.dma_semaphore, #tpu.memory_space<semaphore_mem>>) src(%dma_wait3A_426 : memref<512x128xf32, #tpu.memory_space<vmem_shared>>) dst(%dma_wait3A_424 : memref<512x128xf32, #tpu.memory_space<hbm>>)
      %dma_wait3A_427 = arith.constant 0 : i32
      %dma_wait3A_428 = tpu.memref_slice %arg2[%mul3A_137, %dma_wait3A_427] : memref<524288x128xf32, #tpu.memory_space<hbm>> -> memref<512x128xf32, #tpu.memory_space<hbm>>
      %dma_wait3A_429 = arith.constant 0 : i32
      %dma_wait3A_430 = tpu.memref_slice %arg3[%sub3A_139, %dma_wait3A_429] : memref<1024x128xf32, #tpu.memory_space<vmem_shared>> -> memref<512x128xf32, #tpu.memory_space<vmem_shared>>
      tpu.wait_dma2 semaphore(%run_scoped3A : memref<!tpu.dma_semaphore, #tpu.memory_space<semaphore_mem>>) src(%dma_wait3A_430 : memref<512x128xf32, #tpu.memory_space<vmem_shared>>) dst(%dma_wait3A_428 : memref<512x128xf32, #tpu.memory_space<hbm>>)
      %dma_wait3A_431 = arith.constant 0 : i32
      %dma_wait3A_432 = tpu.memref_slice %arg2[%mul3A_149, %dma_wait3A_431] : memref<524288x128xf32, #tpu.memory_space<hbm>> -> memref<512x128xf32, #tpu.memory_space<hbm>>
      %dma_wait3A_433 = arith.constant 0 : i32
      %dma_wait3A_434 = tpu.memref_slice %arg3[%sub3A_151, %dma_wait3A_433] : memref<1024x128xf32, #tpu.memory_space<vmem_shared>> -> memref<512x128xf32, #tpu.memory_space<vmem_shared>>
      tpu.wait_dma2 semaphore(%run_scoped3A : memref<!tpu.dma_semaphore, #tpu.memory_space<semaphore_mem>>) src(%dma_wait3A_434 : memref<512x128xf32, #tpu.memory_space<vmem_shared>>) dst(%dma_wait3A_432 : memref<512x128xf32, #tpu.memory_space<hbm>>)
      %dma_wait3A_435 = arith.constant 0 : i32
      %dma_wait3A_436 = tpu.memref_slice %arg2[%mul3A_161, %dma_wait3A_435] : memref<524288x128xf32, #tpu.memory_space<hbm>> -> memref<512x128xf32, #tpu.memory_space<hbm>>
      %dma_wait3A_437 = arith.constant 0 : i32
      %dma_wait3A_438 = tpu.memref_slice %arg3[%sub3A_163, %dma_wait3A_437] : memref<1024x128xf32, #tpu.memory_space<vmem_shared>> -> memref<512x128xf32, #tpu.memory_space<vmem_shared>>
      tpu.wait_dma2 semaphore(%run_scoped3A : memref<!tpu.dma_semaphore, #tpu.memory_space<semaphore_mem>>) src(%dma_wait3A_438 : memref<512x128xf32, #tpu.memory_space<vmem_shared>>) dst(%dma_wait3A_436 : memref<512x128xf32, #tpu.memory_space<hbm>>)
      %dma_wait3A_439 = arith.constant 0 : i32
      %dma_wait3A_440 = tpu.memref_slice %arg2[%mul3A_173, %dma_wait3A_439] : memref<524288x128xf32, #tpu.memory_space<hbm>> -> memref<512x128xf32, #tpu.memory_space<hbm>>
      %dma_wait3A_441 = arith.constant 0 : i32
      %dma_wait3A_442 = tpu.memref_slice %arg3[%sub3A_175, %dma_wait3A_441] : memref<1024x128xf32, #tpu.memory_space<vmem_shared>> -> memref<512x128xf32, #tpu.memory_space<vmem_shared>>
      tpu.wait_dma2 semaphore(%run_scoped3A : memref<!tpu.dma_semaphore, #tpu.memory_space<semaphore_mem>>) src(%dma_wait3A_442 : memref<512x128xf32, #tpu.memory_space<vmem_shared>>) dst(%dma_wait3A_440 : memref<512x128xf32, #tpu.memory_space<hbm>>)
      %dma_wait3A_443 = arith.constant 0 : i32
      %dma_wait3A_444 = tpu.memref_slice %arg2[%mul3A_185, %dma_wait3A_443] : memref<524288x128xf32, #tpu.memory_space<hbm>> -> memref<512x128xf32, #tpu.memory_space<hbm>>
      %dma_wait3A_445 = arith.constant 0 : i32
      %dma_wait3A_446 = tpu.memref_slice %arg3[%sub3A_187, %dma_wait3A_445] : memref<1024x128xf32, #tpu.memory_space<vmem_shared>> -> memref<512x128xf32, #tpu.memory_space<vmem_shared>>
      tpu.wait_dma2 semaphore(%run_scoped3A : memref<!tpu.dma_semaphore, #tpu.memory_space<semaphore_mem>>) src(%dma_wait3A_446 : memref<512x128xf32, #tpu.memory_space<vmem_shared>>) dst(%dma_wait3A_444 : memref<512x128xf32, #tpu.memory_space<hbm>>)
      %add3A_447 = arith.constant 16 : i32
      %add3A_448 = arith.addi %add3A_1, %add3A_447 : i32
      %add3A_449 = arith.constant 0 : i32
      %add3A_450 = arith.addi %add3A_449, %add3A_448 : i32
      %mul3A_451 = arith.constant 512 : i32
      %mul3A_452 = arith.muli %add3A_450, %mul3A_451 : i32
      %sub3A_453 = arith.constant 512 : i32
      %sub3A_454 = arith.subi %sub3A_453, %add3A_448 : i32
      %dma_start3A_455 = arith.constant 0 : i32
      %dma_start3A_456 = tpu.memref_slice %arg2[%mul3A_452, %dma_start3A_455] : memref<524288x128xf32, #tpu.memory_space<hbm>> -> memref<512x128xf32, #tpu.memory_space<hbm>>
      %dma_start3A_457 = arith.constant 0 : i32
      %dma_start3A_458 = tpu.memref_slice %arg3[%sub3A_454, %dma_start3A_457] : memref<1024x128xf32, #tpu.memory_space<vmem_shared>> -> memref<512x128xf32, #tpu.memory_space<vmem_shared>>
      tpu.enqueue_dma source(%dma_start3A_458 : memref<512x128xf32, #tpu.memory_space<vmem_shared>>) target(%dma_start3A_456 : memref<512x128xf32, #tpu.memory_space<hbm>>) target_semaphore(%run_scoped3A : memref<!tpu.dma_semaphore, #tpu.memory_space<semaphore_mem>>)
      %add3A_459 = arith.constant 16 : i32
      %add3A_460 = arith.addi %add3A_1, %add3A_459 : i32
      %add3A_461 = arith.constant 512 : i32
      %add3A_462 = arith.addi %add3A_461, %add3A_460 : i32
      %mul3A_463 = arith.constant 512 : i32
      %mul3A_464 = arith.muli %add3A_462, %mul3A_463 : i32
      %sub3A_465 = arith.constant 512 : i32
      %sub3A_466 = arith.subi %sub3A_465, %add3A_460 : i32
      %dma_start3A_467 = arith.constant 0 : i32
      %dma_start3A_468 = tpu.memref_slice %arg2[%mul3A_464, %dma_start3A_467] : memref<524288x128xf32, #tpu.memory_space<hbm>> -> memref<512x128xf32, #tpu.memory_space<hbm>>
      %dma_start3A_469 = arith.constant 0 : i32
      %dma_start3A_470 = tpu.memref_slice %arg3[%sub3A_466, %dma_start3A_469] : memref<1024x128xf32, #tpu.memory_space<vmem_shared>> -> memref<512x128xf32, #tpu.memory_space<vmem_shared>>
      tpu.enqueue_dma source(%dma_start3A_470 : memref<512x128xf32, #tpu.memory_space<vmem_shared>>) target(%dma_start3A_468 : memref<512x128xf32, #tpu.memory_space<hbm>>) target_semaphore(%run_scoped3A : memref<!tpu.dma_semaphore, #tpu.memory_space<semaphore_mem>>)
      %add3A_471 = arith.constant 17 : i32
      %add3A_472 = arith.addi %add3A_1, %add3A_471 : i32
      %add3A_473 = arith.constant 0 : i32
      %add3A_474 = arith.addi %add3A_473, %add3A_472 : i32
      %mul3A_475 = arith.constant 512 : i32
      %mul3A_476 = arith.muli %add3A_474, %mul3A_475 : i32
      %sub3A_477 = arith.constant 512 : i32
      %sub3A_478 = arith.subi %sub3A_477, %add3A_472 : i32
      %dma_start3A_479 = arith.constant 0 : i32
      %dma_start3A_480 = tpu.memref_slice %arg2[%mul3A_476, %dma_start3A_479] : memref<524288x128xf32, #tpu.memory_space<hbm>> -> memref<512x128xf32, #tpu.memory_space<hbm>>
      %dma_start3A_481 = arith.constant 0 : i32
      %dma_start3A_482 = tpu.memref_slice %arg3[%sub3A_478, %dma_start3A_481] : memref<1024x128xf32, #tpu.memory_space<vmem_shared>> -> memref<512x128xf32, #tpu.memory_space<vmem_shared>>
      tpu.enqueue_dma source(%dma_start3A_482 : memref<512x128xf32, #tpu.memory_space<vmem_shared>>) target(%dma_start3A_480 : memref<512x128xf32, #tpu.memory_space<hbm>>) target_semaphore(%run_scoped3A : memref<!tpu.dma_semaphore, #tpu.memory_space<semaphore_mem>>)
      %add3A_483 = arith.constant 17 : i32
      %add3A_484 = arith.addi %add3A_1, %add3A_483 : i32
      %add3A_485 = arith.constant 512 : i32
      %add3A_486 = arith.addi %add3A_485, %add3A_484 : i32
      %mul3A_487 = arith.constant 512 : i32
      %mul3A_488 = arith.muli %add3A_486, %mul3A_487 : i32
      %sub3A_489 = arith.constant 512 : i32
      %sub3A_490 = arith.subi %sub3A_489, %add3A_484 : i32
      %dma_start3A_491 = arith.constant 0 : i32
      %dma_start3A_492 = tpu.memref_slice %arg2[%mul3A_488, %dma_start3A_491] : memref<524288x128xf32, #tpu.memory_space<hbm>> -> memref<512x128xf32, #tpu.memory_space<hbm>>
      %dma_start3A_493 = arith.constant 0 : i32
      %dma_start3A_494 = tpu.memref_slice %arg3[%sub3A_490, %dma_start3A_493] : memref<1024x128xf32, #tpu.memory_space<vmem_shared>> -> memref<512x128xf32, #tpu.memory_space<vmem_shared>>
      tpu.enqueue_dma source(%dma_start3A_494 : memref<512x128xf32, #tpu.memory_space<vmem_shared>>) target(%dma_start3A_492 : memref<512x128xf32, #tpu.memory_space<hbm>>) target_semaphore(%run_scoped3A : memref<!tpu.dma_semaphore, #tpu.memory_space<semaphore_mem>>)
      %add3A_495 = arith.constant 18 : i32
      %add3A_496 = arith.addi %add3A_1, %add3A_495 : i32
      %add3A_497 = arith.constant 0 : i32
      %add3A_498 = arith.addi %add3A_497, %add3A_496 : i32
      %mul3A_499 = arith.constant 512 : i32
      %mul3A_500 = arith.muli %add3A_498, %mul3A_499 : i32
      %sub3A_501 = arith.constant 512 : i32
      %sub3A_502 = arith.subi %sub3A_501, %add3A_496 : i32
      %dma_start3A_503 = arith.constant 0 : i32
      %dma_start3A_504 = tpu.memref_slice %arg2[%mul3A_500, %dma_start3A_503] : memref<524288x128xf32, #tpu.memory_space<hbm>> -> memref<512x128xf32, #tpu.memory_space<hbm>>
      %dma_start3A_505 = arith.constant 0 : i32
      %dma_start3A_506 = tpu.memref_slice %arg3[%sub3A_502, %dma_start3A_505] : memref<1024x128xf32, #tpu.memory_space<vmem_shared>> -> memref<512x128xf32, #tpu.memory_space<vmem_shared>>
      tpu.enqueue_dma source(%dma_start3A_506 : memref<512x128xf32, #tpu.memory_space<vmem_shared>>) target(%dma_start3A_504 : memref<512x128xf32, #tpu.memory_space<hbm>>) target_semaphore(%run_scoped3A : memref<!tpu.dma_semaphore, #tpu.memory_space<semaphore_mem>>)
      %add3A_507 = arith.constant 18 : i32
      %add3A_508 = arith.addi %add3A_1, %add3A_507 : i32
      %add3A_509 = arith.constant 512 : i32
      %add3A_510 = arith.addi %add3A_509, %add3A_508 : i32
      %mul3A_511 = arith.constant 512 : i32
      %mul3A_512 = arith.muli %add3A_510, %mul3A_511 : i32
      %sub3A_513 = arith.constant 512 : i32
      %sub3A_514 = arith.subi %sub3A_513, %add3A_508 : i32
      %dma_start3A_515 = arith.constant 0 : i32
      %dma_start3A_516 = tpu.memref_slice %arg2[%mul3A_512, %dma_start3A_515] : memref<524288x128xf32, #tpu.memory_space<hbm>> -> memref<512x128xf32, #tpu.memory_space<hbm>>
      %dma_start3A_517 = arith.constant 0 : i32
      %dma_start3A_518 = tpu.memref_slice %arg3[%sub3A_514, %dma_start3A_517] : memref<1024x128xf32, #tpu.memory_space<vmem_shared>> -> memref<512x128xf32, #tpu.memory_space<vmem_shared>>
      tpu.enqueue_dma source(%dma_start3A_518 : memref<512x128xf32, #tpu.memory_space<vmem_shared>>) target(%dma_start3A_516 : memref<512x128xf32, #tpu.memory_space<hbm>>) target_semaphore(%run_scoped3A : memref<!tpu.dma_semaphore, #tpu.memory_space<semaphore_mem>>)
      %add3A_519 = arith.constant 19 : i32
      %add3A_520 = arith.addi %add3A_1, %add3A_519 : i32
      %add3A_521 = arith.constant 0 : i32
      %add3A_522 = arith.addi %add3A_521, %add3A_520 : i32
      %mul3A_523 = arith.constant 512 : i32
      %mul3A_524 = arith.muli %add3A_522, %mul3A_523 : i32
      %sub3A_525 = arith.constant 512 : i32
      %sub3A_526 = arith.subi %sub3A_525, %add3A_520 : i32
      %dma_start3A_527 = arith.constant 0 : i32
      %dma_start3A_528 = tpu.memref_slice %arg2[%mul3A_524, %dma_start3A_527] : memref<524288x128xf32, #tpu.memory_space<hbm>> -> memref<512x128xf32, #tpu.memory_space<hbm>>
      %dma_start3A_529 = arith.constant 0 : i32
      %dma_start3A_530 = tpu.memref_slice %arg3[%sub3A_526, %dma_start3A_529] : memref<1024x128xf32, #tpu.memory_space<vmem_shared>> -> memref<512x128xf32, #tpu.memory_space<vmem_shared>>
      tpu.enqueue_dma source(%dma_start3A_530 : memref<512x128xf32, #tpu.memory_space<vmem_shared>>) target(%dma_start3A_528 : memref<512x128xf32, #tpu.memory_space<hbm>>) target_semaphore(%run_scoped3A : memref<!tpu.dma_semaphore, #tpu.memory_space<semaphore_mem>>)
      %add3A_531 = arith.constant 19 : i32
      %add3A_532 = arith.addi %add3A_1, %add3A_531 : i32
      %add3A_533 = arith.constant 512 : i32
      %add3A_534 = arith.addi %add3A_533, %add3A_532 : i32
      %mul3A_535 = arith.constant 512 : i32
      %mul3A_536 = arith.muli %add3A_534, %mul3A_535 : i32
      %sub3A_537 = arith.constant 512 : i32
      %sub3A_538 = arith.subi %sub3A_537, %add3A_532 : i32
      %dma_start3A_539 = arith.constant 0 : i32
      %dma_start3A_540 = tpu.memref_slice %arg2[%mul3A_536, %dma_start3A_539] : memref<524288x128xf32, #tpu.memory_space<hbm>> -> memref<512x128xf32, #tpu.memory_space<hbm>>
      %dma_start3A_541 = arith.constant 0 : i32
      %dma_start3A_542 = tpu.memref_slice %arg3[%sub3A_538, %dma_start3A_541] : memref<1024x128xf32, #tpu.memory_space<vmem_shared>> -> memref<512x128xf32, #tpu.memory_space<vmem_shared>>
      tpu.enqueue_dma source(%dma_start3A_542 : memref<512x128xf32, #tpu.memory_space<vmem_shared>>) target(%dma_start3A_540 : memref<512x128xf32, #tpu.memory_space<hbm>>) target_semaphore(%run_scoped3A : memref<!tpu.dma_semaphore, #tpu.memory_space<semaphore_mem>>)
      %add3A_543 = arith.constant 20 : i32
      %add3A_544 = arith.addi %add3A_1, %add3A_543 : i32
      %add3A_545 = arith.constant 0 : i32
      %add3A_546 = arith.addi %add3A_545, %add3A_544 : i32
      %mul3A_547 = arith.constant 512 : i32
      %mul3A_548 = arith.muli %add3A_546, %mul3A_547 : i32
      %sub3A_549 = arith.constant 512 : i32
      %sub3A_550 = arith.subi %sub3A_549, %add3A_544 : i32
      %dma_start3A_551 = arith.constant 0 : i32
      %dma_start3A_552 = tpu.memref_slice %arg2[%mul3A_548, %dma_start3A_551] : memref<524288x128xf32, #tpu.memory_space<hbm>> -> memref<512x128xf32, #tpu.memory_space<hbm>>
      %dma_start3A_553 = arith.constant 0 : i32
      %dma_start3A_554 = tpu.memref_slice %arg3[%sub3A_550, %dma_start3A_553] : memref<1024x128xf32, #tpu.memory_space<vmem_shared>> -> memref<512x128xf32, #tpu.memory_space<vmem_shared>>
      tpu.enqueue_dma source(%dma_start3A_554 : memref<512x128xf32, #tpu.memory_space<vmem_shared>>) target(%dma_start3A_552 : memref<512x128xf32, #tpu.memory_space<hbm>>) target_semaphore(%run_scoped3A : memref<!tpu.dma_semaphore, #tpu.memory_space<semaphore_mem>>)
      %add3A_555 = arith.constant 20 : i32
      %add3A_556 = arith.addi %add3A_1, %add3A_555 : i32
      %add3A_557 = arith.constant 512 : i32
      %add3A_558 = arith.addi %add3A_557, %add3A_556 : i32
      %mul3A_559 = arith.constant 512 : i32
      %mul3A_560 = arith.muli %add3A_558, %mul3A_559 : i32
      %sub3A_561 = arith.constant 512 : i32
      %sub3A_562 = arith.subi %sub3A_561, %add3A_556 : i32
      %dma_start3A_563 = arith.constant 0 : i32
      %dma_start3A_564 = tpu.memref_slice %arg2[%mul3A_560, %dma_start3A_563] : memref<524288x128xf32, #tpu.memory_space<hbm>> -> memref<512x128xf32, #tpu.memory_space<hbm>>
      %dma_start3A_565 = arith.constant 0 : i32
      %dma_start3A_566 = tpu.memref_slice %arg3[%sub3A_562, %dma_start3A_565] : memref<1024x128xf32, #tpu.memory_space<vmem_shared>> -> memref<512x128xf32, #tpu.memory_space<vmem_shared>>
      tpu.enqueue_dma source(%dma_start3A_566 : memref<512x128xf32, #tpu.memory_space<vmem_shared>>) target(%dma_start3A_564 : memref<512x128xf32, #tpu.memory_space<hbm>>) target_semaphore(%run_scoped3A : memref<!tpu.dma_semaphore, #tpu.memory_space<semaphore_mem>>)
      %add3A_567 = arith.constant 21 : i32
      %add3A_568 = arith.addi %add3A_1, %add3A_567 : i32
      %add3A_569 = arith.constant 0 : i32
      %add3A_570 = arith.addi %add3A_569, %add3A_568 : i32
      %mul3A_571 = arith.constant 512 : i32
      %mul3A_572 = arith.muli %add3A_570, %mul3A_571 : i32
      %sub3A_573 = arith.constant 512 : i32
      %sub3A_574 = arith.subi %sub3A_573, %add3A_568 : i32
      %dma_start3A_575 = arith.constant 0 : i32
      %dma_start3A_576 = tpu.memref_slice %arg2[%mul3A_572, %dma_start3A_575] : memref<524288x128xf32, #tpu.memory_space<hbm>> -> memref<512x128xf32, #tpu.memory_space<hbm>>
      %dma_start3A_577 = arith.constant 0 : i32
      %dma_start3A_578 = tpu.memref_slice %arg3[%sub3A_574, %dma_start3A_577] : memref<1024x128xf32, #tpu.memory_space<vmem_shared>> -> memref<512x128xf32, #tpu.memory_space<vmem_shared>>
      tpu.enqueue_dma source(%dma_start3A_578 : memref<512x128xf32, #tpu.memory_space<vmem_shared>>) target(%dma_start3A_576 : memref<512x128xf32, #tpu.memory_space<hbm>>) target_semaphore(%run_scoped3A : memref<!tpu.dma_semaphore, #tpu.memory_space<semaphore_mem>>)
      %add3A_579 = arith.constant 21 : i32
      %add3A_580 = arith.addi %add3A_1, %add3A_579 : i32
      %add3A_581 = arith.constant 512 : i32
      %add3A_582 = arith.addi %add3A_581, %add3A_580 : i32
      %mul3A_583 = arith.constant 512 : i32
      %mul3A_584 = arith.muli %add3A_582, %mul3A_583 : i32
      %sub3A_585 = arith.constant 512 : i32
      %sub3A_586 = arith.subi %sub3A_585, %add3A_580 : i32
      %dma_start3A_587 = arith.constant 0 : i32
      %dma_start3A_588 = tpu.memref_slice %arg2[%mul3A_584, %dma_start3A_587] : memref<524288x128xf32, #tpu.memory_space<hbm>> -> memref<512x128xf32, #tpu.memory_space<hbm>>
      %dma_start3A_589 = arith.constant 0 : i32
      %dma_start3A_590 = tpu.memref_slice %arg3[%sub3A_586, %dma_start3A_589] : memref<1024x128xf32, #tpu.memory_space<vmem_shared>> -> memref<512x128xf32, #tpu.memory_space<vmem_shared>>
      tpu.enqueue_dma source(%dma_start3A_590 : memref<512x128xf32, #tpu.memory_space<vmem_shared>>) target(%dma_start3A_588 : memref<512x128xf32, #tpu.memory_space<hbm>>) target_semaphore(%run_scoped3A : memref<!tpu.dma_semaphore, #tpu.memory_space<semaphore_mem>>)
      %add3A_591 = arith.constant 22 : i32
      %add3A_592 = arith.addi %add3A_1, %add3A_591 : i32
      %add3A_593 = arith.constant 0 : i32
      %add3A_594 = arith.addi %add3A_593, %add3A_592 : i32
      %mul3A_595 = arith.constant 512 : i32
      %mul3A_596 = arith.muli %add3A_594, %mul3A_595 : i32
      %sub3A_597 = arith.constant 512 : i32
      %sub3A_598 = arith.subi %sub3A_597, %add3A_592 : i32
      %dma_start3A_599 = arith.constant 0 : i32
      %dma_start3A_600 = tpu.memref_slice %arg2[%mul3A_596, %dma_start3A_599] : memref<524288x128xf32, #tpu.memory_space<hbm>> -> memref<512x128xf32, #tpu.memory_space<hbm>>
      %dma_start3A_601 = arith.constant 0 : i32
      %dma_start3A_602 = tpu.memref_slice %arg3[%sub3A_598, %dma_start3A_601] : memref<1024x128xf32, #tpu.memory_space<vmem_shared>> -> memref<512x128xf32, #tpu.memory_space<vmem_shared>>
      tpu.enqueue_dma source(%dma_start3A_602 : memref<512x128xf32, #tpu.memory_space<vmem_shared>>) target(%dma_start3A_600 : memref<512x128xf32, #tpu.memory_space<hbm>>) target_semaphore(%run_scoped3A : memref<!tpu.dma_semaphore, #tpu.memory_space<semaphore_mem>>)
      %add3A_603 = arith.constant 22 : i32
      %add3A_604 = arith.addi %add3A_1, %add3A_603 : i32
      %add3A_605 = arith.constant 512 : i32
      %add3A_606 = arith.addi %add3A_605, %add3A_604 : i32
      %mul3A_607 = arith.constant 512 : i32
      %mul3A_608 = arith.muli %add3A_606, %mul3A_607 : i32
      %sub3A_609 = arith.constant 512 : i32
      %sub3A_610 = arith.subi %sub3A_609, %add3A_604 : i32
      %dma_start3A_611 = arith.constant 0 : i32
      %dma_start3A_612 = tpu.memref_slice %arg2[%mul3A_608, %dma_start3A_611] : memref<524288x128xf32, #tpu.memory_space<hbm>> -> memref<512x128xf32, #tpu.memory_space<hbm>>
      %dma_start3A_613 = arith.constant 0 : i32
      %dma_start3A_614 = tpu.memref_slice %arg3[%sub3A_610, %dma_start3A_613] : memref<1024x128xf32, #tpu.memory_space<vmem_shared>> -> memref<512x128xf32, #tpu.memory_space<vmem_shared>>
      tpu.enqueue_dma source(%dma_start3A_614 : memref<512x128xf32, #tpu.memory_space<vmem_shared>>) target(%dma_start3A_612 : memref<512x128xf32, #tpu.memory_space<hbm>>) target_semaphore(%run_scoped3A : memref<!tpu.dma_semaphore, #tpu.memory_space<semaphore_mem>>)
      %add3A_615 = arith.constant 23 : i32
      %add3A_616 = arith.addi %add3A_1, %add3A_615 : i32
      %add3A_617 = arith.constant 0 : i32
      %add3A_618 = arith.addi %add3A_617, %add3A_616 : i32
      %mul3A_619 = arith.constant 512 : i32
      %mul3A_620 = arith.muli %add3A_618, %mul3A_619 : i32
      %sub3A_621 = arith.constant 512 : i32
      %sub3A_622 = arith.subi %sub3A_621, %add3A_616 : i32
      %dma_start3A_623 = arith.constant 0 : i32
      %dma_start3A_624 = tpu.memref_slice %arg2[%mul3A_620, %dma_start3A_623] : memref<524288x128xf32, #tpu.memory_space<hbm>> -> memref<512x128xf32, #tpu.memory_space<hbm>>
      %dma_start3A_625 = arith.constant 0 : i32
      %dma_start3A_626 = tpu.memref_slice %arg3[%sub3A_622, %dma_start3A_625] : memref<1024x128xf32, #tpu.memory_space<vmem_shared>> -> memref<512x128xf32, #tpu.memory_space<vmem_shared>>
      tpu.enqueue_dma source(%dma_start3A_626 : memref<512x128xf32, #tpu.memory_space<vmem_shared>>) target(%dma_start3A_624 : memref<512x128xf32, #tpu.memory_space<hbm>>) target_semaphore(%run_scoped3A : memref<!tpu.dma_semaphore, #tpu.memory_space<semaphore_mem>>)
      %add3A_627 = arith.constant 23 : i32
      %add3A_628 = arith.addi %add3A_1, %add3A_627 : i32
      %add3A_629 = arith.constant 512 : i32
      %add3A_630 = arith.addi %add3A_629, %add3A_628 : i32
      %mul3A_631 = arith.constant 512 : i32
      %mul3A_632 = arith.muli %add3A_630, %mul3A_631 : i32
      %sub3A_633 = arith.constant 512 : i32
      %sub3A_634 = arith.subi %sub3A_633, %add3A_628 : i32
      %dma_start3A_635 = arith.constant 0 : i32
      %dma_start3A_636 = tpu.memref_slice %arg2[%mul3A_632, %dma_start3A_635] : memref<524288x128xf32, #tpu.memory_space<hbm>> -> memref<512x128xf32, #tpu.memory_space<hbm>>
      %dma_start3A_637 = arith.constant 0 : i32
      %dma_start3A_638 = tpu.memref_slice %arg3[%sub3A_634, %dma_start3A_637] : memref<1024x128xf32, #tpu.memory_space<vmem_shared>> -> memref<512x128xf32, #tpu.memory_space<vmem_shared>>
      tpu.enqueue_dma source(%dma_start3A_638 : memref<512x128xf32, #tpu.memory_space<vmem_shared>>) target(%dma_start3A_636 : memref<512x128xf32, #tpu.memory_space<hbm>>) target_semaphore(%run_scoped3A : memref<!tpu.dma_semaphore, #tpu.memory_space<semaphore_mem>>)
      %dma_wait3A_639 = arith.constant 0 : i32
      %dma_wait3A_640 = tpu.memref_slice %arg2[%mul3A_197, %dma_wait3A_639] : memref<524288x128xf32, #tpu.memory_space<hbm>> -> memref<512x128xf32, #tpu.memory_space<hbm>>
      %dma_wait3A_641 = arith.constant 0 : i32
      %dma_wait3A_642 = tpu.memref_slice %arg3[%sub3A_199, %dma_wait3A_641] : memref<1024x128xf32, #tpu.memory_space<vmem_shared>> -> memref<512x128xf32, #tpu.memory_space<vmem_shared>>
      tpu.wait_dma2 semaphore(%run_scoped3A : memref<!tpu.dma_semaphore, #tpu.memory_space<semaphore_mem>>) src(%dma_wait3A_642 : memref<512x128xf32, #tpu.memory_space<vmem_shared>>) dst(%dma_wait3A_640 : memref<512x128xf32, #tpu.memory_space<hbm>>)
      %dma_wait3A_643 = arith.constant 0 : i32
      %dma_wait3A_644 = tpu.memref_slice %arg2[%mul3A_209, %dma_wait3A_643] : memref<524288x128xf32, #tpu.memory_space<hbm>> -> memref<512x128xf32, #tpu.memory_space<hbm>>
      %dma_wait3A_645 = arith.constant 0 : i32
      %dma_wait3A_646 = tpu.memref_slice %arg3[%sub3A_211, %dma_wait3A_645] : memref<1024x128xf32, #tpu.memory_space<vmem_shared>> -> memref<512x128xf32, #tpu.memory_space<vmem_shared>>
      tpu.wait_dma2 semaphore(%run_scoped3A : memref<!tpu.dma_semaphore, #tpu.memory_space<semaphore_mem>>) src(%dma_wait3A_646 : memref<512x128xf32, #tpu.memory_space<vmem_shared>>) dst(%dma_wait3A_644 : memref<512x128xf32, #tpu.memory_space<hbm>>)
      %dma_wait3A_647 = arith.constant 0 : i32
      %dma_wait3A_648 = tpu.memref_slice %arg2[%mul3A_221, %dma_wait3A_647] : memref<524288x128xf32, #tpu.memory_space<hbm>> -> memref<512x128xf32, #tpu.memory_space<hbm>>
      %dma_wait3A_649 = arith.constant 0 : i32
      %dma_wait3A_650 = tpu.memref_slice %arg3[%sub3A_223, %dma_wait3A_649] : memref<1024x128xf32, #tpu.memory_space<vmem_shared>> -> memref<512x128xf32, #tpu.memory_space<vmem_shared>>
      tpu.wait_dma2 semaphore(%run_scoped3A : memref<!tpu.dma_semaphore, #tpu.memory_space<semaphore_mem>>) src(%dma_wait3A_650 : memref<512x128xf32, #tpu.memory_space<vmem_shared>>) dst(%dma_wait3A_648 : memref<512x128xf32, #tpu.memory_space<hbm>>)
      %dma_wait3A_651 = arith.constant 0 : i32
      %dma_wait3A_652 = tpu.memref_slice %arg2[%mul3A_233, %dma_wait3A_651] : memref<524288x128xf32, #tpu.memory_space<hbm>> -> memref<512x128xf32, #tpu.memory_space<hbm>>
      %dma_wait3A_653 = arith.constant 0 : i32
      %dma_wait3A_654 = tpu.memref_slice %arg3[%sub3A_235, %dma_wait3A_653] : memref<1024x128xf32, #tpu.memory_space<vmem_shared>> -> memref<512x128xf32, #tpu.memory_space<vmem_shared>>
      tpu.wait_dma2 semaphore(%run_scoped3A : memref<!tpu.dma_semaphore, #tpu.memory_space<semaphore_mem>>) src(%dma_wait3A_654 : memref<512x128xf32, #tpu.memory_space<vmem_shared>>) dst(%dma_wait3A_652 : memref<512x128xf32, #tpu.memory_space<hbm>>)
      %dma_wait3A_655 = arith.constant 0 : i32
      %dma_wait3A_656 = tpu.memref_slice %arg2[%mul3A_245, %dma_wait3A_655] : memref<524288x128xf32, #tpu.memory_space<hbm>> -> memref<512x128xf32, #tpu.memory_space<hbm>>
      %dma_wait3A_657 = arith.constant 0 : i32
      %dma_wait3A_658 = tpu.memref_slice %arg3[%sub3A_247, %dma_wait3A_657] : memref<1024x128xf32, #tpu.memory_space<vmem_shared>> -> memref<512x128xf32, #tpu.memory_space<vmem_shared>>
      tpu.wait_dma2 semaphore(%run_scoped3A : memref<!tpu.dma_semaphore, #tpu.memory_space<semaphore_mem>>) src(%dma_wait3A_658 : memref<512x128xf32, #tpu.memory_space<vmem_shared>>) dst(%dma_wait3A_656 : memref<512x128xf32, #tpu.memory_space<hbm>>)
      %dma_wait3A_659 = arith.constant 0 : i32
      %dma_wait3A_660 = tpu.memref_slice %arg2[%mul3A_257, %dma_wait3A_659] : memref<524288x128xf32, #tpu.memory_space<hbm>> -> memref<512x128xf32, #tpu.memory_space<hbm>>
      %dma_wait3A_661 = arith.constant 0 : i32
      %dma_wait3A_662 = tpu.memref_slice %arg3[%sub3A_259, %dma_wait3A_661] : memref<1024x128xf32, #tpu.memory_space<vmem_shared>> -> memref<512x128xf32, #tpu.memory_space<vmem_shared>>
      tpu.wait_dma2 semaphore(%run_scoped3A : memref<!tpu.dma_semaphore, #tpu.memory_space<semaphore_mem>>) src(%dma_wait3A_662 : memref<512x128xf32, #tpu.memory_space<vmem_shared>>) dst(%dma_wait3A_660 : memref<512x128xf32, #tpu.memory_space<hbm>>)
      %dma_wait3A_663 = arith.constant 0 : i32
      %dma_wait3A_664 = tpu.memref_slice %arg2[%mul3A_269, %dma_wait3A_663] : memref<524288x128xf32, #tpu.memory_space<hbm>> -> memref<512x128xf32, #tpu.memory_space<hbm>>
      %dma_wait3A_665 = arith.constant 0 : i32
      %dma_wait3A_666 = tpu.memref_slice %arg3[%sub3A_271, %dma_wait3A_665] : memref<1024x128xf32, #tpu.memory_space<vmem_shared>> -> memref<512x128xf32, #tpu.memory_space<vmem_shared>>
      tpu.wait_dma2 semaphore(%run_scoped3A : memref<!tpu.dma_semaphore, #tpu.memory_space<semaphore_mem>>) src(%dma_wait3A_666 : memref<512x128xf32, #tpu.memory_space<vmem_shared>>) dst(%dma_wait3A_664 : memref<512x128xf32, #tpu.memory_space<hbm>>)
      %dma_wait3A_667 = arith.constant 0 : i32
      %dma_wait3A_668 = tpu.memref_slice %arg2[%mul3A_281, %dma_wait3A_667] : memref<524288x128xf32, #tpu.memory_space<hbm>> -> memref<512x128xf32, #tpu.memory_space<hbm>>
      %dma_wait3A_669 = arith.constant 0 : i32
      %dma_wait3A_670 = tpu.memref_slice %arg3[%sub3A_283, %dma_wait3A_669] : memref<1024x128xf32, #tpu.memory_space<vmem_shared>> -> memref<512x128xf32, #tpu.memory_space<vmem_shared>>
      tpu.wait_dma2 semaphore(%run_scoped3A : memref<!tpu.dma_semaphore, #tpu.memory_space<semaphore_mem>>) src(%dma_wait3A_670 : memref<512x128xf32, #tpu.memory_space<vmem_shared>>) dst(%dma_wait3A_668 : memref<512x128xf32, #tpu.memory_space<hbm>>)
      %dma_wait3A_671 = arith.constant 0 : i32
      %dma_wait3A_672 = tpu.memref_slice %arg2[%mul3A_293, %dma_wait3A_671] : memref<524288x128xf32, #tpu.memory_space<hbm>> -> memref<512x128xf32, #tpu.memory_space<hbm>>
      %dma_wait3A_673 = arith.constant 0 : i32
      %dma_wait3A_674 = tpu.memref_slice %arg3[%sub3A_295, %dma_wait3A_673] : memref<1024x128xf32, #tpu.memory_space<vmem_shared>> -> memref<512x128xf32, #tpu.memory_space<vmem_shared>>
      tpu.wait_dma2 semaphore(%run_scoped3A : memref<!tpu.dma_semaphore, #tpu.memory_space<semaphore_mem>>) src(%dma_wait3A_674 : memref<512x128xf32, #tpu.memory_space<vmem_shared>>) dst(%dma_wait3A_672 : memref<512x128xf32, #tpu.memory_space<hbm>>)
      %dma_wait3A_675 = arith.constant 0 : i32
      %dma_wait3A_676 = tpu.memref_slice %arg2[%mul3A_305, %dma_wait3A_675] : memref<524288x128xf32, #tpu.memory_space<hbm>> -> memref<512x128xf32, #tpu.memory_space<hbm>>
      %dma_wait3A_677 = arith.constant 0 : i32
      %dma_wait3A_678 = tpu.memref_slice %arg3[%sub3A_307, %dma_wait3A_677] : memref<1024x128xf32, #tpu.memory_space<vmem_shared>> -> memref<512x128xf32, #tpu.memory_space<vmem_shared>>
      tpu.wait_dma2 semaphore(%run_scoped3A : memref<!tpu.dma_semaphore, #tpu.memory_space<semaphore_mem>>) src(%dma_wait3A_678 : memref<512x128xf32, #tpu.memory_space<vmem_shared>>) dst(%dma_wait3A_676 : memref<512x128xf32, #tpu.memory_space<hbm>>)
      %dma_wait3A_679 = arith.constant 0 : i32
      %dma_wait3A_680 = tpu.memref_slice %arg2[%mul3A_317, %dma_wait3A_679] : memref<524288x128xf32, #tpu.memory_space<hbm>> -> memref<512x128xf32, #tpu.memory_space<hbm>>
      %dma_wait3A_681 = arith.constant 0 : i32
      %dma_wait3A_682 = tpu.memref_slice %arg3[%sub3A_319, %dma_wait3A_681] : memref<1024x128xf32, #tpu.memory_space<vmem_shared>> -> memref<512x128xf32, #tpu.memory_space<vmem_shared>>
      tpu.wait_dma2 semaphore(%run_scoped3A : memref<!tpu.dma_semaphore, #tpu.memory_space<semaphore_mem>>) src(%dma_wait3A_682 : memref<512x128xf32, #tpu.memory_space<vmem_shared>>) dst(%dma_wait3A_680 : memref<512x128xf32, #tpu.memory_space<hbm>>)
      %dma_wait3A_683 = arith.constant 0 : i32
      %dma_wait3A_684 = tpu.memref_slice %arg2[%mul3A_329, %dma_wait3A_683] : memref<524288x128xf32, #tpu.memory_space<hbm>> -> memref<512x128xf32, #tpu.memory_space<hbm>>
      %dma_wait3A_685 = arith.constant 0 : i32
      %dma_wait3A_686 = tpu.memref_slice %arg3[%sub3A_331, %dma_wait3A_685] : memref<1024x128xf32, #tpu.memory_space<vmem_shared>> -> memref<512x128xf32, #tpu.memory_space<vmem_shared>>
      tpu.wait_dma2 semaphore(%run_scoped3A : memref<!tpu.dma_semaphore, #tpu.memory_space<semaphore_mem>>) src(%dma_wait3A_686 : memref<512x128xf32, #tpu.memory_space<vmem_shared>>) dst(%dma_wait3A_684 : memref<512x128xf32, #tpu.memory_space<hbm>>)
      %dma_wait3A_687 = arith.constant 0 : i32
      %dma_wait3A_688 = tpu.memref_slice %arg2[%mul3A_341, %dma_wait3A_687] : memref<524288x128xf32, #tpu.memory_space<hbm>> -> memref<512x128xf32, #tpu.memory_space<hbm>>
      %dma_wait3A_689 = arith.constant 0 : i32
      %dma_wait3A_690 = tpu.memref_slice %arg3[%sub3A_343, %dma_wait3A_689] : memref<1024x128xf32, #tpu.memory_space<vmem_shared>> -> memref<512x128xf32, #tpu.memory_space<vmem_shared>>
      tpu.wait_dma2 semaphore(%run_scoped3A : memref<!tpu.dma_semaphore, #tpu.memory_space<semaphore_mem>>) src(%dma_wait3A_690 : memref<512x128xf32, #tpu.memory_space<vmem_shared>>) dst(%dma_wait3A_688 : memref<512x128xf32, #tpu.memory_space<hbm>>)
      %dma_wait3A_691 = arith.constant 0 : i32
      %dma_wait3A_692 = tpu.memref_slice %arg2[%mul3A_353, %dma_wait3A_691] : memref<524288x128xf32, #tpu.memory_space<hbm>> -> memref<512x128xf32, #tpu.memory_space<hbm>>
      %dma_wait3A_693 = arith.constant 0 : i32
      %dma_wait3A_694 = tpu.memref_slice %arg3[%sub3A_355, %dma_wait3A_693] : memref<1024x128xf32, #tpu.memory_space<vmem_shared>> -> memref<512x128xf32, #tpu.memory_space<vmem_shared>>
      tpu.wait_dma2 semaphore(%run_scoped3A : memref<!tpu.dma_semaphore, #tpu.memory_space<semaphore_mem>>) src(%dma_wait3A_694 : memref<512x128xf32, #tpu.memory_space<vmem_shared>>) dst(%dma_wait3A_692 : memref<512x128xf32, #tpu.memory_space<hbm>>)
      %dma_wait3A_695 = arith.constant 0 : i32
      %dma_wait3A_696 = tpu.memref_slice %arg2[%mul3A_365, %dma_wait3A_695] : memref<524288x128xf32, #tpu.memory_space<hbm>> -> memref<512x128xf32, #tpu.memory_space<hbm>>
      %dma_wait3A_697 = arith.constant 0 : i32
      %dma_wait3A_698 = tpu.memref_slice %arg3[%sub3A_367, %dma_wait3A_697] : memref<1024x128xf32, #tpu.memory_space<vmem_shared>> -> memref<512x128xf32, #tpu.memory_space<vmem_shared>>
      tpu.wait_dma2 semaphore(%run_scoped3A : memref<!tpu.dma_semaphore, #tpu.memory_space<semaphore_mem>>) src(%dma_wait3A_698 : memref<512x128xf32, #tpu.memory_space<vmem_shared>>) dst(%dma_wait3A_696 : memref<512x128xf32, #tpu.memory_space<hbm>>)
      %dma_wait3A_699 = arith.constant 0 : i32
      %dma_wait3A_700 = tpu.memref_slice %arg2[%mul3A_377, %dma_wait3A_699] : memref<524288x128xf32, #tpu.memory_space<hbm>> -> memref<512x128xf32, #tpu.memory_space<hbm>>
      %dma_wait3A_701 = arith.constant 0 : i32
      %dma_wait3A_702 = tpu.memref_slice %arg3[%sub3A_379, %dma_wait3A_701] : memref<1024x128xf32, #tpu.memory_space<vmem_shared>> -> memref<512x128xf32, #tpu.memory_space<vmem_shared>>
      tpu.wait_dma2 semaphore(%run_scoped3A : memref<!tpu.dma_semaphore, #tpu.memory_space<semaphore_mem>>) src(%dma_wait3A_702 : memref<512x128xf32, #tpu.memory_space<vmem_shared>>) dst(%dma_wait3A_700 : memref<512x128xf32, #tpu.memory_space<hbm>>)
      %add3A_703 = arith.constant 24 : i32
      %add3A_704 = arith.addi %add3A_1, %add3A_703 : i32
      %add3A_705 = arith.constant 0 : i32
      %add3A_706 = arith.addi %add3A_705, %add3A_704 : i32
      %mul3A_707 = arith.constant 512 : i32
      %mul3A_708 = arith.muli %add3A_706, %mul3A_707 : i32
      %sub3A_709 = arith.constant 512 : i32
      %sub3A_710 = arith.subi %sub3A_709, %add3A_704 : i32
      %dma_start3A_711 = arith.constant 0 : i32
      %dma_start3A_712 = tpu.memref_slice %arg2[%mul3A_708, %dma_start3A_711] : memref<524288x128xf32, #tpu.memory_space<hbm>> -> memref<512x128xf32, #tpu.memory_space<hbm>>
      %dma_start3A_713 = arith.constant 0 : i32
      %dma_start3A_714 = tpu.memref_slice %arg3[%sub3A_710, %dma_start3A_713] : memref<1024x128xf32, #tpu.memory_space<vmem_shared>> -> memref<512x128xf32, #tpu.memory_space<vmem_shared>>
      tpu.enqueue_dma source(%dma_start3A_714 : memref<512x128xf32, #tpu.memory_space<vmem_shared>>) target(%dma_start3A_712 : memref<512x128xf32, #tpu.memory_space<hbm>>) target_semaphore(%run_scoped3A : memref<!tpu.dma_semaphore, #tpu.memory_space<semaphore_mem>>)
      %add3A_715 = arith.constant 24 : i32
      %add3A_716 = arith.addi %add3A_1, %add3A_715 : i32
      %add3A_717 = arith.constant 512 : i32
      %add3A_718 = arith.addi %add3A_717, %add3A_716 : i32
      %mul3A_719 = arith.constant 512 : i32
      %mul3A_720 = arith.muli %add3A_718, %mul3A_719 : i32
      %sub3A_721 = arith.constant 512 : i32
      %sub3A_722 = arith.subi %sub3A_721, %add3A_716 : i32
      %dma_start3A_723 = arith.constant 0 : i32
      %dma_start3A_724 = tpu.memref_slice %arg2[%mul3A_720, %dma_start3A_723] : memref<524288x128xf32, #tpu.memory_space<hbm>> -> memref<512x128xf32, #tpu.memory_space<hbm>>
      %dma_start3A_725 = arith.constant 0 : i32
      %dma_start3A_726 = tpu.memref_slice %arg3[%sub3A_722, %dma_start3A_725] : memref<1024x128xf32, #tpu.memory_space<vmem_shared>> -> memref<512x128xf32, #tpu.memory_space<vmem_shared>>
      tpu.enqueue_dma source(%dma_start3A_726 : memref<512x128xf32, #tpu.memory_space<vmem_shared>>) target(%dma_start3A_724 : memref<512x128xf32, #tpu.memory_space<hbm>>) target_semaphore(%run_scoped3A : memref<!tpu.dma_semaphore, #tpu.memory_space<semaphore_mem>>)
      %add3A_727 = arith.constant 25 : i32
      %add3A_728 = arith.addi %add3A_1, %add3A_727 : i32
      %add3A_729 = arith.constant 0 : i32
      %add3A_730 = arith.addi %add3A_729, %add3A_728 : i32
      %mul3A_731 = arith.constant 512 : i32
      %mul3A_732 = arith.muli %add3A_730, %mul3A_731 : i32
      %sub3A_733 = arith.constant 512 : i32
      %sub3A_734 = arith.subi %sub3A_733, %add3A_728 : i32
      %dma_start3A_735 = arith.constant 0 : i32
      %dma_start3A_736 = tpu.memref_slice %arg2[%mul3A_732, %dma_start3A_735] : memref<524288x128xf32, #tpu.memory_space<hbm>> -> memref<512x128xf32, #tpu.memory_space<hbm>>
      %dma_start3A_737 = arith.constant 0 : i32
      %dma_start3A_738 = tpu.memref_slice %arg3[%sub3A_734, %dma_start3A_737] : memref<1024x128xf32, #tpu.memory_space<vmem_shared>> -> memref<512x128xf32, #tpu.memory_space<vmem_shared>>
      tpu.enqueue_dma source(%dma_start3A_738 : memref<512x128xf32, #tpu.memory_space<vmem_shared>>) target(%dma_start3A_736 : memref<512x128xf32, #tpu.memory_space<hbm>>) target_semaphore(%run_scoped3A : memref<!tpu.dma_semaphore, #tpu.memory_space<semaphore_mem>>)
      %add3A_739 = arith.constant 25 : i32
      %add3A_740 = arith.addi %add3A_1, %add3A_739 : i32
      %add3A_741 = arith.constant 512 : i32
      %add3A_742 = arith.addi %add3A_741, %add3A_740 : i32
      %mul3A_743 = arith.constant 512 : i32
      %mul3A_744 = arith.muli %add3A_742, %mul3A_743 : i32
      %sub3A_745 = arith.constant 512 : i32
      %sub3A_746 = arith.subi %sub3A_745, %add3A_740 : i32
      %dma_start3A_747 = arith.constant 0 : i32
      %dma_start3A_748 = tpu.memref_slice %arg2[%mul3A_744, %dma_start3A_747] : memref<524288x128xf32, #tpu.memory_space<hbm>> -> memref<512x128xf32, #tpu.memory_space<hbm>>
      %dma_start3A_749 = arith.constant 0 : i32
      %dma_start3A_750 = tpu.memref_slice %arg3[%sub3A_746, %dma_start3A_749] : memref<1024x128xf32, #tpu.memory_space<vmem_shared>> -> memref<512x128xf32, #tpu.memory_space<vmem_shared>>
      tpu.enqueue_dma source(%dma_start3A_750 : memref<512x128xf32, #tpu.memory_space<vmem_shared>>) target(%dma_start3A_748 : memref<512x128xf32, #tpu.memory_space<hbm>>) target_semaphore(%run_scoped3A : memref<!tpu.dma_semaphore, #tpu.memory_space<semaphore_mem>>)
      %add3A_751 = arith.constant 26 : i32
      %add3A_752 = arith.addi %add3A_1, %add3A_751 : i32
      %add3A_753 = arith.constant 0 : i32
      %add3A_754 = arith.addi %add3A_753, %add3A_752 : i32
      %mul3A_755 = arith.constant 512 : i32
      %mul3A_756 = arith.muli %add3A_754, %mul3A_755 : i32
      %sub3A_757 = arith.constant 512 : i32
      %sub3A_758 = arith.subi %sub3A_757, %add3A_752 : i32
      %dma_start3A_759 = arith.constant 0 : i32
      %dma_start3A_760 = tpu.memref_slice %arg2[%mul3A_756, %dma_start3A_759] : memref<524288x128xf32, #tpu.memory_space<hbm>> -> memref<512x128xf32, #tpu.memory_space<hbm>>
      %dma_start3A_761 = arith.constant 0 : i32
      %dma_start3A_762 = tpu.memref_slice %arg3[%sub3A_758, %dma_start3A_761] : memref<1024x128xf32, #tpu.memory_space<vmem_shared>> -> memref<512x128xf32, #tpu.memory_space<vmem_shared>>
      tpu.enqueue_dma source(%dma_start3A_762 : memref<512x128xf32, #tpu.memory_space<vmem_shared>>) target(%dma_start3A_760 : memref<512x128xf32, #tpu.memory_space<hbm>>) target_semaphore(%run_scoped3A : memref<!tpu.dma_semaphore, #tpu.memory_space<semaphore_mem>>)
      %add3A_763 = arith.constant 26 : i32
      %add3A_764 = arith.addi %add3A_1, %add3A_763 : i32
      %add3A_765 = arith.constant 512 : i32
      %add3A_766 = arith.addi %add3A_765, %add3A_764 : i32
      %mul3A_767 = arith.constant 512 : i32
      %mul3A_768 = arith.muli %add3A_766, %mul3A_767 : i32
      %sub3A_769 = arith.constant 512 : i32
      %sub3A_770 = arith.subi %sub3A_769, %add3A_764 : i32
      %dma_start3A_771 = arith.constant 0 : i32
      %dma_start3A_772 = tpu.memref_slice %arg2[%mul3A_768, %dma_start3A_771] : memref<524288x128xf32, #tpu.memory_space<hbm>> -> memref<512x128xf32, #tpu.memory_space<hbm>>
      %dma_start3A_773 = arith.constant 0 : i32
      %dma_start3A_774 = tpu.memref_slice %arg3[%sub3A_770, %dma_start3A_773] : memref<1024x128xf32, #tpu.memory_space<vmem_shared>> -> memref<512x128xf32, #tpu.memory_space<vmem_shared>>
      tpu.enqueue_dma source(%dma_start3A_774 : memref<512x128xf32, #tpu.memory_space<vmem_shared>>) target(%dma_start3A_772 : memref<512x128xf32, #tpu.memory_space<hbm>>) target_semaphore(%run_scoped3A : memref<!tpu.dma_semaphore, #tpu.memory_space<semaphore_mem>>)
      %add3A_775 = arith.constant 27 : i32
      %add3A_776 = arith.addi %add3A_1, %add3A_775 : i32
      %add3A_777 = arith.constant 0 : i32
      %add3A_778 = arith.addi %add3A_777, %add3A_776 : i32
      %mul3A_779 = arith.constant 512 : i32
      %mul3A_780 = arith.muli %add3A_778, %mul3A_779 : i32
      %sub3A_781 = arith.constant 512 : i32
      %sub3A_782 = arith.subi %sub3A_781, %add3A_776 : i32
      %dma_start3A_783 = arith.constant 0 : i32
      %dma_start3A_784 = tpu.memref_slice %arg2[%mul3A_780, %dma_start3A_783] : memref<524288x128xf32, #tpu.memory_space<hbm>> -> memref<512x128xf32, #tpu.memory_space<hbm>>
      %dma_start3A_785 = arith.constant 0 : i32
      %dma_start3A_786 = tpu.memref_slice %arg3[%sub3A_782, %dma_start3A_785] : memref<1024x128xf32, #tpu.memory_space<vmem_shared>> -> memref<512x128xf32, #tpu.memory_space<vmem_shared>>
      tpu.enqueue_dma source(%dma_start3A_786 : memref<512x128xf32, #tpu.memory_space<vmem_shared>>) target(%dma_start3A_784 : memref<512x128xf32, #tpu.memory_space<hbm>>) target_semaphore(%run_scoped3A : memref<!tpu.dma_semaphore, #tpu.memory_space<semaphore_mem>>)
      %add3A_787 = arith.constant 27 : i32
      %add3A_788 = arith.addi %add3A_1, %add3A_787 : i32
      %add3A_789 = arith.constant 512 : i32
      %add3A_790 = arith.addi %add3A_789, %add3A_788 : i32
      %mul3A_791 = arith.constant 512 : i32
      %mul3A_792 = arith.muli %add3A_790, %mul3A_791 : i32
      %sub3A_793 = arith.constant 512 : i32
      %sub3A_794 = arith.subi %sub3A_793, %add3A_788 : i32
      %dma_start3A_795 = arith.constant 0 : i32
      %dma_start3A_796 = tpu.memref_slice %arg2[%mul3A_792, %dma_start3A_795] : memref<524288x128xf32, #tpu.memory_space<hbm>> -> memref<512x128xf32, #tpu.memory_space<hbm>>
      %dma_start3A_797 = arith.constant 0 : i32
      %dma_start3A_798 = tpu.memref_slice %arg3[%sub3A_794, %dma_start3A_797] : memref<1024x128xf32, #tpu.memory_space<vmem_shared>> -> memref<512x128xf32, #tpu.memory_space<vmem_shared>>
      tpu.enqueue_dma source(%dma_start3A_798 : memref<512x128xf32, #tpu.memory_space<vmem_shared>>) target(%dma_start3A_796 : memref<512x128xf32, #tpu.memory_space<hbm>>) target_semaphore(%run_scoped3A : memref<!tpu.dma_semaphore, #tpu.memory_space<semaphore_mem>>)
      %add3A_799 = arith.constant 28 : i32
      %add3A_800 = arith.addi %add3A_1, %add3A_799 : i32
      %add3A_801 = arith.constant 0 : i32
      %add3A_802 = arith.addi %add3A_801, %add3A_800 : i32
      %mul3A_803 = arith.constant 512 : i32
      %mul3A_804 = arith.muli %add3A_802, %mul3A_803 : i32
      %sub3A_805 = arith.constant 512 : i32
      %sub3A_806 = arith.subi %sub3A_805, %add3A_800 : i32
      %dma_start3A_807 = arith.constant 0 : i32
      %dma_start3A_808 = tpu.memref_slice %arg2[%mul3A_804, %dma_start3A_807] : memref<524288x128xf32, #tpu.memory_space<hbm>> -> memref<512x128xf32, #tpu.memory_space<hbm>>
      %dma_start3A_809 = arith.constant 0 : i32
      %dma_start3A_810 = tpu.memref_slice %arg3[%sub3A_806, %dma_start3A_809] : memref<1024x128xf32, #tpu.memory_space<vmem_shared>> -> memref<512x128xf32, #tpu.memory_space<vmem_shared>>
      tpu.enqueue_dma source(%dma_start3A_810 : memref<512x128xf32, #tpu.memory_space<vmem_shared>>) target(%dma_start3A_808 : memref<512x128xf32, #tpu.memory_space<hbm>>) target_semaphore(%run_scoped3A : memref<!tpu.dma_semaphore, #tpu.memory_space<semaphore_mem>>)
      %add3A_811 = arith.constant 28 : i32
      %add3A_812 = arith.addi %add3A_1, %add3A_811 : i32
      %add3A_813 = arith.constant 512 : i32
      %add3A_814 = arith.addi %add3A_813, %add3A_812 : i32
      %mul3A_815 = arith.constant 512 : i32
      %mul3A_816 = arith.muli %add3A_814, %mul3A_815 : i32
      %sub3A_817 = arith.constant 512 : i32
      %sub3A_818 = arith.subi %sub3A_817, %add3A_812 : i32
      %dma_start3A_819 = arith.constant 0 : i32
      %dma_start3A_820 = tpu.memref_slice %arg2[%mul3A_816, %dma_start3A_819] : memref<524288x128xf32, #tpu.memory_space<hbm>> -> memref<512x128xf32, #tpu.memory_space<hbm>>
      %dma_start3A_821 = arith.constant 0 : i32
      %dma_start3A_822 = tpu.memref_slice %arg3[%sub3A_818, %dma_start3A_821] : memref<1024x128xf32, #tpu.memory_space<vmem_shared>> -> memref<512x128xf32, #tpu.memory_space<vmem_shared>>
      tpu.enqueue_dma source(%dma_start3A_822 : memref<512x128xf32, #tpu.memory_space<vmem_shared>>) target(%dma_start3A_820 : memref<512x128xf32, #tpu.memory_space<hbm>>) target_semaphore(%run_scoped3A : memref<!tpu.dma_semaphore, #tpu.memory_space<semaphore_mem>>)
      %add3A_823 = arith.constant 29 : i32
      %add3A_824 = arith.addi %add3A_1, %add3A_823 : i32
      %add3A_825 = arith.constant 0 : i32
      %add3A_826 = arith.addi %add3A_825, %add3A_824 : i32
      %mul3A_827 = arith.constant 512 : i32
      %mul3A_828 = arith.muli %add3A_826, %mul3A_827 : i32
      %sub3A_829 = arith.constant 512 : i32
      %sub3A_830 = arith.subi %sub3A_829, %add3A_824 : i32
      %dma_start3A_831 = arith.constant 0 : i32
      %dma_start3A_832 = tpu.memref_slice %arg2[%mul3A_828, %dma_start3A_831] : memref<524288x128xf32, #tpu.memory_space<hbm>> -> memref<512x128xf32, #tpu.memory_space<hbm>>
      %dma_start3A_833 = arith.constant 0 : i32
      %dma_start3A_834 = tpu.memref_slice %arg3[%sub3A_830, %dma_start3A_833] : memref<1024x128xf32, #tpu.memory_space<vmem_shared>> -> memref<512x128xf32, #tpu.memory_space<vmem_shared>>
      tpu.enqueue_dma source(%dma_start3A_834 : memref<512x128xf32, #tpu.memory_space<vmem_shared>>) target(%dma_start3A_832 : memref<512x128xf32, #tpu.memory_space<hbm>>) target_semaphore(%run_scoped3A : memref<!tpu.dma_semaphore, #tpu.memory_space<semaphore_mem>>)
      %add3A_835 = arith.constant 29 : i32
      %add3A_836 = arith.addi %add3A_1, %add3A_835 : i32
      %add3A_837 = arith.constant 512 : i32
      %add3A_838 = arith.addi %add3A_837, %add3A_836 : i32
      %mul3A_839 = arith.constant 512 : i32
      %mul3A_840 = arith.muli %add3A_838, %mul3A_839 : i32
      %sub3A_841 = arith.constant 512 : i32
      %sub3A_842 = arith.subi %sub3A_841, %add3A_836 : i32
      %dma_start3A_843 = arith.constant 0 : i32
      %dma_start3A_844 = tpu.memref_slice %arg2[%mul3A_840, %dma_start3A_843] : memref<524288x128xf32, #tpu.memory_space<hbm>> -> memref<512x128xf32, #tpu.memory_space<hbm>>
      %dma_start3A_845 = arith.constant 0 : i32
      %dma_start3A_846 = tpu.memref_slice %arg3[%sub3A_842, %dma_start3A_845] : memref<1024x128xf32, #tpu.memory_space<vmem_shared>> -> memref<512x128xf32, #tpu.memory_space<vmem_shared>>
      tpu.enqueue_dma source(%dma_start3A_846 : memref<512x128xf32, #tpu.memory_space<vmem_shared>>) target(%dma_start3A_844 : memref<512x128xf32, #tpu.memory_space<hbm>>) target_semaphore(%run_scoped3A : memref<!tpu.dma_semaphore, #tpu.memory_space<semaphore_mem>>)
      %add3A_847 = arith.constant 30 : i32
      %add3A_848 = arith.addi %add3A_1, %add3A_847 : i32
      %add3A_849 = arith.constant 0 : i32
      %add3A_850 = arith.addi %add3A_849, %add3A_848 : i32
      %mul3A_851 = arith.constant 512 : i32
      %mul3A_852 = arith.muli %add3A_850, %mul3A_851 : i32
      %sub3A_853 = arith.constant 512 : i32
      %sub3A_854 = arith.subi %sub3A_853, %add3A_848 : i32
      %dma_start3A_855 = arith.constant 0 : i32
      %dma_start3A_856 = tpu.memref_slice %arg2[%mul3A_852, %dma_start3A_855] : memref<524288x128xf32, #tpu.memory_space<hbm>> -> memref<512x128xf32, #tpu.memory_space<hbm>>
      %dma_start3A_857 = arith.constant 0 : i32
      %dma_start3A_858 = tpu.memref_slice %arg3[%sub3A_854, %dma_start3A_857] : memref<1024x128xf32, #tpu.memory_space<vmem_shared>> -> memref<512x128xf32, #tpu.memory_space<vmem_shared>>
      tpu.enqueue_dma source(%dma_start3A_858 : memref<512x128xf32, #tpu.memory_space<vmem_shared>>) target(%dma_start3A_856 : memref<512x128xf32, #tpu.memory_space<hbm>>) target_semaphore(%run_scoped3A : memref<!tpu.dma_semaphore, #tpu.memory_space<semaphore_mem>>)
      %add3A_859 = arith.constant 30 : i32
      %add3A_860 = arith.addi %add3A_1, %add3A_859 : i32
      %add3A_861 = arith.constant 512 : i32
      %add3A_862 = arith.addi %add3A_861, %add3A_860 : i32
      %mul3A_863 = arith.constant 512 : i32
      %mul3A_864 = arith.muli %add3A_862, %mul3A_863 : i32
      %sub3A_865 = arith.constant 512 : i32
      %sub3A_866 = arith.subi %sub3A_865, %add3A_860 : i32
      %dma_start3A_867 = arith.constant 0 : i32
      %dma_start3A_868 = tpu.memref_slice %arg2[%mul3A_864, %dma_start3A_867] : memref<524288x128xf32, #tpu.memory_space<hbm>> -> memref<512x128xf32, #tpu.memory_space<hbm>>
      %dma_start3A_869 = arith.constant 0 : i32
      %dma_start3A_870 = tpu.memref_slice %arg3[%sub3A_866, %dma_start3A_869] : memref<1024x128xf32, #tpu.memory_space<vmem_shared>> -> memref<512x128xf32, #tpu.memory_space<vmem_shared>>
      tpu.enqueue_dma source(%dma_start3A_870 : memref<512x128xf32, #tpu.memory_space<vmem_shared>>) target(%dma_start3A_868 : memref<512x128xf32, #tpu.memory_space<hbm>>) target_semaphore(%run_scoped3A : memref<!tpu.dma_semaphore, #tpu.memory_space<semaphore_mem>>)
      %add3A_871 = arith.constant 31 : i32
      %add3A_872 = arith.addi %add3A_1, %add3A_871 : i32
      %add3A_873 = arith.constant 0 : i32
      %add3A_874 = arith.addi %add3A_873, %add3A_872 : i32
      %mul3A_875 = arith.constant 512 : i32
      %mul3A_876 = arith.muli %add3A_874, %mul3A_875 : i32
      %sub3A_877 = arith.constant 512 : i32
      %sub3A_878 = arith.subi %sub3A_877, %add3A_872 : i32
      %dma_start3A_879 = arith.constant 0 : i32
      %dma_start3A_880 = tpu.memref_slice %arg2[%mul3A_876, %dma_start3A_879] : memref<524288x128xf32, #tpu.memory_space<hbm>> -> memref<512x128xf32, #tpu.memory_space<hbm>>
      %dma_start3A_881 = arith.constant 0 : i32
      %dma_start3A_882 = tpu.memref_slice %arg3[%sub3A_878, %dma_start3A_881] : memref<1024x128xf32, #tpu.memory_space<vmem_shared>> -> memref<512x128xf32, #tpu.memory_space<vmem_shared>>
      tpu.enqueue_dma source(%dma_start3A_882 : memref<512x128xf32, #tpu.memory_space<vmem_shared>>) target(%dma_start3A_880 : memref<512x128xf32, #tpu.memory_space<hbm>>) target_semaphore(%run_scoped3A : memref<!tpu.dma_semaphore, #tpu.memory_space<semaphore_mem>>)
      %add3A_883 = arith.constant 31 : i32
      %add3A_884 = arith.addi %add3A_1, %add3A_883 : i32
      %add3A_885 = arith.constant 512 : i32
      %add3A_886 = arith.addi %add3A_885, %add3A_884 : i32
      %mul3A_887 = arith.constant 512 : i32
      %mul3A_888 = arith.muli %add3A_886, %mul3A_887 : i32
      %sub3A_889 = arith.constant 512 : i32
      %sub3A_890 = arith.subi %sub3A_889, %add3A_884 : i32
      %dma_start3A_891 = arith.constant 0 : i32
      %dma_start3A_892 = tpu.memref_slice %arg2[%mul3A_888, %dma_start3A_891] : memref<524288x128xf32, #tpu.memory_space<hbm>> -> memref<512x128xf32, #tpu.memory_space<hbm>>
      %dma_start3A_893 = arith.constant 0 : i32
      %dma_start3A_894 = tpu.memref_slice %arg3[%sub3A_890, %dma_start3A_893] : memref<1024x128xf32, #tpu.memory_space<vmem_shared>> -> memref<512x128xf32, #tpu.memory_space<vmem_shared>>
      tpu.enqueue_dma source(%dma_start3A_894 : memref<512x128xf32, #tpu.memory_space<vmem_shared>>) target(%dma_start3A_892 : memref<512x128xf32, #tpu.memory_space<hbm>>) target_semaphore(%run_scoped3A : memref<!tpu.dma_semaphore, #tpu.memory_space<semaphore_mem>>)
      %dma_wait3A_895 = arith.constant 0 : i32
      %dma_wait3A_896 = tpu.memref_slice %arg2[%mul3A_452, %dma_wait3A_895] : memref<524288x128xf32, #tpu.memory_space<hbm>> -> memref<512x128xf32, #tpu.memory_space<hbm>>
      %dma_wait3A_897 = arith.constant 0 : i32
      %dma_wait3A_898 = tpu.memref_slice %arg3[%sub3A_454, %dma_wait3A_897] : memref<1024x128xf32, #tpu.memory_space<vmem_shared>> -> memref<512x128xf32, #tpu.memory_space<vmem_shared>>
      tpu.wait_dma2 semaphore(%run_scoped3A : memref<!tpu.dma_semaphore, #tpu.memory_space<semaphore_mem>>) src(%dma_wait3A_898 : memref<512x128xf32, #tpu.memory_space<vmem_shared>>) dst(%dma_wait3A_896 : memref<512x128xf32, #tpu.memory_space<hbm>>)
      %dma_wait3A_899 = arith.constant 0 : i32
      %dma_wait3A_900 = tpu.memref_slice %arg2[%mul3A_464, %dma_wait3A_899] : memref<524288x128xf32, #tpu.memory_space<hbm>> -> memref<512x128xf32, #tpu.memory_space<hbm>>
      %dma_wait3A_901 = arith.constant 0 : i32
      %dma_wait3A_902 = tpu.memref_slice %arg3[%sub3A_466, %dma_wait3A_901] : memref<1024x128xf32, #tpu.memory_space<vmem_shared>> -> memref<512x128xf32, #tpu.memory_space<vmem_shared>>
      tpu.wait_dma2 semaphore(%run_scoped3A : memref<!tpu.dma_semaphore, #tpu.memory_space<semaphore_mem>>) src(%dma_wait3A_902 : memref<512x128xf32, #tpu.memory_space<vmem_shared>>) dst(%dma_wait3A_900 : memref<512x128xf32, #tpu.memory_space<hbm>>)
      %dma_wait3A_903 = arith.constant 0 : i32
      %dma_wait3A_904 = tpu.memref_slice %arg2[%mul3A_476, %dma_wait3A_903] : memref<524288x128xf32, #tpu.memory_space<hbm>> -> memref<512x128xf32, #tpu.memory_space<hbm>>
      %dma_wait3A_905 = arith.constant 0 : i32
      %dma_wait3A_906 = tpu.memref_slice %arg3[%sub3A_478, %dma_wait3A_905] : memref<1024x128xf32, #tpu.memory_space<vmem_shared>> -> memref<512x128xf32, #tpu.memory_space<vmem_shared>>
      tpu.wait_dma2 semaphore(%run_scoped3A : memref<!tpu.dma_semaphore, #tpu.memory_space<semaphore_mem>>) src(%dma_wait3A_906 : memref<512x128xf32, #tpu.memory_space<vmem_shared>>) dst(%dma_wait3A_904 : memref<512x128xf32, #tpu.memory_space<hbm>>)
      %dma_wait3A_907 = arith.constant 0 : i32
      %dma_wait3A_908 = tpu.memref_slice %arg2[%mul3A_488, %dma_wait3A_907] : memref<524288x128xf32, #tpu.memory_space<hbm>> -> memref<512x128xf32, #tpu.memory_space<hbm>>
      %dma_wait3A_909 = arith.constant 0 : i32
      %dma_wait3A_910 = tpu.memref_slice %arg3[%sub3A_490, %dma_wait3A_909] : memref<1024x128xf32, #tpu.memory_space<vmem_shared>> -> memref<512x128xf32, #tpu.memory_space<vmem_shared>>
      tpu.wait_dma2 semaphore(%run_scoped3A : memref<!tpu.dma_semaphore, #tpu.memory_space<semaphore_mem>>) src(%dma_wait3A_910 : memref<512x128xf32, #tpu.memory_space<vmem_shared>>) dst(%dma_wait3A_908 : memref<512x128xf32, #tpu.memory_space<hbm>>)
      %dma_wait3A_911 = arith.constant 0 : i32
      %dma_wait3A_912 = tpu.memref_slice %arg2[%mul3A_500, %dma_wait3A_911] : memref<524288x128xf32, #tpu.memory_space<hbm>> -> memref<512x128xf32, #tpu.memory_space<hbm>>
      %dma_wait3A_913 = arith.constant 0 : i32
      %dma_wait3A_914 = tpu.memref_slice %arg3[%sub3A_502, %dma_wait3A_913] : memref<1024x128xf32, #tpu.memory_space<vmem_shared>> -> memref<512x128xf32, #tpu.memory_space<vmem_shared>>
      tpu.wait_dma2 semaphore(%run_scoped3A : memref<!tpu.dma_semaphore, #tpu.memory_space<semaphore_mem>>) src(%dma_wait3A_914 : memref<512x128xf32, #tpu.memory_space<vmem_shared>>) dst(%dma_wait3A_912 : memref<512x128xf32, #tpu.memory_space<hbm>>)
      %dma_wait3A_915 = arith.constant 0 : i32
      %dma_wait3A_916 = tpu.memref_slice %arg2[%mul3A_512, %dma_wait3A_915] : memref<524288x128xf32, #tpu.memory_space<hbm>> -> memref<512x128xf32, #tpu.memory_space<hbm>>
      %dma_wait3A_917 = arith.constant 0 : i32
      %dma_wait3A_918 = tpu.memref_slice %arg3[%sub3A_514, %dma_wait3A_917] : memref<1024x128xf32, #tpu.memory_space<vmem_shared>> -> memref<512x128xf32, #tpu.memory_space<vmem_shared>>
      tpu.wait_dma2 semaphore(%run_scoped3A : memref<!tpu.dma_semaphore, #tpu.memory_space<semaphore_mem>>) src(%dma_wait3A_918 : memref<512x128xf32, #tpu.memory_space<vmem_shared>>) dst(%dma_wait3A_916 : memref<512x128xf32, #tpu.memory_space<hbm>>)
      %dma_wait3A_919 = arith.constant 0 : i32
      %dma_wait3A_920 = tpu.memref_slice %arg2[%mul3A_524, %dma_wait3A_919] : memref<524288x128xf32, #tpu.memory_space<hbm>> -> memref<512x128xf32, #tpu.memory_space<hbm>>
      %dma_wait3A_921 = arith.constant 0 : i32
      %dma_wait3A_922 = tpu.memref_slice %arg3[%sub3A_526, %dma_wait3A_921] : memref<1024x128xf32, #tpu.memory_space<vmem_shared>> -> memref<512x128xf32, #tpu.memory_space<vmem_shared>>
      tpu.wait_dma2 semaphore(%run_scoped3A : memref<!tpu.dma_semaphore, #tpu.memory_space<semaphore_mem>>) src(%dma_wait3A_922 : memref<512x128xf32, #tpu.memory_space<vmem_shared>>) dst(%dma_wait3A_920 : memref<512x128xf32, #tpu.memory_space<hbm>>)
      %dma_wait3A_923 = arith.constant 0 : i32
      %dma_wait3A_924 = tpu.memref_slice %arg2[%mul3A_536, %dma_wait3A_923] : memref<524288x128xf32, #tpu.memory_space<hbm>> -> memref<512x128xf32, #tpu.memory_space<hbm>>
      %dma_wait3A_925 = arith.constant 0 : i32
      %dma_wait3A_926 = tpu.memref_slice %arg3[%sub3A_538, %dma_wait3A_925] : memref<1024x128xf32, #tpu.memory_space<vmem_shared>> -> memref<512x128xf32, #tpu.memory_space<vmem_shared>>
      tpu.wait_dma2 semaphore(%run_scoped3A : memref<!tpu.dma_semaphore, #tpu.memory_space<semaphore_mem>>) src(%dma_wait3A_926 : memref<512x128xf32, #tpu.memory_space<vmem_shared>>) dst(%dma_wait3A_924 : memref<512x128xf32, #tpu.memory_space<hbm>>)
      %dma_wait3A_927 = arith.constant 0 : i32
      %dma_wait3A_928 = tpu.memref_slice %arg2[%mul3A_548, %dma_wait3A_927] : memref<524288x128xf32, #tpu.memory_space<hbm>> -> memref<512x128xf32, #tpu.memory_space<hbm>>
      %dma_wait3A_929 = arith.constant 0 : i32
      %dma_wait3A_930 = tpu.memref_slice %arg3[%sub3A_550, %dma_wait3A_929] : memref<1024x128xf32, #tpu.memory_space<vmem_shared>> -> memref<512x128xf32, #tpu.memory_space<vmem_shared>>
      tpu.wait_dma2 semaphore(%run_scoped3A : memref<!tpu.dma_semaphore, #tpu.memory_space<semaphore_mem>>) src(%dma_wait3A_930 : memref<512x128xf32, #tpu.memory_space<vmem_shared>>) dst(%dma_wait3A_928 : memref<512x128xf32, #tpu.memory_space<hbm>>)
      %dma_wait3A_931 = arith.constant 0 : i32
      %dma_wait3A_932 = tpu.memref_slice %arg2[%mul3A_560, %dma_wait3A_931] : memref<524288x128xf32, #tpu.memory_space<hbm>> -> memref<512x128xf32, #tpu.memory_space<hbm>>
      %dma_wait3A_933 = arith.constant 0 : i32
      %dma_wait3A_934 = tpu.memref_slice %arg3[%sub3A_562, %dma_wait3A_933] : memref<1024x128xf32, #tpu.memory_space<vmem_shared>> -> memref<512x128xf32, #tpu.memory_space<vmem_shared>>
      tpu.wait_dma2 semaphore(%run_scoped3A : memref<!tpu.dma_semaphore, #tpu.memory_space<semaphore_mem>>) src(%dma_wait3A_934 : memref<512x128xf32, #tpu.memory_space<vmem_shared>>) dst(%dma_wait3A_932 : memref<512x128xf32, #tpu.memory_space<hbm>>)
      %dma_wait3A_935 = arith.constant 0 : i32
      %dma_wait3A_936 = tpu.memref_slice %arg2[%mul3A_572, %dma_wait3A_935] : memref<524288x128xf32, #tpu.memory_space<hbm>> -> memref<512x128xf32, #tpu.memory_space<hbm>>
      %dma_wait3A_937 = arith.constant 0 : i32
      %dma_wait3A_938 = tpu.memref_slice %arg3[%sub3A_574, %dma_wait3A_937] : memref<1024x128xf32, #tpu.memory_space<vmem_shared>> -> memref<512x128xf32, #tpu.memory_space<vmem_shared>>
      tpu.wait_dma2 semaphore(%run_scoped3A : memref<!tpu.dma_semaphore, #tpu.memory_space<semaphore_mem>>) src(%dma_wait3A_938 : memref<512x128xf32, #tpu.memory_space<vmem_shared>>) dst(%dma_wait3A_936 : memref<512x128xf32, #tpu.memory_space<hbm>>)
      %dma_wait3A_939 = arith.constant 0 : i32
      %dma_wait3A_940 = tpu.memref_slice %arg2[%mul3A_584, %dma_wait3A_939] : memref<524288x128xf32, #tpu.memory_space<hbm>> -> memref<512x128xf32, #tpu.memory_space<hbm>>
      %dma_wait3A_941 = arith.constant 0 : i32
      %dma_wait3A_942 = tpu.memref_slice %arg3[%sub3A_586, %dma_wait3A_941] : memref<1024x128xf32, #tpu.memory_space<vmem_shared>> -> memref<512x128xf32, #tpu.memory_space<vmem_shared>>
      tpu.wait_dma2 semaphore(%run_scoped3A : memref<!tpu.dma_semaphore, #tpu.memory_space<semaphore_mem>>) src(%dma_wait3A_942 : memref<512x128xf32, #tpu.memory_space<vmem_shared>>) dst(%dma_wait3A_940 : memref<512x128xf32, #tpu.memory_space<hbm>>)
      %dma_wait3A_943 = arith.constant 0 : i32
      %dma_wait3A_944 = tpu.memref_slice %arg2[%mul3A_596, %dma_wait3A_943] : memref<524288x128xf32, #tpu.memory_space<hbm>> -> memref<512x128xf32, #tpu.memory_space<hbm>>
      %dma_wait3A_945 = arith.constant 0 : i32
      %dma_wait3A_946 = tpu.memref_slice %arg3[%sub3A_598, %dma_wait3A_945] : memref<1024x128xf32, #tpu.memory_space<vmem_shared>> -> memref<512x128xf32, #tpu.memory_space<vmem_shared>>
      tpu.wait_dma2 semaphore(%run_scoped3A : memref<!tpu.dma_semaphore, #tpu.memory_space<semaphore_mem>>) src(%dma_wait3A_946 : memref<512x128xf32, #tpu.memory_space<vmem_shared>>) dst(%dma_wait3A_944 : memref<512x128xf32, #tpu.memory_space<hbm>>)
      %dma_wait3A_947 = arith.constant 0 : i32
      %dma_wait3A_948 = tpu.memref_slice %arg2[%mul3A_608, %dma_wait3A_947] : memref<524288x128xf32, #tpu.memory_space<hbm>> -> memref<512x128xf32, #tpu.memory_space<hbm>>
      %dma_wait3A_949 = arith.constant 0 : i32
      %dma_wait3A_950 = tpu.memref_slice %arg3[%sub3A_610, %dma_wait3A_949] : memref<1024x128xf32, #tpu.memory_space<vmem_shared>> -> memref<512x128xf32, #tpu.memory_space<vmem_shared>>
      tpu.wait_dma2 semaphore(%run_scoped3A : memref<!tpu.dma_semaphore, #tpu.memory_space<semaphore_mem>>) src(%dma_wait3A_950 : memref<512x128xf32, #tpu.memory_space<vmem_shared>>) dst(%dma_wait3A_948 : memref<512x128xf32, #tpu.memory_space<hbm>>)
      %dma_wait3A_951 = arith.constant 0 : i32
      %dma_wait3A_952 = tpu.memref_slice %arg2[%mul3A_620, %dma_wait3A_951] : memref<524288x128xf32, #tpu.memory_space<hbm>> -> memref<512x128xf32, #tpu.memory_space<hbm>>
      %dma_wait3A_953 = arith.constant 0 : i32
      %dma_wait3A_954 = tpu.memref_slice %arg3[%sub3A_622, %dma_wait3A_953] : memref<1024x128xf32, #tpu.memory_space<vmem_shared>> -> memref<512x128xf32, #tpu.memory_space<vmem_shared>>
      tpu.wait_dma2 semaphore(%run_scoped3A : memref<!tpu.dma_semaphore, #tpu.memory_space<semaphore_mem>>) src(%dma_wait3A_954 : memref<512x128xf32, #tpu.memory_space<vmem_shared>>) dst(%dma_wait3A_952 : memref<512x128xf32, #tpu.memory_space<hbm>>)
      %dma_wait3A_955 = arith.constant 0 : i32
      %dma_wait3A_956 = tpu.memref_slice %arg2[%mul3A_632, %dma_wait3A_955] : memref<524288x128xf32, #tpu.memory_space<hbm>> -> memref<512x128xf32, #tpu.memory_space<hbm>>
      %dma_wait3A_957 = arith.constant 0 : i32
      %dma_wait3A_958 = tpu.memref_slice %arg3[%sub3A_634, %dma_wait3A_957] : memref<1024x128xf32, #tpu.memory_space<vmem_shared>> -> memref<512x128xf32, #tpu.memory_space<vmem_shared>>
      tpu.wait_dma2 semaphore(%run_scoped3A : memref<!tpu.dma_semaphore, #tpu.memory_space<semaphore_mem>>) src(%dma_wait3A_958 : memref<512x128xf32, #tpu.memory_space<vmem_shared>>) dst(%dma_wait3A_956 : memref<512x128xf32, #tpu.memory_space<hbm>>)
      %add3A_959 = arith.constant 32 : i32
      %add3A_960 = arith.addi %add3A_1, %add3A_959 : i32
      %add3A_961 = arith.constant 0 : i32
      %add3A_962 = arith.addi %add3A_961, %add3A_960 : i32
      %mul3A_963 = arith.constant 512 : i32
      %mul3A_964 = arith.muli %add3A_962, %mul3A_963 : i32
      %sub3A_965 = arith.constant 512 : i32
      %sub3A_966 = arith.subi %sub3A_965, %add3A_960 : i32
      %dma_start3A_967 = arith.constant 0 : i32
      %dma_start3A_968 = tpu.memref_slice %arg2[%mul3A_964, %dma_start3A_967] : memref<524288x128xf32, #tpu.memory_space<hbm>> -> memref<512x128xf32, #tpu.memory_space<hbm>>
      %dma_start3A_969 = arith.constant 0 : i32
      %dma_start3A_970 = tpu.memref_slice %arg3[%sub3A_966, %dma_start3A_969] : memref<1024x128xf32, #tpu.memory_space<vmem_shared>> -> memref<512x128xf32, #tpu.memory_space<vmem_shared>>
      tpu.enqueue_dma source(%dma_start3A_970 : memref<512x128xf32, #tpu.memory_space<vmem_shared>>) target(%dma_start3A_968 : memref<512x128xf32, #tpu.memory_space<hbm>>) target_semaphore(%run_scoped3A : memref<!tpu.dma_semaphore, #tpu.memory_space<semaphore_mem>>)
      %add3A_971 = arith.constant 32 : i32
      %add3A_972 = arith.addi %add3A_1, %add3A_971 : i32
      %add3A_973 = arith.constant 512 : i32
      %add3A_974 = arith.addi %add3A_973, %add3A_972 : i32
      %mul3A_975 = arith.constant 512 : i32
      %mul3A_976 = arith.muli %add3A_974, %mul3A_975 : i32
      %sub3A_977 = arith.constant 512 : i32
      %sub3A_978 = arith.subi %sub3A_977, %add3A_972 : i32
      %dma_start3A_979 = arith.constant 0 : i32
      %dma_start3A_980 = tpu.memref_slice %arg2[%mul3A_976, %dma_start3A_979] : memref<524288x128xf32, #tpu.memory_space<hbm>> -> memref<512x128xf32, #tpu.memory_space<hbm>>
      %dma_start3A_981 = arith.constant 0 : i32
      %dma_start3A_982 = tpu.memref_slice %arg3[%sub3A_978, %dma_start3A_981] : memref<1024x128xf32, #tpu.memory_space<vmem_shared>> -> memref<512x128xf32, #tpu.memory_space<vmem_shared>>
      tpu.enqueue_dma source(%dma_start3A_982 : memref<512x128xf32, #tpu.memory_space<vmem_shared>>) target(%dma_start3A_980 : memref<512x128xf32, #tpu.memory_space<hbm>>) target_semaphore(%run_scoped3A : memref<!tpu.dma_semaphore, #tpu.memory_space<semaphore_mem>>)
      %add3A_983 = arith.constant 33 : i32
      %add3A_984 = arith.addi %add3A_1, %add3A_983 : i32
      %add3A_985 = arith.constant 0 : i32
      %add3A_986 = arith.addi %add3A_985, %add3A_984 : i32
      %mul3A_987 = arith.constant 512 : i32
      %mul3A_988 = arith.muli %add3A_986, %mul3A_987 : i32
      %sub3A_989 = arith.constant 512 : i32
      %sub3A_990 = arith.subi %sub3A_989, %add3A_984 : i32
      %dma_start3A_991 = arith.constant 0 : i32
      %dma_start3A_992 = tpu.memref_slice %arg2[%mul3A_988, %dma_start3A_991] : memref<524288x128xf32, #tpu.memory_space<hbm>> -> memref<512x128xf32, #tpu.memory_space<hbm>>
      %dma_start3A_993 = arith.constant 0 : i32
      %dma_start3A_994 = tpu.memref_slice %arg3[%sub3A_990, %dma_start3A_993] : memref<1024x128xf32, #tpu.memory_space<vmem_shared>> -> memref<512x128xf32, #tpu.memory_space<vmem_shared>>
      tpu.enqueue_dma source(%dma_start3A_994 : memref<512x128xf32, #tpu.memory_space<vmem_shared>>) target(%dma_start3A_992 : memref<512x128xf32, #tpu.memory_space<hbm>>) target_semaphore(%run_scoped3A : memref<!tpu.dma_semaphore, #tpu.memory_space<semaphore_mem>>)
      %add3A_995 = arith.constant 33 : i32
      %add3A_996 = arith.addi %add3A_1, %add3A_995 : i32
      %add3A_997 = arith.constant 512 : i32
      %add3A_998 = arith.addi %add3A_997, %add3A_996 : i32
      %mul3A_999 = arith.constant 512 : i32
      %mul3A_1000 = arith.muli %add3A_998, %mul3A_999 : i32
      %sub3A_1001 = arith.constant 512 : i32
      %sub3A_1002 = arith.subi %sub3A_1001, %add3A_996 : i32
      %dma_start3A_1003 = arith.constant 0 : i32
      %dma_start3A_1004 = tpu.memref_slice %arg2[%mul3A_1000, %dma_start3A_1003] : memref<524288x128xf32, #tpu.memory_space<hbm>> -> memref<512x128xf32, #tpu.memory_space<hbm>>
      %dma_start3A_1005 = arith.constant 0 : i32
      %dma_start3A_1006 = tpu.memref_slice %arg3[%sub3A_1002, %dma_start3A_1005] : memref<1024x128xf32, #tpu.memory_space<vmem_shared>> -> memref<512x128xf32, #tpu.memory_space<vmem_shared>>
      tpu.enqueue_dma source(%dma_start3A_1006 : memref<512x128xf32, #tpu.memory_space<vmem_shared>>) target(%dma_start3A_1004 : memref<512x128xf32, #tpu.memory_space<hbm>>) target_semaphore(%run_scoped3A : memref<!tpu.dma_semaphore, #tpu.memory_space<semaphore_mem>>)
      %add3A_1007 = arith.constant 34 : i32
      %add3A_1008 = arith.addi %add3A_1, %add3A_1007 : i32
      %add3A_1009 = arith.constant 0 : i32
      %add3A_1010 = arith.addi %add3A_1009, %add3A_1008 : i32
      %mul3A_1011 = arith.constant 512 : i32
      %mul3A_1012 = arith.muli %add3A_1010, %mul3A_1011 : i32
      %sub3A_1013 = arith.constant 512 : i32
      %sub3A_1014 = arith.subi %sub3A_1013, %add3A_1008 : i32
      %dma_start3A_1015 = arith.constant 0 : i32
      %dma_start3A_1016 = tpu.memref_slice %arg2[%mul3A_1012, %dma_start3A_1015] : memref<524288x128xf32, #tpu.memory_space<hbm>> -> memref<512x128xf32, #tpu.memory_space<hbm>>
      %dma_start3A_1017 = arith.constant 0 : i32
      %dma_start3A_1018 = tpu.memref_slice %arg3[%sub3A_1014, %dma_start3A_1017] : memref<1024x128xf32, #tpu.memory_space<vmem_shared>> -> memref<512x128xf32, #tpu.memory_space<vmem_shared>>
      tpu.enqueue_dma source(%dma_start3A_1018 : memref<512x128xf32, #tpu.memory_space<vmem_shared>>) target(%dma_start3A_1016 : memref<512x128xf32, #tpu.memory_space<hbm>>) target_semaphore(%run_scoped3A : memref<!tpu.dma_semaphore, #tpu.memory_space<semaphore_mem>>)
      %add3A_1019 = arith.constant 34 : i32
      %add3A_1020 = arith.addi %add3A_1, %add3A_1019 : i32
      %add3A_1021 = arith.constant 512 : i32
      %add3A_1022 = arith.addi %add3A_1021, %add3A_1020 : i32
      %mul3A_1023 = arith.constant 512 : i32
      %mul3A_1024 = arith.muli %add3A_1022, %mul3A_1023 : i32
      %sub3A_1025 = arith.constant 512 : i32
      %sub3A_1026 = arith.subi %sub3A_1025, %add3A_1020 : i32
      %dma_start3A_1027 = arith.constant 0 : i32
      %dma_start3A_1028 = tpu.memref_slice %arg2[%mul3A_1024, %dma_start3A_1027] : memref<524288x128xf32, #tpu.memory_space<hbm>> -> memref<512x128xf32, #tpu.memory_space<hbm>>
      %dma_start3A_1029 = arith.constant 0 : i32
      %dma_start3A_1030 = tpu.memref_slice %arg3[%sub3A_1026, %dma_start3A_1029] : memref<1024x128xf32, #tpu.memory_space<vmem_shared>> -> memref<512x128xf32, #tpu.memory_space<vmem_shared>>
      tpu.enqueue_dma source(%dma_start3A_1030 : memref<512x128xf32, #tpu.memory_space<vmem_shared>>) target(%dma_start3A_1028 : memref<512x128xf32, #tpu.memory_space<hbm>>) target_semaphore(%run_scoped3A : memref<!tpu.dma_semaphore, #tpu.memory_space<semaphore_mem>>)
      %add3A_1031 = arith.constant 35 : i32
      %add3A_1032 = arith.addi %add3A_1, %add3A_1031 : i32
      %add3A_1033 = arith.constant 0 : i32
      %add3A_1034 = arith.addi %add3A_1033, %add3A_1032 : i32
      %mul3A_1035 = arith.constant 512 : i32
      %mul3A_1036 = arith.muli %add3A_1034, %mul3A_1035 : i32
      %sub3A_1037 = arith.constant 512 : i32
      %sub3A_1038 = arith.subi %sub3A_1037, %add3A_1032 : i32
      %dma_start3A_1039 = arith.constant 0 : i32
      %dma_start3A_1040 = tpu.memref_slice %arg2[%mul3A_1036, %dma_start3A_1039] : memref<524288x128xf32, #tpu.memory_space<hbm>> -> memref<512x128xf32, #tpu.memory_space<hbm>>
      %dma_start3A_1041 = arith.constant 0 : i32
      %dma_start3A_1042 = tpu.memref_slice %arg3[%sub3A_1038, %dma_start3A_1041] : memref<1024x128xf32, #tpu.memory_space<vmem_shared>> -> memref<512x128xf32, #tpu.memory_space<vmem_shared>>
      tpu.enqueue_dma source(%dma_start3A_1042 : memref<512x128xf32, #tpu.memory_space<vmem_shared>>) target(%dma_start3A_1040 : memref<512x128xf32, #tpu.memory_space<hbm>>) target_semaphore(%run_scoped3A : memref<!tpu.dma_semaphore, #tpu.memory_space<semaphore_mem>>)
      %add3A_1043 = arith.constant 35 : i32
      %add3A_1044 = arith.addi %add3A_1, %add3A_1043 : i32
      %add3A_1045 = arith.constant 512 : i32
      %add3A_1046 = arith.addi %add3A_1045, %add3A_1044 : i32
      %mul3A_1047 = arith.constant 512 : i32
      %mul3A_1048 = arith.muli %add3A_1046, %mul3A_1047 : i32
      %sub3A_1049 = arith.constant 512 : i32
      %sub3A_1050 = arith.subi %sub3A_1049, %add3A_1044 : i32
      %dma_start3A_1051 = arith.constant 0 : i32
      %dma_start3A_1052 = tpu.memref_slice %arg2[%mul3A_1048, %dma_start3A_1051] : memref<524288x128xf32, #tpu.memory_space<hbm>> -> memref<512x128xf32, #tpu.memory_space<hbm>>
      %dma_start3A_1053 = arith.constant 0 : i32
      %dma_start3A_1054 = tpu.memref_slice %arg3[%sub3A_1050, %dma_start3A_1053] : memref<1024x128xf32, #tpu.memory_space<vmem_shared>> -> memref<512x128xf32, #tpu.memory_space<vmem_shared>>
      tpu.enqueue_dma source(%dma_start3A_1054 : memref<512x128xf32, #tpu.memory_space<vmem_shared>>) target(%dma_start3A_1052 : memref<512x128xf32, #tpu.memory_space<hbm>>) target_semaphore(%run_scoped3A : memref<!tpu.dma_semaphore, #tpu.memory_space<semaphore_mem>>)
      %add3A_1055 = arith.constant 36 : i32
      %add3A_1056 = arith.addi %add3A_1, %add3A_1055 : i32
      %add3A_1057 = arith.constant 0 : i32
      %add3A_1058 = arith.addi %add3A_1057, %add3A_1056 : i32
      %mul3A_1059 = arith.constant 512 : i32
      %mul3A_1060 = arith.muli %add3A_1058, %mul3A_1059 : i32
      %sub3A_1061 = arith.constant 512 : i32
      %sub3A_1062 = arith.subi %sub3A_1061, %add3A_1056 : i32
      %dma_start3A_1063 = arith.constant 0 : i32
      %dma_start3A_1064 = tpu.memref_slice %arg2[%mul3A_1060, %dma_start3A_1063] : memref<524288x128xf32, #tpu.memory_space<hbm>> -> memref<512x128xf32, #tpu.memory_space<hbm>>
      %dma_start3A_1065 = arith.constant 0 : i32
      %dma_start3A_1066 = tpu.memref_slice %arg3[%sub3A_1062, %dma_start3A_1065] : memref<1024x128xf32, #tpu.memory_space<vmem_shared>> -> memref<512x128xf32, #tpu.memory_space<vmem_shared>>
      tpu.enqueue_dma source(%dma_start3A_1066 : memref<512x128xf32, #tpu.memory_space<vmem_shared>>) target(%dma_start3A_1064 : memref<512x128xf32, #tpu.memory_space<hbm>>) target_semaphore(%run_scoped3A : memref<!tpu.dma_semaphore, #tpu.memory_space<semaphore_mem>>)
      %add3A_1067 = arith.constant 36 : i32
      %add3A_1068 = arith.addi %add3A_1, %add3A_1067 : i32
      %add3A_1069 = arith.constant 512 : i32
      %add3A_1070 = arith.addi %add3A_1069, %add3A_1068 : i32
      %mul3A_1071 = arith.constant 512 : i32
      %mul3A_1072 = arith.muli %add3A_1070, %mul3A_1071 : i32
      %sub3A_1073 = arith.constant 512 : i32
      %sub3A_1074 = arith.subi %sub3A_1073, %add3A_1068 : i32
      %dma_start3A_1075 = arith.constant 0 : i32
      %dma_start3A_1076 = tpu.memref_slice %arg2[%mul3A_1072, %dma_start3A_1075] : memref<524288x128xf32, #tpu.memory_space<hbm>> -> memref<512x128xf32, #tpu.memory_space<hbm>>
      %dma_start3A_1077 = arith.constant 0 : i32
      %dma_start3A_1078 = tpu.memref_slice %arg3[%sub3A_1074, %dma_start3A_1077] : memref<1024x128xf32, #tpu.memory_space<vmem_shared>> -> memref<512x128xf32, #tpu.memory_space<vmem_shared>>
      tpu.enqueue_dma source(%dma_start3A_1078 : memref<512x128xf32, #tpu.memory_space<vmem_shared>>) target(%dma_start3A_1076 : memref<512x128xf32, #tpu.memory_space<hbm>>) target_semaphore(%run_scoped3A : memref<!tpu.dma_semaphore, #tpu.memory_space<semaphore_mem>>)
      %add3A_1079 = arith.constant 37 : i32
      %add3A_1080 = arith.addi %add3A_1, %add3A_1079 : i32
      %add3A_1081 = arith.constant 0 : i32
      %add3A_1082 = arith.addi %add3A_1081, %add3A_1080 : i32
      %mul3A_1083 = arith.constant 512 : i32
      %mul3A_1084 = arith.muli %add3A_1082, %mul3A_1083 : i32
      %sub3A_1085 = arith.constant 512 : i32
      %sub3A_1086 = arith.subi %sub3A_1085, %add3A_1080 : i32
      %dma_start3A_1087 = arith.constant 0 : i32
      %dma_start3A_1088 = tpu.memref_slice %arg2[%mul3A_1084, %dma_start3A_1087] : memref<524288x128xf32, #tpu.memory_space<hbm>> -> memref<512x128xf32, #tpu.memory_space<hbm>>
      %dma_start3A_1089 = arith.constant 0 : i32
      %dma_start3A_1090 = tpu.memref_slice %arg3[%sub3A_1086, %dma_start3A_1089] : memref<1024x128xf32, #tpu.memory_space<vmem_shared>> -> memref<512x128xf32, #tpu.memory_space<vmem_shared>>
      tpu.enqueue_dma source(%dma_start3A_1090 : memref<512x128xf32, #tpu.memory_space<vmem_shared>>) target(%dma_start3A_1088 : memref<512x128xf32, #tpu.memory_space<hbm>>) target_semaphore(%run_scoped3A : memref<!tpu.dma_semaphore, #tpu.memory_space<semaphore_mem>>)
      %add3A_1091 = arith.constant 37 : i32
      %add3A_1092 = arith.addi %add3A_1, %add3A_1091 : i32
      %add3A_1093 = arith.constant 512 : i32
      %add3A_1094 = arith.addi %add3A_1093, %add3A_1092 : i32
      %mul3A_1095 = arith.constant 512 : i32
      %mul3A_1096 = arith.muli %add3A_1094, %mul3A_1095 : i32
      %sub3A_1097 = arith.constant 512 : i32
      %sub3A_1098 = arith.subi %sub3A_1097, %add3A_1092 : i32
      %dma_start3A_1099 = arith.constant 0 : i32
      %dma_start3A_1100 = tpu.memref_slice %arg2[%mul3A_1096, %dma_start3A_1099] : memref<524288x128xf32, #tpu.memory_space<hbm>> -> memref<512x128xf32, #tpu.memory_space<hbm>>
      %dma_start3A_1101 = arith.constant 0 : i32
      %dma_start3A_1102 = tpu.memref_slice %arg3[%sub3A_1098, %dma_start3A_1101] : memref<1024x128xf32, #tpu.memory_space<vmem_shared>> -> memref<512x128xf32, #tpu.memory_space<vmem_shared>>
      tpu.enqueue_dma source(%dma_start3A_1102 : memref<512x128xf32, #tpu.memory_space<vmem_shared>>) target(%dma_start3A_1100 : memref<512x128xf32, #tpu.memory_space<hbm>>) target_semaphore(%run_scoped3A : memref<!tpu.dma_semaphore, #tpu.memory_space<semaphore_mem>>)
      %add3A_1103 = arith.constant 38 : i32
      %add3A_1104 = arith.addi %add3A_1, %add3A_1103 : i32
      %add3A_1105 = arith.constant 0 : i32
      %add3A_1106 = arith.addi %add3A_1105, %add3A_1104 : i32
      %mul3A_1107 = arith.constant 512 : i32
      %mul3A_1108 = arith.muli %add3A_1106, %mul3A_1107 : i32
      %sub3A_1109 = arith.constant 512 : i32
      %sub3A_1110 = arith.subi %sub3A_1109, %add3A_1104 : i32
      %dma_start3A_1111 = arith.constant 0 : i32
      %dma_start3A_1112 = tpu.memref_slice %arg2[%mul3A_1108, %dma_start3A_1111] : memref<524288x128xf32, #tpu.memory_space<hbm>> -> memref<512x128xf32, #tpu.memory_space<hbm>>
      %dma_start3A_1113 = arith.constant 0 : i32
      %dma_start3A_1114 = tpu.memref_slice %arg3[%sub3A_1110, %dma_start3A_1113] : memref<1024x128xf32, #tpu.memory_space<vmem_shared>> -> memref<512x128xf32, #tpu.memory_space<vmem_shared>>
      tpu.enqueue_dma source(%dma_start3A_1114 : memref<512x128xf32, #tpu.memory_space<vmem_shared>>) target(%dma_start3A_1112 : memref<512x128xf32, #tpu.memory_space<hbm>>) target_semaphore(%run_scoped3A : memref<!tpu.dma_semaphore, #tpu.memory_space<semaphore_mem>>)
      %add3A_1115 = arith.constant 38 : i32
      %add3A_1116 = arith.addi %add3A_1, %add3A_1115 : i32
      %add3A_1117 = arith.constant 512 : i32
      %add3A_1118 = arith.addi %add3A_1117, %add3A_1116 : i32
      %mul3A_1119 = arith.constant 512 : i32
      %mul3A_1120 = arith.muli %add3A_1118, %mul3A_1119 : i32
      %sub3A_1121 = arith.constant 512 : i32
      %sub3A_1122 = arith.subi %sub3A_1121, %add3A_1116 : i32
      %dma_start3A_1123 = arith.constant 0 : i32
      %dma_start3A_1124 = tpu.memref_slice %arg2[%mul3A_1120, %dma_start3A_1123] : memref<524288x128xf32, #tpu.memory_space<hbm>> -> memref<512x128xf32, #tpu.memory_space<hbm>>
      %dma_start3A_1125 = arith.constant 0 : i32
      %dma_start3A_1126 = tpu.memref_slice %arg3[%sub3A_1122, %dma_start3A_1125] : memref<1024x128xf32, #tpu.memory_space<vmem_shared>> -> memref<512x128xf32, #tpu.memory_space<vmem_shared>>
      tpu.enqueue_dma source(%dma_start3A_1126 : memref<512x128xf32, #tpu.memory_space<vmem_shared>>) target(%dma_start3A_1124 : memref<512x128xf32, #tpu.memory_space<hbm>>) target_semaphore(%run_scoped3A : memref<!tpu.dma_semaphore, #tpu.memory_space<semaphore_mem>>)
      %add3A_1127 = arith.constant 39 : i32
      %add3A_1128 = arith.addi %add3A_1, %add3A_1127 : i32
      %add3A_1129 = arith.constant 0 : i32
      %add3A_1130 = arith.addi %add3A_1129, %add3A_1128 : i32
      %mul3A_1131 = arith.constant 512 : i32
      %mul3A_1132 = arith.muli %add3A_1130, %mul3A_1131 : i32
      %sub3A_1133 = arith.constant 512 : i32
      %sub3A_1134 = arith.subi %sub3A_1133, %add3A_1128 : i32
      %dma_start3A_1135 = arith.constant 0 : i32
      %dma_start3A_1136 = tpu.memref_slice %arg2[%mul3A_1132, %dma_start3A_1135] : memref<524288x128xf32, #tpu.memory_space<hbm>> -> memref<512x128xf32, #tpu.memory_space<hbm>>
      %dma_start3A_1137 = arith.constant 0 : i32
      %dma_start3A_1138 = tpu.memref_slice %arg3[%sub3A_1134, %dma_start3A_1137] : memref<1024x128xf32, #tpu.memory_space<vmem_shared>> -> memref<512x128xf32, #tpu.memory_space<vmem_shared>>
      tpu.enqueue_dma source(%dma_start3A_1138 : memref<512x128xf32, #tpu.memory_space<vmem_shared>>) target(%dma_start3A_1136 : memref<512x128xf32, #tpu.memory_space<hbm>>) target_semaphore(%run_scoped3A : memref<!tpu.dma_semaphore, #tpu.memory_space<semaphore_mem>>)
      %add3A_1139 = arith.constant 39 : i32
      %add3A_1140 = arith.addi %add3A_1, %add3A_1139 : i32
      %add3A_1141 = arith.constant 512 : i32
      %add3A_1142 = arith.addi %add3A_1141, %add3A_1140 : i32
      %mul3A_1143 = arith.constant 512 : i32
      %mul3A_1144 = arith.muli %add3A_1142, %mul3A_1143 : i32
      %sub3A_1145 = arith.constant 512 : i32
      %sub3A_1146 = arith.subi %sub3A_1145, %add3A_1140 : i32
      %dma_start3A_1147 = arith.constant 0 : i32
      %dma_start3A_1148 = tpu.memref_slice %arg2[%mul3A_1144, %dma_start3A_1147] : memref<524288x128xf32, #tpu.memory_space<hbm>> -> memref<512x128xf32, #tpu.memory_space<hbm>>
      %dma_start3A_1149 = arith.constant 0 : i32
      %dma_start3A_1150 = tpu.memref_slice %arg3[%sub3A_1146, %dma_start3A_1149] : memref<1024x128xf32, #tpu.memory_space<vmem_shared>> -> memref<512x128xf32, #tpu.memory_space<vmem_shared>>
      tpu.enqueue_dma source(%dma_start3A_1150 : memref<512x128xf32, #tpu.memory_space<vmem_shared>>) target(%dma_start3A_1148 : memref<512x128xf32, #tpu.memory_space<hbm>>) target_semaphore(%run_scoped3A : memref<!tpu.dma_semaphore, #tpu.memory_space<semaphore_mem>>)
      %dma_wait3A_1151 = arith.constant 0 : i32
      %dma_wait3A_1152 = tpu.memref_slice %arg2[%mul3A_708, %dma_wait3A_1151] : memref<524288x128xf32, #tpu.memory_space<hbm>> -> memref<512x128xf32, #tpu.memory_space<hbm>>
      %dma_wait3A_1153 = arith.constant 0 : i32
      %dma_wait3A_1154 = tpu.memref_slice %arg3[%sub3A_710, %dma_wait3A_1153] : memref<1024x128xf32, #tpu.memory_space<vmem_shared>> -> memref<512x128xf32, #tpu.memory_space<vmem_shared>>
      tpu.wait_dma2 semaphore(%run_scoped3A : memref<!tpu.dma_semaphore, #tpu.memory_space<semaphore_mem>>) src(%dma_wait3A_1154 : memref<512x128xf32, #tpu.memory_space<vmem_shared>>) dst(%dma_wait3A_1152 : memref<512x128xf32, #tpu.memory_space<hbm>>)
      %dma_wait3A_1155 = arith.constant 0 : i32
      %dma_wait3A_1156 = tpu.memref_slice %arg2[%mul3A_720, %dma_wait3A_1155] : memref<524288x128xf32, #tpu.memory_space<hbm>> -> memref<512x128xf32, #tpu.memory_space<hbm>>
      %dma_wait3A_1157 = arith.constant 0 : i32
      %dma_wait3A_1158 = tpu.memref_slice %arg3[%sub3A_722, %dma_wait3A_1157] : memref<1024x128xf32, #tpu.memory_space<vmem_shared>> -> memref<512x128xf32, #tpu.memory_space<vmem_shared>>
      tpu.wait_dma2 semaphore(%run_scoped3A : memref<!tpu.dma_semaphore, #tpu.memory_space<semaphore_mem>>) src(%dma_wait3A_1158 : memref<512x128xf32, #tpu.memory_space<vmem_shared>>) dst(%dma_wait3A_1156 : memref<512x128xf32, #tpu.memory_space<hbm>>)
      %dma_wait3A_1159 = arith.constant 0 : i32
      %dma_wait3A_1160 = tpu.memref_slice %arg2[%mul3A_732, %dma_wait3A_1159] : memref<524288x128xf32, #tpu.memory_space<hbm>> -> memref<512x128xf32, #tpu.memory_space<hbm>>
      %dma_wait3A_1161 = arith.constant 0 : i32
      %dma_wait3A_1162 = tpu.memref_slice %arg3[%sub3A_734, %dma_wait3A_1161] : memref<1024x128xf32, #tpu.memory_space<vmem_shared>> -> memref<512x128xf32, #tpu.memory_space<vmem_shared>>
      tpu.wait_dma2 semaphore(%run_scoped3A : memref<!tpu.dma_semaphore, #tpu.memory_space<semaphore_mem>>) src(%dma_wait3A_1162 : memref<512x128xf32, #tpu.memory_space<vmem_shared>>) dst(%dma_wait3A_1160 : memref<512x128xf32, #tpu.memory_space<hbm>>)
      %dma_wait3A_1163 = arith.constant 0 : i32
      %dma_wait3A_1164 = tpu.memref_slice %arg2[%mul3A_744, %dma_wait3A_1163] : memref<524288x128xf32, #tpu.memory_space<hbm>> -> memref<512x128xf32, #tpu.memory_space<hbm>>
      %dma_wait3A_1165 = arith.constant 0 : i32
      %dma_wait3A_1166 = tpu.memref_slice %arg3[%sub3A_746, %dma_wait3A_1165] : memref<1024x128xf32, #tpu.memory_space<vmem_shared>> -> memref<512x128xf32, #tpu.memory_space<vmem_shared>>
      tpu.wait_dma2 semaphore(%run_scoped3A : memref<!tpu.dma_semaphore, #tpu.memory_space<semaphore_mem>>) src(%dma_wait3A_1166 : memref<512x128xf32, #tpu.memory_space<vmem_shared>>) dst(%dma_wait3A_1164 : memref<512x128xf32, #tpu.memory_space<hbm>>)
      %dma_wait3A_1167 = arith.constant 0 : i32
      %dma_wait3A_1168 = tpu.memref_slice %arg2[%mul3A_756, %dma_wait3A_1167] : memref<524288x128xf32, #tpu.memory_space<hbm>> -> memref<512x128xf32, #tpu.memory_space<hbm>>
      %dma_wait3A_1169 = arith.constant 0 : i32
      %dma_wait3A_1170 = tpu.memref_slice %arg3[%sub3A_758, %dma_wait3A_1169] : memref<1024x128xf32, #tpu.memory_space<vmem_shared>> -> memref<512x128xf32, #tpu.memory_space<vmem_shared>>
      tpu.wait_dma2 semaphore(%run_scoped3A : memref<!tpu.dma_semaphore, #tpu.memory_space<semaphore_mem>>) src(%dma_wait3A_1170 : memref<512x128xf32, #tpu.memory_space<vmem_shared>>) dst(%dma_wait3A_1168 : memref<512x128xf32, #tpu.memory_space<hbm>>)
      %dma_wait3A_1171 = arith.constant 0 : i32
      %dma_wait3A_1172 = tpu.memref_slice %arg2[%mul3A_768, %dma_wait3A_1171] : memref<524288x128xf32, #tpu.memory_space<hbm>> -> memref<512x128xf32, #tpu.memory_space<hbm>>
      %dma_wait3A_1173 = arith.constant 0 : i32
      %dma_wait3A_1174 = tpu.memref_slice %arg3[%sub3A_770, %dma_wait3A_1173] : memref<1024x128xf32, #tpu.memory_space<vmem_shared>> -> memref<512x128xf32, #tpu.memory_space<vmem_shared>>
      tpu.wait_dma2 semaphore(%run_scoped3A : memref<!tpu.dma_semaphore, #tpu.memory_space<semaphore_mem>>) src(%dma_wait3A_1174 : memref<512x128xf32, #tpu.memory_space<vmem_shared>>) dst(%dma_wait3A_1172 : memref<512x128xf32, #tpu.memory_space<hbm>>)
      %dma_wait3A_1175 = arith.constant 0 : i32
      %dma_wait3A_1176 = tpu.memref_slice %arg2[%mul3A_780, %dma_wait3A_1175] : memref<524288x128xf32, #tpu.memory_space<hbm>> -> memref<512x128xf32, #tpu.memory_space<hbm>>
      %dma_wait3A_1177 = arith.constant 0 : i32
      %dma_wait3A_1178 = tpu.memref_slice %arg3[%sub3A_782, %dma_wait3A_1177] : memref<1024x128xf32, #tpu.memory_space<vmem_shared>> -> memref<512x128xf32, #tpu.memory_space<vmem_shared>>
      tpu.wait_dma2 semaphore(%run_scoped3A : memref<!tpu.dma_semaphore, #tpu.memory_space<semaphore_mem>>) src(%dma_wait3A_1178 : memref<512x128xf32, #tpu.memory_space<vmem_shared>>) dst(%dma_wait3A_1176 : memref<512x128xf32, #tpu.memory_space<hbm>>)
      %dma_wait3A_1179 = arith.constant 0 : i32
      %dma_wait3A_1180 = tpu.memref_slice %arg2[%mul3A_792, %dma_wait3A_1179] : memref<524288x128xf32, #tpu.memory_space<hbm>> -> memref<512x128xf32, #tpu.memory_space<hbm>>
      %dma_wait3A_1181 = arith.constant 0 : i32
      %dma_wait3A_1182 = tpu.memref_slice %arg3[%sub3A_794, %dma_wait3A_1181] : memref<1024x128xf32, #tpu.memory_space<vmem_shared>> -> memref<512x128xf32, #tpu.memory_space<vmem_shared>>
      tpu.wait_dma2 semaphore(%run_scoped3A : memref<!tpu.dma_semaphore, #tpu.memory_space<semaphore_mem>>) src(%dma_wait3A_1182 : memref<512x128xf32, #tpu.memory_space<vmem_shared>>) dst(%dma_wait3A_1180 : memref<512x128xf32, #tpu.memory_space<hbm>>)
      %dma_wait3A_1183 = arith.constant 0 : i32
      %dma_wait3A_1184 = tpu.memref_slice %arg2[%mul3A_804, %dma_wait3A_1183] : memref<524288x128xf32, #tpu.memory_space<hbm>> -> memref<512x128xf32, #tpu.memory_space<hbm>>
      %dma_wait3A_1185 = arith.constant 0 : i32
      %dma_wait3A_1186 = tpu.memref_slice %arg3[%sub3A_806, %dma_wait3A_1185] : memref<1024x128xf32, #tpu.memory_space<vmem_shared>> -> memref<512x128xf32, #tpu.memory_space<vmem_shared>>
      tpu.wait_dma2 semaphore(%run_scoped3A : memref<!tpu.dma_semaphore, #tpu.memory_space<semaphore_mem>>) src(%dma_wait3A_1186 : memref<512x128xf32, #tpu.memory_space<vmem_shared>>) dst(%dma_wait3A_1184 : memref<512x128xf32, #tpu.memory_space<hbm>>)
      %dma_wait3A_1187 = arith.constant 0 : i32
      %dma_wait3A_1188 = tpu.memref_slice %arg2[%mul3A_816, %dma_wait3A_1187] : memref<524288x128xf32, #tpu.memory_space<hbm>> -> memref<512x128xf32, #tpu.memory_space<hbm>>
      %dma_wait3A_1189 = arith.constant 0 : i32
      %dma_wait3A_1190 = tpu.memref_slice %arg3[%sub3A_818, %dma_wait3A_1189] : memref<1024x128xf32, #tpu.memory_space<vmem_shared>> -> memref<512x128xf32, #tpu.memory_space<vmem_shared>>
      tpu.wait_dma2 semaphore(%run_scoped3A : memref<!tpu.dma_semaphore, #tpu.memory_space<semaphore_mem>>) src(%dma_wait3A_1190 : memref<512x128xf32, #tpu.memory_space<vmem_shared>>) dst(%dma_wait3A_1188 : memref<512x128xf32, #tpu.memory_space<hbm>>)
      %dma_wait3A_1191 = arith.constant 0 : i32
      %dma_wait3A_1192 = tpu.memref_slice %arg2[%mul3A_828, %dma_wait3A_1191] : memref<524288x128xf32, #tpu.memory_space<hbm>> -> memref<512x128xf32, #tpu.memory_space<hbm>>
      %dma_wait3A_1193 = arith.constant 0 : i32
      %dma_wait3A_1194 = tpu.memref_slice %arg3[%sub3A_830, %dma_wait3A_1193] : memref<1024x128xf32, #tpu.memory_space<vmem_shared>> -> memref<512x128xf32, #tpu.memory_space<vmem_shared>>
      tpu.wait_dma2 semaphore(%run_scoped3A : memref<!tpu.dma_semaphore, #tpu.memory_space<semaphore_mem>>) src(%dma_wait3A_1194 : memref<512x128xf32, #tpu.memory_space<vmem_shared>>) dst(%dma_wait3A_1192 : memref<512x128xf32, #tpu.memory_space<hbm>>)
      %dma_wait3A_1195 = arith.constant 0 : i32
      %dma_wait3A_1196 = tpu.memref_slice %arg2[%mul3A_840, %dma_wait3A_1195] : memref<524288x128xf32, #tpu.memory_space<hbm>> -> memref<512x128xf32, #tpu.memory_space<hbm>>
      %dma_wait3A_1197 = arith.constant 0 : i32
      %dma_wait3A_1198 = tpu.memref_slice %arg3[%sub3A_842, %dma_wait3A_1197] : memref<1024x128xf32, #tpu.memory_space<vmem_shared>> -> memref<512x128xf32, #tpu.memory_space<vmem_shared>>
      tpu.wait_dma2 semaphore(%run_scoped3A : memref<!tpu.dma_semaphore, #tpu.memory_space<semaphore_mem>>) src(%dma_wait3A_1198 : memref<512x128xf32, #tpu.memory_space<vmem_shared>>) dst(%dma_wait3A_1196 : memref<512x128xf32, #tpu.memory_space<hbm>>)
      %dma_wait3A_1199 = arith.constant 0 : i32
      %dma_wait3A_1200 = tpu.memref_slice %arg2[%mul3A_852, %dma_wait3A_1199] : memref<524288x128xf32, #tpu.memory_space<hbm>> -> memref<512x128xf32, #tpu.memory_space<hbm>>
      %dma_wait3A_1201 = arith.constant 0 : i32
      %dma_wait3A_1202 = tpu.memref_slice %arg3[%sub3A_854, %dma_wait3A_1201] : memref<1024x128xf32, #tpu.memory_space<vmem_shared>> -> memref<512x128xf32, #tpu.memory_space<vmem_shared>>
      tpu.wait_dma2 semaphore(%run_scoped3A : memref<!tpu.dma_semaphore, #tpu.memory_space<semaphore_mem>>) src(%dma_wait3A_1202 : memref<512x128xf32, #tpu.memory_space<vmem_shared>>) dst(%dma_wait3A_1200 : memref<512x128xf32, #tpu.memory_space<hbm>>)
      %dma_wait3A_1203 = arith.constant 0 : i32
      %dma_wait3A_1204 = tpu.memref_slice %arg2[%mul3A_864, %dma_wait3A_1203] : memref<524288x128xf32, #tpu.memory_space<hbm>> -> memref<512x128xf32, #tpu.memory_space<hbm>>
      %dma_wait3A_1205 = arith.constant 0 : i32
      %dma_wait3A_1206 = tpu.memref_slice %arg3[%sub3A_866, %dma_wait3A_1205] : memref<1024x128xf32, #tpu.memory_space<vmem_shared>> -> memref<512x128xf32, #tpu.memory_space<vmem_shared>>
      tpu.wait_dma2 semaphore(%run_scoped3A : memref<!tpu.dma_semaphore, #tpu.memory_space<semaphore_mem>>) src(%dma_wait3A_1206 : memref<512x128xf32, #tpu.memory_space<vmem_shared>>) dst(%dma_wait3A_1204 : memref<512x128xf32, #tpu.memory_space<hbm>>)
      %dma_wait3A_1207 = arith.constant 0 : i32
      %dma_wait3A_1208 = tpu.memref_slice %arg2[%mul3A_876, %dma_wait3A_1207] : memref<524288x128xf32, #tpu.memory_space<hbm>> -> memref<512x128xf32, #tpu.memory_space<hbm>>
      %dma_wait3A_1209 = arith.constant 0 : i32
      %dma_wait3A_1210 = tpu.memref_slice %arg3[%sub3A_878, %dma_wait3A_1209] : memref<1024x128xf32, #tpu.memory_space<vmem_shared>> -> memref<512x128xf32, #tpu.memory_space<vmem_shared>>
      tpu.wait_dma2 semaphore(%run_scoped3A : memref<!tpu.dma_semaphore, #tpu.memory_space<semaphore_mem>>) src(%dma_wait3A_1210 : memref<512x128xf32, #tpu.memory_space<vmem_shared>>) dst(%dma_wait3A_1208 : memref<512x128xf32, #tpu.memory_space<hbm>>)
      %dma_wait3A_1211 = arith.constant 0 : i32
      %dma_wait3A_1212 = tpu.memref_slice %arg2[%mul3A_888, %dma_wait3A_1211] : memref<524288x128xf32, #tpu.memory_space<hbm>> -> memref<512x128xf32, #tpu.memory_space<hbm>>
      %dma_wait3A_1213 = arith.constant 0 : i32
      %dma_wait3A_1214 = tpu.memref_slice %arg3[%sub3A_890, %dma_wait3A_1213] : memref<1024x128xf32, #tpu.memory_space<vmem_shared>> -> memref<512x128xf32, #tpu.memory_space<vmem_shared>>
      tpu.wait_dma2 semaphore(%run_scoped3A : memref<!tpu.dma_semaphore, #tpu.memory_space<semaphore_mem>>) src(%dma_wait3A_1214 : memref<512x128xf32, #tpu.memory_space<vmem_shared>>) dst(%dma_wait3A_1212 : memref<512x128xf32, #tpu.memory_space<hbm>>)
      %add3A_1215 = arith.constant 40 : i32
      %add3A_1216 = arith.addi %add3A_1, %add3A_1215 : i32
      %add3A_1217 = arith.constant 0 : i32
      %add3A_1218 = arith.addi %add3A_1217, %add3A_1216 : i32
      %mul3A_1219 = arith.constant 512 : i32
      %mul3A_1220 = arith.muli %add3A_1218, %mul3A_1219 : i32
      %sub3A_1221 = arith.constant 512 : i32
      %sub3A_1222 = arith.subi %sub3A_1221, %add3A_1216 : i32
      %dma_start3A_1223 = arith.constant 0 : i32
      %dma_start3A_1224 = tpu.memref_slice %arg2[%mul3A_1220, %dma_start3A_1223] : memref<524288x128xf32, #tpu.memory_space<hbm>> -> memref<512x128xf32, #tpu.memory_space<hbm>>
      %dma_start3A_1225 = arith.constant 0 : i32
      %dma_start3A_1226 = tpu.memref_slice %arg3[%sub3A_1222, %dma_start3A_1225] : memref<1024x128xf32, #tpu.memory_space<vmem_shared>> -> memref<512x128xf32, #tpu.memory_space<vmem_shared>>
      tpu.enqueue_dma source(%dma_start3A_1226 : memref<512x128xf32, #tpu.memory_space<vmem_shared>>) target(%dma_start3A_1224 : memref<512x128xf32, #tpu.memory_space<hbm>>) target_semaphore(%run_scoped3A : memref<!tpu.dma_semaphore, #tpu.memory_space<semaphore_mem>>)
      %add3A_1227 = arith.constant 40 : i32
      %add3A_1228 = arith.addi %add3A_1, %add3A_1227 : i32
      %add3A_1229 = arith.constant 512 : i32
      %add3A_1230 = arith.addi %add3A_1229, %add3A_1228 : i32
      %mul3A_1231 = arith.constant 512 : i32
      %mul3A_1232 = arith.muli %add3A_1230, %mul3A_1231 : i32
      %sub3A_1233 = arith.constant 512 : i32
      %sub3A_1234 = arith.subi %sub3A_1233, %add3A_1228 : i32
      %dma_start3A_1235 = arith.constant 0 : i32
      %dma_start3A_1236 = tpu.memref_slice %arg2[%mul3A_1232, %dma_start3A_1235] : memref<524288x128xf32, #tpu.memory_space<hbm>> -> memref<512x128xf32, #tpu.memory_space<hbm>>
      %dma_start3A_1237 = arith.constant 0 : i32
      %dma_start3A_1238 = tpu.memref_slice %arg3[%sub3A_1234, %dma_start3A_1237] : memref<1024x128xf32, #tpu.memory_space<vmem_shared>> -> memref<512x128xf32, #tpu.memory_space<vmem_shared>>
      tpu.enqueue_dma source(%dma_start3A_1238 : memref<512x128xf32, #tpu.memory_space<vmem_shared>>) target(%dma_start3A_1236 : memref<512x128xf32, #tpu.memory_space<hbm>>) target_semaphore(%run_scoped3A : memref<!tpu.dma_semaphore, #tpu.memory_space<semaphore_mem>>)
      %add3A_1239 = arith.constant 41 : i32
      %add3A_1240 = arith.addi %add3A_1, %add3A_1239 : i32
      %add3A_1241 = arith.constant 0 : i32
      %add3A_1242 = arith.addi %add3A_1241, %add3A_1240 : i32
      %mul3A_1243 = arith.constant 512 : i32
      %mul3A_1244 = arith.muli %add3A_1242, %mul3A_1243 : i32
      %sub3A_1245 = arith.constant 512 : i32
      %sub3A_1246 = arith.subi %sub3A_1245, %add3A_1240 : i32
      %dma_start3A_1247 = arith.constant 0 : i32
      %dma_start3A_1248 = tpu.memref_slice %arg2[%mul3A_1244, %dma_start3A_1247] : memref<524288x128xf32, #tpu.memory_space<hbm>> -> memref<512x128xf32, #tpu.memory_space<hbm>>
      %dma_start3A_1249 = arith.constant 0 : i32
      %dma_start3A_1250 = tpu.memref_slice %arg3[%sub3A_1246, %dma_start3A_1249] : memref<1024x128xf32, #tpu.memory_space<vmem_shared>> -> memref<512x128xf32, #tpu.memory_space<vmem_shared>>
      tpu.enqueue_dma source(%dma_start3A_1250 : memref<512x128xf32, #tpu.memory_space<vmem_shared>>) target(%dma_start3A_1248 : memref<512x128xf32, #tpu.memory_space<hbm>>) target_semaphore(%run_scoped3A : memref<!tpu.dma_semaphore, #tpu.memory_space<semaphore_mem>>)
      %add3A_1251 = arith.constant 41 : i32
      %add3A_1252 = arith.addi %add3A_1, %add3A_1251 : i32
      %add3A_1253 = arith.constant 512 : i32
      %add3A_1254 = arith.addi %add3A_1253, %add3A_1252 : i32
      %mul3A_1255 = arith.constant 512 : i32
      %mul3A_1256 = arith.muli %add3A_1254, %mul3A_1255 : i32
      %sub3A_1257 = arith.constant 512 : i32
      %sub3A_1258 = arith.subi %sub3A_1257, %add3A_1252 : i32
      %dma_start3A_1259 = arith.constant 0 : i32
      %dma_start3A_1260 = tpu.memref_slice %arg2[%mul3A_1256, %dma_start3A_1259] : memref<524288x128xf32, #tpu.memory_space<hbm>> -> memref<512x128xf32, #tpu.memory_space<hbm>>
      %dma_start3A_1261 = arith.constant 0 : i32
      %dma_start3A_1262 = tpu.memref_slice %arg3[%sub3A_1258, %dma_start3A_1261] : memref<1024x128xf32, #tpu.memory_space<vmem_shared>> -> memref<512x128xf32, #tpu.memory_space<vmem_shared>>
      tpu.enqueue_dma source(%dma_start3A_1262 : memref<512x128xf32, #tpu.memory_space<vmem_shared>>) target(%dma_start3A_1260 : memref<512x128xf32, #tpu.memory_space<hbm>>) target_semaphore(%run_scoped3A : memref<!tpu.dma_semaphore, #tpu.memory_space<semaphore_mem>>)
      %add3A_1263 = arith.constant 42 : i32
      %add3A_1264 = arith.addi %add3A_1, %add3A_1263 : i32
      %add3A_1265 = arith.constant 0 : i32
      %add3A_1266 = arith.addi %add3A_1265, %add3A_1264 : i32
      %mul3A_1267 = arith.constant 512 : i32
      %mul3A_1268 = arith.muli %add3A_1266, %mul3A_1267 : i32
      %sub3A_1269 = arith.constant 512 : i32
      %sub3A_1270 = arith.subi %sub3A_1269, %add3A_1264 : i32
      %dma_start3A_1271 = arith.constant 0 : i32
      %dma_start3A_1272 = tpu.memref_slice %arg2[%mul3A_1268, %dma_start3A_1271] : memref<524288x128xf32, #tpu.memory_space<hbm>> -> memref<512x128xf32, #tpu.memory_space<hbm>>
      %dma_start3A_1273 = arith.constant 0 : i32
      %dma_start3A_1274 = tpu.memref_slice %arg3[%sub3A_1270, %dma_start3A_1273] : memref<1024x128xf32, #tpu.memory_space<vmem_shared>> -> memref<512x128xf32, #tpu.memory_space<vmem_shared>>
      tpu.enqueue_dma source(%dma_start3A_1274 : memref<512x128xf32, #tpu.memory_space<vmem_shared>>) target(%dma_start3A_1272 : memref<512x128xf32, #tpu.memory_space<hbm>>) target_semaphore(%run_scoped3A : memref<!tpu.dma_semaphore, #tpu.memory_space<semaphore_mem>>)
      %add3A_1275 = arith.constant 42 : i32
      %add3A_1276 = arith.addi %add3A_1, %add3A_1275 : i32
      %add3A_1277 = arith.constant 512 : i32
      %add3A_1278 = arith.addi %add3A_1277, %add3A_1276 : i32
      %mul3A_1279 = arith.constant 512 : i32
      %mul3A_1280 = arith.muli %add3A_1278, %mul3A_1279 : i32
      %sub3A_1281 = arith.constant 512 : i32
      %sub3A_1282 = arith.subi %sub3A_1281, %add3A_1276 : i32
      %dma_start3A_1283 = arith.constant 0 : i32
      %dma_start3A_1284 = tpu.memref_slice %arg2[%mul3A_1280, %dma_start3A_1283] : memref<524288x128xf32, #tpu.memory_space<hbm>> -> memref<512x128xf32, #tpu.memory_space<hbm>>
      %dma_start3A_1285 = arith.constant 0 : i32
      %dma_start3A_1286 = tpu.memref_slice %arg3[%sub3A_1282, %dma_start3A_1285] : memref<1024x128xf32, #tpu.memory_space<vmem_shared>> -> memref<512x128xf32, #tpu.memory_space<vmem_shared>>
      tpu.enqueue_dma source(%dma_start3A_1286 : memref<512x128xf32, #tpu.memory_space<vmem_shared>>) target(%dma_start3A_1284 : memref<512x128xf32, #tpu.memory_space<hbm>>) target_semaphore(%run_scoped3A : memref<!tpu.dma_semaphore, #tpu.memory_space<semaphore_mem>>)
      %add3A_1287 = arith.constant 43 : i32
      %add3A_1288 = arith.addi %add3A_1, %add3A_1287 : i32
      %add3A_1289 = arith.constant 0 : i32
      %add3A_1290 = arith.addi %add3A_1289, %add3A_1288 : i32
      %mul3A_1291 = arith.constant 512 : i32
      %mul3A_1292 = arith.muli %add3A_1290, %mul3A_1291 : i32
      %sub3A_1293 = arith.constant 512 : i32
      %sub3A_1294 = arith.subi %sub3A_1293, %add3A_1288 : i32
      %dma_start3A_1295 = arith.constant 0 : i32
      %dma_start3A_1296 = tpu.memref_slice %arg2[%mul3A_1292, %dma_start3A_1295] : memref<524288x128xf32, #tpu.memory_space<hbm>> -> memref<512x128xf32, #tpu.memory_space<hbm>>
      %dma_start3A_1297 = arith.constant 0 : i32
      %dma_start3A_1298 = tpu.memref_slice %arg3[%sub3A_1294, %dma_start3A_1297] : memref<1024x128xf32, #tpu.memory_space<vmem_shared>> -> memref<512x128xf32, #tpu.memory_space<vmem_shared>>
      tpu.enqueue_dma source(%dma_start3A_1298 : memref<512x128xf32, #tpu.memory_space<vmem_shared>>) target(%dma_start3A_1296 : memref<512x128xf32, #tpu.memory_space<hbm>>) target_semaphore(%run_scoped3A : memref<!tpu.dma_semaphore, #tpu.memory_space<semaphore_mem>>)
      %add3A_1299 = arith.constant 43 : i32
      %add3A_1300 = arith.addi %add3A_1, %add3A_1299 : i32
      %add3A_1301 = arith.constant 512 : i32
      %add3A_1302 = arith.addi %add3A_1301, %add3A_1300 : i32
      %mul3A_1303 = arith.constant 512 : i32
      %mul3A_1304 = arith.muli %add3A_1302, %mul3A_1303 : i32
      %sub3A_1305 = arith.constant 512 : i32
      %sub3A_1306 = arith.subi %sub3A_1305, %add3A_1300 : i32
      %dma_start3A_1307 = arith.constant 0 : i32
      %dma_start3A_1308 = tpu.memref_slice %arg2[%mul3A_1304, %dma_start3A_1307] : memref<524288x128xf32, #tpu.memory_space<hbm>> -> memref<512x128xf32, #tpu.memory_space<hbm>>
      %dma_start3A_1309 = arith.constant 0 : i32
      %dma_start3A_1310 = tpu.memref_slice %arg3[%sub3A_1306, %dma_start3A_1309] : memref<1024x128xf32, #tpu.memory_space<vmem_shared>> -> memref<512x128xf32, #tpu.memory_space<vmem_shared>>
      tpu.enqueue_dma source(%dma_start3A_1310 : memref<512x128xf32, #tpu.memory_space<vmem_shared>>) target(%dma_start3A_1308 : memref<512x128xf32, #tpu.memory_space<hbm>>) target_semaphore(%run_scoped3A : memref<!tpu.dma_semaphore, #tpu.memory_space<semaphore_mem>>)
      %add3A_1311 = arith.constant 44 : i32
      %add3A_1312 = arith.addi %add3A_1, %add3A_1311 : i32
      %add3A_1313 = arith.constant 0 : i32
      %add3A_1314 = arith.addi %add3A_1313, %add3A_1312 : i32
      %mul3A_1315 = arith.constant 512 : i32
      %mul3A_1316 = arith.muli %add3A_1314, %mul3A_1315 : i32
      %sub3A_1317 = arith.constant 512 : i32
      %sub3A_1318 = arith.subi %sub3A_1317, %add3A_1312 : i32
      %dma_start3A_1319 = arith.constant 0 : i32
      %dma_start3A_1320 = tpu.memref_slice %arg2[%mul3A_1316, %dma_start3A_1319] : memref<524288x128xf32, #tpu.memory_space<hbm>> -> memref<512x128xf32, #tpu.memory_space<hbm>>
      %dma_start3A_1321 = arith.constant 0 : i32
      %dma_start3A_1322 = tpu.memref_slice %arg3[%sub3A_1318, %dma_start3A_1321] : memref<1024x128xf32, #tpu.memory_space<vmem_shared>> -> memref<512x128xf32, #tpu.memory_space<vmem_shared>>
      tpu.enqueue_dma source(%dma_start3A_1322 : memref<512x128xf32, #tpu.memory_space<vmem_shared>>) target(%dma_start3A_1320 : memref<512x128xf32, #tpu.memory_space<hbm>>) target_semaphore(%run_scoped3A : memref<!tpu.dma_semaphore, #tpu.memory_space<semaphore_mem>>)
      %add3A_1323 = arith.constant 44 : i32
      %add3A_1324 = arith.addi %add3A_1, %add3A_1323 : i32
      %add3A_1325 = arith.constant 512 : i32
      %add3A_1326 = arith.addi %add3A_1325, %add3A_1324 : i32
      %mul3A_1327 = arith.constant 512 : i32
      %mul3A_1328 = arith.muli %add3A_1326, %mul3A_1327 : i32
      %sub3A_1329 = arith.constant 512 : i32
      %sub3A_1330 = arith.subi %sub3A_1329, %add3A_1324 : i32
      %dma_start3A_1331 = arith.constant 0 : i32
      %dma_start3A_1332 = tpu.memref_slice %arg2[%mul3A_1328, %dma_start3A_1331] : memref<524288x128xf32, #tpu.memory_space<hbm>> -> memref<512x128xf32, #tpu.memory_space<hbm>>
      %dma_start3A_1333 = arith.constant 0 : i32
      %dma_start3A_1334 = tpu.memref_slice %arg3[%sub3A_1330, %dma_start3A_1333] : memref<1024x128xf32, #tpu.memory_space<vmem_shared>> -> memref<512x128xf32, #tpu.memory_space<vmem_shared>>
      tpu.enqueue_dma source(%dma_start3A_1334 : memref<512x128xf32, #tpu.memory_space<vmem_shared>>) target(%dma_start3A_1332 : memref<512x128xf32, #tpu.memory_space<hbm>>) target_semaphore(%run_scoped3A : memref<!tpu.dma_semaphore, #tpu.memory_space<semaphore_mem>>)
      %add3A_1335 = arith.constant 45 : i32
      %add3A_1336 = arith.addi %add3A_1, %add3A_1335 : i32
      %add3A_1337 = arith.constant 0 : i32
      %add3A_1338 = arith.addi %add3A_1337, %add3A_1336 : i32
      %mul3A_1339 = arith.constant 512 : i32
      %mul3A_1340 = arith.muli %add3A_1338, %mul3A_1339 : i32
      %sub3A_1341 = arith.constant 512 : i32
      %sub3A_1342 = arith.subi %sub3A_1341, %add3A_1336 : i32
      %dma_start3A_1343 = arith.constant 0 : i32
      %dma_start3A_1344 = tpu.memref_slice %arg2[%mul3A_1340, %dma_start3A_1343] : memref<524288x128xf32, #tpu.memory_space<hbm>> -> memref<512x128xf32, #tpu.memory_space<hbm>>
      %dma_start3A_1345 = arith.constant 0 : i32
      %dma_start3A_1346 = tpu.memref_slice %arg3[%sub3A_1342, %dma_start3A_1345] : memref<1024x128xf32, #tpu.memory_space<vmem_shared>> -> memref<512x128xf32, #tpu.memory_space<vmem_shared>>
      tpu.enqueue_dma source(%dma_start3A_1346 : memref<512x128xf32, #tpu.memory_space<vmem_shared>>) target(%dma_start3A_1344 : memref<512x128xf32, #tpu.memory_space<hbm>>) target_semaphore(%run_scoped3A : memref<!tpu.dma_semaphore, #tpu.memory_space<semaphore_mem>>)
      %add3A_1347 = arith.constant 45 : i32
      %add3A_1348 = arith.addi %add3A_1, %add3A_1347 : i32
      %add3A_1349 = arith.constant 512 : i32
      %add3A_1350 = arith.addi %add3A_1349, %add3A_1348 : i32
      %mul3A_1351 = arith.constant 512 : i32
      %mul3A_1352 = arith.muli %add3A_1350, %mul3A_1351 : i32
      %sub3A_1353 = arith.constant 512 : i32
      %sub3A_1354 = arith.subi %sub3A_1353, %add3A_1348 : i32
      %dma_start3A_1355 = arith.constant 0 : i32
      %dma_start3A_1356 = tpu.memref_slice %arg2[%mul3A_1352, %dma_start3A_1355] : memref<524288x128xf32, #tpu.memory_space<hbm>> -> memref<512x128xf32, #tpu.memory_space<hbm>>
      %dma_start3A_1357 = arith.constant 0 : i32
      %dma_start3A_1358 = tpu.memref_slice %arg3[%sub3A_1354, %dma_start3A_1357] : memref<1024x128xf32, #tpu.memory_space<vmem_shared>> -> memref<512x128xf32, #tpu.memory_space<vmem_shared>>
      tpu.enqueue_dma source(%dma_start3A_1358 : memref<512x128xf32, #tpu.memory_space<vmem_shared>>) target(%dma_start3A_1356 : memref<512x128xf32, #tpu.memory_space<hbm>>) target_semaphore(%run_scoped3A : memref<!tpu.dma_semaphore, #tpu.memory_space<semaphore_mem>>)
      %add3A_1359 = arith.constant 46 : i32
      %add3A_1360 = arith.addi %add3A_1, %add3A_1359 : i32
      %add3A_1361 = arith.constant 0 : i32
      %add3A_1362 = arith.addi %add3A_1361, %add3A_1360 : i32
      %mul3A_1363 = arith.constant 512 : i32
      %mul3A_1364 = arith.muli %add3A_1362, %mul3A_1363 : i32
      %sub3A_1365 = arith.constant 512 : i32
      %sub3A_1366 = arith.subi %sub3A_1365, %add3A_1360 : i32
      %dma_start3A_1367 = arith.constant 0 : i32
      %dma_start3A_1368 = tpu.memref_slice %arg2[%mul3A_1364, %dma_start3A_1367] : memref<524288x128xf32, #tpu.memory_space<hbm>> -> memref<512x128xf32, #tpu.memory_space<hbm>>
      %dma_start3A_1369 = arith.constant 0 : i32
      %dma_start3A_1370 = tpu.memref_slice %arg3[%sub3A_1366, %dma_start3A_1369] : memref<1024x128xf32, #tpu.memory_space<vmem_shared>> -> memref<512x128xf32, #tpu.memory_space<vmem_shared>>
      tpu.enqueue_dma source(%dma_start3A_1370 : memref<512x128xf32, #tpu.memory_space<vmem_shared>>) target(%dma_start3A_1368 : memref<512x128xf32, #tpu.memory_space<hbm>>) target_semaphore(%run_scoped3A : memref<!tpu.dma_semaphore, #tpu.memory_space<semaphore_mem>>)
      %add3A_1371 = arith.constant 46 : i32
      %add3A_1372 = arith.addi %add3A_1, %add3A_1371 : i32
      %add3A_1373 = arith.constant 512 : i32
      %add3A_1374 = arith.addi %add3A_1373, %add3A_1372 : i32
      %mul3A_1375 = arith.constant 512 : i32
      %mul3A_1376 = arith.muli %add3A_1374, %mul3A_1375 : i32
      %sub3A_1377 = arith.constant 512 : i32
      %sub3A_1378 = arith.subi %sub3A_1377, %add3A_1372 : i32
      %dma_start3A_1379 = arith.constant 0 : i32
      %dma_start3A_1380 = tpu.memref_slice %arg2[%mul3A_1376, %dma_start3A_1379] : memref<524288x128xf32, #tpu.memory_space<hbm>> -> memref<512x128xf32, #tpu.memory_space<hbm>>
      %dma_start3A_1381 = arith.constant 0 : i32
      %dma_start3A_1382 = tpu.memref_slice %arg3[%sub3A_1378, %dma_start3A_1381] : memref<1024x128xf32, #tpu.memory_space<vmem_shared>> -> memref<512x128xf32, #tpu.memory_space<vmem_shared>>
      tpu.enqueue_dma source(%dma_start3A_1382 : memref<512x128xf32, #tpu.memory_space<vmem_shared>>) target(%dma_start3A_1380 : memref<512x128xf32, #tpu.memory_space<hbm>>) target_semaphore(%run_scoped3A : memref<!tpu.dma_semaphore, #tpu.memory_space<semaphore_mem>>)
      %add3A_1383 = arith.constant 47 : i32
      %add3A_1384 = arith.addi %add3A_1, %add3A_1383 : i32
      %add3A_1385 = arith.constant 0 : i32
      %add3A_1386 = arith.addi %add3A_1385, %add3A_1384 : i32
      %mul3A_1387 = arith.constant 512 : i32
      %mul3A_1388 = arith.muli %add3A_1386, %mul3A_1387 : i32
      %sub3A_1389 = arith.constant 512 : i32
      %sub3A_1390 = arith.subi %sub3A_1389, %add3A_1384 : i32
      %dma_start3A_1391 = arith.constant 0 : i32
      %dma_start3A_1392 = tpu.memref_slice %arg2[%mul3A_1388, %dma_start3A_1391] : memref<524288x128xf32, #tpu.memory_space<hbm>> -> memref<512x128xf32, #tpu.memory_space<hbm>>
      %dma_start3A_1393 = arith.constant 0 : i32
      %dma_start3A_1394 = tpu.memref_slice %arg3[%sub3A_1390, %dma_start3A_1393] : memref<1024x128xf32, #tpu.memory_space<vmem_shared>> -> memref<512x128xf32, #tpu.memory_space<vmem_shared>>
      tpu.enqueue_dma source(%dma_start3A_1394 : memref<512x128xf32, #tpu.memory_space<vmem_shared>>) target(%dma_start3A_1392 : memref<512x128xf32, #tpu.memory_space<hbm>>) target_semaphore(%run_scoped3A : memref<!tpu.dma_semaphore, #tpu.memory_space<semaphore_mem>>)
      %add3A_1395 = arith.constant 47 : i32
      %add3A_1396 = arith.addi %add3A_1, %add3A_1395 : i32
      %add3A_1397 = arith.constant 512 : i32
      %add3A_1398 = arith.addi %add3A_1397, %add3A_1396 : i32
      %mul3A_1399 = arith.constant 512 : i32
      %mul3A_1400 = arith.muli %add3A_1398, %mul3A_1399 : i32
      %sub3A_1401 = arith.constant 512 : i32
      %sub3A_1402 = arith.subi %sub3A_1401, %add3A_1396 : i32
      %dma_start3A_1403 = arith.constant 0 : i32
      %dma_start3A_1404 = tpu.memref_slice %arg2[%mul3A_1400, %dma_start3A_1403] : memref<524288x128xf32, #tpu.memory_space<hbm>> -> memref<512x128xf32, #tpu.memory_space<hbm>>
      %dma_start3A_1405 = arith.constant 0 : i32
      %dma_start3A_1406 = tpu.memref_slice %arg3[%sub3A_1402, %dma_start3A_1405] : memref<1024x128xf32, #tpu.memory_space<vmem_shared>> -> memref<512x128xf32, #tpu.memory_space<vmem_shared>>
      tpu.enqueue_dma source(%dma_start3A_1406 : memref<512x128xf32, #tpu.memory_space<vmem_shared>>) target(%dma_start3A_1404 : memref<512x128xf32, #tpu.memory_space<hbm>>) target_semaphore(%run_scoped3A : memref<!tpu.dma_semaphore, #tpu.memory_space<semaphore_mem>>)
      %dma_wait3A_1407 = arith.constant 0 : i32
      %dma_wait3A_1408 = tpu.memref_slice %arg2[%mul3A_964, %dma_wait3A_1407] : memref<524288x128xf32, #tpu.memory_space<hbm>> -> memref<512x128xf32, #tpu.memory_space<hbm>>
      %dma_wait3A_1409 = arith.constant 0 : i32
      %dma_wait3A_1410 = tpu.memref_slice %arg3[%sub3A_966, %dma_wait3A_1409] : memref<1024x128xf32, #tpu.memory_space<vmem_shared>> -> memref<512x128xf32, #tpu.memory_space<vmem_shared>>
      tpu.wait_dma2 semaphore(%run_scoped3A : memref<!tpu.dma_semaphore, #tpu.memory_space<semaphore_mem>>) src(%dma_wait3A_1410 : memref<512x128xf32, #tpu.memory_space<vmem_shared>>) dst(%dma_wait3A_1408 : memref<512x128xf32, #tpu.memory_space<hbm>>)
      %dma_wait3A_1411 = arith.constant 0 : i32
      %dma_wait3A_1412 = tpu.memref_slice %arg2[%mul3A_976, %dma_wait3A_1411] : memref<524288x128xf32, #tpu.memory_space<hbm>> -> memref<512x128xf32, #tpu.memory_space<hbm>>
      %dma_wait3A_1413 = arith.constant 0 : i32
      %dma_wait3A_1414 = tpu.memref_slice %arg3[%sub3A_978, %dma_wait3A_1413] : memref<1024x128xf32, #tpu.memory_space<vmem_shared>> -> memref<512x128xf32, #tpu.memory_space<vmem_shared>>
      tpu.wait_dma2 semaphore(%run_scoped3A : memref<!tpu.dma_semaphore, #tpu.memory_space<semaphore_mem>>) src(%dma_wait3A_1414 : memref<512x128xf32, #tpu.memory_space<vmem_shared>>) dst(%dma_wait3A_1412 : memref<512x128xf32, #tpu.memory_space<hbm>>)
      %dma_wait3A_1415 = arith.constant 0 : i32
      %dma_wait3A_1416 = tpu.memref_slice %arg2[%mul3A_988, %dma_wait3A_1415] : memref<524288x128xf32, #tpu.memory_space<hbm>> -> memref<512x128xf32, #tpu.memory_space<hbm>>
      %dma_wait3A_1417 = arith.constant 0 : i32
      %dma_wait3A_1418 = tpu.memref_slice %arg3[%sub3A_990, %dma_wait3A_1417] : memref<1024x128xf32, #tpu.memory_space<vmem_shared>> -> memref<512x128xf32, #tpu.memory_space<vmem_shared>>
      tpu.wait_dma2 semaphore(%run_scoped3A : memref<!tpu.dma_semaphore, #tpu.memory_space<semaphore_mem>>) src(%dma_wait3A_1418 : memref<512x128xf32, #tpu.memory_space<vmem_shared>>) dst(%dma_wait3A_1416 : memref<512x128xf32, #tpu.memory_space<hbm>>)
      %dma_wait3A_1419 = arith.constant 0 : i32
      %dma_wait3A_1420 = tpu.memref_slice %arg2[%mul3A_1000, %dma_wait3A_1419] : memref<524288x128xf32, #tpu.memory_space<hbm>> -> memref<512x128xf32, #tpu.memory_space<hbm>>
      %dma_wait3A_1421 = arith.constant 0 : i32
      %dma_wait3A_1422 = tpu.memref_slice %arg3[%sub3A_1002, %dma_wait3A_1421] : memref<1024x128xf32, #tpu.memory_space<vmem_shared>> -> memref<512x128xf32, #tpu.memory_space<vmem_shared>>
      tpu.wait_dma2 semaphore(%run_scoped3A : memref<!tpu.dma_semaphore, #tpu.memory_space<semaphore_mem>>) src(%dma_wait3A_1422 : memref<512x128xf32, #tpu.memory_space<vmem_shared>>) dst(%dma_wait3A_1420 : memref<512x128xf32, #tpu.memory_space<hbm>>)
      %dma_wait3A_1423 = arith.constant 0 : i32
      %dma_wait3A_1424 = tpu.memref_slice %arg2[%mul3A_1012, %dma_wait3A_1423] : memref<524288x128xf32, #tpu.memory_space<hbm>> -> memref<512x128xf32, #tpu.memory_space<hbm>>
      %dma_wait3A_1425 = arith.constant 0 : i32
      %dma_wait3A_1426 = tpu.memref_slice %arg3[%sub3A_1014, %dma_wait3A_1425] : memref<1024x128xf32, #tpu.memory_space<vmem_shared>> -> memref<512x128xf32, #tpu.memory_space<vmem_shared>>
      tpu.wait_dma2 semaphore(%run_scoped3A : memref<!tpu.dma_semaphore, #tpu.memory_space<semaphore_mem>>) src(%dma_wait3A_1426 : memref<512x128xf32, #tpu.memory_space<vmem_shared>>) dst(%dma_wait3A_1424 : memref<512x128xf32, #tpu.memory_space<hbm>>)
      %dma_wait3A_1427 = arith.constant 0 : i32
      %dma_wait3A_1428 = tpu.memref_slice %arg2[%mul3A_1024, %dma_wait3A_1427] : memref<524288x128xf32, #tpu.memory_space<hbm>> -> memref<512x128xf32, #tpu.memory_space<hbm>>
      %dma_wait3A_1429 = arith.constant 0 : i32
      %dma_wait3A_1430 = tpu.memref_slice %arg3[%sub3A_1026, %dma_wait3A_1429] : memref<1024x128xf32, #tpu.memory_space<vmem_shared>> -> memref<512x128xf32, #tpu.memory_space<vmem_shared>>
      tpu.wait_dma2 semaphore(%run_scoped3A : memref<!tpu.dma_semaphore, #tpu.memory_space<semaphore_mem>>) src(%dma_wait3A_1430 : memref<512x128xf32, #tpu.memory_space<vmem_shared>>) dst(%dma_wait3A_1428 : memref<512x128xf32, #tpu.memory_space<hbm>>)
      %dma_wait3A_1431 = arith.constant 0 : i32
      %dma_wait3A_1432 = tpu.memref_slice %arg2[%mul3A_1036, %dma_wait3A_1431] : memref<524288x128xf32, #tpu.memory_space<hbm>> -> memref<512x128xf32, #tpu.memory_space<hbm>>
      %dma_wait3A_1433 = arith.constant 0 : i32
      %dma_wait3A_1434 = tpu.memref_slice %arg3[%sub3A_1038, %dma_wait3A_1433] : memref<1024x128xf32, #tpu.memory_space<vmem_shared>> -> memref<512x128xf32, #tpu.memory_space<vmem_shared>>
      tpu.wait_dma2 semaphore(%run_scoped3A : memref<!tpu.dma_semaphore, #tpu.memory_space<semaphore_mem>>) src(%dma_wait3A_1434 : memref<512x128xf32, #tpu.memory_space<vmem_shared>>) dst(%dma_wait3A_1432 : memref<512x128xf32, #tpu.memory_space<hbm>>)
      %dma_wait3A_1435 = arith.constant 0 : i32
      %dma_wait3A_1436 = tpu.memref_slice %arg2[%mul3A_1048, %dma_wait3A_1435] : memref<524288x128xf32, #tpu.memory_space<hbm>> -> memref<512x128xf32, #tpu.memory_space<hbm>>
      %dma_wait3A_1437 = arith.constant 0 : i32
      %dma_wait3A_1438 = tpu.memref_slice %arg3[%sub3A_1050, %dma_wait3A_1437] : memref<1024x128xf32, #tpu.memory_space<vmem_shared>> -> memref<512x128xf32, #tpu.memory_space<vmem_shared>>
      tpu.wait_dma2 semaphore(%run_scoped3A : memref<!tpu.dma_semaphore, #tpu.memory_space<semaphore_mem>>) src(%dma_wait3A_1438 : memref<512x128xf32, #tpu.memory_space<vmem_shared>>) dst(%dma_wait3A_1436 : memref<512x128xf32, #tpu.memory_space<hbm>>)
      %dma_wait3A_1439 = arith.constant 0 : i32
      %dma_wait3A_1440 = tpu.memref_slice %arg2[%mul3A_1060, %dma_wait3A_1439] : memref<524288x128xf32, #tpu.memory_space<hbm>> -> memref<512x128xf32, #tpu.memory_space<hbm>>
      %dma_wait3A_1441 = arith.constant 0 : i32
      %dma_wait3A_1442 = tpu.memref_slice %arg3[%sub3A_1062, %dma_wait3A_1441] : memref<1024x128xf32, #tpu.memory_space<vmem_shared>> -> memref<512x128xf32, #tpu.memory_space<vmem_shared>>
      tpu.wait_dma2 semaphore(%run_scoped3A : memref<!tpu.dma_semaphore, #tpu.memory_space<semaphore_mem>>) src(%dma_wait3A_1442 : memref<512x128xf32, #tpu.memory_space<vmem_shared>>) dst(%dma_wait3A_1440 : memref<512x128xf32, #tpu.memory_space<hbm>>)
      %dma_wait3A_1443 = arith.constant 0 : i32
      %dma_wait3A_1444 = tpu.memref_slice %arg2[%mul3A_1072, %dma_wait3A_1443] : memref<524288x128xf32, #tpu.memory_space<hbm>> -> memref<512x128xf32, #tpu.memory_space<hbm>>
      %dma_wait3A_1445 = arith.constant 0 : i32
      %dma_wait3A_1446 = tpu.memref_slice %arg3[%sub3A_1074, %dma_wait3A_1445] : memref<1024x128xf32, #tpu.memory_space<vmem_shared>> -> memref<512x128xf32, #tpu.memory_space<vmem_shared>>
      tpu.wait_dma2 semaphore(%run_scoped3A : memref<!tpu.dma_semaphore, #tpu.memory_space<semaphore_mem>>) src(%dma_wait3A_1446 : memref<512x128xf32, #tpu.memory_space<vmem_shared>>) dst(%dma_wait3A_1444 : memref<512x128xf32, #tpu.memory_space<hbm>>)
      %dma_wait3A_1447 = arith.constant 0 : i32
      %dma_wait3A_1448 = tpu.memref_slice %arg2[%mul3A_1084, %dma_wait3A_1447] : memref<524288x128xf32, #tpu.memory_space<hbm>> -> memref<512x128xf32, #tpu.memory_space<hbm>>
      %dma_wait3A_1449 = arith.constant 0 : i32
      %dma_wait3A_1450 = tpu.memref_slice %arg3[%sub3A_1086, %dma_wait3A_1449] : memref<1024x128xf32, #tpu.memory_space<vmem_shared>> -> memref<512x128xf32, #tpu.memory_space<vmem_shared>>
      tpu.wait_dma2 semaphore(%run_scoped3A : memref<!tpu.dma_semaphore, #tpu.memory_space<semaphore_mem>>) src(%dma_wait3A_1450 : memref<512x128xf32, #tpu.memory_space<vmem_shared>>) dst(%dma_wait3A_1448 : memref<512x128xf32, #tpu.memory_space<hbm>>)
      %dma_wait3A_1451 = arith.constant 0 : i32
      %dma_wait3A_1452 = tpu.memref_slice %arg2[%mul3A_1096, %dma_wait3A_1451] : memref<524288x128xf32, #tpu.memory_space<hbm>> -> memref<512x128xf32, #tpu.memory_space<hbm>>
      %dma_wait3A_1453 = arith.constant 0 : i32
      %dma_wait3A_1454 = tpu.memref_slice %arg3[%sub3A_1098, %dma_wait3A_1453] : memref<1024x128xf32, #tpu.memory_space<vmem_shared>> -> memref<512x128xf32, #tpu.memory_space<vmem_shared>>
      tpu.wait_dma2 semaphore(%run_scoped3A : memref<!tpu.dma_semaphore, #tpu.memory_space<semaphore_mem>>) src(%dma_wait3A_1454 : memref<512x128xf32, #tpu.memory_space<vmem_shared>>) dst(%dma_wait3A_1452 : memref<512x128xf32, #tpu.memory_space<hbm>>)
      %dma_wait3A_1455 = arith.constant 0 : i32
      %dma_wait3A_1456 = tpu.memref_slice %arg2[%mul3A_1108, %dma_wait3A_1455] : memref<524288x128xf32, #tpu.memory_space<hbm>> -> memref<512x128xf32, #tpu.memory_space<hbm>>
      %dma_wait3A_1457 = arith.constant 0 : i32
      %dma_wait3A_1458 = tpu.memref_slice %arg3[%sub3A_1110, %dma_wait3A_1457] : memref<1024x128xf32, #tpu.memory_space<vmem_shared>> -> memref<512x128xf32, #tpu.memory_space<vmem_shared>>
      tpu.wait_dma2 semaphore(%run_scoped3A : memref<!tpu.dma_semaphore, #tpu.memory_space<semaphore_mem>>) src(%dma_wait3A_1458 : memref<512x128xf32, #tpu.memory_space<vmem_shared>>) dst(%dma_wait3A_1456 : memref<512x128xf32, #tpu.memory_space<hbm>>)
      %dma_wait3A_1459 = arith.constant 0 : i32
      %dma_wait3A_1460 = tpu.memref_slice %arg2[%mul3A_1120, %dma_wait3A_1459] : memref<524288x128xf32, #tpu.memory_space<hbm>> -> memref<512x128xf32, #tpu.memory_space<hbm>>
      %dma_wait3A_1461 = arith.constant 0 : i32
      %dma_wait3A_1462 = tpu.memref_slice %arg3[%sub3A_1122, %dma_wait3A_1461] : memref<1024x128xf32, #tpu.memory_space<vmem_shared>> -> memref<512x128xf32, #tpu.memory_space<vmem_shared>>
      tpu.wait_dma2 semaphore(%run_scoped3A : memref<!tpu.dma_semaphore, #tpu.memory_space<semaphore_mem>>) src(%dma_wait3A_1462 : memref<512x128xf32, #tpu.memory_space<vmem_shared>>) dst(%dma_wait3A_1460 : memref<512x128xf32, #tpu.memory_space<hbm>>)
      %dma_wait3A_1463 = arith.constant 0 : i32
      %dma_wait3A_1464 = tpu.memref_slice %arg2[%mul3A_1132, %dma_wait3A_1463] : memref<524288x128xf32, #tpu.memory_space<hbm>> -> memref<512x128xf32, #tpu.memory_space<hbm>>
      %dma_wait3A_1465 = arith.constant 0 : i32
      %dma_wait3A_1466 = tpu.memref_slice %arg3[%sub3A_1134, %dma_wait3A_1465] : memref<1024x128xf32, #tpu.memory_space<vmem_shared>> -> memref<512x128xf32, #tpu.memory_space<vmem_shared>>
      tpu.wait_dma2 semaphore(%run_scoped3A : memref<!tpu.dma_semaphore, #tpu.memory_space<semaphore_mem>>) src(%dma_wait3A_1466 : memref<512x128xf32, #tpu.memory_space<vmem_shared>>) dst(%dma_wait3A_1464 : memref<512x128xf32, #tpu.memory_space<hbm>>)
      %dma_wait3A_1467 = arith.constant 0 : i32
      %dma_wait3A_1468 = tpu.memref_slice %arg2[%mul3A_1144, %dma_wait3A_1467] : memref<524288x128xf32, #tpu.memory_space<hbm>> -> memref<512x128xf32, #tpu.memory_space<hbm>>
      %dma_wait3A_1469 = arith.constant 0 : i32
      %dma_wait3A_1470 = tpu.memref_slice %arg3[%sub3A_1146, %dma_wait3A_1469] : memref<1024x128xf32, #tpu.memory_space<vmem_shared>> -> memref<512x128xf32, #tpu.memory_space<vmem_shared>>
      tpu.wait_dma2 semaphore(%run_scoped3A : memref<!tpu.dma_semaphore, #tpu.memory_space<semaphore_mem>>) src(%dma_wait3A_1470 : memref<512x128xf32, #tpu.memory_space<vmem_shared>>) dst(%dma_wait3A_1468 : memref<512x128xf32, #tpu.memory_space<hbm>>)
      %add3A_1471 = arith.constant 48 : i32
      %add3A_1472 = arith.addi %add3A_1, %add3A_1471 : i32
      %add3A_1473 = arith.constant 0 : i32
      %add3A_1474 = arith.addi %add3A_1473, %add3A_1472 : i32
      %mul3A_1475 = arith.constant 512 : i32
      %mul3A_1476 = arith.muli %add3A_1474, %mul3A_1475 : i32
      %sub3A_1477 = arith.constant 512 : i32
      %sub3A_1478 = arith.subi %sub3A_1477, %add3A_1472 : i32
      %dma_start3A_1479 = arith.constant 0 : i32
      %dma_start3A_1480 = tpu.memref_slice %arg2[%mul3A_1476, %dma_start3A_1479] : memref<524288x128xf32, #tpu.memory_space<hbm>> -> memref<512x128xf32, #tpu.memory_space<hbm>>
      %dma_start3A_1481 = arith.constant 0 : i32
      %dma_start3A_1482 = tpu.memref_slice %arg3[%sub3A_1478, %dma_start3A_1481] : memref<1024x128xf32, #tpu.memory_space<vmem_shared>> -> memref<512x128xf32, #tpu.memory_space<vmem_shared>>
      tpu.enqueue_dma source(%dma_start3A_1482 : memref<512x128xf32, #tpu.memory_space<vmem_shared>>) target(%dma_start3A_1480 : memref<512x128xf32, #tpu.memory_space<hbm>>) target_semaphore(%run_scoped3A : memref<!tpu.dma_semaphore, #tpu.memory_space<semaphore_mem>>)
      %add3A_1483 = arith.constant 48 : i32
      %add3A_1484 = arith.addi %add3A_1, %add3A_1483 : i32
      %add3A_1485 = arith.constant 512 : i32
      %add3A_1486 = arith.addi %add3A_1485, %add3A_1484 : i32
      %mul3A_1487 = arith.constant 512 : i32
      %mul3A_1488 = arith.muli %add3A_1486, %mul3A_1487 : i32
      %sub3A_1489 = arith.constant 512 : i32
      %sub3A_1490 = arith.subi %sub3A_1489, %add3A_1484 : i32
      %dma_start3A_1491 = arith.constant 0 : i32
      %dma_start3A_1492 = tpu.memref_slice %arg2[%mul3A_1488, %dma_start3A_1491] : memref<524288x128xf32, #tpu.memory_space<hbm>> -> memref<512x128xf32, #tpu.memory_space<hbm>>
      %dma_start3A_1493 = arith.constant 0 : i32
      %dma_start3A_1494 = tpu.memref_slice %arg3[%sub3A_1490, %dma_start3A_1493] : memref<1024x128xf32, #tpu.memory_space<vmem_shared>> -> memref<512x128xf32, #tpu.memory_space<vmem_shared>>
      tpu.enqueue_dma source(%dma_start3A_1494 : memref<512x128xf32, #tpu.memory_space<vmem_shared>>) target(%dma_start3A_1492 : memref<512x128xf32, #tpu.memory_space<hbm>>) target_semaphore(%run_scoped3A : memref<!tpu.dma_semaphore, #tpu.memory_space<semaphore_mem>>)
      %add3A_1495 = arith.constant 49 : i32
      %add3A_1496 = arith.addi %add3A_1, %add3A_1495 : i32
      %add3A_1497 = arith.constant 0 : i32
      %add3A_1498 = arith.addi %add3A_1497, %add3A_1496 : i32
      %mul3A_1499 = arith.constant 512 : i32
      %mul3A_1500 = arith.muli %add3A_1498, %mul3A_1499 : i32
      %sub3A_1501 = arith.constant 512 : i32
      %sub3A_1502 = arith.subi %sub3A_1501, %add3A_1496 : i32
      %dma_start3A_1503 = arith.constant 0 : i32
      %dma_start3A_1504 = tpu.memref_slice %arg2[%mul3A_1500, %dma_start3A_1503] : memref<524288x128xf32, #tpu.memory_space<hbm>> -> memref<512x128xf32, #tpu.memory_space<hbm>>
      %dma_start3A_1505 = arith.constant 0 : i32
      %dma_start3A_1506 = tpu.memref_slice %arg3[%sub3A_1502, %dma_start3A_1505] : memref<1024x128xf32, #tpu.memory_space<vmem_shared>> -> memref<512x128xf32, #tpu.memory_space<vmem_shared>>
      tpu.enqueue_dma source(%dma_start3A_1506 : memref<512x128xf32, #tpu.memory_space<vmem_shared>>) target(%dma_start3A_1504 : memref<512x128xf32, #tpu.memory_space<hbm>>) target_semaphore(%run_scoped3A : memref<!tpu.dma_semaphore, #tpu.memory_space<semaphore_mem>>)
      %add3A_1507 = arith.constant 49 : i32
      %add3A_1508 = arith.addi %add3A_1, %add3A_1507 : i32
      %add3A_1509 = arith.constant 512 : i32
      %add3A_1510 = arith.addi %add3A_1509, %add3A_1508 : i32
      %mul3A_1511 = arith.constant 512 : i32
      %mul3A_1512 = arith.muli %add3A_1510, %mul3A_1511 : i32
      %sub3A_1513 = arith.constant 512 : i32
      %sub3A_1514 = arith.subi %sub3A_1513, %add3A_1508 : i32
      %dma_start3A_1515 = arith.constant 0 : i32
      %dma_start3A_1516 = tpu.memref_slice %arg2[%mul3A_1512, %dma_start3A_1515] : memref<524288x128xf32, #tpu.memory_space<hbm>> -> memref<512x128xf32, #tpu.memory_space<hbm>>
      %dma_start3A_1517 = arith.constant 0 : i32
      %dma_start3A_1518 = tpu.memref_slice %arg3[%sub3A_1514, %dma_start3A_1517] : memref<1024x128xf32, #tpu.memory_space<vmem_shared>> -> memref<512x128xf32, #tpu.memory_space<vmem_shared>>
      tpu.enqueue_dma source(%dma_start3A_1518 : memref<512x128xf32, #tpu.memory_space<vmem_shared>>) target(%dma_start3A_1516 : memref<512x128xf32, #tpu.memory_space<hbm>>) target_semaphore(%run_scoped3A : memref<!tpu.dma_semaphore, #tpu.memory_space<semaphore_mem>>)
      %add3A_1519 = arith.constant 50 : i32
      %add3A_1520 = arith.addi %add3A_1, %add3A_1519 : i32
      %add3A_1521 = arith.constant 0 : i32
      %add3A_1522 = arith.addi %add3A_1521, %add3A_1520 : i32
      %mul3A_1523 = arith.constant 512 : i32
      %mul3A_1524 = arith.muli %add3A_1522, %mul3A_1523 : i32
      %sub3A_1525 = arith.constant 512 : i32
      %sub3A_1526 = arith.subi %sub3A_1525, %add3A_1520 : i32
      %dma_start3A_1527 = arith.constant 0 : i32
      %dma_start3A_1528 = tpu.memref_slice %arg2[%mul3A_1524, %dma_start3A_1527] : memref<524288x128xf32, #tpu.memory_space<hbm>> -> memref<512x128xf32, #tpu.memory_space<hbm>>
      %dma_start3A_1529 = arith.constant 0 : i32
      %dma_start3A_1530 = tpu.memref_slice %arg3[%sub3A_1526, %dma_start3A_1529] : memref<1024x128xf32, #tpu.memory_space<vmem_shared>> -> memref<512x128xf32, #tpu.memory_space<vmem_shared>>
      tpu.enqueue_dma source(%dma_start3A_1530 : memref<512x128xf32, #tpu.memory_space<vmem_shared>>) target(%dma_start3A_1528 : memref<512x128xf32, #tpu.memory_space<hbm>>) target_semaphore(%run_scoped3A : memref<!tpu.dma_semaphore, #tpu.memory_space<semaphore_mem>>)
      %add3A_1531 = arith.constant 50 : i32
      %add3A_1532 = arith.addi %add3A_1, %add3A_1531 : i32
      %add3A_1533 = arith.constant 512 : i32
      %add3A_1534 = arith.addi %add3A_1533, %add3A_1532 : i32
      %mul3A_1535 = arith.constant 512 : i32
      %mul3A_1536 = arith.muli %add3A_1534, %mul3A_1535 : i32
      %sub3A_1537 = arith.constant 512 : i32
      %sub3A_1538 = arith.subi %sub3A_1537, %add3A_1532 : i32
      %dma_start3A_1539 = arith.constant 0 : i32
      %dma_start3A_1540 = tpu.memref_slice %arg2[%mul3A_1536, %dma_start3A_1539] : memref<524288x128xf32, #tpu.memory_space<hbm>> -> memref<512x128xf32, #tpu.memory_space<hbm>>
      %dma_start3A_1541 = arith.constant 0 : i32
      %dma_start3A_1542 = tpu.memref_slice %arg3[%sub3A_1538, %dma_start3A_1541] : memref<1024x128xf32, #tpu.memory_space<vmem_shared>> -> memref<512x128xf32, #tpu.memory_space<vmem_shared>>
      tpu.enqueue_dma source(%dma_start3A_1542 : memref<512x128xf32, #tpu.memory_space<vmem_shared>>) target(%dma_start3A_1540 : memref<512x128xf32, #tpu.memory_space<hbm>>) target_semaphore(%run_scoped3A : memref<!tpu.dma_semaphore, #tpu.memory_space<semaphore_mem>>)
      %add3A_1543 = arith.constant 51 : i32
      %add3A_1544 = arith.addi %add3A_1, %add3A_1543 : i32
      %add3A_1545 = arith.constant 0 : i32
      %add3A_1546 = arith.addi %add3A_1545, %add3A_1544 : i32
      %mul3A_1547 = arith.constant 512 : i32
      %mul3A_1548 = arith.muli %add3A_1546, %mul3A_1547 : i32
      %sub3A_1549 = arith.constant 512 : i32
      %sub3A_1550 = arith.subi %sub3A_1549, %add3A_1544 : i32
      %dma_start3A_1551 = arith.constant 0 : i32
      %dma_start3A_1552 = tpu.memref_slice %arg2[%mul3A_1548, %dma_start3A_1551] : memref<524288x128xf32, #tpu.memory_space<hbm>> -> memref<512x128xf32, #tpu.memory_space<hbm>>
      %dma_start3A_1553 = arith.constant 0 : i32
      %dma_start3A_1554 = tpu.memref_slice %arg3[%sub3A_1550, %dma_start3A_1553] : memref<1024x128xf32, #tpu.memory_space<vmem_shared>> -> memref<512x128xf32, #tpu.memory_space<vmem_shared>>
      tpu.enqueue_dma source(%dma_start3A_1554 : memref<512x128xf32, #tpu.memory_space<vmem_shared>>) target(%dma_start3A_1552 : memref<512x128xf32, #tpu.memory_space<hbm>>) target_semaphore(%run_scoped3A : memref<!tpu.dma_semaphore, #tpu.memory_space<semaphore_mem>>)
      %add3A_1555 = arith.constant 51 : i32
      %add3A_1556 = arith.addi %add3A_1, %add3A_1555 : i32
      %add3A_1557 = arith.constant 512 : i32
      %add3A_1558 = arith.addi %add3A_1557, %add3A_1556 : i32
      %mul3A_1559 = arith.constant 512 : i32
      %mul3A_1560 = arith.muli %add3A_1558, %mul3A_1559 : i32
      %sub3A_1561 = arith.constant 512 : i32
      %sub3A_1562 = arith.subi %sub3A_1561, %add3A_1556 : i32
      %dma_start3A_1563 = arith.constant 0 : i32
      %dma_start3A_1564 = tpu.memref_slice %arg2[%mul3A_1560, %dma_start3A_1563] : memref<524288x128xf32, #tpu.memory_space<hbm>> -> memref<512x128xf32, #tpu.memory_space<hbm>>
      %dma_start3A_1565 = arith.constant 0 : i32
      %dma_start3A_1566 = tpu.memref_slice %arg3[%sub3A_1562, %dma_start3A_1565] : memref<1024x128xf32, #tpu.memory_space<vmem_shared>> -> memref<512x128xf32, #tpu.memory_space<vmem_shared>>
      tpu.enqueue_dma source(%dma_start3A_1566 : memref<512x128xf32, #tpu.memory_space<vmem_shared>>) target(%dma_start3A_1564 : memref<512x128xf32, #tpu.memory_space<hbm>>) target_semaphore(%run_scoped3A : memref<!tpu.dma_semaphore, #tpu.memory_space<semaphore_mem>>)
      %add3A_1567 = arith.constant 52 : i32
      %add3A_1568 = arith.addi %add3A_1, %add3A_1567 : i32
      %add3A_1569 = arith.constant 0 : i32
      %add3A_1570 = arith.addi %add3A_1569, %add3A_1568 : i32
      %mul3A_1571 = arith.constant 512 : i32
      %mul3A_1572 = arith.muli %add3A_1570, %mul3A_1571 : i32
      %sub3A_1573 = arith.constant 512 : i32
      %sub3A_1574 = arith.subi %sub3A_1573, %add3A_1568 : i32
      %dma_start3A_1575 = arith.constant 0 : i32
      %dma_start3A_1576 = tpu.memref_slice %arg2[%mul3A_1572, %dma_start3A_1575] : memref<524288x128xf32, #tpu.memory_space<hbm>> -> memref<512x128xf32, #tpu.memory_space<hbm>>
      %dma_start3A_1577 = arith.constant 0 : i32
      %dma_start3A_1578 = tpu.memref_slice %arg3[%sub3A_1574, %dma_start3A_1577] : memref<1024x128xf32, #tpu.memory_space<vmem_shared>> -> memref<512x128xf32, #tpu.memory_space<vmem_shared>>
      tpu.enqueue_dma source(%dma_start3A_1578 : memref<512x128xf32, #tpu.memory_space<vmem_shared>>) target(%dma_start3A_1576 : memref<512x128xf32, #tpu.memory_space<hbm>>) target_semaphore(%run_scoped3A : memref<!tpu.dma_semaphore, #tpu.memory_space<semaphore_mem>>)
      %add3A_1579 = arith.constant 52 : i32
      %add3A_1580 = arith.addi %add3A_1, %add3A_1579 : i32
      %add3A_1581 = arith.constant 512 : i32
      %add3A_1582 = arith.addi %add3A_1581, %add3A_1580 : i32
      %mul3A_1583 = arith.constant 512 : i32
      %mul3A_1584 = arith.muli %add3A_1582, %mul3A_1583 : i32
      %sub3A_1585 = arith.constant 512 : i32
      %sub3A_1586 = arith.subi %sub3A_1585, %add3A_1580 : i32
      %dma_start3A_1587 = arith.constant 0 : i32
      %dma_start3A_1588 = tpu.memref_slice %arg2[%mul3A_1584, %dma_start3A_1587] : memref<524288x128xf32, #tpu.memory_space<hbm>> -> memref<512x128xf32, #tpu.memory_space<hbm>>
      %dma_start3A_1589 = arith.constant 0 : i32
      %dma_start3A_1590 = tpu.memref_slice %arg3[%sub3A_1586, %dma_start3A_1589] : memref<1024x128xf32, #tpu.memory_space<vmem_shared>> -> memref<512x128xf32, #tpu.memory_space<vmem_shared>>
      tpu.enqueue_dma source(%dma_start3A_1590 : memref<512x128xf32, #tpu.memory_space<vmem_shared>>) target(%dma_start3A_1588 : memref<512x128xf32, #tpu.memory_space<hbm>>) target_semaphore(%run_scoped3A : memref<!tpu.dma_semaphore, #tpu.memory_space<semaphore_mem>>)
      %add3A_1591 = arith.constant 53 : i32
      %add3A_1592 = arith.addi %add3A_1, %add3A_1591 : i32
      %add3A_1593 = arith.constant 0 : i32
      %add3A_1594 = arith.addi %add3A_1593, %add3A_1592 : i32
      %mul3A_1595 = arith.constant 512 : i32
      %mul3A_1596 = arith.muli %add3A_1594, %mul3A_1595 : i32
      %sub3A_1597 = arith.constant 512 : i32
      %sub3A_1598 = arith.subi %sub3A_1597, %add3A_1592 : i32
      %dma_start3A_1599 = arith.constant 0 : i32
      %dma_start3A_1600 = tpu.memref_slice %arg2[%mul3A_1596, %dma_start3A_1599] : memref<524288x128xf32, #tpu.memory_space<hbm>> -> memref<512x128xf32, #tpu.memory_space<hbm>>
      %dma_start3A_1601 = arith.constant 0 : i32
      %dma_start3A_1602 = tpu.memref_slice %arg3[%sub3A_1598, %dma_start3A_1601] : memref<1024x128xf32, #tpu.memory_space<vmem_shared>> -> memref<512x128xf32, #tpu.memory_space<vmem_shared>>
      tpu.enqueue_dma source(%dma_start3A_1602 : memref<512x128xf32, #tpu.memory_space<vmem_shared>>) target(%dma_start3A_1600 : memref<512x128xf32, #tpu.memory_space<hbm>>) target_semaphore(%run_scoped3A : memref<!tpu.dma_semaphore, #tpu.memory_space<semaphore_mem>>)
      %add3A_1603 = arith.constant 53 : i32
      %add3A_1604 = arith.addi %add3A_1, %add3A_1603 : i32
      %add3A_1605 = arith.constant 512 : i32
      %add3A_1606 = arith.addi %add3A_1605, %add3A_1604 : i32
      %mul3A_1607 = arith.constant 512 : i32
      %mul3A_1608 = arith.muli %add3A_1606, %mul3A_1607 : i32
      %sub3A_1609 = arith.constant 512 : i32
      %sub3A_1610 = arith.subi %sub3A_1609, %add3A_1604 : i32
      %dma_start3A_1611 = arith.constant 0 : i32
      %dma_start3A_1612 = tpu.memref_slice %arg2[%mul3A_1608, %dma_start3A_1611] : memref<524288x128xf32, #tpu.memory_space<hbm>> -> memref<512x128xf32, #tpu.memory_space<hbm>>
      %dma_start3A_1613 = arith.constant 0 : i32
      %dma_start3A_1614 = tpu.memref_slice %arg3[%sub3A_1610, %dma_start3A_1613] : memref<1024x128xf32, #tpu.memory_space<vmem_shared>> -> memref<512x128xf32, #tpu.memory_space<vmem_shared>>
      tpu.enqueue_dma source(%dma_start3A_1614 : memref<512x128xf32, #tpu.memory_space<vmem_shared>>) target(%dma_start3A_1612 : memref<512x128xf32, #tpu.memory_space<hbm>>) target_semaphore(%run_scoped3A : memref<!tpu.dma_semaphore, #tpu.memory_space<semaphore_mem>>)
      %add3A_1615 = arith.constant 54 : i32
      %add3A_1616 = arith.addi %add3A_1, %add3A_1615 : i32
      %add3A_1617 = arith.constant 0 : i32
      %add3A_1618 = arith.addi %add3A_1617, %add3A_1616 : i32
      %mul3A_1619 = arith.constant 512 : i32
      %mul3A_1620 = arith.muli %add3A_1618, %mul3A_1619 : i32
      %sub3A_1621 = arith.constant 512 : i32
      %sub3A_1622 = arith.subi %sub3A_1621, %add3A_1616 : i32
      %dma_start3A_1623 = arith.constant 0 : i32
      %dma_start3A_1624 = tpu.memref_slice %arg2[%mul3A_1620, %dma_start3A_1623] : memref<524288x128xf32, #tpu.memory_space<hbm>> -> memref<512x128xf32, #tpu.memory_space<hbm>>
      %dma_start3A_1625 = arith.constant 0 : i32
      %dma_start3A_1626 = tpu.memref_slice %arg3[%sub3A_1622, %dma_start3A_1625] : memref<1024x128xf32, #tpu.memory_space<vmem_shared>> -> memref<512x128xf32, #tpu.memory_space<vmem_shared>>
      tpu.enqueue_dma source(%dma_start3A_1626 : memref<512x128xf32, #tpu.memory_space<vmem_shared>>) target(%dma_start3A_1624 : memref<512x128xf32, #tpu.memory_space<hbm>>) target_semaphore(%run_scoped3A : memref<!tpu.dma_semaphore, #tpu.memory_space<semaphore_mem>>)
      %add3A_1627 = arith.constant 54 : i32
      %add3A_1628 = arith.addi %add3A_1, %add3A_1627 : i32
      %add3A_1629 = arith.constant 512 : i32
      %add3A_1630 = arith.addi %add3A_1629, %add3A_1628 : i32
      %mul3A_1631 = arith.constant 512 : i32
      %mul3A_1632 = arith.muli %add3A_1630, %mul3A_1631 : i32
      %sub3A_1633 = arith.constant 512 : i32
      %sub3A_1634 = arith.subi %sub3A_1633, %add3A_1628 : i32
      %dma_start3A_1635 = arith.constant 0 : i32
      %dma_start3A_1636 = tpu.memref_slice %arg2[%mul3A_1632, %dma_start3A_1635] : memref<524288x128xf32, #tpu.memory_space<hbm>> -> memref<512x128xf32, #tpu.memory_space<hbm>>
      %dma_start3A_1637 = arith.constant 0 : i32
      %dma_start3A_1638 = tpu.memref_slice %arg3[%sub3A_1634, %dma_start3A_1637] : memref<1024x128xf32, #tpu.memory_space<vmem_shared>> -> memref<512x128xf32, #tpu.memory_space<vmem_shared>>
      tpu.enqueue_dma source(%dma_start3A_1638 : memref<512x128xf32, #tpu.memory_space<vmem_shared>>) target(%dma_start3A_1636 : memref<512x128xf32, #tpu.memory_space<hbm>>) target_semaphore(%run_scoped3A : memref<!tpu.dma_semaphore, #tpu.memory_space<semaphore_mem>>)
      %add3A_1639 = arith.constant 55 : i32
      %add3A_1640 = arith.addi %add3A_1, %add3A_1639 : i32
      %add3A_1641 = arith.constant 0 : i32
      %add3A_1642 = arith.addi %add3A_1641, %add3A_1640 : i32
      %mul3A_1643 = arith.constant 512 : i32
      %mul3A_1644 = arith.muli %add3A_1642, %mul3A_1643 : i32
      %sub3A_1645 = arith.constant 512 : i32
      %sub3A_1646 = arith.subi %sub3A_1645, %add3A_1640 : i32
      %dma_start3A_1647 = arith.constant 0 : i32
      %dma_start3A_1648 = tpu.memref_slice %arg2[%mul3A_1644, %dma_start3A_1647] : memref<524288x128xf32, #tpu.memory_space<hbm>> -> memref<512x128xf32, #tpu.memory_space<hbm>>
      %dma_start3A_1649 = arith.constant 0 : i32
      %dma_start3A_1650 = tpu.memref_slice %arg3[%sub3A_1646, %dma_start3A_1649] : memref<1024x128xf32, #tpu.memory_space<vmem_shared>> -> memref<512x128xf32, #tpu.memory_space<vmem_shared>>
      tpu.enqueue_dma source(%dma_start3A_1650 : memref<512x128xf32, #tpu.memory_space<vmem_shared>>) target(%dma_start3A_1648 : memref<512x128xf32, #tpu.memory_space<hbm>>) target_semaphore(%run_scoped3A : memref<!tpu.dma_semaphore, #tpu.memory_space<semaphore_mem>>)
      %add3A_1651 = arith.constant 55 : i32
      %add3A_1652 = arith.addi %add3A_1, %add3A_1651 : i32
      %add3A_1653 = arith.constant 512 : i32
      %add3A_1654 = arith.addi %add3A_1653, %add3A_1652 : i32
      %mul3A_1655 = arith.constant 512 : i32
      %mul3A_1656 = arith.muli %add3A_1654, %mul3A_1655 : i32
      %sub3A_1657 = arith.constant 512 : i32
      %sub3A_1658 = arith.subi %sub3A_1657, %add3A_1652 : i32
      %dma_start3A_1659 = arith.constant 0 : i32
      %dma_start3A_1660 = tpu.memref_slice %arg2[%mul3A_1656, %dma_start3A_1659] : memref<524288x128xf32, #tpu.memory_space<hbm>> -> memref<512x128xf32, #tpu.memory_space<hbm>>
      %dma_start3A_1661 = arith.constant 0 : i32
      %dma_start3A_1662 = tpu.memref_slice %arg3[%sub3A_1658, %dma_start3A_1661] : memref<1024x128xf32, #tpu.memory_space<vmem_shared>> -> memref<512x128xf32, #tpu.memory_space<vmem_shared>>
      tpu.enqueue_dma source(%dma_start3A_1662 : memref<512x128xf32, #tpu.memory_space<vmem_shared>>) target(%dma_start3A_1660 : memref<512x128xf32, #tpu.memory_space<hbm>>) target_semaphore(%run_scoped3A : memref<!tpu.dma_semaphore, #tpu.memory_space<semaphore_mem>>)
      %dma_wait3A_1663 = arith.constant 0 : i32
      %dma_wait3A_1664 = tpu.memref_slice %arg2[%mul3A_1220, %dma_wait3A_1663] : memref<524288x128xf32, #tpu.memory_space<hbm>> -> memref<512x128xf32, #tpu.memory_space<hbm>>
      %dma_wait3A_1665 = arith.constant 0 : i32
      %dma_wait3A_1666 = tpu.memref_slice %arg3[%sub3A_1222, %dma_wait3A_1665] : memref<1024x128xf32, #tpu.memory_space<vmem_shared>> -> memref<512x128xf32, #tpu.memory_space<vmem_shared>>
      tpu.wait_dma2 semaphore(%run_scoped3A : memref<!tpu.dma_semaphore, #tpu.memory_space<semaphore_mem>>) src(%dma_wait3A_1666 : memref<512x128xf32, #tpu.memory_space<vmem_shared>>) dst(%dma_wait3A_1664 : memref<512x128xf32, #tpu.memory_space<hbm>>)
      %dma_wait3A_1667 = arith.constant 0 : i32
      %dma_wait3A_1668 = tpu.memref_slice %arg2[%mul3A_1232, %dma_wait3A_1667] : memref<524288x128xf32, #tpu.memory_space<hbm>> -> memref<512x128xf32, #tpu.memory_space<hbm>>
      %dma_wait3A_1669 = arith.constant 0 : i32
      %dma_wait3A_1670 = tpu.memref_slice %arg3[%sub3A_1234, %dma_wait3A_1669] : memref<1024x128xf32, #tpu.memory_space<vmem_shared>> -> memref<512x128xf32, #tpu.memory_space<vmem_shared>>
      tpu.wait_dma2 semaphore(%run_scoped3A : memref<!tpu.dma_semaphore, #tpu.memory_space<semaphore_mem>>) src(%dma_wait3A_1670 : memref<512x128xf32, #tpu.memory_space<vmem_shared>>) dst(%dma_wait3A_1668 : memref<512x128xf32, #tpu.memory_space<hbm>>)
      %dma_wait3A_1671 = arith.constant 0 : i32
      %dma_wait3A_1672 = tpu.memref_slice %arg2[%mul3A_1244, %dma_wait3A_1671] : memref<524288x128xf32, #tpu.memory_space<hbm>> -> memref<512x128xf32, #tpu.memory_space<hbm>>
      %dma_wait3A_1673 = arith.constant 0 : i32
      %dma_wait3A_1674 = tpu.memref_slice %arg3[%sub3A_1246, %dma_wait3A_1673] : memref<1024x128xf32, #tpu.memory_space<vmem_shared>> -> memref<512x128xf32, #tpu.memory_space<vmem_shared>>
      tpu.wait_dma2 semaphore(%run_scoped3A : memref<!tpu.dma_semaphore, #tpu.memory_space<semaphore_mem>>) src(%dma_wait3A_1674 : memref<512x128xf32, #tpu.memory_space<vmem_shared>>) dst(%dma_wait3A_1672 : memref<512x128xf32, #tpu.memory_space<hbm>>)
      %dma_wait3A_1675 = arith.constant 0 : i32
      %dma_wait3A_1676 = tpu.memref_slice %arg2[%mul3A_1256, %dma_wait3A_1675] : memref<524288x128xf32, #tpu.memory_space<hbm>> -> memref<512x128xf32, #tpu.memory_space<hbm>>
      %dma_wait3A_1677 = arith.constant 0 : i32
      %dma_wait3A_1678 = tpu.memref_slice %arg3[%sub3A_1258, %dma_wait3A_1677] : memref<1024x128xf32, #tpu.memory_space<vmem_shared>> -> memref<512x128xf32, #tpu.memory_space<vmem_shared>>
      tpu.wait_dma2 semaphore(%run_scoped3A : memref<!tpu.dma_semaphore, #tpu.memory_space<semaphore_mem>>) src(%dma_wait3A_1678 : memref<512x128xf32, #tpu.memory_space<vmem_shared>>) dst(%dma_wait3A_1676 : memref<512x128xf32, #tpu.memory_space<hbm>>)
      %dma_wait3A_1679 = arith.constant 0 : i32
      %dma_wait3A_1680 = tpu.memref_slice %arg2[%mul3A_1268, %dma_wait3A_1679] : memref<524288x128xf32, #tpu.memory_space<hbm>> -> memref<512x128xf32, #tpu.memory_space<hbm>>
      %dma_wait3A_1681 = arith.constant 0 : i32
      %dma_wait3A_1682 = tpu.memref_slice %arg3[%sub3A_1270, %dma_wait3A_1681] : memref<1024x128xf32, #tpu.memory_space<vmem_shared>> -> memref<512x128xf32, #tpu.memory_space<vmem_shared>>
      tpu.wait_dma2 semaphore(%run_scoped3A : memref<!tpu.dma_semaphore, #tpu.memory_space<semaphore_mem>>) src(%dma_wait3A_1682 : memref<512x128xf32, #tpu.memory_space<vmem_shared>>) dst(%dma_wait3A_1680 : memref<512x128xf32, #tpu.memory_space<hbm>>)
      %dma_wait3A_1683 = arith.constant 0 : i32
      %dma_wait3A_1684 = tpu.memref_slice %arg2[%mul3A_1280, %dma_wait3A_1683] : memref<524288x128xf32, #tpu.memory_space<hbm>> -> memref<512x128xf32, #tpu.memory_space<hbm>>
      %dma_wait3A_1685 = arith.constant 0 : i32
      %dma_wait3A_1686 = tpu.memref_slice %arg3[%sub3A_1282, %dma_wait3A_1685] : memref<1024x128xf32, #tpu.memory_space<vmem_shared>> -> memref<512x128xf32, #tpu.memory_space<vmem_shared>>
      tpu.wait_dma2 semaphore(%run_scoped3A : memref<!tpu.dma_semaphore, #tpu.memory_space<semaphore_mem>>) src(%dma_wait3A_1686 : memref<512x128xf32, #tpu.memory_space<vmem_shared>>) dst(%dma_wait3A_1684 : memref<512x128xf32, #tpu.memory_space<hbm>>)
      %dma_wait3A_1687 = arith.constant 0 : i32
      %dma_wait3A_1688 = tpu.memref_slice %arg2[%mul3A_1292, %dma_wait3A_1687] : memref<524288x128xf32, #tpu.memory_space<hbm>> -> memref<512x128xf32, #tpu.memory_space<hbm>>
      %dma_wait3A_1689 = arith.constant 0 : i32
      %dma_wait3A_1690 = tpu.memref_slice %arg3[%sub3A_1294, %dma_wait3A_1689] : memref<1024x128xf32, #tpu.memory_space<vmem_shared>> -> memref<512x128xf32, #tpu.memory_space<vmem_shared>>
      tpu.wait_dma2 semaphore(%run_scoped3A : memref<!tpu.dma_semaphore, #tpu.memory_space<semaphore_mem>>) src(%dma_wait3A_1690 : memref<512x128xf32, #tpu.memory_space<vmem_shared>>) dst(%dma_wait3A_1688 : memref<512x128xf32, #tpu.memory_space<hbm>>)
      %dma_wait3A_1691 = arith.constant 0 : i32
      %dma_wait3A_1692 = tpu.memref_slice %arg2[%mul3A_1304, %dma_wait3A_1691] : memref<524288x128xf32, #tpu.memory_space<hbm>> -> memref<512x128xf32, #tpu.memory_space<hbm>>
      %dma_wait3A_1693 = arith.constant 0 : i32
      %dma_wait3A_1694 = tpu.memref_slice %arg3[%sub3A_1306, %dma_wait3A_1693] : memref<1024x128xf32, #tpu.memory_space<vmem_shared>> -> memref<512x128xf32, #tpu.memory_space<vmem_shared>>
      tpu.wait_dma2 semaphore(%run_scoped3A : memref<!tpu.dma_semaphore, #tpu.memory_space<semaphore_mem>>) src(%dma_wait3A_1694 : memref<512x128xf32, #tpu.memory_space<vmem_shared>>) dst(%dma_wait3A_1692 : memref<512x128xf32, #tpu.memory_space<hbm>>)
      %dma_wait3A_1695 = arith.constant 0 : i32
      %dma_wait3A_1696 = tpu.memref_slice %arg2[%mul3A_1316, %dma_wait3A_1695] : memref<524288x128xf32, #tpu.memory_space<hbm>> -> memref<512x128xf32, #tpu.memory_space<hbm>>
      %dma_wait3A_1697 = arith.constant 0 : i32
      %dma_wait3A_1698 = tpu.memref_slice %arg3[%sub3A_1318, %dma_wait3A_1697] : memref<1024x128xf32, #tpu.memory_space<vmem_shared>> -> memref<512x128xf32, #tpu.memory_space<vmem_shared>>
      tpu.wait_dma2 semaphore(%run_scoped3A : memref<!tpu.dma_semaphore, #tpu.memory_space<semaphore_mem>>) src(%dma_wait3A_1698 : memref<512x128xf32, #tpu.memory_space<vmem_shared>>) dst(%dma_wait3A_1696 : memref<512x128xf32, #tpu.memory_space<hbm>>)
      %dma_wait3A_1699 = arith.constant 0 : i32
      %dma_wait3A_1700 = tpu.memref_slice %arg2[%mul3A_1328, %dma_wait3A_1699] : memref<524288x128xf32, #tpu.memory_space<hbm>> -> memref<512x128xf32, #tpu.memory_space<hbm>>
      %dma_wait3A_1701 = arith.constant 0 : i32
      %dma_wait3A_1702 = tpu.memref_slice %arg3[%sub3A_1330, %dma_wait3A_1701] : memref<1024x128xf32, #tpu.memory_space<vmem_shared>> -> memref<512x128xf32, #tpu.memory_space<vmem_shared>>
      tpu.wait_dma2 semaphore(%run_scoped3A : memref<!tpu.dma_semaphore, #tpu.memory_space<semaphore_mem>>) src(%dma_wait3A_1702 : memref<512x128xf32, #tpu.memory_space<vmem_shared>>) dst(%dma_wait3A_1700 : memref<512x128xf32, #tpu.memory_space<hbm>>)
      %dma_wait3A_1703 = arith.constant 0 : i32
      %dma_wait3A_1704 = tpu.memref_slice %arg2[%mul3A_1340, %dma_wait3A_1703] : memref<524288x128xf32, #tpu.memory_space<hbm>> -> memref<512x128xf32, #tpu.memory_space<hbm>>
      %dma_wait3A_1705 = arith.constant 0 : i32
      %dma_wait3A_1706 = tpu.memref_slice %arg3[%sub3A_1342, %dma_wait3A_1705] : memref<1024x128xf32, #tpu.memory_space<vmem_shared>> -> memref<512x128xf32, #tpu.memory_space<vmem_shared>>
      tpu.wait_dma2 semaphore(%run_scoped3A : memref<!tpu.dma_semaphore, #tpu.memory_space<semaphore_mem>>) src(%dma_wait3A_1706 : memref<512x128xf32, #tpu.memory_space<vmem_shared>>) dst(%dma_wait3A_1704 : memref<512x128xf32, #tpu.memory_space<hbm>>)
      %dma_wait3A_1707 = arith.constant 0 : i32
      %dma_wait3A_1708 = tpu.memref_slice %arg2[%mul3A_1352, %dma_wait3A_1707] : memref<524288x128xf32, #tpu.memory_space<hbm>> -> memref<512x128xf32, #tpu.memory_space<hbm>>
      %dma_wait3A_1709 = arith.constant 0 : i32
      %dma_wait3A_1710 = tpu.memref_slice %arg3[%sub3A_1354, %dma_wait3A_1709] : memref<1024x128xf32, #tpu.memory_space<vmem_shared>> -> memref<512x128xf32, #tpu.memory_space<vmem_shared>>
      tpu.wait_dma2 semaphore(%run_scoped3A : memref<!tpu.dma_semaphore, #tpu.memory_space<semaphore_mem>>) src(%dma_wait3A_1710 : memref<512x128xf32, #tpu.memory_space<vmem_shared>>) dst(%dma_wait3A_1708 : memref<512x128xf32, #tpu.memory_space<hbm>>)
      %dma_wait3A_1711 = arith.constant 0 : i32
      %dma_wait3A_1712 = tpu.memref_slice %arg2[%mul3A_1364, %dma_wait3A_1711] : memref<524288x128xf32, #tpu.memory_space<hbm>> -> memref<512x128xf32, #tpu.memory_space<hbm>>
      %dma_wait3A_1713 = arith.constant 0 : i32
      %dma_wait3A_1714 = tpu.memref_slice %arg3[%sub3A_1366, %dma_wait3A_1713] : memref<1024x128xf32, #tpu.memory_space<vmem_shared>> -> memref<512x128xf32, #tpu.memory_space<vmem_shared>>
      tpu.wait_dma2 semaphore(%run_scoped3A : memref<!tpu.dma_semaphore, #tpu.memory_space<semaphore_mem>>) src(%dma_wait3A_1714 : memref<512x128xf32, #tpu.memory_space<vmem_shared>>) dst(%dma_wait3A_1712 : memref<512x128xf32, #tpu.memory_space<hbm>>)
      %dma_wait3A_1715 = arith.constant 0 : i32
      %dma_wait3A_1716 = tpu.memref_slice %arg2[%mul3A_1376, %dma_wait3A_1715] : memref<524288x128xf32, #tpu.memory_space<hbm>> -> memref<512x128xf32, #tpu.memory_space<hbm>>
      %dma_wait3A_1717 = arith.constant 0 : i32
      %dma_wait3A_1718 = tpu.memref_slice %arg3[%sub3A_1378, %dma_wait3A_1717] : memref<1024x128xf32, #tpu.memory_space<vmem_shared>> -> memref<512x128xf32, #tpu.memory_space<vmem_shared>>
      tpu.wait_dma2 semaphore(%run_scoped3A : memref<!tpu.dma_semaphore, #tpu.memory_space<semaphore_mem>>) src(%dma_wait3A_1718 : memref<512x128xf32, #tpu.memory_space<vmem_shared>>) dst(%dma_wait3A_1716 : memref<512x128xf32, #tpu.memory_space<hbm>>)
      %dma_wait3A_1719 = arith.constant 0 : i32
      %dma_wait3A_1720 = tpu.memref_slice %arg2[%mul3A_1388, %dma_wait3A_1719] : memref<524288x128xf32, #tpu.memory_space<hbm>> -> memref<512x128xf32, #tpu.memory_space<hbm>>
      %dma_wait3A_1721 = arith.constant 0 : i32
      %dma_wait3A_1722 = tpu.memref_slice %arg3[%sub3A_1390, %dma_wait3A_1721] : memref<1024x128xf32, #tpu.memory_space<vmem_shared>> -> memref<512x128xf32, #tpu.memory_space<vmem_shared>>
      tpu.wait_dma2 semaphore(%run_scoped3A : memref<!tpu.dma_semaphore, #tpu.memory_space<semaphore_mem>>) src(%dma_wait3A_1722 : memref<512x128xf32, #tpu.memory_space<vmem_shared>>) dst(%dma_wait3A_1720 : memref<512x128xf32, #tpu.memory_space<hbm>>)
      %dma_wait3A_1723 = arith.constant 0 : i32
      %dma_wait3A_1724 = tpu.memref_slice %arg2[%mul3A_1400, %dma_wait3A_1723] : memref<524288x128xf32, #tpu.memory_space<hbm>> -> memref<512x128xf32, #tpu.memory_space<hbm>>
      %dma_wait3A_1725 = arith.constant 0 : i32
      %dma_wait3A_1726 = tpu.memref_slice %arg3[%sub3A_1402, %dma_wait3A_1725] : memref<1024x128xf32, #tpu.memory_space<vmem_shared>> -> memref<512x128xf32, #tpu.memory_space<vmem_shared>>
      tpu.wait_dma2 semaphore(%run_scoped3A : memref<!tpu.dma_semaphore, #tpu.memory_space<semaphore_mem>>) src(%dma_wait3A_1726 : memref<512x128xf32, #tpu.memory_space<vmem_shared>>) dst(%dma_wait3A_1724 : memref<512x128xf32, #tpu.memory_space<hbm>>)
      %add3A_1727 = arith.constant 56 : i32
      %add3A_1728 = arith.addi %add3A_1, %add3A_1727 : i32
      %add3A_1729 = arith.constant 0 : i32
      %add3A_1730 = arith.addi %add3A_1729, %add3A_1728 : i32
      %mul3A_1731 = arith.constant 512 : i32
      %mul3A_1732 = arith.muli %add3A_1730, %mul3A_1731 : i32
      %sub3A_1733 = arith.constant 512 : i32
      %sub3A_1734 = arith.subi %sub3A_1733, %add3A_1728 : i32
      %dma_start3A_1735 = arith.constant 0 : i32
      %dma_start3A_1736 = tpu.memref_slice %arg2[%mul3A_1732, %dma_start3A_1735] : memref<524288x128xf32, #tpu.memory_space<hbm>> -> memref<512x128xf32, #tpu.memory_space<hbm>>
      %dma_start3A_1737 = arith.constant 0 : i32
      %dma_start3A_1738 = tpu.memref_slice %arg3[%sub3A_1734, %dma_start3A_1737] : memref<1024x128xf32, #tpu.memory_space<vmem_shared>> -> memref<512x128xf32, #tpu.memory_space<vmem_shared>>
      tpu.enqueue_dma source(%dma_start3A_1738 : memref<512x128xf32, #tpu.memory_space<vmem_shared>>) target(%dma_start3A_1736 : memref<512x128xf32, #tpu.memory_space<hbm>>) target_semaphore(%run_scoped3A : memref<!tpu.dma_semaphore, #tpu.memory_space<semaphore_mem>>)
      %add3A_1739 = arith.constant 56 : i32
      %add3A_1740 = arith.addi %add3A_1, %add3A_1739 : i32
      %add3A_1741 = arith.constant 512 : i32
      %add3A_1742 = arith.addi %add3A_1741, %add3A_1740 : i32
      %mul3A_1743 = arith.constant 512 : i32
      %mul3A_1744 = arith.muli %add3A_1742, %mul3A_1743 : i32
      %sub3A_1745 = arith.constant 512 : i32
      %sub3A_1746 = arith.subi %sub3A_1745, %add3A_1740 : i32
      %dma_start3A_1747 = arith.constant 0 : i32
      %dma_start3A_1748 = tpu.memref_slice %arg2[%mul3A_1744, %dma_start3A_1747] : memref<524288x128xf32, #tpu.memory_space<hbm>> -> memref<512x128xf32, #tpu.memory_space<hbm>>
      %dma_start3A_1749 = arith.constant 0 : i32
      %dma_start3A_1750 = tpu.memref_slice %arg3[%sub3A_1746, %dma_start3A_1749] : memref<1024x128xf32, #tpu.memory_space<vmem_shared>> -> memref<512x128xf32, #tpu.memory_space<vmem_shared>>
      tpu.enqueue_dma source(%dma_start3A_1750 : memref<512x128xf32, #tpu.memory_space<vmem_shared>>) target(%dma_start3A_1748 : memref<512x128xf32, #tpu.memory_space<hbm>>) target_semaphore(%run_scoped3A : memref<!tpu.dma_semaphore, #tpu.memory_space<semaphore_mem>>)
      %add3A_1751 = arith.constant 57 : i32
      %add3A_1752 = arith.addi %add3A_1, %add3A_1751 : i32
      %add3A_1753 = arith.constant 0 : i32
      %add3A_1754 = arith.addi %add3A_1753, %add3A_1752 : i32
      %mul3A_1755 = arith.constant 512 : i32
      %mul3A_1756 = arith.muli %add3A_1754, %mul3A_1755 : i32
      %sub3A_1757 = arith.constant 512 : i32
      %sub3A_1758 = arith.subi %sub3A_1757, %add3A_1752 : i32
      %dma_start3A_1759 = arith.constant 0 : i32
      %dma_start3A_1760 = tpu.memref_slice %arg2[%mul3A_1756, %dma_start3A_1759] : memref<524288x128xf32, #tpu.memory_space<hbm>> -> memref<512x128xf32, #tpu.memory_space<hbm>>
      %dma_start3A_1761 = arith.constant 0 : i32
      %dma_start3A_1762 = tpu.memref_slice %arg3[%sub3A_1758, %dma_start3A_1761] : memref<1024x128xf32, #tpu.memory_space<vmem_shared>> -> memref<512x128xf32, #tpu.memory_space<vmem_shared>>
      tpu.enqueue_dma source(%dma_start3A_1762 : memref<512x128xf32, #tpu.memory_space<vmem_shared>>) target(%dma_start3A_1760 : memref<512x128xf32, #tpu.memory_space<hbm>>) target_semaphore(%run_scoped3A : memref<!tpu.dma_semaphore, #tpu.memory_space<semaphore_mem>>)
      %add3A_1763 = arith.constant 57 : i32
      %add3A_1764 = arith.addi %add3A_1, %add3A_1763 : i32
      %add3A_1765 = arith.constant 512 : i32
      %add3A_1766 = arith.addi %add3A_1765, %add3A_1764 : i32
      %mul3A_1767 = arith.constant 512 : i32
      %mul3A_1768 = arith.muli %add3A_1766, %mul3A_1767 : i32
      %sub3A_1769 = arith.constant 512 : i32
      %sub3A_1770 = arith.subi %sub3A_1769, %add3A_1764 : i32
      %dma_start3A_1771 = arith.constant 0 : i32
      %dma_start3A_1772 = tpu.memref_slice %arg2[%mul3A_1768, %dma_start3A_1771] : memref<524288x128xf32, #tpu.memory_space<hbm>> -> memref<512x128xf32, #tpu.memory_space<hbm>>
      %dma_start3A_1773 = arith.constant 0 : i32
      %dma_start3A_1774 = tpu.memref_slice %arg3[%sub3A_1770, %dma_start3A_1773] : memref<1024x128xf32, #tpu.memory_space<vmem_shared>> -> memref<512x128xf32, #tpu.memory_space<vmem_shared>>
      tpu.enqueue_dma source(%dma_start3A_1774 : memref<512x128xf32, #tpu.memory_space<vmem_shared>>) target(%dma_start3A_1772 : memref<512x128xf32, #tpu.memory_space<hbm>>) target_semaphore(%run_scoped3A : memref<!tpu.dma_semaphore, #tpu.memory_space<semaphore_mem>>)
      %add3A_1775 = arith.constant 58 : i32
      %add3A_1776 = arith.addi %add3A_1, %add3A_1775 : i32
      %add3A_1777 = arith.constant 0 : i32
      %add3A_1778 = arith.addi %add3A_1777, %add3A_1776 : i32
      %mul3A_1779 = arith.constant 512 : i32
      %mul3A_1780 = arith.muli %add3A_1778, %mul3A_1779 : i32
      %sub3A_1781 = arith.constant 512 : i32
      %sub3A_1782 = arith.subi %sub3A_1781, %add3A_1776 : i32
      %dma_start3A_1783 = arith.constant 0 : i32
      %dma_start3A_1784 = tpu.memref_slice %arg2[%mul3A_1780, %dma_start3A_1783] : memref<524288x128xf32, #tpu.memory_space<hbm>> -> memref<512x128xf32, #tpu.memory_space<hbm>>
      %dma_start3A_1785 = arith.constant 0 : i32
      %dma_start3A_1786 = tpu.memref_slice %arg3[%sub3A_1782, %dma_start3A_1785] : memref<1024x128xf32, #tpu.memory_space<vmem_shared>> -> memref<512x128xf32, #tpu.memory_space<vmem_shared>>
      tpu.enqueue_dma source(%dma_start3A_1786 : memref<512x128xf32, #tpu.memory_space<vmem_shared>>) target(%dma_start3A_1784 : memref<512x128xf32, #tpu.memory_space<hbm>>) target_semaphore(%run_scoped3A : memref<!tpu.dma_semaphore, #tpu.memory_space<semaphore_mem>>)
      %add3A_1787 = arith.constant 58 : i32
      %add3A_1788 = arith.addi %add3A_1, %add3A_1787 : i32
      %add3A_1789 = arith.constant 512 : i32
      %add3A_1790 = arith.addi %add3A_1789, %add3A_1788 : i32
      %mul3A_1791 = arith.constant 512 : i32
      %mul3A_1792 = arith.muli %add3A_1790, %mul3A_1791 : i32
      %sub3A_1793 = arith.constant 512 : i32
      %sub3A_1794 = arith.subi %sub3A_1793, %add3A_1788 : i32
      %dma_start3A_1795 = arith.constant 0 : i32
      %dma_start3A_1796 = tpu.memref_slice %arg2[%mul3A_1792, %dma_start3A_1795] : memref<524288x128xf32, #tpu.memory_space<hbm>> -> memref<512x128xf32, #tpu.memory_space<hbm>>
      %dma_start3A_1797 = arith.constant 0 : i32
      %dma_start3A_1798 = tpu.memref_slice %arg3[%sub3A_1794, %dma_start3A_1797] : memref<1024x128xf32, #tpu.memory_space<vmem_shared>> -> memref<512x128xf32, #tpu.memory_space<vmem_shared>>
      tpu.enqueue_dma source(%dma_start3A_1798 : memref<512x128xf32, #tpu.memory_space<vmem_shared>>) target(%dma_start3A_1796 : memref<512x128xf32, #tpu.memory_space<hbm>>) target_semaphore(%run_scoped3A : memref<!tpu.dma_semaphore, #tpu.memory_space<semaphore_mem>>)
      %add3A_1799 = arith.constant 59 : i32
      %add3A_1800 = arith.addi %add3A_1, %add3A_1799 : i32
      %add3A_1801 = arith.constant 0 : i32
      %add3A_1802 = arith.addi %add3A_1801, %add3A_1800 : i32
      %mul3A_1803 = arith.constant 512 : i32
      %mul3A_1804 = arith.muli %add3A_1802, %mul3A_1803 : i32
      %sub3A_1805 = arith.constant 512 : i32
      %sub3A_1806 = arith.subi %sub3A_1805, %add3A_1800 : i32
      %dma_start3A_1807 = arith.constant 0 : i32
      %dma_start3A_1808 = tpu.memref_slice %arg2[%mul3A_1804, %dma_start3A_1807] : memref<524288x128xf32, #tpu.memory_space<hbm>> -> memref<512x128xf32, #tpu.memory_space<hbm>>
      %dma_start3A_1809 = arith.constant 0 : i32
      %dma_start3A_1810 = tpu.memref_slice %arg3[%sub3A_1806, %dma_start3A_1809] : memref<1024x128xf32, #tpu.memory_space<vmem_shared>> -> memref<512x128xf32, #tpu.memory_space<vmem_shared>>
      tpu.enqueue_dma source(%dma_start3A_1810 : memref<512x128xf32, #tpu.memory_space<vmem_shared>>) target(%dma_start3A_1808 : memref<512x128xf32, #tpu.memory_space<hbm>>) target_semaphore(%run_scoped3A : memref<!tpu.dma_semaphore, #tpu.memory_space<semaphore_mem>>)
      %add3A_1811 = arith.constant 59 : i32
      %add3A_1812 = arith.addi %add3A_1, %add3A_1811 : i32
      %add3A_1813 = arith.constant 512 : i32
      %add3A_1814 = arith.addi %add3A_1813, %add3A_1812 : i32
      %mul3A_1815 = arith.constant 512 : i32
      %mul3A_1816 = arith.muli %add3A_1814, %mul3A_1815 : i32
      %sub3A_1817 = arith.constant 512 : i32
      %sub3A_1818 = arith.subi %sub3A_1817, %add3A_1812 : i32
      %dma_start3A_1819 = arith.constant 0 : i32
      %dma_start3A_1820 = tpu.memref_slice %arg2[%mul3A_1816, %dma_start3A_1819] : memref<524288x128xf32, #tpu.memory_space<hbm>> -> memref<512x128xf32, #tpu.memory_space<hbm>>
      %dma_start3A_1821 = arith.constant 0 : i32
      %dma_start3A_1822 = tpu.memref_slice %arg3[%sub3A_1818, %dma_start3A_1821] : memref<1024x128xf32, #tpu.memory_space<vmem_shared>> -> memref<512x128xf32, #tpu.memory_space<vmem_shared>>
      tpu.enqueue_dma source(%dma_start3A_1822 : memref<512x128xf32, #tpu.memory_space<vmem_shared>>) target(%dma_start3A_1820 : memref<512x128xf32, #tpu.memory_space<hbm>>) target_semaphore(%run_scoped3A : memref<!tpu.dma_semaphore, #tpu.memory_space<semaphore_mem>>)
      %add3A_1823 = arith.constant 60 : i32
      %add3A_1824 = arith.addi %add3A_1, %add3A_1823 : i32
      %add3A_1825 = arith.constant 0 : i32
      %add3A_1826 = arith.addi %add3A_1825, %add3A_1824 : i32
      %mul3A_1827 = arith.constant 512 : i32
      %mul3A_1828 = arith.muli %add3A_1826, %mul3A_1827 : i32
      %sub3A_1829 = arith.constant 512 : i32
      %sub3A_1830 = arith.subi %sub3A_1829, %add3A_1824 : i32
      %dma_start3A_1831 = arith.constant 0 : i32
      %dma_start3A_1832 = tpu.memref_slice %arg2[%mul3A_1828, %dma_start3A_1831] : memref<524288x128xf32, #tpu.memory_space<hbm>> -> memref<512x128xf32, #tpu.memory_space<hbm>>
      %dma_start3A_1833 = arith.constant 0 : i32
      %dma_start3A_1834 = tpu.memref_slice %arg3[%sub3A_1830, %dma_start3A_1833] : memref<1024x128xf32, #tpu.memory_space<vmem_shared>> -> memref<512x128xf32, #tpu.memory_space<vmem_shared>>
      tpu.enqueue_dma source(%dma_start3A_1834 : memref<512x128xf32, #tpu.memory_space<vmem_shared>>) target(%dma_start3A_1832 : memref<512x128xf32, #tpu.memory_space<hbm>>) target_semaphore(%run_scoped3A : memref<!tpu.dma_semaphore, #tpu.memory_space<semaphore_mem>>)
      %add3A_1835 = arith.constant 60 : i32
      %add3A_1836 = arith.addi %add3A_1, %add3A_1835 : i32
      %add3A_1837 = arith.constant 512 : i32
      %add3A_1838 = arith.addi %add3A_1837, %add3A_1836 : i32
      %mul3A_1839 = arith.constant 512 : i32
      %mul3A_1840 = arith.muli %add3A_1838, %mul3A_1839 : i32
      %sub3A_1841 = arith.constant 512 : i32
      %sub3A_1842 = arith.subi %sub3A_1841, %add3A_1836 : i32
      %dma_start3A_1843 = arith.constant 0 : i32
      %dma_start3A_1844 = tpu.memref_slice %arg2[%mul3A_1840, %dma_start3A_1843] : memref<524288x128xf32, #tpu.memory_space<hbm>> -> memref<512x128xf32, #tpu.memory_space<hbm>>
      %dma_start3A_1845 = arith.constant 0 : i32
      %dma_start3A_1846 = tpu.memref_slice %arg3[%sub3A_1842, %dma_start3A_1845] : memref<1024x128xf32, #tpu.memory_space<vmem_shared>> -> memref<512x128xf32, #tpu.memory_space<vmem_shared>>
      tpu.enqueue_dma source(%dma_start3A_1846 : memref<512x128xf32, #tpu.memory_space<vmem_shared>>) target(%dma_start3A_1844 : memref<512x128xf32, #tpu.memory_space<hbm>>) target_semaphore(%run_scoped3A : memref<!tpu.dma_semaphore, #tpu.memory_space<semaphore_mem>>)
      %add3A_1847 = arith.constant 61 : i32
      %add3A_1848 = arith.addi %add3A_1, %add3A_1847 : i32
      %add3A_1849 = arith.constant 0 : i32
      %add3A_1850 = arith.addi %add3A_1849, %add3A_1848 : i32
      %mul3A_1851 = arith.constant 512 : i32
      %mul3A_1852 = arith.muli %add3A_1850, %mul3A_1851 : i32
      %sub3A_1853 = arith.constant 512 : i32
      %sub3A_1854 = arith.subi %sub3A_1853, %add3A_1848 : i32
      %dma_start3A_1855 = arith.constant 0 : i32
      %dma_start3A_1856 = tpu.memref_slice %arg2[%mul3A_1852, %dma_start3A_1855] : memref<524288x128xf32, #tpu.memory_space<hbm>> -> memref<512x128xf32, #tpu.memory_space<hbm>>
      %dma_start3A_1857 = arith.constant 0 : i32
      %dma_start3A_1858 = tpu.memref_slice %arg3[%sub3A_1854, %dma_start3A_1857] : memref<1024x128xf32, #tpu.memory_space<vmem_shared>> -> memref<512x128xf32, #tpu.memory_space<vmem_shared>>
      tpu.enqueue_dma source(%dma_start3A_1858 : memref<512x128xf32, #tpu.memory_space<vmem_shared>>) target(%dma_start3A_1856 : memref<512x128xf32, #tpu.memory_space<hbm>>) target_semaphore(%run_scoped3A : memref<!tpu.dma_semaphore, #tpu.memory_space<semaphore_mem>>)
      %add3A_1859 = arith.constant 61 : i32
      %add3A_1860 = arith.addi %add3A_1, %add3A_1859 : i32
      %add3A_1861 = arith.constant 512 : i32
      %add3A_1862 = arith.addi %add3A_1861, %add3A_1860 : i32
      %mul3A_1863 = arith.constant 512 : i32
      %mul3A_1864 = arith.muli %add3A_1862, %mul3A_1863 : i32
      %sub3A_1865 = arith.constant 512 : i32
      %sub3A_1866 = arith.subi %sub3A_1865, %add3A_1860 : i32
      %dma_start3A_1867 = arith.constant 0 : i32
      %dma_start3A_1868 = tpu.memref_slice %arg2[%mul3A_1864, %dma_start3A_1867] : memref<524288x128xf32, #tpu.memory_space<hbm>> -> memref<512x128xf32, #tpu.memory_space<hbm>>
      %dma_start3A_1869 = arith.constant 0 : i32
      %dma_start3A_1870 = tpu.memref_slice %arg3[%sub3A_1866, %dma_start3A_1869] : memref<1024x128xf32, #tpu.memory_space<vmem_shared>> -> memref<512x128xf32, #tpu.memory_space<vmem_shared>>
      tpu.enqueue_dma source(%dma_start3A_1870 : memref<512x128xf32, #tpu.memory_space<vmem_shared>>) target(%dma_start3A_1868 : memref<512x128xf32, #tpu.memory_space<hbm>>) target_semaphore(%run_scoped3A : memref<!tpu.dma_semaphore, #tpu.memory_space<semaphore_mem>>)
      %add3A_1871 = arith.constant 62 : i32
      %add3A_1872 = arith.addi %add3A_1, %add3A_1871 : i32
      %add3A_1873 = arith.constant 0 : i32
      %add3A_1874 = arith.addi %add3A_1873, %add3A_1872 : i32
      %mul3A_1875 = arith.constant 512 : i32
      %mul3A_1876 = arith.muli %add3A_1874, %mul3A_1875 : i32
      %sub3A_1877 = arith.constant 512 : i32
      %sub3A_1878 = arith.subi %sub3A_1877, %add3A_1872 : i32
      %dma_start3A_1879 = arith.constant 0 : i32
      %dma_start3A_1880 = tpu.memref_slice %arg2[%mul3A_1876, %dma_start3A_1879] : memref<524288x128xf32, #tpu.memory_space<hbm>> -> memref<512x128xf32, #tpu.memory_space<hbm>>
      %dma_start3A_1881 = arith.constant 0 : i32
      %dma_start3A_1882 = tpu.memref_slice %arg3[%sub3A_1878, %dma_start3A_1881] : memref<1024x128xf32, #tpu.memory_space<vmem_shared>> -> memref<512x128xf32, #tpu.memory_space<vmem_shared>>
      tpu.enqueue_dma source(%dma_start3A_1882 : memref<512x128xf32, #tpu.memory_space<vmem_shared>>) target(%dma_start3A_1880 : memref<512x128xf32, #tpu.memory_space<hbm>>) target_semaphore(%run_scoped3A : memref<!tpu.dma_semaphore, #tpu.memory_space<semaphore_mem>>)
      %add3A_1883 = arith.constant 62 : i32
      %add3A_1884 = arith.addi %add3A_1, %add3A_1883 : i32
      %add3A_1885 = arith.constant 512 : i32
      %add3A_1886 = arith.addi %add3A_1885, %add3A_1884 : i32
      %mul3A_1887 = arith.constant 512 : i32
      %mul3A_1888 = arith.muli %add3A_1886, %mul3A_1887 : i32
      %sub3A_1889 = arith.constant 512 : i32
      %sub3A_1890 = arith.subi %sub3A_1889, %add3A_1884 : i32
      %dma_start3A_1891 = arith.constant 0 : i32
      %dma_start3A_1892 = tpu.memref_slice %arg2[%mul3A_1888, %dma_start3A_1891] : memref<524288x128xf32, #tpu.memory_space<hbm>> -> memref<512x128xf32, #tpu.memory_space<hbm>>
      %dma_start3A_1893 = arith.constant 0 : i32
      %dma_start3A_1894 = tpu.memref_slice %arg3[%sub3A_1890, %dma_start3A_1893] : memref<1024x128xf32, #tpu.memory_space<vmem_shared>> -> memref<512x128xf32, #tpu.memory_space<vmem_shared>>
      tpu.enqueue_dma source(%dma_start3A_1894 : memref<512x128xf32, #tpu.memory_space<vmem_shared>>) target(%dma_start3A_1892 : memref<512x128xf32, #tpu.memory_space<hbm>>) target_semaphore(%run_scoped3A : memref<!tpu.dma_semaphore, #tpu.memory_space<semaphore_mem>>)
      %add3A_1895 = arith.constant 63 : i32
      %add3A_1896 = arith.addi %add3A_1, %add3A_1895 : i32
      %add3A_1897 = arith.constant 0 : i32
      %add3A_1898 = arith.addi %add3A_1897, %add3A_1896 : i32
      %mul3A_1899 = arith.constant 512 : i32
      %mul3A_1900 = arith.muli %add3A_1898, %mul3A_1899 : i32
      %sub3A_1901 = arith.constant 512 : i32
      %sub3A_1902 = arith.subi %sub3A_1901, %add3A_1896 : i32
      %dma_start3A_1903 = arith.constant 0 : i32
      %dma_start3A_1904 = tpu.memref_slice %arg2[%mul3A_1900, %dma_start3A_1903] : memref<524288x128xf32, #tpu.memory_space<hbm>> -> memref<512x128xf32, #tpu.memory_space<hbm>>
      %dma_start3A_1905 = arith.constant 0 : i32
      %dma_start3A_1906 = tpu.memref_slice %arg3[%sub3A_1902, %dma_start3A_1905] : memref<1024x128xf32, #tpu.memory_space<vmem_shared>> -> memref<512x128xf32, #tpu.memory_space<vmem_shared>>
      tpu.enqueue_dma source(%dma_start3A_1906 : memref<512x128xf32, #tpu.memory_space<vmem_shared>>) target(%dma_start3A_1904 : memref<512x128xf32, #tpu.memory_space<hbm>>) target_semaphore(%run_scoped3A : memref<!tpu.dma_semaphore, #tpu.memory_space<semaphore_mem>>)
      %add3A_1907 = arith.constant 63 : i32
      %add3A_1908 = arith.addi %add3A_1, %add3A_1907 : i32
      %add3A_1909 = arith.constant 512 : i32
      %add3A_1910 = arith.addi %add3A_1909, %add3A_1908 : i32
      %mul3A_1911 = arith.constant 512 : i32
      %mul3A_1912 = arith.muli %add3A_1910, %mul3A_1911 : i32
      %sub3A_1913 = arith.constant 512 : i32
      %sub3A_1914 = arith.subi %sub3A_1913, %add3A_1908 : i32
      %dma_start3A_1915 = arith.constant 0 : i32
      %dma_start3A_1916 = tpu.memref_slice %arg2[%mul3A_1912, %dma_start3A_1915] : memref<524288x128xf32, #tpu.memory_space<hbm>> -> memref<512x128xf32, #tpu.memory_space<hbm>>
      %dma_start3A_1917 = arith.constant 0 : i32
      %dma_start3A_1918 = tpu.memref_slice %arg3[%sub3A_1914, %dma_start3A_1917] : memref<1024x128xf32, #tpu.memory_space<vmem_shared>> -> memref<512x128xf32, #tpu.memory_space<vmem_shared>>
      tpu.enqueue_dma source(%dma_start3A_1918 : memref<512x128xf32, #tpu.memory_space<vmem_shared>>) target(%dma_start3A_1916 : memref<512x128xf32, #tpu.memory_space<hbm>>) target_semaphore(%run_scoped3A : memref<!tpu.dma_semaphore, #tpu.memory_space<semaphore_mem>>)
      %dma_wait3A_1919 = arith.constant 0 : i32
      %dma_wait3A_1920 = tpu.memref_slice %arg2[%mul3A_1476, %dma_wait3A_1919] : memref<524288x128xf32, #tpu.memory_space<hbm>> -> memref<512x128xf32, #tpu.memory_space<hbm>>
      %dma_wait3A_1921 = arith.constant 0 : i32
      %dma_wait3A_1922 = tpu.memref_slice %arg3[%sub3A_1478, %dma_wait3A_1921] : memref<1024x128xf32, #tpu.memory_space<vmem_shared>> -> memref<512x128xf32, #tpu.memory_space<vmem_shared>>
      tpu.wait_dma2 semaphore(%run_scoped3A : memref<!tpu.dma_semaphore, #tpu.memory_space<semaphore_mem>>) src(%dma_wait3A_1922 : memref<512x128xf32, #tpu.memory_space<vmem_shared>>) dst(%dma_wait3A_1920 : memref<512x128xf32, #tpu.memory_space<hbm>>)
      %dma_wait3A_1923 = arith.constant 0 : i32
      %dma_wait3A_1924 = tpu.memref_slice %arg2[%mul3A_1488, %dma_wait3A_1923] : memref<524288x128xf32, #tpu.memory_space<hbm>> -> memref<512x128xf32, #tpu.memory_space<hbm>>
      %dma_wait3A_1925 = arith.constant 0 : i32
      %dma_wait3A_1926 = tpu.memref_slice %arg3[%sub3A_1490, %dma_wait3A_1925] : memref<1024x128xf32, #tpu.memory_space<vmem_shared>> -> memref<512x128xf32, #tpu.memory_space<vmem_shared>>
      tpu.wait_dma2 semaphore(%run_scoped3A : memref<!tpu.dma_semaphore, #tpu.memory_space<semaphore_mem>>) src(%dma_wait3A_1926 : memref<512x128xf32, #tpu.memory_space<vmem_shared>>) dst(%dma_wait3A_1924 : memref<512x128xf32, #tpu.memory_space<hbm>>)
      %dma_wait3A_1927 = arith.constant 0 : i32
      %dma_wait3A_1928 = tpu.memref_slice %arg2[%mul3A_1500, %dma_wait3A_1927] : memref<524288x128xf32, #tpu.memory_space<hbm>> -> memref<512x128xf32, #tpu.memory_space<hbm>>
      %dma_wait3A_1929 = arith.constant 0 : i32
      %dma_wait3A_1930 = tpu.memref_slice %arg3[%sub3A_1502, %dma_wait3A_1929] : memref<1024x128xf32, #tpu.memory_space<vmem_shared>> -> memref<512x128xf32, #tpu.memory_space<vmem_shared>>
      tpu.wait_dma2 semaphore(%run_scoped3A : memref<!tpu.dma_semaphore, #tpu.memory_space<semaphore_mem>>) src(%dma_wait3A_1930 : memref<512x128xf32, #tpu.memory_space<vmem_shared>>) dst(%dma_wait3A_1928 : memref<512x128xf32, #tpu.memory_space<hbm>>)
      %dma_wait3A_1931 = arith.constant 0 : i32
      %dma_wait3A_1932 = tpu.memref_slice %arg2[%mul3A_1512, %dma_wait3A_1931] : memref<524288x128xf32, #tpu.memory_space<hbm>> -> memref<512x128xf32, #tpu.memory_space<hbm>>
      %dma_wait3A_1933 = arith.constant 0 : i32
      %dma_wait3A_1934 = tpu.memref_slice %arg3[%sub3A_1514, %dma_wait3A_1933] : memref<1024x128xf32, #tpu.memory_space<vmem_shared>> -> memref<512x128xf32, #tpu.memory_space<vmem_shared>>
      tpu.wait_dma2 semaphore(%run_scoped3A : memref<!tpu.dma_semaphore, #tpu.memory_space<semaphore_mem>>) src(%dma_wait3A_1934 : memref<512x128xf32, #tpu.memory_space<vmem_shared>>) dst(%dma_wait3A_1932 : memref<512x128xf32, #tpu.memory_space<hbm>>)
      %dma_wait3A_1935 = arith.constant 0 : i32
      %dma_wait3A_1936 = tpu.memref_slice %arg2[%mul3A_1524, %dma_wait3A_1935] : memref<524288x128xf32, #tpu.memory_space<hbm>> -> memref<512x128xf32, #tpu.memory_space<hbm>>
      %dma_wait3A_1937 = arith.constant 0 : i32
      %dma_wait3A_1938 = tpu.memref_slice %arg3[%sub3A_1526, %dma_wait3A_1937] : memref<1024x128xf32, #tpu.memory_space<vmem_shared>> -> memref<512x128xf32, #tpu.memory_space<vmem_shared>>
      tpu.wait_dma2 semaphore(%run_scoped3A : memref<!tpu.dma_semaphore, #tpu.memory_space<semaphore_mem>>) src(%dma_wait3A_1938 : memref<512x128xf32, #tpu.memory_space<vmem_shared>>) dst(%dma_wait3A_1936 : memref<512x128xf32, #tpu.memory_space<hbm>>)
      %dma_wait3A_1939 = arith.constant 0 : i32
      %dma_wait3A_1940 = tpu.memref_slice %arg2[%mul3A_1536, %dma_wait3A_1939] : memref<524288x128xf32, #tpu.memory_space<hbm>> -> memref<512x128xf32, #tpu.memory_space<hbm>>
      %dma_wait3A_1941 = arith.constant 0 : i32
      %dma_wait3A_1942 = tpu.memref_slice %arg3[%sub3A_1538, %dma_wait3A_1941] : memref<1024x128xf32, #tpu.memory_space<vmem_shared>> -> memref<512x128xf32, #tpu.memory_space<vmem_shared>>
      tpu.wait_dma2 semaphore(%run_scoped3A : memref<!tpu.dma_semaphore, #tpu.memory_space<semaphore_mem>>) src(%dma_wait3A_1942 : memref<512x128xf32, #tpu.memory_space<vmem_shared>>) dst(%dma_wait3A_1940 : memref<512x128xf32, #tpu.memory_space<hbm>>)
      %dma_wait3A_1943 = arith.constant 0 : i32
      %dma_wait3A_1944 = tpu.memref_slice %arg2[%mul3A_1548, %dma_wait3A_1943] : memref<524288x128xf32, #tpu.memory_space<hbm>> -> memref<512x128xf32, #tpu.memory_space<hbm>>
      %dma_wait3A_1945 = arith.constant 0 : i32
      %dma_wait3A_1946 = tpu.memref_slice %arg3[%sub3A_1550, %dma_wait3A_1945] : memref<1024x128xf32, #tpu.memory_space<vmem_shared>> -> memref<512x128xf32, #tpu.memory_space<vmem_shared>>
      tpu.wait_dma2 semaphore(%run_scoped3A : memref<!tpu.dma_semaphore, #tpu.memory_space<semaphore_mem>>) src(%dma_wait3A_1946 : memref<512x128xf32, #tpu.memory_space<vmem_shared>>) dst(%dma_wait3A_1944 : memref<512x128xf32, #tpu.memory_space<hbm>>)
      %dma_wait3A_1947 = arith.constant 0 : i32
      %dma_wait3A_1948 = tpu.memref_slice %arg2[%mul3A_1560, %dma_wait3A_1947] : memref<524288x128xf32, #tpu.memory_space<hbm>> -> memref<512x128xf32, #tpu.memory_space<hbm>>
      %dma_wait3A_1949 = arith.constant 0 : i32
      %dma_wait3A_1950 = tpu.memref_slice %arg3[%sub3A_1562, %dma_wait3A_1949] : memref<1024x128xf32, #tpu.memory_space<vmem_shared>> -> memref<512x128xf32, #tpu.memory_space<vmem_shared>>
      tpu.wait_dma2 semaphore(%run_scoped3A : memref<!tpu.dma_semaphore, #tpu.memory_space<semaphore_mem>>) src(%dma_wait3A_1950 : memref<512x128xf32, #tpu.memory_space<vmem_shared>>) dst(%dma_wait3A_1948 : memref<512x128xf32, #tpu.memory_space<hbm>>)
      %dma_wait3A_1951 = arith.constant 0 : i32
      %dma_wait3A_1952 = tpu.memref_slice %arg2[%mul3A_1572, %dma_wait3A_1951] : memref<524288x128xf32, #tpu.memory_space<hbm>> -> memref<512x128xf32, #tpu.memory_space<hbm>>
      %dma_wait3A_1953 = arith.constant 0 : i32
      %dma_wait3A_1954 = tpu.memref_slice %arg3[%sub3A_1574, %dma_wait3A_1953] : memref<1024x128xf32, #tpu.memory_space<vmem_shared>> -> memref<512x128xf32, #tpu.memory_space<vmem_shared>>
      tpu.wait_dma2 semaphore(%run_scoped3A : memref<!tpu.dma_semaphore, #tpu.memory_space<semaphore_mem>>) src(%dma_wait3A_1954 : memref<512x128xf32, #tpu.memory_space<vmem_shared>>) dst(%dma_wait3A_1952 : memref<512x128xf32, #tpu.memory_space<hbm>>)
      %dma_wait3A_1955 = arith.constant 0 : i32
      %dma_wait3A_1956 = tpu.memref_slice %arg2[%mul3A_1584, %dma_wait3A_1955] : memref<524288x128xf32, #tpu.memory_space<hbm>> -> memref<512x128xf32, #tpu.memory_space<hbm>>
      %dma_wait3A_1957 = arith.constant 0 : i32
      %dma_wait3A_1958 = tpu.memref_slice %arg3[%sub3A_1586, %dma_wait3A_1957] : memref<1024x128xf32, #tpu.memory_space<vmem_shared>> -> memref<512x128xf32, #tpu.memory_space<vmem_shared>>
      tpu.wait_dma2 semaphore(%run_scoped3A : memref<!tpu.dma_semaphore, #tpu.memory_space<semaphore_mem>>) src(%dma_wait3A_1958 : memref<512x128xf32, #tpu.memory_space<vmem_shared>>) dst(%dma_wait3A_1956 : memref<512x128xf32, #tpu.memory_space<hbm>>)
      %dma_wait3A_1959 = arith.constant 0 : i32
      %dma_wait3A_1960 = tpu.memref_slice %arg2[%mul3A_1596, %dma_wait3A_1959] : memref<524288x128xf32, #tpu.memory_space<hbm>> -> memref<512x128xf32, #tpu.memory_space<hbm>>
      %dma_wait3A_1961 = arith.constant 0 : i32
      %dma_wait3A_1962 = tpu.memref_slice %arg3[%sub3A_1598, %dma_wait3A_1961] : memref<1024x128xf32, #tpu.memory_space<vmem_shared>> -> memref<512x128xf32, #tpu.memory_space<vmem_shared>>
      tpu.wait_dma2 semaphore(%run_scoped3A : memref<!tpu.dma_semaphore, #tpu.memory_space<semaphore_mem>>) src(%dma_wait3A_1962 : memref<512x128xf32, #tpu.memory_space<vmem_shared>>) dst(%dma_wait3A_1960 : memref<512x128xf32, #tpu.memory_space<hbm>>)
      %dma_wait3A_1963 = arith.constant 0 : i32
      %dma_wait3A_1964 = tpu.memref_slice %arg2[%mul3A_1608, %dma_wait3A_1963] : memref<524288x128xf32, #tpu.memory_space<hbm>> -> memref<512x128xf32, #tpu.memory_space<hbm>>
      %dma_wait3A_1965 = arith.constant 0 : i32
      %dma_wait3A_1966 = tpu.memref_slice %arg3[%sub3A_1610, %dma_wait3A_1965] : memref<1024x128xf32, #tpu.memory_space<vmem_shared>> -> memref<512x128xf32, #tpu.memory_space<vmem_shared>>
      tpu.wait_dma2 semaphore(%run_scoped3A : memref<!tpu.dma_semaphore, #tpu.memory_space<semaphore_mem>>) src(%dma_wait3A_1966 : memref<512x128xf32, #tpu.memory_space<vmem_shared>>) dst(%dma_wait3A_1964 : memref<512x128xf32, #tpu.memory_space<hbm>>)
      %dma_wait3A_1967 = arith.constant 0 : i32
      %dma_wait3A_1968 = tpu.memref_slice %arg2[%mul3A_1620, %dma_wait3A_1967] : memref<524288x128xf32, #tpu.memory_space<hbm>> -> memref<512x128xf32, #tpu.memory_space<hbm>>
      %dma_wait3A_1969 = arith.constant 0 : i32
      %dma_wait3A_1970 = tpu.memref_slice %arg3[%sub3A_1622, %dma_wait3A_1969] : memref<1024x128xf32, #tpu.memory_space<vmem_shared>> -> memref<512x128xf32, #tpu.memory_space<vmem_shared>>
      tpu.wait_dma2 semaphore(%run_scoped3A : memref<!tpu.dma_semaphore, #tpu.memory_space<semaphore_mem>>) src(%dma_wait3A_1970 : memref<512x128xf32, #tpu.memory_space<vmem_shared>>) dst(%dma_wait3A_1968 : memref<512x128xf32, #tpu.memory_space<hbm>>)
      %dma_wait3A_1971 = arith.constant 0 : i32
      %dma_wait3A_1972 = tpu.memref_slice %arg2[%mul3A_1632, %dma_wait3A_1971] : memref<524288x128xf32, #tpu.memory_space<hbm>> -> memref<512x128xf32, #tpu.memory_space<hbm>>
      %dma_wait3A_1973 = arith.constant 0 : i32
      %dma_wait3A_1974 = tpu.memref_slice %arg3[%sub3A_1634, %dma_wait3A_1973] : memref<1024x128xf32, #tpu.memory_space<vmem_shared>> -> memref<512x128xf32, #tpu.memory_space<vmem_shared>>
      tpu.wait_dma2 semaphore(%run_scoped3A : memref<!tpu.dma_semaphore, #tpu.memory_space<semaphore_mem>>) src(%dma_wait3A_1974 : memref<512x128xf32, #tpu.memory_space<vmem_shared>>) dst(%dma_wait3A_1972 : memref<512x128xf32, #tpu.memory_space<hbm>>)
      %dma_wait3A_1975 = arith.constant 0 : i32
      %dma_wait3A_1976 = tpu.memref_slice %arg2[%mul3A_1644, %dma_wait3A_1975] : memref<524288x128xf32, #tpu.memory_space<hbm>> -> memref<512x128xf32, #tpu.memory_space<hbm>>
      %dma_wait3A_1977 = arith.constant 0 : i32
      %dma_wait3A_1978 = tpu.memref_slice %arg3[%sub3A_1646, %dma_wait3A_1977] : memref<1024x128xf32, #tpu.memory_space<vmem_shared>> -> memref<512x128xf32, #tpu.memory_space<vmem_shared>>
      tpu.wait_dma2 semaphore(%run_scoped3A : memref<!tpu.dma_semaphore, #tpu.memory_space<semaphore_mem>>) src(%dma_wait3A_1978 : memref<512x128xf32, #tpu.memory_space<vmem_shared>>) dst(%dma_wait3A_1976 : memref<512x128xf32, #tpu.memory_space<hbm>>)
      %dma_wait3A_1979 = arith.constant 0 : i32
      %dma_wait3A_1980 = tpu.memref_slice %arg2[%mul3A_1656, %dma_wait3A_1979] : memref<524288x128xf32, #tpu.memory_space<hbm>> -> memref<512x128xf32, #tpu.memory_space<hbm>>
      %dma_wait3A_1981 = arith.constant 0 : i32
      %dma_wait3A_1982 = tpu.memref_slice %arg3[%sub3A_1658, %dma_wait3A_1981] : memref<1024x128xf32, #tpu.memory_space<vmem_shared>> -> memref<512x128xf32, #tpu.memory_space<vmem_shared>>
      tpu.wait_dma2 semaphore(%run_scoped3A : memref<!tpu.dma_semaphore, #tpu.memory_space<semaphore_mem>>) src(%dma_wait3A_1982 : memref<512x128xf32, #tpu.memory_space<vmem_shared>>) dst(%dma_wait3A_1980 : memref<512x128xf32, #tpu.memory_space<hbm>>)
      %dma_wait3A_1983 = arith.constant 0 : i32
      %dma_wait3A_1984 = tpu.memref_slice %arg2[%mul3A_1732, %dma_wait3A_1983] : memref<524288x128xf32, #tpu.memory_space<hbm>> -> memref<512x128xf32, #tpu.memory_space<hbm>>
      %dma_wait3A_1985 = arith.constant 0 : i32
      %dma_wait3A_1986 = tpu.memref_slice %arg3[%sub3A_1734, %dma_wait3A_1985] : memref<1024x128xf32, #tpu.memory_space<vmem_shared>> -> memref<512x128xf32, #tpu.memory_space<vmem_shared>>
      tpu.wait_dma2 semaphore(%run_scoped3A : memref<!tpu.dma_semaphore, #tpu.memory_space<semaphore_mem>>) src(%dma_wait3A_1986 : memref<512x128xf32, #tpu.memory_space<vmem_shared>>) dst(%dma_wait3A_1984 : memref<512x128xf32, #tpu.memory_space<hbm>>)
      %dma_wait3A_1987 = arith.constant 0 : i32
      %dma_wait3A_1988 = tpu.memref_slice %arg2[%mul3A_1744, %dma_wait3A_1987] : memref<524288x128xf32, #tpu.memory_space<hbm>> -> memref<512x128xf32, #tpu.memory_space<hbm>>
      %dma_wait3A_1989 = arith.constant 0 : i32
      %dma_wait3A_1990 = tpu.memref_slice %arg3[%sub3A_1746, %dma_wait3A_1989] : memref<1024x128xf32, #tpu.memory_space<vmem_shared>> -> memref<512x128xf32, #tpu.memory_space<vmem_shared>>
      tpu.wait_dma2 semaphore(%run_scoped3A : memref<!tpu.dma_semaphore, #tpu.memory_space<semaphore_mem>>) src(%dma_wait3A_1990 : memref<512x128xf32, #tpu.memory_space<vmem_shared>>) dst(%dma_wait3A_1988 : memref<512x128xf32, #tpu.memory_space<hbm>>)
      %dma_wait3A_1991 = arith.constant 0 : i32
      %dma_wait3A_1992 = tpu.memref_slice %arg2[%mul3A_1756, %dma_wait3A_1991] : memref<524288x128xf32, #tpu.memory_space<hbm>> -> memref<512x128xf32, #tpu.memory_space<hbm>>
      %dma_wait3A_1993 = arith.constant 0 : i32
      %dma_wait3A_1994 = tpu.memref_slice %arg3[%sub3A_1758, %dma_wait3A_1993] : memref<1024x128xf32, #tpu.memory_space<vmem_shared>> -> memref<512x128xf32, #tpu.memory_space<vmem_shared>>
      tpu.wait_dma2 semaphore(%run_scoped3A : memref<!tpu.dma_semaphore, #tpu.memory_space<semaphore_mem>>) src(%dma_wait3A_1994 : memref<512x128xf32, #tpu.memory_space<vmem_shared>>) dst(%dma_wait3A_1992 : memref<512x128xf32, #tpu.memory_space<hbm>>)
      %dma_wait3A_1995 = arith.constant 0 : i32
      %dma_wait3A_1996 = tpu.memref_slice %arg2[%mul3A_1768, %dma_wait3A_1995] : memref<524288x128xf32, #tpu.memory_space<hbm>> -> memref<512x128xf32, #tpu.memory_space<hbm>>
      %dma_wait3A_1997 = arith.constant 0 : i32
      %dma_wait3A_1998 = tpu.memref_slice %arg3[%sub3A_1770, %dma_wait3A_1997] : memref<1024x128xf32, #tpu.memory_space<vmem_shared>> -> memref<512x128xf32, #tpu.memory_space<vmem_shared>>
      tpu.wait_dma2 semaphore(%run_scoped3A : memref<!tpu.dma_semaphore, #tpu.memory_space<semaphore_mem>>) src(%dma_wait3A_1998 : memref<512x128xf32, #tpu.memory_space<vmem_shared>>) dst(%dma_wait3A_1996 : memref<512x128xf32, #tpu.memory_space<hbm>>)
      %dma_wait3A_1999 = arith.constant 0 : i32
      %dma_wait3A_2000 = tpu.memref_slice %arg2[%mul3A_1780, %dma_wait3A_1999] : memref<524288x128xf32, #tpu.memory_space<hbm>> -> memref<512x128xf32, #tpu.memory_space<hbm>>
      %dma_wait3A_2001 = arith.constant 0 : i32
      %dma_wait3A_2002 = tpu.memref_slice %arg3[%sub3A_1782, %dma_wait3A_2001] : memref<1024x128xf32, #tpu.memory_space<vmem_shared>> -> memref<512x128xf32, #tpu.memory_space<vmem_shared>>
      tpu.wait_dma2 semaphore(%run_scoped3A : memref<!tpu.dma_semaphore, #tpu.memory_space<semaphore_mem>>) src(%dma_wait3A_2002 : memref<512x128xf32, #tpu.memory_space<vmem_shared>>) dst(%dma_wait3A_2000 : memref<512x128xf32, #tpu.memory_space<hbm>>)
      %dma_wait3A_2003 = arith.constant 0 : i32
      %dma_wait3A_2004 = tpu.memref_slice %arg2[%mul3A_1792, %dma_wait3A_2003] : memref<524288x128xf32, #tpu.memory_space<hbm>> -> memref<512x128xf32, #tpu.memory_space<hbm>>
      %dma_wait3A_2005 = arith.constant 0 : i32
      %dma_wait3A_2006 = tpu.memref_slice %arg3[%sub3A_1794, %dma_wait3A_2005] : memref<1024x128xf32, #tpu.memory_space<vmem_shared>> -> memref<512x128xf32, #tpu.memory_space<vmem_shared>>
      tpu.wait_dma2 semaphore(%run_scoped3A : memref<!tpu.dma_semaphore, #tpu.memory_space<semaphore_mem>>) src(%dma_wait3A_2006 : memref<512x128xf32, #tpu.memory_space<vmem_shared>>) dst(%dma_wait3A_2004 : memref<512x128xf32, #tpu.memory_space<hbm>>)
      %dma_wait3A_2007 = arith.constant 0 : i32
      %dma_wait3A_2008 = tpu.memref_slice %arg2[%mul3A_1804, %dma_wait3A_2007] : memref<524288x128xf32, #tpu.memory_space<hbm>> -> memref<512x128xf32, #tpu.memory_space<hbm>>
      %dma_wait3A_2009 = arith.constant 0 : i32
      %dma_wait3A_2010 = tpu.memref_slice %arg3[%sub3A_1806, %dma_wait3A_2009] : memref<1024x128xf32, #tpu.memory_space<vmem_shared>> -> memref<512x128xf32, #tpu.memory_space<vmem_shared>>
      tpu.wait_dma2 semaphore(%run_scoped3A : memref<!tpu.dma_semaphore, #tpu.memory_space<semaphore_mem>>) src(%dma_wait3A_2010 : memref<512x128xf32, #tpu.memory_space<vmem_shared>>) dst(%dma_wait3A_2008 : memref<512x128xf32, #tpu.memory_space<hbm>>)
      %dma_wait3A_2011 = arith.constant 0 : i32
      %dma_wait3A_2012 = tpu.memref_slice %arg2[%mul3A_1816, %dma_wait3A_2011] : memref<524288x128xf32, #tpu.memory_space<hbm>> -> memref<512x128xf32, #tpu.memory_space<hbm>>
      %dma_wait3A_2013 = arith.constant 0 : i32
      %dma_wait3A_2014 = tpu.memref_slice %arg3[%sub3A_1818, %dma_wait3A_2013] : memref<1024x128xf32, #tpu.memory_space<vmem_shared>> -> memref<512x128xf32, #tpu.memory_space<vmem_shared>>
      tpu.wait_dma2 semaphore(%run_scoped3A : memref<!tpu.dma_semaphore, #tpu.memory_space<semaphore_mem>>) src(%dma_wait3A_2014 : memref<512x128xf32, #tpu.memory_space<vmem_shared>>) dst(%dma_wait3A_2012 : memref<512x128xf32, #tpu.memory_space<hbm>>)
      %dma_wait3A_2015 = arith.constant 0 : i32
      %dma_wait3A_2016 = tpu.memref_slice %arg2[%mul3A_1828, %dma_wait3A_2015] : memref<524288x128xf32, #tpu.memory_space<hbm>> -> memref<512x128xf32, #tpu.memory_space<hbm>>
      %dma_wait3A_2017 = arith.constant 0 : i32
      %dma_wait3A_2018 = tpu.memref_slice %arg3[%sub3A_1830, %dma_wait3A_2017] : memref<1024x128xf32, #tpu.memory_space<vmem_shared>> -> memref<512x128xf32, #tpu.memory_space<vmem_shared>>
      tpu.wait_dma2 semaphore(%run_scoped3A : memref<!tpu.dma_semaphore, #tpu.memory_space<semaphore_mem>>) src(%dma_wait3A_2018 : memref<512x128xf32, #tpu.memory_space<vmem_shared>>) dst(%dma_wait3A_2016 : memref<512x128xf32, #tpu.memory_space<hbm>>)
      %dma_wait3A_2019 = arith.constant 0 : i32
      %dma_wait3A_2020 = tpu.memref_slice %arg2[%mul3A_1840, %dma_wait3A_2019] : memref<524288x128xf32, #tpu.memory_space<hbm>> -> memref<512x128xf32, #tpu.memory_space<hbm>>
      %dma_wait3A_2021 = arith.constant 0 : i32
      %dma_wait3A_2022 = tpu.memref_slice %arg3[%sub3A_1842, %dma_wait3A_2021] : memref<1024x128xf32, #tpu.memory_space<vmem_shared>> -> memref<512x128xf32, #tpu.memory_space<vmem_shared>>
      tpu.wait_dma2 semaphore(%run_scoped3A : memref<!tpu.dma_semaphore, #tpu.memory_space<semaphore_mem>>) src(%dma_wait3A_2022 : memref<512x128xf32, #tpu.memory_space<vmem_shared>>) dst(%dma_wait3A_2020 : memref<512x128xf32, #tpu.memory_space<hbm>>)
      %dma_wait3A_2023 = arith.constant 0 : i32
      %dma_wait3A_2024 = tpu.memref_slice %arg2[%mul3A_1852, %dma_wait3A_2023] : memref<524288x128xf32, #tpu.memory_space<hbm>> -> memref<512x128xf32, #tpu.memory_space<hbm>>
      %dma_wait3A_2025 = arith.constant 0 : i32
      %dma_wait3A_2026 = tpu.memref_slice %arg3[%sub3A_1854, %dma_wait3A_2025] : memref<1024x128xf32, #tpu.memory_space<vmem_shared>> -> memref<512x128xf32, #tpu.memory_space<vmem_shared>>
      tpu.wait_dma2 semaphore(%run_scoped3A : memref<!tpu.dma_semaphore, #tpu.memory_space<semaphore_mem>>) src(%dma_wait3A_2026 : memref<512x128xf32, #tpu.memory_space<vmem_shared>>) dst(%dma_wait3A_2024 : memref<512x128xf32, #tpu.memory_space<hbm>>)
      %dma_wait3A_2027 = arith.constant 0 : i32
      %dma_wait3A_2028 = tpu.memref_slice %arg2[%mul3A_1864, %dma_wait3A_2027] : memref<524288x128xf32, #tpu.memory_space<hbm>> -> memref<512x128xf32, #tpu.memory_space<hbm>>
      %dma_wait3A_2029 = arith.constant 0 : i32
      %dma_wait3A_2030 = tpu.memref_slice %arg3[%sub3A_1866, %dma_wait3A_2029] : memref<1024x128xf32, #tpu.memory_space<vmem_shared>> -> memref<512x128xf32, #tpu.memory_space<vmem_shared>>
      tpu.wait_dma2 semaphore(%run_scoped3A : memref<!tpu.dma_semaphore, #tpu.memory_space<semaphore_mem>>) src(%dma_wait3A_2030 : memref<512x128xf32, #tpu.memory_space<vmem_shared>>) dst(%dma_wait3A_2028 : memref<512x128xf32, #tpu.memory_space<hbm>>)
      %dma_wait3A_2031 = arith.constant 0 : i32
      %dma_wait3A_2032 = tpu.memref_slice %arg2[%mul3A_1876, %dma_wait3A_2031] : memref<524288x128xf32, #tpu.memory_space<hbm>> -> memref<512x128xf32, #tpu.memory_space<hbm>>
      %dma_wait3A_2033 = arith.constant 0 : i32
      %dma_wait3A_2034 = tpu.memref_slice %arg3[%sub3A_1878, %dma_wait3A_2033] : memref<1024x128xf32, #tpu.memory_space<vmem_shared>> -> memref<512x128xf32, #tpu.memory_space<vmem_shared>>
      tpu.wait_dma2 semaphore(%run_scoped3A : memref<!tpu.dma_semaphore, #tpu.memory_space<semaphore_mem>>) src(%dma_wait3A_2034 : memref<512x128xf32, #tpu.memory_space<vmem_shared>>) dst(%dma_wait3A_2032 : memref<512x128xf32, #tpu.memory_space<hbm>>)
      %dma_wait3A_2035 = arith.constant 0 : i32
      %dma_wait3A_2036 = tpu.memref_slice %arg2[%mul3A_1888, %dma_wait3A_2035] : memref<524288x128xf32, #tpu.memory_space<hbm>> -> memref<512x128xf32, #tpu.memory_space<hbm>>
      %dma_wait3A_2037 = arith.constant 0 : i32
      %dma_wait3A_2038 = tpu.memref_slice %arg3[%sub3A_1890, %dma_wait3A_2037] : memref<1024x128xf32, #tpu.memory_space<vmem_shared>> -> memref<512x128xf32, #tpu.memory_space<vmem_shared>>
      tpu.wait_dma2 semaphore(%run_scoped3A : memref<!tpu.dma_semaphore, #tpu.memory_space<semaphore_mem>>) src(%dma_wait3A_2038 : memref<512x128xf32, #tpu.memory_space<vmem_shared>>) dst(%dma_wait3A_2036 : memref<512x128xf32, #tpu.memory_space<hbm>>)
      %dma_wait3A_2039 = arith.constant 0 : i32
      %dma_wait3A_2040 = tpu.memref_slice %arg2[%mul3A_1900, %dma_wait3A_2039] : memref<524288x128xf32, #tpu.memory_space<hbm>> -> memref<512x128xf32, #tpu.memory_space<hbm>>
      %dma_wait3A_2041 = arith.constant 0 : i32
      %dma_wait3A_2042 = tpu.memref_slice %arg3[%sub3A_1902, %dma_wait3A_2041] : memref<1024x128xf32, #tpu.memory_space<vmem_shared>> -> memref<512x128xf32, #tpu.memory_space<vmem_shared>>
      tpu.wait_dma2 semaphore(%run_scoped3A : memref<!tpu.dma_semaphore, #tpu.memory_space<semaphore_mem>>) src(%dma_wait3A_2042 : memref<512x128xf32, #tpu.memory_space<vmem_shared>>) dst(%dma_wait3A_2040 : memref<512x128xf32, #tpu.memory_space<hbm>>)
      %dma_wait3A_2043 = arith.constant 0 : i32
      %dma_wait3A_2044 = tpu.memref_slice %arg2[%mul3A_1912, %dma_wait3A_2043] : memref<524288x128xf32, #tpu.memory_space<hbm>> -> memref<512x128xf32, #tpu.memory_space<hbm>>
      %dma_wait3A_2045 = arith.constant 0 : i32
      %dma_wait3A_2046 = tpu.memref_slice %arg3[%sub3A_1914, %dma_wait3A_2045] : memref<1024x128xf32, #tpu.memory_space<vmem_shared>> -> memref<512x128xf32, #tpu.memory_space<vmem_shared>>
      tpu.wait_dma2 semaphore(%run_scoped3A : memref<!tpu.dma_semaphore, #tpu.memory_space<semaphore_mem>>) src(%dma_wait3A_2046 : memref<512x128xf32, #tpu.memory_space<vmem_shared>>) dst(%dma_wait3A_2044 : memref<512x128xf32, #tpu.memory_space<hbm>>)
      tpu.yield
    }) : () -> ()
    return
  }
}

</mosaic_0001>

<sc_bundles>
// kernel: _run.3.cloned.1.call-start
scs
__scs_entry_jumppad:
0x0: {  	(pc) =	sbr.rel $0x88, $3  }
0x1: {  	(tag) =	ssettag $0x0;
	lr =	simm.s32 $0x1  }
0x2: {  	[smem:$0x3FA0] =	sst lr;
	_ =	strace $0xD0000000  }
0x3: {  	_ = 	snop  }
0x4: {  	_ = 	snop  }
0x5: {  	_ = 	snop  }
0x6: {  	_ = 	snop  }
0x7: {  	_ = 	snop  }
__scs_overlays_trampoline_lowered:
0x8: {  	[smem:$0x3FAF] =	sst s0  }
0x9: {  	[smem:$0x3FB0] =	sst s1  }
0xa: {  	[smem:$0x3FB1] =	sst s2  }
0xb: {  	[smem:$0x3FB2] =	sst s3  }
0xc: {  	[smem:$0x3FB3] =	sst s4  }
0xd: {  	[smem:$0x3FB4] =	sst s5  }
0xe: {  	[smem:$0x3FB5] =	sst s6  }
0xf: {  	[smem:$0x3FB6] =	sst s7  }
0x10: {  	[smem:$0x3FB7] =	sst s8  }
0x11: {  	[smem:$0x3FB8] =	sst s9;
	s0 =	simm.s32 @!p0 $0x0  }
0x12: {  	s1 =	sld [smem:$0x3F9E];
	s0 =	simm.s32 @p0 $0x1  }
0x13: {  	[smem:$0x3FB9] =	sst s0;
	s0 =	simm.s32 @!p1 $0x0  }
0x14: {  	s2 =	sld [smem:$0x3F9D];
	s0 =	simm.s32 @p1 $0x1  }
0x15: {  	[smem:$0x3FBA] =	sst s0;
	s0 =	simm.s32 @!p2 $0x0  }
0x16: {  	s3 =	sld [smem:$0x3FDB];
	s0 =	simm.s32 @p2 $0x1  }
0x17: {  	s4 =	simm.s32 $0x1BF5;
	[smem:$0x3FBC] =	sst s0  }
0x18: {  	s0 =	sld [smem:$0x3F9F];
	_ =	swait.ge [sflag:s4], $0x0  }
0x19: {  	s7 =	sld [smem:$0x3FA0]  }
0x1a: {  	s8 =	sadd.s32 $0xFFFFE003, lr  }
0x1b: {  	s9 =	sadd.s32 $0xFFFFFEF7, lr;
	s5 =	simm.s32 $0xFFFFFFFF;
	p2 =	slt.u32 s8, $0xFFFFF086  }
0x1c: {  	p1 =	slt.u32 s9, $0xF7A;
	s5 =	simm.s32 @!p2 $0x0  }
0x1d: {  	s5 =	simm.s32 @p1 $0x1;
	p0 =	seq.s32 s7, s2  }
0x1e: {  	s7 =	smul.u32 @!p0 $0xF7A, s2;
	p2 =	seq.s32 @!p0 s5, $0x0  }
0x1f: {  	s9 =	smul.u32 $0xF7A, s1;
	s8 =	simm.s32 @!p0 $0x1BF5;
	p2 =	por !p2, p0  }
0x20: {  	[sflag:s8] =	ssyncset.s32 @!p0 $0xFFFFF086;
	s6 =	sadd.s32 @!p0 s3, s7;
	s7 =	simm.s32 @!p0 $0x108  }
0x21: {  	s3 =	sadd.s32 s3, s9;
	s6 =	sadd.s32 @!p0 $0x88, s6;
	s7 =	simm.s32 @p2 $0x1082  }
0x22: {  	[simem:s7], [sflag:s8] =	dma.local @!p0 [hbm:s6], $0xF7A  }
0x23: {  	s9 =	sor.u32 $0xD0000000, s2;
	s6 =	simm.s32 $0x108;
	_ =	swait.ge @!p0 [sflag:s8], $0x0  }
0x24: {  	s3 =	sadd.s32 $0x88, s3;
	s6 =	simm.s32 @!p1 $0x1082;
	[sflag:s4] =	ssyncset.s32 $0xFFFFF086  }
0x25: {  	[simem:s6], [sflag:s4] =	dma.local [hbm:s3], $0xF7A  }
0x26: {  	[smem:$0x3FA0] =	sst s1;
	(tag) =	ssettag s2;
	_ =	strace s9  }
0x27: {  	s1 =	sld [smem:$0x3FB0]  }
0x28: {  	s2 =	sld [smem:$0x3FB1]  }
0x29: {  	s4 =	sld [smem:$0x3FB3]  }
0x2a: {  	p0 =	seq.s32 s5, $0x0;
	s5 =	sld [smem:$0x3FB4]  }
0x2b: {  	s6 =	sld [smem:$0x3FB5]  }
0x2c: {  	s7 =	sld [smem:$0x3FB6]  }
0x2d: {  	s3 =	simm.s32 $0x108;
	s8 =	sld [smem:$0x3FB7]  }
0x2e: {  	s3 =	simm.s32 @!p0 $0x1082;
	s9 =	sld [smem:$0x3FB8]  }
0x2f: {  	lr =	sadd.s32 s0, s3;
	s0 =	sld [smem:$0x3FAF]  }
0x30: {  	s3 =	sld [smem:$0x3FB2]  }
0x31: {  	[smem:$0x3FBB] =	sst s10  }
0x32: {  	s10 =	sld [smem:$0x3FB9];
	_ =	sdelay $0x3  }
0x33: {  	p0 =	seq.s32 s10, $0x1;
	s10 =	sld [smem:$0x3FBB];
	_ =	sdelay $0x3  }
0x34: {  	[smem:$0x3FBB] =	sst s10  }
0x35: {  	s10 =	sld [smem:$0x3FBA];
	_ =	sdelay $0x3  }
0x36: {  	p1 =	seq.s32 s10, $0x1;
	s10 =	sld [smem:$0x3FBB];
	_ =	sdelay $0x3  }
0x37: {  	[smem:$0x3FBB] =	sst s10  }
0x38: {  	s10 =	sld [smem:$0x3FBC]  }
0x39: {  	_ = 	snop;
	(pc) =	sbr.ind lr, $3  }
0x3a: {  	_ = 	snop  }
0x3b: {  	_ = 	snop  }
0x3c: {  	p2 =	seq.s32 s10, $0x1;
	s10 =	sld [smem:$0x3FBB]  }
0x3d: {  	_ =	shalt  }
0x3e: {  	_ =	shalt  }
0x3f: {  	_ =	shalt  }
0x40: {  	_ =	shalt  }
0x41: {  	_ =	shalt  }
0x42: {  	_ =	shalt  }
0x43: {  	_ =	shalt  }
0x44: {  	_ =	shalt  }
0x45: {  	_ =	shalt  }
0x46: {  	_ =	shalt  }
0x47: {  	_ =	shalt  }
0x48: {  	_ =	shalt  }
0x49: {  	_ =	shalt  }
0x4a: {  	_ =	shalt  }
0x4b: {  	_ =	shalt  }
0x4c: {  	_ =	shalt  }
0x4d: {  	_ =	shalt  }
0x4e: {  	_ =	shalt  }
0x4f: {  	_ =	shalt  }
0x50: {  	_ =	shalt  }
0x51: {  	_ =	shalt  }
0x52: {  	_ =	shalt  }
0x53: {  	_ =	shalt  }
0x54: {  	_ =	shalt  }
0x55: {  	_ =	shalt  }
0x56: {  	_ =	shalt  }
0x57: {  	_ =	shalt  }
0x58: {  	_ =	shalt  }
0x59: {  	_ =	shalt  }
0x5a: {  	_ =	shalt  }
0x5b: {  	_ =	shalt  }
0x5c: {  	_ =	shalt  }
0x5d: {  	_ =	shalt  }
0x5e: {  	_ =	shalt  }
0x5f: {  	_ =	shalt  }
0x60: {  	_ =	shalt  }
0x61: {  	_ =	shalt  }
0x62: {  	_ =	shalt  }
0x63: {  	_ =	shalt  }
0x64: {  	_ =	shalt  }
0x65: {  	_ =	shalt  }
0x66: {  	_ =	shalt  }
0x67: {  	_ =	shalt  }
0x68: {  	_ =	shalt  }
0x69: {  	_ =	shalt  }
0x6a: {  	_ =	shalt  }
0x6b: {  	_ =	shalt  }
0x6c: {  	_ =	shalt  }
0x6d: {  	_ =	shalt  }
0x6e: {  	_ =	shalt  }
0x6f: {  	_ =	shalt  }
0x70: {  	_ =	shalt  }
0x71: {  	_ =	shalt  }
0x72: {  	_ =	shalt  }
0x73: {  	_ =	shalt  }
0x74: {  	_ =	shalt  }
0x75: {  	_ =	shalt  }
0x76: {  	_ =	shalt  }
0x77: {  	_ =	shalt  }
0x78: {  	_ =	shalt  }
0x79: {  	_ =	shalt  }
0x7a: {  	_ =	shalt  }
0x7b: {  	_ =	shalt  }
0x7c: {  	_ =	shalt  }
0x7d: {  	_ =	shalt  }
0x7e: {  	_ =	shalt  }
0x7f: {  	_ =	shalt  }
0x80: {  	_ =	shalt  }
0x81: {  	_ =	shalt  }
0x82: {  	_ =	shalt  }
0x83: {  	_ =	shalt  }
0x84: {  	_ =	shalt  }
0x85: {  	_ =	shalt  }
0x86: {  	_ =	shalt  }
0x87: {  	_ =	shalt  }
.Lfunc_end0:
.L_simem_size_0:
called_computation_lowered:
.L_overlay_start_0:
0x88: {  	s1 =	sld [smem:$0x3FD9]  }
0x89: {  	s3 =	sld [smem:$0x3FFE];
	_ =	sdelay $0x1  }
0x8a: {  	s2 =	srdreg.scid  }
0x8b: {  	s0 =	sand.u32 $0x1, s2  }
0x8c: {  	s17 =	sshll.u32 s0, $0xA;
	s1 =	sadd.s32 s3, s1  }
0x8d: {  	s1 =	sadd.s32 s1, s17  }
0x8e: {  	[smem:$0x3FC7] =	sst s1  }
0x8f: {  	_ = 	snop  }
0x90: {  	s1 =	simm.s32 $0x0;
	s18 =	sld [smem:$0x3FC9]  }
0x91: {  	[smem:$0xF] =	sst s1  }
0x92: {  	s4 =	sld [smem:$0x3FD0];
	(tm) =	ssettm $0x1  }
0x93: {  	s5 =	sld [smem:$0x3FFB];
	_ =	sdelay $0x3  }
0x94: {  	_ =	strace s5  }
0x95: {  	s5 =	sld [smem:$0x3FFC];
	_ =	sdelay $0x3  }
0x96: {  	_ =	strace s5  }
0x97: {  	s5 =	sld [smem:$0x3FFD];
	_ =	sdelay $0x3  }
0x98: {  	_ =	strace s5  }
0x99: {  	_ =	strace $0x8FFFFFFF  }
0x9a: {  	s19 =	sld [smem:$0x3FDB];
	_ =	sdelay $0x2  }
0x9b: {  	s6 =	simm.s32 $_scs_section_size;
	s7 =	simm.s32 $_tile_overlayer_lowered  }
0x9c: {  	s20 =	simm.s32 $_size__tile_overlayer_lowered;
	s7 =	sshll.u32 s7, $0x1;
	s5 =	sadd.s32 s6, s19  }
0x9d: {  	s8 =	simm.s32 $0x1BFF;
	s6 =	sshll.u32 s20, $0x1;
	s7 =	sadd.s32 s7, s5  }
0x9e: {  	[timem:s1], [sflag:s8] =	dma.local [hbm:s7], s6  }
0x9f: {  	_ =	swait.ge [sflag:s8], s6  }
0xa0: {  	s6 =	ssub.s32 $0x0, s6;
	[sflag:s8] =	ssyncset.done $0x0  }
0xa1: {  	[sflag:s8] =	ssyncadd.s32 s6;
	_ =	sdelay $0x1  }
0xa2: {  	s21 =	simm.s32 $0x1B8B  }
0xa3: {  	_ =	swait.ge [sflag:s21], $0x1  }
0xa4: {  	[sflag:s21] =	ssyncset.done $0x0  }
0xa5: {  	s22 =	simm.s32 $0x1B8E;
	[sflag:s21] =	ssyncadd.s32 $0xFFFFFFFF  }
0xa6: {  	s23 =	simm.s32 $execute0_lowered;
	[smem:$0x3FD2] =	sst s22  }
0xa7: {  	s6 =	sshll.u32 s23, $0x1;
	_ =	strace $0x80000046;
	[dreg:$0x1] =	wrdreg $0xFFFFFFFF  }
0xa8: {  	s24 =	simm.s32 $_size_execute0_lowered;
	s5 =	sadd.s32 s5, s6;
	[dreg:$0x0] =	wrdreg $0x0  }
0xa9: {  	s6 =	sshll.u32 s24, $0x1;
	[dreg:$0x2] =	wrdreg s5  }
0xaa: {  	[dreg:$0x3] =	wrdreg s6  }
0xab: {  	[dreg:$0x4] =	wrdreg $0xC0  }
0xac: {  	_ =	task [dreg:s1], $0x5FFFF  }
0xad: {  	[dreg:$0x1] =	wrdreg $0xFFFFFFFF  }
0xae: {  	[dreg:$0x0] =	wrdreg $0x60  }
0xaf: {  	s25 =	simm.s32 $0xB;
	[dreg:$0x2] =	wrdreg s18  }
0xb0: {  	s26 =	sshll.u32 s0, $0xD;
	s28 =	sshll.u32 s0, $0x13;
	[dreg:$0x3] =	wrdreg s4  }
0xb1: {  	s29 =	ssub.s32 $0x4000, s26;
	s3 =	simm.s32 $0xA;
	[dreg:$0x4] =	wrdreg $0x9  }
0xb2: {  	s5 =	sshrl.u32 s29, $0x3;
	s4 =	sadd.s32 s28, s4;
	_ =	task.clear_ibuf [dreg:s1], $0x5FFFF  }
0xb3: {  	[spmem:s1], [sflag:s25] =	dma.local [hbm:s18], $0x4000  }
0xb4: {  	s30 =	sadd.s32 $0x300000, s4;
	s31 =	sadd.s32 $0x700000, s4;
	s7 =	sadd.s32 $0x302000, s4  }
0xb5: {  	s9 =	sadd.s32 $0x702000, s4;
	s10 =	sadd.s32 $0x304000, s4;
	s12 =	sadd.s32 $0x704000, s4  }
0xb6: {  	s13 =	sadd.s32 $0x306000, s4;
	s15 =	sadd.s32 $0x706000, s4;
	s16 =	sadd.s32 $0x308000, s4  }
0xb7: {  	s18 =	sadd.s32 $0x708000, s4;
	s19 =	sadd.s32 $0x30A000, s4;
	_ =	swait.ge [sflag:s25], $0x4000  }
0xb8: {  	s21 =	sadd.s32 $0x70A000, s4;
	s22 =	sadd.s32 $0x30C000, s4;
	[sflag:s25] =	ssyncset.done $0x0  }
0xb9: {  	s24 =	sadd.s32 $0x70C000, s4;
	s28 =	sadd.s32 $0x70E000, s4;
	[sflag:s25] =	ssyncadd.s32 $0xFFFFC000  }
0xba: {  	[hbm:s30], [sflag:s3] =	dma.local [spmem:s5], $0x2000  }
0xbb: {  	[hbm:s31], [sflag:s3] =	dma.local [spmem:s5], $0x2000  }
0xbc: {  	s29 =	sadd.s32 $0x310000, s4;
	s25 =	sadd.s32 $0x30E000, s4;
	s5 =	sshrl.u32 s26, $0x3  }
0xbd: {  	s31 =	sadd.s32 $0x710000, s4;
	s8 =	sxor.u32 $0x7F0, s5;
	s11 =	sxor.u32 $0x7E0, s5  }
0xbe: {  	s14 =	sxor.u32 $0x7D0, s5;
	s17 =	sxor.u32 $0x7C0, s5;
	s20 =	sxor.u32 $0x7B0, s5  }
0xbf: {  	s23 =	sxor.u32 $0x7A0, s5;
	s26 =	sxor.u32 $0x790, s5;
	s30 =	sxor.u32 $0x780, s5  }
0xc0: {  	[hbm:s7], [sflag:s3] =	dma.local [spmem:s8], $0x2000  }
0xc1: {  	[hbm:s9], [sflag:s3] =	dma.local [spmem:s8], $0x2000  }
0xc2: {  	s7 =	sadd.s32 $0x312000, s4;
	s8 =	sxor.u32 $0x770, s5;
	s9 =	sadd.s32 $0x712000, s4  }
0xc3: {  	[hbm:s10], [sflag:s3] =	dma.local [spmem:s11], $0x2000  }
0xc4: {  	[hbm:s12], [sflag:s3] =	dma.local [spmem:s11], $0x2000  }
0xc5: {  	s10 =	sadd.s32 $0x314000, s4;
	s11 =	sxor.u32 $0x760, s5;
	s12 =	sadd.s32 $0x714000, s4  }
0xc6: {  	[hbm:s13], [sflag:s3] =	dma.local [spmem:s14], $0x2000  }
0xc7: {  	[hbm:s15], [sflag:s3] =	dma.local [spmem:s14], $0x2000  }
0xc8: {  	s13 =	sadd.s32 $0x316000, s4;
	s14 =	sxor.u32 $0x750, s5;
	s15 =	sadd.s32 $0x716000, s4  }
0xc9: {  	[hbm:s16], [sflag:s3] =	dma.local [spmem:s17], $0x2000  }
0xca: {  	[hbm:s18], [sflag:s3] =	dma.local [spmem:s17], $0x2000  }
0xcb: {  	s16 =	sadd.s32 $0x318000, s4;
	s17 =	sxor.u32 $0x740, s5;
	s18 =	sadd.s32 $0x718000, s4  }
0xcc: {  	[hbm:s19], [sflag:s3] =	dma.local [spmem:s20], $0x2000  }
0xcd: {  	[hbm:s21], [sflag:s3] =	dma.local [spmem:s20], $0x2000  }
0xce: {  	s19 =	sadd.s32 $0x31A000, s4;
	s20 =	sxor.u32 $0x730, s5;
	s21 =	sadd.s32 $0x71A000, s4  }
0xcf: {  	[hbm:s22], [sflag:s3] =	dma.local [spmem:s23], $0x2000  }
0xd0: {  	[hbm:s24], [sflag:s3] =	dma.local [spmem:s23], $0x2000  }
0xd1: {  	s22 =	sadd.s32 $0x31C000, s4;
	s23 =	sxor.u32 $0x720, s5;
	s24 =	sadd.s32 $0x71C000, s4  }
0xd2: {  	[hbm:s25], [sflag:s3] =	dma.local [spmem:s26], $0x2000  }
0xd3: {  	[hbm:s28], [sflag:s3] =	dma.local [spmem:s26], $0x2000  }
0xd4: {  	s25 =	sadd.s32 $0x31E000, s4;
	s26 =	sxor.u32 $0x710, s5;
	s28 =	sadd.s32 $0x71E000, s4  }
0xd5: {  	[hbm:s29], [sflag:s3] =	dma.local [spmem:s30], $0x2000  }
0xd6: {  	[hbm:s31], [sflag:s3] =	dma.local [spmem:s30], $0x2000  }
0xd7: {  	[hbm:s7], [sflag:s3] =	dma.local [spmem:s8], $0x2000  }
0xd8: {  	[hbm:s9], [sflag:s3] =	dma.local [spmem:s8], $0x2000  }
0xd9: {  	[hbm:s10], [sflag:s3] =	dma.local [spmem:s11], $0x2000  }
0xda: {  	[hbm:s12], [sflag:s3] =	dma.local [spmem:s11], $0x2000  }
0xdb: {  	[hbm:s13], [sflag:s3] =	dma.local [spmem:s14], $0x2000  }
0xdc: {  	[hbm:s15], [sflag:s3] =	dma.local [spmem:s14], $0x2000  }
0xdd: {  	[hbm:s16], [sflag:s3] =	dma.local [spmem:s17], $0x2000  }
0xde: {  	[hbm:s18], [sflag:s3] =	dma.local [spmem:s17], $0x2000  }
0xdf: {  	[hbm:s19], [sflag:s3] =	dma.local [spmem:s20], $0x2000  }
0xe0: {  	[hbm:s21], [sflag:s3] =	dma.local [spmem:s20], $0x2000  }
0xe1: {  	[hbm:s22], [sflag:s3] =	dma.local [spmem:s23], $0x2000  }
0xe2: {  	[hbm:s24], [sflag:s3] =	dma.local [spmem:s23], $0x2000  }
0xe3: {  	[hbm:s25], [sflag:s3] =	dma.local [spmem:s26], $0x2000  }
0xe4: {  	[hbm:s28], [sflag:s3] =	dma.local [spmem:s26], $0x2000  }
0xe5: {  	_ =	swait.ge [sflag:s3], $0x2000  }
0xe6: {  	[sflag:s3] =	ssyncset.done $0x0  }
0xe7: {  	[sflag:s3] =	ssyncadd.s32 $0xFFFFE000;
	_ =	sdelay $0x2  }
0xe8: {  	_ =	swait.ge [sflag:s3], $0x2000  }
0xe9: {  	[sflag:s3] =	ssyncset.done $0x0  }
0xea: {  	[sflag:s3] =	ssyncadd.s32 $0xFFFFE000;
	_ =	sdelay $0x2  }
0xeb: {  	_ =	swait.ge [sflag:s3], $0x2000  }
0xec: {  	[sflag:s3] =	ssyncset.done $0x0  }
0xed: {  	[sflag:s3] =	ssyncadd.s32 $0xFFFFE000;
	_ =	sdelay $0x2  }
0xee: {  	_ =	swait.ge [sflag:s3], $0x2000  }
0xef: {  	[sflag:s3] =	ssyncset.done $0x0  }
0xf0: {  	[sflag:s3] =	ssyncadd.s32 $0xFFFFE000;
	_ =	sdelay $0x2  }
0xf1: {  	_ =	swait.ge [sflag:s3], $0x2000  }
0xf2: {  	[sflag:s3] =	ssyncset.done $0x0  }
0xf3: {  	[sflag:s3] =	ssyncadd.s32 $0xFFFFE000;
	_ =	sdelay $0x2  }
0xf4: {  	_ =	swait.ge [sflag:s3], $0x2000  }
0xf5: {  	[sflag:s3] =	ssyncset.done $0x0  }
0xf6: {  	[sflag:s3] =	ssyncadd.s32 $0xFFFFE000;
	_ =	sdelay $0x2  }
0xf7: {  	_ =	swait.ge [sflag:s3], $0x2000  }
0xf8: {  	[sflag:s3] =	ssyncset.done $0x0  }
0xf9: {  	[sflag:s3] =	ssyncadd.s32 $0xFFFFE000;
	_ =	sdelay $0x2  }
0xfa: {  	_ =	swait.ge [sflag:s3], $0x2000  }
0xfb: {  	[sflag:s3] =	ssyncset.done $0x0  }
0xfc: {  	[sflag:s3] =	ssyncadd.s32 $0xFFFFE000;
	_ =	sdelay $0x2  }
0xfd: {  	_ =	swait.ge [sflag:s3], $0x2000  }
0xfe: {  	[sflag:s3] =	ssyncset.done $0x0  }
0xff: {  	[sflag:s3] =	ssyncadd.s32 $0xFFFFE000;
	_ =	sdelay $0x2  }
0x100: {  	_ =	swait.ge [sflag:s3], $0x2000  }
0x101: {  	[sflag:s3] =	ssyncset.done $0x0  }
0x102: {  	[sflag:s3] =	ssyncadd.s32 $0xFFFFE000;
	_ =	sdelay $0x2  }
0x103: {  	_ =	swait.ge [sflag:s3], $0x2000  }
0x104: {  	[sflag:s3] =	ssyncset.done $0x0  }
0x105: {  	[sflag:s3] =	ssyncadd.s32 $0xFFFFE000;
	_ =	sdelay $0x2  }
0x106: {  	_ =	swait.ge [sflag:s3], $0x2000  }
0x107: {  	[sflag:s3] =	ssyncset.done $0x0  }
0x108: {  	[sflag:s3] =	ssyncadd.s32 $0xFFFFE000;
	_ =	sdelay $0x2  }
0x109: {  	_ =	swait.ge [sflag:s3], $0x2000  }
0x10a: {  	[sflag:s3] =	ssyncset.done $0x0  }
0x10b: {  	[sflag:s3] =	ssyncadd.s32 $0xFFFFE000;
	_ =	sdelay $0x2  }
0x10c: {  	_ =	swait.ge [sflag:s3], $0x2000  }
0x10d: {  	[sflag:s3] =	ssyncset.done $0x0  }
0x10e: {  	[sflag:s3] =	ssyncadd.s32 $0xFFFFE000  }
0x10f: {  	s29 =	sadd.s32 $0x320000, s4;
	s30 =	sxor.u32 $0x700, s5;
	s31 =	sadd.s32 $0x720000, s4  }
0x110: {  	s7 =	sadd.s32 $0x322000, s4;
	s8 =	sxor.u32 $0x6F0, s5;
	s9 =	sadd.s32 $0x722000, s4  }
0x111: {  	s10 =	sadd.s32 $0x324000, s4;
	s11 =	sxor.u32 $0x6E0, s5;
	_ =	swait.ge [sflag:s3], $0x2000  }
0x112: {  	s12 =	sadd.s32 $0x724000, s4;
	s13 =	sadd.s32 $0x326000, s4;
	[sflag:s3] =	ssyncset.done $0x0  }
0x113: {  	s14 =	sxor.u32 $0x6D0, s5;
	s15 =	sadd.s32 $0x726000, s4;
	[sflag:s3] =	ssyncadd.s32 $0xFFFFE000  }
0x114: {  	s16 =	sadd.s32 $0x328000, s4;
	s17 =	sxor.u32 $0x6C0, s5;
	s18 =	sadd.s32 $0x728000, s4  }
0x115: {  	s19 =	sadd.s32 $0x32A000, s4;
	s20 =	sxor.u32 $0x6B0, s5;
	s21 =	sadd.s32 $0x72A000, s4  }
0x116: {  	s22 =	sadd.s32 $0x32C000, s4;
	s23 =	sxor.u32 $0x6A0, s5;
	_ =	swait.ge [sflag:s3], $0x2000  }
0x117: {  	s24 =	sadd.s32 $0x72C000, s4;
	s25 =	sadd.s32 $0x32E000, s4;
	[sflag:s3] =	ssyncset.done $0x0  }
0x118: {  	s26 =	sxor.u32 $0x690, s5;
	s28 =	sadd.s32 $0x72E000, s4;
	[sflag:s3] =	ssyncadd.s32 $0xFFFFE000  }
0x119: {  	[hbm:s29], [sflag:s3] =	dma.local [spmem:s30], $0x2000  }
0x11a: {  	[hbm:s31], [sflag:s3] =	dma.local [spmem:s30], $0x2000  }
0x11b: {  	[hbm:s7], [sflag:s3] =	dma.local [spmem:s8], $0x2000  }
0x11c: {  	[hbm:s9], [sflag:s3] =	dma.local [spmem:s8], $0x2000  }
0x11d: {  	[hbm:s10], [sflag:s3] =	dma.local [spmem:s11], $0x2000  }
0x11e: {  	[hbm:s12], [sflag:s3] =	dma.local [spmem:s11], $0x2000  }
0x11f: {  	[hbm:s13], [sflag:s3] =	dma.local [spmem:s14], $0x2000  }
0x120: {  	[hbm:s15], [sflag:s3] =	dma.local [spmem:s14], $0x2000  }
0x121: {  	[hbm:s16], [sflag:s3] =	dma.local [spmem:s17], $0x2000  }
0x122: {  	[hbm:s18], [sflag:s3] =	dma.local [spmem:s17], $0x2000  }
0x123: {  	[hbm:s19], [sflag:s3] =	dma.local [spmem:s20], $0x2000  }
0x124: {  	[hbm:s21], [sflag:s3] =	dma.local [spmem:s20], $0x2000  }
0x125: {  	[hbm:s22], [sflag:s3] =	dma.local [spmem:s23], $0x2000  }
0x126: {  	[hbm:s24], [sflag:s3] =	dma.local [spmem:s23], $0x2000  }
0x127: {  	[hbm:s25], [sflag:s3] =	dma.local [spmem:s26], $0x2000  }
0x128: {  	[hbm:s28], [sflag:s3] =	dma.local [spmem:s26], $0x2000  }
0x129: {  	_ =	swait.ge [sflag:s3], $0x2000  }
0x12a: {  	[sflag:s3] =	ssyncset.done $0x0  }
0x12b: {  	[sflag:s3] =	ssyncadd.s32 $0xFFFFE000;
	_ =	sdelay $0x2  }
0x12c: {  	_ =	swait.ge [sflag:s3], $0x2000  }
0x12d: {  	[sflag:s3] =	ssyncset.done $0x0  }
0x12e: {  	[sflag:s3] =	ssyncadd.s32 $0xFFFFE000;
	_ =	sdelay $0x2  }
0x12f: {  	_ =	swait.ge [sflag:s3], $0x2000  }
0x130: {  	[sflag:s3] =	ssyncset.done $0x0  }
0x131: {  	[sflag:s3] =	ssyncadd.s32 $0xFFFFE000;
	_ =	sdelay $0x2  }
0x132: {  	_ =	swait.ge [sflag:s3], $0x2000  }
0x133: {  	[sflag:s3] =	ssyncset.done $0x0  }
0x134: {  	[sflag:s3] =	ssyncadd.s32 $0xFFFFE000;
	_ =	sdelay $0x2  }
0x135: {  	_ =	swait.ge [sflag:s3], $0x2000  }
0x136: {  	[sflag:s3] =	ssyncset.done $0x0  }
0x137: {  	[sflag:s3] =	ssyncadd.s32 $0xFFFFE000;
	_ =	sdelay $0x2  }
0x138: {  	_ =	swait.ge [sflag:s3], $0x2000  }
0x139: {  	[sflag:s3] =	ssyncset.done $0x0  }
0x13a: {  	[sflag:s3] =	ssyncadd.s32 $0xFFFFE000;
	_ =	sdelay $0x2  }
0x13b: {  	_ =	swait.ge [sflag:s3], $0x2000  }
0x13c: {  	[sflag:s3] =	ssyncset.done $0x0  }
0x13d: {  	[sflag:s3] =	ssyncadd.s32 $0xFFFFE000;
	_ =	sdelay $0x2  }
0x13e: {  	_ =	swait.ge [sflag:s3], $0x2000  }
0x13f: {  	[sflag:s3] =	ssyncset.done $0x0  }
0x140: {  	[sflag:s3] =	ssyncadd.s32 $0xFFFFE000;
	_ =	sdelay $0x2  }
0x141: {  	_ =	swait.ge [sflag:s3], $0x2000  }
0x142: {  	[sflag:s3] =	ssyncset.done $0x0  }
0x143: {  	[sflag:s3] =	ssyncadd.s32 $0xFFFFE000;
	_ =	sdelay $0x2  }
0x144: {  	_ =	swait.ge [sflag:s3], $0x2000  }
0x145: {  	[sflag:s3] =	ssyncset.done $0x0  }
0x146: {  	[sflag:s3] =	ssyncadd.s32 $0xFFFFE000;
	_ =	sdelay $0x2  }
0x147: {  	_ =	swait.ge [sflag:s3], $0x2000  }
0x148: {  	[sflag:s3] =	ssyncset.done $0x0  }
0x149: {  	[sflag:s3] =	ssyncadd.s32 $0xFFFFE000;
	_ =	sdelay $0x2  }
0x14a: {  	_ =	swait.ge [sflag:s3], $0x2000  }
0x14b: {  	[sflag:s3] =	ssyncset.done $0x0  }
0x14c: {  	[sflag:s3] =	ssyncadd.s32 $0xFFFFE000;
	_ =	sdelay $0x2  }
0x14d: {  	_ =	swait.ge [sflag:s3], $0x2000  }
0x14e: {  	[sflag:s3] =	ssyncset.done $0x0  }
0x14f: {  	[sflag:s3] =	ssyncadd.s32 $0xFFFFE000;
	_ =	sdelay $0x2  }
0x150: {  	_ =	swait.ge [sflag:s3], $0x2000  }
0x151: {  	[sflag:s3] =	ssyncset.done $0x0  }
0x152: {  	[sflag:s3] =	ssyncadd.s32 $0xFFFFE000  }
0x153: {  	s29 =	sadd.s32 $0x330000, s4;
	s30 =	sxor.u32 $0x680, s5;
	s31 =	sadd.s32 $0x730000, s4  }
0x154: {  	s7 =	sadd.s32 $0x332000, s4;
	s8 =	sxor.u32 $0x670, s5;
	s9 =	sadd.s32 $0x732000, s4  }
0x155: {  	s10 =	sadd.s32 $0x334000, s4;
	s11 =	sxor.u32 $0x660, s5;
	_ =	swait.ge [sflag:s3], $0x2000  }
0x156: {  	s12 =	sadd.s32 $0x734000, s4;
	s13 =	sadd.s32 $0x336000, s4;
	[sflag:s3] =	ssyncset.done $0x0  }
0x157: {  	s14 =	sxor.u32 $0x650, s5;
	s15 =	sadd.s32 $0x736000, s4;
	[sflag:s3] =	ssyncadd.s32 $0xFFFFE000  }
0x158: {  	s16 =	sadd.s32 $0x338000, s4;
	s17 =	sxor.u32 $0x640, s5;
	s18 =	sadd.s32 $0x738000, s4  }
0x159: {  	s19 =	sadd.s32 $0x33A000, s4;
	s20 =	sxor.u32 $0x630, s5;
	s21 =	sadd.s32 $0x73A000, s4  }
0x15a: {  	s22 =	sadd.s32 $0x33C000, s4;
	s23 =	sxor.u32 $0x620, s5;
	_ =	swait.ge [sflag:s3], $0x2000  }
0x15b: {  	s24 =	sadd.s32 $0x73C000, s4;
	s25 =	sadd.s32 $0x33E000, s4;
	[sflag:s3] =	ssyncset.done $0x0  }
0x15c: {  	s26 =	sxor.u32 $0x610, s5;
	s28 =	sadd.s32 $0x73E000, s4;
	[sflag:s3] =	ssyncadd.s32 $0xFFFFE000  }
0x15d: {  	[hbm:s29], [sflag:s3] =	dma.local [spmem:s30], $0x2000  }
0x15e: {  	[hbm:s31], [sflag:s3] =	dma.local [spmem:s30], $0x2000  }
0x15f: {  	[hbm:s7], [sflag:s3] =	dma.local [spmem:s8], $0x2000  }
0x160: {  	[hbm:s9], [sflag:s3] =	dma.local [spmem:s8], $0x2000  }
0x161: {  	[hbm:s10], [sflag:s3] =	dma.local [spmem:s11], $0x2000  }
0x162: {  	[hbm:s12], [sflag:s3] =	dma.local [spmem:s11], $0x2000  }
0x163: {  	[hbm:s13], [sflag:s3] =	dma.local [spmem:s14], $0x2000  }
0x164: {  	[hbm:s15], [sflag:s3] =	dma.local [spmem:s14], $0x2000  }
0x165: {  	[hbm:s16], [sflag:s3] =	dma.local [spmem:s17], $0x2000  }
0x166: {  	[hbm:s18], [sflag:s3] =	dma.local [spmem:s17], $0x2000  }
0x167: {  	[hbm:s19], [sflag:s3] =	dma.local [spmem:s20], $0x2000  }
0x168: {  	[hbm:s21], [sflag:s3] =	dma.local [spmem:s20], $0x2000  }
0x169: {  	[hbm:s22], [sflag:s3] =	dma.local [spmem:s23], $0x2000  }
0x16a: {  	[hbm:s24], [sflag:s3] =	dma.local [spmem:s23], $0x2000  }
0x16b: {  	[hbm:s25], [sflag:s3] =	dma.local [spmem:s26], $0x2000  }
0x16c: {  	[hbm:s28], [sflag:s3] =	dma.local [spmem:s26], $0x2000  }
0x16d: {  	_ =	swait.ge [sflag:s3], $0x2000  }
0x16e: {  	[sflag:s3] =	ssyncset.done $0x0  }
0x16f: {  	[sflag:s3] =	ssyncadd.s32 $0xFFFFE000;
	_ =	sdelay $0x2  }
0x170: {  	_ =	swait.ge [sflag:s3], $0x2000  }
0x171: {  	[sflag:s3] =	ssyncset.done $0x0  }
0x172: {  	[sflag:s3] =	ssyncadd.s32 $0xFFFFE000;
	_ =	sdelay $0x2  }
0x173: {  	_ =	swait.ge [sflag:s3], $0x2000  }
0x174: {  	[sflag:s3] =	ssyncset.done $0x0  }
0x175: {  	[sflag:s3] =	ssyncadd.s32 $0xFFFFE000;
	_ =	sdelay $0x2  }
0x176: {  	_ =	swait.ge [sflag:s3], $0x2000  }
0x177: {  	[sflag:s3] =	ssyncset.done $0x0  }
0x178: {  	[sflag:s3] =	ssyncadd.s32 $0xFFFFE000;
	_ =	sdelay $0x2  }
0x179: {  	_ =	swait.ge [sflag:s3], $0x2000  }
0x17a: {  	[sflag:s3] =	ssyncset.done $0x0  }
0x17b: {  	[sflag:s3] =	ssyncadd.s32 $0xFFFFE000;
	_ =	sdelay $0x2  }
0x17c: {  	_ =	swait.ge [sflag:s3], $0x2000  }
0x17d: {  	[sflag:s3] =	ssyncset.done $0x0  }
0x17e: {  	[sflag:s3] =	ssyncadd.s32 $0xFFFFE000;
	_ =	sdelay $0x2  }
0x17f: {  	_ =	swait.ge [sflag:s3], $0x2000  }
0x180: {  	[sflag:s3] =	ssyncset.done $0x0  }
0x181: {  	[sflag:s3] =	ssyncadd.s32 $0xFFFFE000;
	_ =	sdelay $0x2  }
0x182: {  	_ =	swait.ge [sflag:s3], $0x2000  }
0x183: {  	[sflag:s3] =	ssyncset.done $0x0  }
0x184: {  	[sflag:s3] =	ssyncadd.s32 $0xFFFFE000;
	_ =	sdelay $0x2  }
0x185: {  	_ =	swait.ge [sflag:s3], $0x2000  }
0x186: {  	[sflag:s3] =	ssyncset.done $0x0  }
0x187: {  	[sflag:s3] =	ssyncadd.s32 $0xFFFFE000;
	_ =	sdelay $0x2  }
0x188: {  	_ =	swait.ge [sflag:s3], $0x2000  }
0x189: {  	[sflag:s3] =	ssyncset.done $0x0  }
0x18a: {  	[sflag:s3] =	ssyncadd.s32 $0xFFFFE000;
	_ =	sdelay $0x2  }
0x18b: {  	_ =	swait.ge [sflag:s3], $0x2000  }
0x18c: {  	[sflag:s3] =	ssyncset.done $0x0  }
0x18d: {  	[sflag:s3] =	ssyncadd.s32 $0xFFFFE000;
	_ =	sdelay $0x2  }
0x18e: {  	_ =	swait.ge [sflag:s3], $0x2000  }
0x18f: {  	[sflag:s3] =	ssyncset.done $0x0  }
0x190: {  	[sflag:s3] =	ssyncadd.s32 $0xFFFFE000;
	_ =	sdelay $0x2  }
0x191: {  	_ =	swait.ge [sflag:s3], $0x2000  }
0x192: {  	[sflag:s3] =	ssyncset.done $0x0  }
0x193: {  	[sflag:s3] =	ssyncadd.s32 $0xFFFFE000;
	_ =	sdelay $0x2  }
0x194: {  	_ =	swait.ge [sflag:s3], $0x2000  }
0x195: {  	[sflag:s3] =	ssyncset.done $0x0  }
0x196: {  	[sflag:s3] =	ssyncadd.s32 $0xFFFFE000  }
0x197: {  	s29 =	sadd.s32 $0x340000, s4;
	s30 =	sxor.u32 $0x600, s5;
	s31 =	sadd.s32 $0x740000, s4  }
0x198: {  	s7 =	sadd.s32 $0x342000, s4;
	s8 =	sxor.u32 $0x5F0, s5;
	s9 =	sadd.s32 $0x742000, s4  }
0x199: {  	s10 =	sadd.s32 $0x344000, s4;
	s11 =	sxor.u32 $0x5E0, s5;
	_ =	swait.ge [sflag:s3], $0x2000  }
0x19a: {  	s12 =	sadd.s32 $0x744000, s4;
	s13 =	sadd.s32 $0x346000, s4;
	[sflag:s3] =	ssyncset.done $0x0  }
0x19b: {  	s14 =	sxor.u32 $0x5D0, s5;
	s15 =	sadd.s32 $0x746000, s4;
	[sflag:s3] =	ssyncadd.s32 $0xFFFFE000  }
0x19c: {  	s16 =	sadd.s32 $0x348000, s4;
	s17 =	sxor.u32 $0x5C0, s5;
	s18 =	sadd.s32 $0x748000, s4  }
0x19d: {  	s19 =	sadd.s32 $0x34A000, s4;
	s20 =	sxor.u32 $0x5B0, s5;
	s21 =	sadd.s32 $0x74A000, s4  }
0x19e: {  	s22 =	sadd.s32 $0x34C000, s4;
	s23 =	sxor.u32 $0x5A0, s5;
	_ =	swait.ge [sflag:s3], $0x2000  }
0x19f: {  	s24 =	sadd.s32 $0x74C000, s4;
	s25 =	sadd.s32 $0x34E000, s4;
	[sflag:s3] =	ssyncset.done $0x0  }
0x1a0: {  	s26 =	sxor.u32 $0x590, s5;
	s28 =	sadd.s32 $0x74E000, s4;
	[sflag:s3] =	ssyncadd.s32 $0xFFFFE000  }
0x1a1: {  	[hbm:s29], [sflag:s3] =	dma.local [spmem:s30], $0x2000  }
0x1a2: {  	[hbm:s31], [sflag:s3] =	dma.local [spmem:s30], $0x2000  }
0x1a3: {  	[hbm:s7], [sflag:s3] =	dma.local [spmem:s8], $0x2000  }
0x1a4: {  	[hbm:s9], [sflag:s3] =	dma.local [spmem:s8], $0x2000  }
0x1a5: {  	[hbm:s10], [sflag:s3] =	dma.local [spmem:s11], $0x2000  }
0x1a6: {  	[hbm:s12], [sflag:s3] =	dma.local [spmem:s11], $0x2000  }
0x1a7: {  	[hbm:s13], [sflag:s3] =	dma.local [spmem:s14], $0x2000  }
0x1a8: {  	[hbm:s15], [sflag:s3] =	dma.local [spmem:s14], $0x2000  }
0x1a9: {  	[hbm:s16], [sflag:s3] =	dma.local [spmem:s17], $0x2000  }
0x1aa: {  	[hbm:s18], [sflag:s3] =	dma.local [spmem:s17], $0x2000  }
0x1ab: {  	[hbm:s19], [sflag:s3] =	dma.local [spmem:s20], $0x2000  }
0x1ac: {  	[hbm:s21], [sflag:s3] =	dma.local [spmem:s20], $0x2000  }
0x1ad: {  	[hbm:s22], [sflag:s3] =	dma.local [spmem:s23], $0x2000  }
0x1ae: {  	[hbm:s24], [sflag:s3] =	dma.local [spmem:s23], $0x2000  }
0x1af: {  	[hbm:s25], [sflag:s3] =	dma.local [spmem:s26], $0x2000  }
0x1b0: {  	[hbm:s28], [sflag:s3] =	dma.local [spmem:s26], $0x2000  }
0x1b1: {  	_ =	swait.ge [sflag:s3], $0x2000  }
0x1b2: {  	[sflag:s3] =	ssyncset.done $0x0  }
0x1b3: {  	[sflag:s3] =	ssyncadd.s32 $0xFFFFE000;
	_ =	sdelay $0x2  }
0x1b4: {  	_ =	swait.ge [sflag:s3], $0x2000  }
0x1b5: {  	[sflag:s3] =	ssyncset.done $0x0  }
0x1b6: {  	[sflag:s3] =	ssyncadd.s32 $0xFFFFE000;
	_ =	sdelay $0x2  }
0x1b7: {  	_ =	swait.ge [sflag:s3], $0x2000  }
0x1b8: {  	[sflag:s3] =	ssyncset.done $0x0  }
0x1b9: {  	[sflag:s3] =	ssyncadd.s32 $0xFFFFE000;
	_ =	sdelay $0x2  }
0x1ba: {  	_ =	swait.ge [sflag:s3], $0x2000  }
0x1bb: {  	[sflag:s3] =	ssyncset.done $0x0  }
0x1bc: {  	[sflag:s3] =	ssyncadd.s32 $0xFFFFE000;
	_ =	sdelay $0x2  }
0x1bd: {  	_ =	swait.ge [sflag:s3], $0x2000  }
0x1be: {  	[sflag:s3] =	ssyncset.done $0x0  }
0x1bf: {  	[sflag:s3] =	ssyncadd.s32 $0xFFFFE000;
	_ =	sdelay $0x2  }
0x1c0: {  	_ =	swait.ge [sflag:s3], $0x2000  }
0x1c1: {  	[sflag:s3] =	ssyncset.done $0x0  }
0x1c2: {  	[sflag:s3] =	ssyncadd.s32 $0xFFFFE000;
	_ =	sdelay $0x2  }
0x1c3: {  	_ =	swait.ge [sflag:s3], $0x2000  }
0x1c4: {  	[sflag:s3] =	ssyncset.done $0x0  }
0x1c5: {  	[sflag:s3] =	ssyncadd.s32 $0xFFFFE000;
	_ =	sdelay $0x2  }
0x1c6: {  	_ =	swait.ge [sflag:s3], $0x2000  }
0x1c7: {  	[sflag:s3] =	ssyncset.done $0x0  }
0x1c8: {  	[sflag:s3] =	ssyncadd.s32 $0xFFFFE000;
	_ =	sdelay $0x2  }
0x1c9: {  	_ =	swait.ge [sflag:s3], $0x2000  }
0x1ca: {  	[sflag:s3] =	ssyncset.done $0x0  }
0x1cb: {  	[sflag:s3] =	ssyncadd.s32 $0xFFFFE000;
	_ =	sdelay $0x2  }
0x1cc: {  	_ =	swait.ge [sflag:s3], $0x2000  }
0x1cd: {  	[sflag:s3] =	ssyncset.done $0x0  }
0x1ce: {  	[sflag:s3] =	ssyncadd.s32 $0xFFFFE000;
	_ =	sdelay $0x2  }
0x1cf: {  	_ =	swait.ge [sflag:s3], $0x2000  }
0x1d0: {  	[sflag:s3] =	ssyncset.done $0x0  }
0x1d1: {  	[sflag:s3] =	ssyncadd.s32 $0xFFFFE000;
	_ =	sdelay $0x2  }
0x1d2: {  	_ =	swait.ge [sflag:s3], $0x2000  }
0x1d3: {  	[sflag:s3] =	ssyncset.done $0x0  }
0x1d4: {  	[sflag:s3] =	ssyncadd.s32 $0xFFFFE000;
	_ =	sdelay $0x2  }
0x1d5: {  	_ =	swait.ge [sflag:s3], $0x2000  }
0x1d6: {  	[sflag:s3] =	ssyncset.done $0x0  }
0x1d7: {  	[sflag:s3] =	ssyncadd.s32 $0xFFFFE000;
	_ =	sdelay $0x2  }
0x1d8: {  	_ =	swait.ge [sflag:s3], $0x2000  }
0x1d9: {  	[sflag:s3] =	ssyncset.done $0x0  }
0x1da: {  	[sflag:s3] =	ssyncadd.s32 $0xFFFFE000  }
0x1db: {  	s29 =	sadd.s32 $0x350000, s4;
	s30 =	sxor.u32 $0x580, s5;
	s31 =	sadd.s32 $0x750000, s4  }
0x1dc: {  	s7 =	sadd.s32 $0x352000, s4;
	s8 =	sxor.u32 $0x570, s5;
	s9 =	sadd.s32 $0x752000, s4  }
0x1dd: {  	s10 =	sadd.s32 $0x354000, s4;
	s11 =	sxor.u32 $0x560, s5;
	_ =	swait.ge [sflag:s3], $0x2000  }
0x1de: {  	s12 =	sadd.s32 $0x754000, s4;
	s13 =	sadd.s32 $0x356000, s4;
	[sflag:s3] =	ssyncset.done $0x0  }
0x1df: {  	s14 =	sxor.u32 $0x550, s5;
	s15 =	sadd.s32 $0x756000, s4;
	[sflag:s3] =	ssyncadd.s32 $0xFFFFE000  }
0x1e0: {  	s16 =	sadd.s32 $0x358000, s4;
	s17 =	sxor.u32 $0x540, s5;
	s18 =	sadd.s32 $0x758000, s4  }
0x1e1: {  	s19 =	sadd.s32 $0x35A000, s4;
	s20 =	sxor.u32 $0x530, s5;
	s21 =	sadd.s32 $0x75A000, s4  }
0x1e2: {  	s22 =	sadd.s32 $0x35C000, s4;
	s23 =	sxor.u32 $0x520, s5;
	_ =	swait.ge [sflag:s3], $0x2000  }
0x1e3: {  	s24 =	sadd.s32 $0x75C000, s4;
	s25 =	sadd.s32 $0x35E000, s4;
	[sflag:s3] =	ssyncset.done $0x0  }
0x1e4: {  	s26 =	sxor.u32 $0x510, s5;
	s28 =	sadd.s32 $0x75E000, s4;
	[sflag:s3] =	ssyncadd.s32 $0xFFFFE000  }
0x1e5: {  	[hbm:s29], [sflag:s3] =	dma.local [spmem:s30], $0x2000  }
0x1e6: {  	[hbm:s31], [sflag:s3] =	dma.local [spmem:s30], $0x2000  }
0x1e7: {  	[hbm:s7], [sflag:s3] =	dma.local [spmem:s8], $0x2000  }
0x1e8: {  	[hbm:s9], [sflag:s3] =	dma.local [spmem:s8], $0x2000  }
0x1e9: {  	[hbm:s10], [sflag:s3] =	dma.local [spmem:s11], $0x2000  }
0x1ea: {  	[hbm:s12], [sflag:s3] =	dma.local [spmem:s11], $0x2000  }
0x1eb: {  	[hbm:s13], [sflag:s3] =	dma.local [spmem:s14], $0x2000  }
0x1ec: {  	[hbm:s15], [sflag:s3] =	dma.local [spmem:s14], $0x2000  }
0x1ed: {  	[hbm:s16], [sflag:s3] =	dma.local [spmem:s17], $0x2000  }
0x1ee: {  	[hbm:s18], [sflag:s3] =	dma.local [spmem:s17], $0x2000  }
0x1ef: {  	[hbm:s19], [sflag:s3] =	dma.local [spmem:s20], $0x2000  }
0x1f0: {  	[hbm:s21], [sflag:s3] =	dma.local [spmem:s20], $0x2000  }
0x1f1: {  	[hbm:s22], [sflag:s3] =	dma.local [spmem:s23], $0x2000  }
0x1f2: {  	[hbm:s24], [sflag:s3] =	dma.local [spmem:s23], $0x2000  }
0x1f3: {  	[hbm:s25], [sflag:s3] =	dma.local [spmem:s26], $0x2000  }
0x1f4: {  	[hbm:s28], [sflag:s3] =	dma.local [spmem:s26], $0x2000  }
0x1f5: {  	_ =	swait.ge [sflag:s3], $0x2000  }
0x1f6: {  	[sflag:s3] =	ssyncset.done $0x0  }
0x1f7: {  	[sflag:s3] =	ssyncadd.s32 $0xFFFFE000;
	_ =	sdelay $0x2  }
0x1f8: {  	_ =	swait.ge [sflag:s3], $0x2000  }
0x1f9: {  	[sflag:s3] =	ssyncset.done $0x0  }
0x1fa: {  	[sflag:s3] =	ssyncadd.s32 $0xFFFFE000;
	_ =	sdelay $0x2  }
0x1fb: {  	_ =	swait.ge [sflag:s3], $0x2000  }
0x1fc: {  	[sflag:s3] =	ssyncset.done $0x0  }
0x1fd: {  	[sflag:s3] =	ssyncadd.s32 $0xFFFFE000;
	_ =	sdelay $0x2  }
0x1fe: {  	_ =	swait.ge [sflag:s3], $0x2000  }
0x1ff: {  	[sflag:s3] =	ssyncset.done $0x0  }
0x200: {  	[sflag:s3] =	ssyncadd.s32 $0xFFFFE000;
	_ =	sdelay $0x2  }
0x201: {  	_ =	swait.ge [sflag:s3], $0x2000  }
0x202: {  	[sflag:s3] =	ssyncset.done $0x0  }
0x203: {  	[sflag:s3] =	ssyncadd.s32 $0xFFFFE000;
	_ =	sdelay $0x2  }
0x204: {  	_ =	swait.ge [sflag:s3], $0x2000  }
0x205: {  	[sflag:s3] =	ssyncset.done $0x0  }
0x206: {  	[sflag:s3] =	ssyncadd.s32 $0xFFFFE000;
	_ =	sdelay $0x2  }
0x207: {  	_ =	swait.ge [sflag:s3], $0x2000  }
0x208: {  	[sflag:s3] =	ssyncset.done $0x0  }
0x209: {  	[sflag:s3] =	ssyncadd.s32 $0xFFFFE000;
	_ =	sdelay $0x2  }
0x20a: {  	_ =	swait.ge [sflag:s3], $0x2000  }
0x20b: {  	[sflag:s3] =	ssyncset.done $0x0  }
0x20c: {  	[sflag:s3] =	ssyncadd.s32 $0xFFFFE000;
	_ =	sdelay $0x2  }
0x20d: {  	_ =	swait.ge [sflag:s3], $0x2000  }
0x20e: {  	[sflag:s3] =	ssyncset.done $0x0  }
0x20f: {  	[sflag:s3] =	ssyncadd.s32 $0xFFFFE000;
	_ =	sdelay $0x2  }
0x210: {  	_ =	swait.ge [sflag:s3], $0x2000  }
0x211: {  	[sflag:s3] =	ssyncset.done $0x0  }
0x212: {  	[sflag:s3] =	ssyncadd.s32 $0xFFFFE000;
	_ =	sdelay $0x2  }
0x213: {  	_ =	swait.ge [sflag:s3], $0x2000  }
0x214: {  	[sflag:s3] =	ssyncset.done $0x0  }
0x215: {  	[sflag:s3] =	ssyncadd.s32 $0xFFFFE000;
	_ =	sdelay $0x2  }
0x216: {  	_ =	swait.ge [sflag:s3], $0x2000  }
0x217: {  	[sflag:s3] =	ssyncset.done $0x0  }
0x218: {  	[sflag:s3] =	ssyncadd.s32 $0xFFFFE000;
	_ =	sdelay $0x2  }
0x219: {  	_ =	swait.ge [sflag:s3], $0x2000  }
0x21a: {  	[sflag:s3] =	ssyncset.done $0x0  }
0x21b: {  	[sflag:s3] =	ssyncadd.s32 $0xFFFFE000;
	_ =	sdelay $0x2  }
0x21c: {  	_ =	swait.ge [sflag:s3], $0x2000  }
0x21d: {  	[sflag:s3] =	ssyncset.done $0x0  }
0x21e: {  	[sflag:s3] =	ssyncadd.s32 $0xFFFFE000;
	_ =	sdelay $0x1  }
0x21f: {  	s29 =	sadd.s32 $0x360000, s4;
	s30 =	sxor.u32 $0x500, s5;
	s31 =	sadd.s32 $0x760000, s4  }
0x220: {  	s8 =	sadd.s32 $0x362000, s4;
	s9 =	sxor.u32 $0x4F0, s5;
	_ =	swait.ge [sflag:s3], $0x2000  }
0x221: {  	s10 =	sadd.s32 $0x762000, s4;
	s11 =	sadd.s32 $0x364000, s4;
	[sflag:s3] =	ssyncset.done $0x0  }
0x222: {  	s12 =	sxor.u32 $0x4E0, s5;
	s13 =	sadd.s32 $0x764000, s4;
	[sflag:s3] =	ssyncadd.s32 $0xFFFFE000  }
0x223: {  	s14 =	sadd.s32 $0x366000, s4;
	s15 =	sxor.u32 $0x4D0, s5;
	s16 =	sadd.s32 $0x766000, s4  }
0x224: {  	s17 =	sadd.s32 $0x368000, s4;
	s18 =	sxor.u32 $0x4C0, s5;
	s19 =	sadd.s32 $0x768000, s4  }
0x225: {  	s20 =	sadd.s32 $0x36A000, s4;
	s21 =	sxor.u32 $0x4B0, s5;
	_ =	swait.ge [sflag:s3], $0x2000  }
0x226: {  	s22 =	sadd.s32 $0x76A000, s4;
	s23 =	sadd.s32 $0x36C000, s4;
	[sflag:s3] =	ssyncset.done $0x0  }
0x227: {  	s24 =	sxor.u32 $0x4A0, s5;
	s25 =	sadd.s32 $0x76C000, s4;
	[sflag:s3] =	ssyncadd.s32 $0xFFFFE000  }
0x228: {  	[hbm:s29], [sflag:s3] =	dma.local [spmem:s30], $0x2000  }
0x229: {  	s26 =	sadd.s32 $0x36E000, s4;
	s28 =	sxor.u32 $0x490, s5;
	s29 =	sadd.s32 $0x76E000, s4  }
0x22a: {  	[hbm:s31], [sflag:s3] =	dma.local [spmem:s30], $0x2000  }
0x22b: {  	[hbm:s8], [sflag:s3] =	dma.local [spmem:s9], $0x2000  }
0x22c: {  	[hbm:s10], [sflag:s3] =	dma.local [spmem:s9], $0x2000  }
0x22d: {  	[hbm:s11], [sflag:s3] =	dma.local [spmem:s12], $0x2000  }
0x22e: {  	[hbm:s13], [sflag:s3] =	dma.local [spmem:s12], $0x2000  }
0x22f: {  	[hbm:s14], [sflag:s3] =	dma.local [spmem:s15], $0x2000  }
0x230: {  	[hbm:s16], [sflag:s3] =	dma.local [spmem:s15], $0x2000  }
0x231: {  	[hbm:s17], [sflag:s3] =	dma.local [spmem:s18], $0x2000  }
0x232: {  	[hbm:s19], [sflag:s3] =	dma.local [spmem:s18], $0x2000  }
0x233: {  	[hbm:s20], [sflag:s3] =	dma.local [spmem:s21], $0x2000  }
0x234: {  	[hbm:s22], [sflag:s3] =	dma.local [spmem:s21], $0x2000  }
0x235: {  	[hbm:s23], [sflag:s3] =	dma.local [spmem:s24], $0x2000  }
0x236: {  	[hbm:s25], [sflag:s3] =	dma.local [spmem:s24], $0x2000  }
0x237: {  	[hbm:s26], [sflag:s3] =	dma.local [spmem:s28], $0x2000  }
0x238: {  	[hbm:s29], [sflag:s3] =	dma.local [spmem:s28], $0x2000  }
0x239: {  	_ =	swait.ge [sflag:s3], $0x2000  }
0x23a: {  	[sflag:s3] =	ssyncset.done $0x0  }
0x23b: {  	[sflag:s3] =	ssyncadd.s32 $0xFFFFE000;
	_ =	sdelay $0x2  }
0x23c: {  	_ =	swait.ge [sflag:s3], $0x2000  }
0x23d: {  	[sflag:s3] =	ssyncset.done $0x0  }
0x23e: {  	[sflag:s3] =	ssyncadd.s32 $0xFFFFE000;
	_ =	sdelay $0x2  }
0x23f: {  	_ =	swait.ge [sflag:s3], $0x2000  }
0x240: {  	[sflag:s3] =	ssyncset.done $0x0  }
0x241: {  	[sflag:s3] =	ssyncadd.s32 $0xFFFFE000;
	_ =	sdelay $0x2  }
0x242: {  	_ =	swait.ge [sflag:s3], $0x2000  }
0x243: {  	[sflag:s3] =	ssyncset.done $0x0  }
0x244: {  	[sflag:s3] =	ssyncadd.s32 $0xFFFFE000;
	_ =	sdelay $0x2  }
0x245: {  	_ =	swait.ge [sflag:s3], $0x2000  }
0x246: {  	[sflag:s3] =	ssyncset.done $0x0  }
0x247: {  	[sflag:s3] =	ssyncadd.s32 $0xFFFFE000;
	_ =	sdelay $0x2  }
0x248: {  	_ =	swait.ge [sflag:s3], $0x2000  }
0x249: {  	[sflag:s3] =	ssyncset.done $0x0  }
0x24a: {  	[sflag:s3] =	ssyncadd.s32 $0xFFFFE000;
	_ =	sdelay $0x2  }
0x24b: {  	_ =	swait.ge [sflag:s3], $0x2000  }
0x24c: {  	[sflag:s3] =	ssyncset.done $0x0  }
0x24d: {  	[sflag:s3] =	ssyncadd.s32 $0xFFFFE000;
	_ =	sdelay $0x2  }
0x24e: {  	_ =	swait.ge [sflag:s3], $0x2000  }
0x24f: {  	[sflag:s3] =	ssyncset.done $0x0  }
0x250: {  	[sflag:s3] =	ssyncadd.s32 $0xFFFFE000;
	_ =	sdelay $0x2  }
0x251: {  	_ =	swait.ge [sflag:s3], $0x2000  }
0x252: {  	[sflag:s3] =	ssyncset.done $0x0  }
0x253: {  	[sflag:s3] =	ssyncadd.s32 $0xFFFFE000;
	_ =	sdelay $0x2  }
0x254: {  	_ =	swait.ge [sflag:s3], $0x2000  }
0x255: {  	[sflag:s3] =	ssyncset.done $0x0  }
0x256: {  	[sflag:s3] =	ssyncadd.s32 $0xFFFFE000;
	_ =	sdelay $0x2  }
0x257: {  	_ =	swait.ge [sflag:s3], $0x2000  }
0x258: {  	[sflag:s3] =	ssyncset.done $0x0  }
0x259: {  	[sflag:s3] =	ssyncadd.s32 $0xFFFFE000;
	_ =	sdelay $0x2  }
0x25a: {  	_ =	swait.ge [sflag:s3], $0x2000  }
0x25b: {  	[sflag:s3] =	ssyncset.done $0x0  }
0x25c: {  	[sflag:s3] =	ssyncadd.s32 $0xFFFFE000;
	_ =	sdelay $0x2  }
0x25d: {  	_ =	swait.ge [sflag:s3], $0x2000  }
0x25e: {  	[sflag:s3] =	ssyncset.done $0x0  }
0x25f: {  	[sflag:s3] =	ssyncadd.s32 $0xFFFFE000;
	_ =	sdelay $0x2  }
0x260: {  	_ =	swait.ge [sflag:s3], $0x2000  }
0x261: {  	[sflag:s3] =	ssyncset.done $0x0  }
0x262: {  	[sflag:s3] =	ssyncadd.s32 $0xFFFFE000  }
0x263: {  	s30 =	sadd.s32 $0x370000, s4;
	s31 =	sxor.u32 $0x480, s5;
	s8 =	sadd.s32 $0x770000, s4  }
0x264: {  	s9 =	sadd.s32 $0x372000, s4;
	s10 =	sxor.u32 $0x470, s5;
	s11 =	sadd.s32 $0x772000, s4  }
0x265: {  	s12 =	sadd.s32 $0x374000, s4;
	s13 =	sxor.u32 $0x460, s5;
	_ =	swait.ge [sflag:s3], $0x2000  }
0x266: {  	s14 =	sadd.s32 $0x774000, s4;
	s15 =	sadd.s32 $0x376000, s4;
	[sflag:s3] =	ssyncset.done $0x0  }
0x267: {  	s16 =	sxor.u32 $0x450, s5;
	s17 =	sadd.s32 $0x776000, s4;
	[sflag:s3] =	ssyncadd.s32 $0xFFFFE000  }
0x268: {  	s18 =	sadd.s32 $0x378000, s4;
	s19 =	sxor.u32 $0x440, s5;
	s20 =	sadd.s32 $0x778000, s4  }
0x269: {  	s21 =	sadd.s32 $0x37A000, s4;
	s22 =	sxor.u32 $0x430, s5;
	s23 =	sadd.s32 $0x77A000, s4  }
0x26a: {  	s24 =	sadd.s32 $0x37C000, s4;
	s25 =	sxor.u32 $0x420, s5;
	_ =	swait.ge [sflag:s3], $0x2000  }
0x26b: {  	s5 =	sxor.u32 $0x410, s5;
	s26 =	sadd.s32 $0x77C000, s4;
	[sflag:s3] =	ssyncset.done $0x0  }
0x26c: {  	s28 =	sadd.s32 $0x37E000, s4;
	s4 =	sadd.s32 $0x77E000, s4;
	[sflag:s3] =	ssyncadd.s32 $0xFFFFE000  }
0x26d: {  	[hbm:s30], [sflag:s3] =	dma.local [spmem:s31], $0x2000  }
0x26e: {  	[hbm:s8], [sflag:s3] =	dma.local [spmem:s31], $0x2000  }
0x26f: {  	[hbm:s9], [sflag:s3] =	dma.local [spmem:s10], $0x2000  }
0x270: {  	[hbm:s11], [sflag:s3] =	dma.local [spmem:s10], $0x2000  }
0x271: {  	[hbm:s12], [sflag:s3] =	dma.local [spmem:s13], $0x2000  }
0x272: {  	[hbm:s14], [sflag:s3] =	dma.local [spmem:s13], $0x2000  }
0x273: {  	[hbm:s15], [sflag:s3] =	dma.local [spmem:s16], $0x2000  }
0x274: {  	[hbm:s17], [sflag:s3] =	dma.local [spmem:s16], $0x2000  }
0x275: {  	[hbm:s18], [sflag:s3] =	dma.local [spmem:s19], $0x2000  }
0x276: {  	[hbm:s20], [sflag:s3] =	dma.local [spmem:s19], $0x2000  }
0x277: {  	[hbm:s21], [sflag:s3] =	dma.local [spmem:s22], $0x2000  }
0x278: {  	[hbm:s23], [sflag:s3] =	dma.local [spmem:s22], $0x2000  }
0x279: {  	[hbm:s24], [sflag:s3] =	dma.local [spmem:s25], $0x2000  }
0x27a: {  	[hbm:s26], [sflag:s3] =	dma.local [spmem:s25], $0x2000  }
0x27b: {  	[hbm:s28], [sflag:s3] =	dma.local [spmem:s5], $0x2000  }
0x27c: {  	[hbm:s4], [sflag:s3] =	dma.local [spmem:s5], $0x2000  }
0x27d: {  	_ =	swait.ge [sflag:s3], $0x2000  }
0x27e: {  	[sflag:s3] =	ssyncset.done $0x0  }
0x27f: {  	[sflag:s3] =	ssyncadd.s32 $0xFFFFE000;
	_ =	sdelay $0x2  }
0x280: {  	_ =	swait.ge [sflag:s3], $0x2000  }
0x281: {  	[sflag:s3] =	ssyncset.done $0x0  }
0x282: {  	[sflag:s3] =	ssyncadd.s32 $0xFFFFE000;
	_ =	sdelay $0x2  }
0x283: {  	_ =	swait.ge [sflag:s3], $0x2000  }
0x284: {  	[sflag:s3] =	ssyncset.done $0x0  }
0x285: {  	[sflag:s3] =	ssyncadd.s32 $0xFFFFE000;
	_ =	sdelay $0x2  }
0x286: {  	_ =	swait.ge [sflag:s3], $0x2000  }
0x287: {  	[sflag:s3] =	ssyncset.done $0x0  }
0x288: {  	[sflag:s3] =	ssyncadd.s32 $0xFFFFE000;
	_ =	sdelay $0x2  }
0x289: {  	_ =	swait.ge [sflag:s3], $0x2000  }
0x28a: {  	[sflag:s3] =	ssyncset.done $0x0  }
0x28b: {  	[sflag:s3] =	ssyncadd.s32 $0xFFFFE000;
	_ =	sdelay $0x2  }
0x28c: {  	_ =	swait.ge [sflag:s3], $0x2000  }
0x28d: {  	[sflag:s3] =	ssyncset.done $0x0  }
0x28e: {  	[sflag:s3] =	ssyncadd.s32 $0xFFFFE000;
	_ =	sdelay $0x2  }
0x28f: {  	_ =	swait.ge [sflag:s3], $0x2000  }
0x290: {  	[sflag:s3] =	ssyncset.done $0x0  }
0x291: {  	[sflag:s3] =	ssyncadd.s32 $0xFFFFE000;
	_ =	sdelay $0x2  }
0x292: {  	_ =	swait.ge [sflag:s3], $0x2000  }
0x293: {  	[sflag:s3] =	ssyncset.done $0x0  }
0x294: {  	[sflag:s3] =	ssyncadd.s32 $0xFFFFE000;
	_ =	sdelay $0x2  }
0x295: {  	_ =	swait.ge [sflag:s3], $0x2000  }
0x296: {  	[sflag:s3] =	ssyncset.done $0x0  }
0x297: {  	[sflag:s3] =	ssyncadd.s32 $0xFFFFE000;
	_ =	sdelay $0x2  }
0x298: {  	_ =	swait.ge [sflag:s3], $0x2000  }
0x299: {  	[sflag:s3] =	ssyncset.done $0x0  }
0x29a: {  	[sflag:s3] =	ssyncadd.s32 $0xFFFFE000;
	_ =	sdelay $0x2  }
0x29b: {  	_ =	swait.ge [sflag:s3], $0x2000  }
0x29c: {  	[sflag:s3] =	ssyncset.done $0x0  }
0x29d: {  	[sflag:s3] =	ssyncadd.s32 $0xFFFFE000;
	_ =	sdelay $0x2  }
0x29e: {  	_ =	swait.ge [sflag:s3], $0x2000  }
0x29f: {  	[sflag:s3] =	ssyncset.done $0x0  }
0x2a0: {  	[sflag:s3] =	ssyncadd.s32 $0xFFFFE000;
	_ =	sdelay $0x2  }
0x2a1: {  	_ =	swait.ge [sflag:s3], $0x2000  }
0x2a2: {  	[sflag:s3] =	ssyncset.done $0x0  }
0x2a3: {  	[sflag:s3] =	ssyncadd.s32 $0xFFFFE000;
	_ =	sdelay $0x2  }
0x2a4: {  	_ =	swait.ge [sflag:s3], $0x2000  }
0x2a5: {  	[sflag:s3] =	ssyncset.done $0x0  }
0x2a6: {  	[sflag:s3] =	ssyncadd.s32 $0xFFFFE000;
	_ =	sdelay $0x2  }
0x2a7: {  	_ =	swait.ge [sflag:s3], $0x2000  }
0x2a8: {  	[sflag:s3] =	ssyncset.done $0x0  }
0x2a9: {  	[sflag:s3] =	ssyncadd.s32 $0xFFFFE000;
	_ =	sdelay $0x2  }
0x2aa: {  	_ =	swait.ge [sflag:s3], $0x2000  }
0x2ab: {  	[sflag:s3] =	ssyncset.done $0x0  }
0x2ac: {  	[sflag:s3] =	ssyncadd.s32 $0xFFFFE000;
	_ =	sdelay $0x2  }
0x2ad: {  	_ =	swait.ge [sflag:s3], $0x2000  }
0x2ae: {  	[sflag:s3] =	ssyncset.done $0x0  }
0x2af: {  	[sflag:s3] =	ssyncadd.s32 $0xFFFFE000;
	_ =	sdelay $0x2  }
0x2b0: {  	_ =	swait.ge [sflag:s3], $0x2000  }
0x2b1: {  	[sflag:s3] =	ssyncset.done $0x0  }
0x2b2: {  	[sflag:s3] =	ssyncadd.s32 $0xFFFFE000;
	_ =	sdelay $0x2  }
0x2b3: {  	_ =	swait.ge [sflag:s3], $0x2000  }
0x2b4: {  	[sflag:s3] =	ssyncset.done $0x0  }
0x2b5: {  	[sflag:s3] =	ssyncadd.s32 $0xFFFFE000;
	_ =	sdelay $0x2  }
0x2b6: {  	_ =	swait.ge [sflag:s3], $0x2000  }
0x2b7: {  	[sflag:s3] =	ssyncset.done $0x0  }
0x2b8: {  	[sflag:s3] =	ssyncadd.s32 $0xFFFFE000;
	_ =	sdelay $0x2  }
0x2b9: {  	_ =	swait.ge [sflag:s3], $0x2000  }
0x2ba: {  	[sflag:s3] =	ssyncset.done $0x0  }
0x2bb: {  	[sflag:s3] =	ssyncadd.s32 $0xFFFFE000;
	_ =	sdelay $0x2  }
0x2bc: {  	_ =	swait.ge [sflag:s3], $0x2000  }
0x2bd: {  	[sflag:s3] =	ssyncset.done $0x0  }
0x2be: {  	[sflag:s3] =	ssyncadd.s32 $0xFFFFE000;
	_ =	sdelay $0x2  }
0x2bf: {  	_ =	swait.ge [sflag:s3], $0x2000  }
0x2c0: {  	[sflag:s3] =	ssyncset.done $0x0  }
0x2c1: {  	[sflag:s3] =	ssyncadd.s32 $0xFFFFE000;
	_ =	sdelay $0x2  }
0x2c2: {  	_ =	swait.ge [sflag:s3], $0x2000  }
0x2c3: {  	[sflag:s3] =	ssyncset.done $0x0  }
0x2c4: {  	[sflag:s3] =	ssyncadd.s32 $0xFFFFE000;
	_ =	sdelay $0x2  }
0x2c5: {  	_ =	swait.ge [sflag:s3], $0x2000  }
0x2c6: {  	[sflag:s3] =	ssyncset.done $0x0  }
0x2c7: {  	[sflag:s3] =	ssyncadd.s32 $0xFFFFE000;
	_ =	sdelay $0x2  }
0x2c8: {  	_ =	swait.ge [sflag:s3], $0x2000  }
0x2c9: {  	[sflag:s3] =	ssyncset.done $0x0  }
0x2ca: {  	[sflag:s3] =	ssyncadd.s32 $0xFFFFE000;
	_ =	sdelay $0x2  }
0x2cb: {  	_ =	swait.ge [sflag:s3], $0x2000  }
0x2cc: {  	[sflag:s3] =	ssyncset.done $0x0  }
0x2cd: {  	[sflag:s3] =	ssyncadd.s32 $0xFFFFE000;
	_ =	sdelay $0x2  }
0x2ce: {  	_ =	swait.ge [sflag:s3], $0x2000  }
0x2cf: {  	[sflag:s3] =	ssyncset.done $0x0  }
0x2d0: {  	[sflag:s3] =	ssyncadd.s32 $0xFFFFE000;
	_ =	sdelay $0x2  }
0x2d1: {  	_ =	swait.ge [sflag:s3], $0x2000  }
0x2d2: {  	[sflag:s3] =	ssyncset.done $0x0  }
0x2d3: {  	[sflag:s3] =	ssyncadd.s32 $0xFFFFE000;
	_ =	sdelay $0x2  }
0x2d4: {  	_ =	swait.ge [sflag:s3], $0x2000  }
0x2d5: {  	[sflag:s3] =	ssyncset.done $0x0  }
0x2d6: {  	[sflag:s3] =	ssyncadd.s32 $0xFFFFE000;
	_ =	sdelay $0x2  }
0x2d7: {  	_ =	swait.ge [sflag:s3], $0x2000  }
0x2d8: {  	[sflag:s3] =	ssyncset.done $0x0  }
0x2d9: {  	[sflag:s3] =	ssyncadd.s32 $0xFFFFE000;
	_ =	sdelay $0x2  }
0x2da: {  	_ =	swait.ge [sflag:s3], $0x2000  }
0x2db: {  	[sflag:s3] =	ssyncset.done $0x0  }
0x2dc: {  	[sflag:s3] =	ssyncadd.s32 $0xFFFFE000  }
0x2dd: {  	_ =	strace $0x90000046  }
0x2de: {  	s29 =	simm.s32 $0x9;
	_ =	strace $0x80000048  }
0x2df: {  	_ =	swait.ge [sflag:s29], $0x1  }
0x2e0: {  	[sflag:s29] =	ssyncadd.s32 $0xFFFFFFFF  }
0x2e1: {  	_ =	strace $0x90000048  }
0x2e2: {  	_ =	sfence  }
0x2e3: {  	s30 =	sld [smem:$0x0];
	_ =	sdelay $0x2  }
0x2e4: {  	s31 =	sshll.u32 s2, $0xD;
	s2 =	sshrl.u32 s2, $0x2  }
0x2e5: {  	s4 =	sand.u32 $0x4000, s31;
	s2 =	sadd.s32 s2, s30  }
0x2e6: {  	s0 =	sor.u32 s4, s0;
	s2 =	sshll.u32 s2, $0x11  }
0x2e7: {  	s0 =	sor.u32 s2, s0  }
0x2e8: {  	s0 =	sadd.s32 $0x8F2B, s0  }
0x2e9: {  	[sflag:s0] =	ssyncadd.remote.s32 $0x1  }
0x2ea: {  	_ =	sfence.sel $0xFFFF  }
0x2eb: {  	[dreg:$0x0] =	wrdreg $0xFFFFFFFF;
	(pc) =	sbr.abs _section_cstart, $3  }
0x2ec: {  	[dreg:$0x1] =	wrdreg $0xFFFFFFFF  }
0x2ed: {  	_ =	task.clear_ibuf [dreg:s1], $0x2FFFF;
	_ =	strace $0x9FFFFFFF  }
0x2ee: {  	(tm) =	ssettm $0x7FFFFFFF  }
0x2ef: {  	_ =	shalt  }
tec
execute0_lowered:
.L_overlay_start_1:
0x0: {  	(tag) =	ssettag $0x1  }
0x1: {  	s0 =	srdreg.scid;
	s3 =	rddreg [dreg:$0x0]  }
0x2: {  	s31 =	stileid.u32;
	s4 =	rddreg [dreg:$0x1]  }
0x3: {  	s2 =	simm.s32 $0x0;
	s0 =	sand.u32 $0x1, s0;
	s1 =	sshll.u32 s31, $0x1  }
0x4: {  	p0 =	por $0x0, $0x0;
	s1 =	sor.u32 s0, s1;
	s0 =	ssub.s32 $0x2, s0  }
0x5: {  	[smem:$0x7FF] =	sst s2;
	s6 =	smul.u32 $0xC0000, s1;
	s13 =	sshrl.u32 s0, $0x1  }
0x6: {  	_ =	strace $0x80000047;
	s5 =	smul.u32 $0xC, s1;
	s0 =	ssub.s32 s0, s13  }
0x7: {  	s1 =	smul.u32 $0x18000, s1;
	s6 =	sshrl.u32 s6, $0x3;
	s0 =	smax.u32 s0, $0x1  }
0x8: {  	s29 =	sadd.s32 s4, s6;
	p1 =	sne.s32 s0, $0x1;
	s0 =	sadd.s32 $0xFFFFFFFF, s0  }
0x9: {  	s4 =	sadd.s32 s4, s1;
	s12 =	sadd.s32 $0x400000, s29;
	[dreg:$0xf] =	wrdreg s0  }
0xa: {  	s30 =	simm.s32 $0x2;
	s14 =	sadd.s32 $0x2000, s4;
	[dreg:$0x4] =	wrdreg s12  }
0xb: {  	s20 =	ssub.s32 $0x1F5, s5;
	s15 =	sadd.s32 $0x402000, s29;
	[dreg:$0x5] =	wrdreg s14  }
0xc: {  	s7 =	sshll.u32 s20, $0x4;
	s17 =	sadd.s32 $0x4000, s4;
	[dreg:$0x6] =	wrdreg s15  }
0xd: {  	s16 =	sand.u32 $0x1F8, s20;
	s18 =	sadd.s32 $0x404000, s29;
	[dreg:$0x7] =	wrdreg s17  }
0xe: {  	s26 =	sshll.u32 s20, $0x7;
	s19 =	sadd.s32 $0x6000, s4;
	[dreg:$0x8] =	wrdreg s18  }
0xf: {  	s7 =	sand.u32 $0x1F80, s7;
	s21 =	sadd.s32 $0x406000, s29;
	[dreg:$0x9] =	wrdreg s19  }
0x10: {  	s22 =	sadd.s32 $0x8000, s29;
	s23 =	sadd.s32 $0x408000, s29;
	[dreg:$0xa] =	wrdreg s21  }
0x11: {  	s24 =	sadd.s32 $0xA000, s29;
	s25 =	sadd.s32 $0x40A000, s29;
	[dreg:$0xb] =	wrdreg s22  }
0x12: {  	s11 =	sadd.s32 $0xC000, s29;
	s1 =	sand.u32 $0x280, s26;
	[dreg:$0xc] =	wrdreg s23  }
0x13: {  	s26 =	sadd.s32 $0x414000, s29;
	s28 =	sadd.s32 $0x16000, s29;
	[dreg:$0xd] =	wrdreg s24  }
0x14: {  	s3 =	sadd.s32 s3, s7;
	[dreg:$0xe] =	wrdreg s25;
	s12 =	sadd.s32 $0x40C000, s29  }
0x15: {  	s15 =	sadd.s32 $0xE000, s29;
	s18 =	sadd.s32 $0x10000, s29;
	s19 =	sadd.s32 $0x410000, s29  }
0x16: {  	s22 =	sadd.s32 $0x12000, s29;
	s24 =	sadd.s32 $0x412000, s29;
	s21 =	sor.u32 $0x2000, s1  }
0x17: {  	s25 =	sadd.s32 $0x14000, s29;
	s1 =	simm.s32 $0x2000;
	[dreg:$0x3] =	wrdreg s3  }
0x18: {  	s3 =	sadd.s32 s5, s16;
	s16 =	sadd.s32 $0x40E000, s29;
	s29 =	sadd.s32 $0x416000, s29  }
.Ltmp0:
0x19: {  	s3 =	sshll.u32 s3, $0x7;
	s0 =	rddreg [dreg:$0x3];
	(pc) =	sbr.rel @!p1 .LBB2_5-.Ltmp0, $4  }
0x1a: {  	s17 =	ssub.s32 $0x12000, s3;
	s14 =	ssub.s32 $0x11F80, s3;
	s10 =	ssub.s32 $0x11F00, s3  }
0x1b: {  	s8 =	ssub.s32 $0x11E80, s3;
	s5 =	ssub.s32 $0x11E00, s3;
	s6 =	ssub.s32 $0x11D80, s3  }
0x1c: {  	s7 =	ssub.s32 $0x11D00, s3;
	s9 =	ssub.s32 $0x11C80, s3;
	s13 =	ssub.s32 $0x11C00, s3  }
0x1d: {  	s20 =	ssub.s32 $0x11B80, s3;
	s23 =	ssub.s32 $0x11B00, s3;
	s3 =	simm.s32 $0x1  }
0x1e: {  	[tilespmem:s1], [sflag:$0x2] =	stream.linear.gather [hbm4b:s0+s2], $0x10800, $0x38;
	[tilespmem:$0x12800] =	vst v63  }
0x1f: {  	_ =	swait.ge [sflag:s30], $0x10800  }
0x20: {  	[sflag:s30] =	ssyncset.done $0x0  }
0x21: {  	[sflag:s30] =	ssyncadd.s32 $0xFFFEF800  }
0x22: {  	[hbm4b:s4+s2] =	stream.linear.scatter [tilespmem:s17], [sflag:$0x1], $0x10000, $0x38;
	[tilespmem:$0x12800] =	vst v63  }
0x23: {  	s31 =	rddreg [dreg:$0x4]  }
0x24: {  	[hbm4b:s31+s2] =	stream.linear.scatter [tilespmem:s17], [sflag:$0x1], $0x10000, $0x38;
	[tilespmem:$0x12800] =	vst v63  }
0x25: {  	s1 =	rddreg [dreg:$0x5]  }
0x26: {  	[hbm4b:s1+s2] =	stream.linear.scatter [tilespmem:s14], [sflag:$0x1], $0x10000, $0x38;
	[tilespmem:$0x12800] =	vst v63  }
0x27: {  	s31 =	rddreg [dreg:$0x6]  }
0x28: {  	[hbm4b:s31+s2] =	stream.linear.scatter [tilespmem:s14], [sflag:$0x1], $0x10000, $0x38;
	[tilespmem:$0x12800] =	vst v63  }
0x29: {  	s1 =	rddreg [dreg:$0x7]  }
0x2a: {  	[hbm4b:s1+s2] =	stream.linear.scatter [tilespmem:s10], [sflag:$0x1], $0x10000, $0x38;
	[tilespmem:$0x12800] =	vst v63  }
0x2b: {  	s31 =	rddreg [dreg:$0x8]  }
0x2c: {  	[hbm4b:s31+s2] =	stream.linear.scatter [tilespmem:s10], [sflag:$0x1], $0x10000, $0x38;
	[tilespmem:$0x12800] =	vst v63  }
0x2d: {  	s1 =	rddreg [dreg:$0x9]  }
0x2e: {  	[hbm4b:s1+s2] =	stream.linear.scatter [tilespmem:s8], [sflag:$0x1], $0x10000, $0x38;
	[tilespmem:$0x12800] =	vst v63  }
0x2f: {  	s31 =	rddreg [dreg:$0xa]  }
0x30: {  	[hbm4b:s31+s2] =	stream.linear.scatter [tilespmem:s8], [sflag:$0x1], $0x10000, $0x38;
	[tilespmem:$0x12800] =	vst v63  }
0x31: {  	s1 =	rddreg [dreg:$0xb]  }
0x32: {  	[hbm4b:s1+s2] =	stream.linear.scatter [tilespmem:s5], [sflag:$0x1], $0x10000, $0x38;
	[tilespmem:$0x12800] =	vst v63  }
0x33: {  	s31 =	rddreg [dreg:$0xc]  }
0x34: {  	[hbm4b:s31+s2] =	stream.linear.scatter [tilespmem:s5], [sflag:$0x1], $0x10000, $0x38;
	[tilespmem:$0x12800] =	vst v63  }
0x35: {  	s1 =	rddreg [dreg:$0xd]  }
0x36: {  	[hbm4b:s1+s2] =	stream.linear.scatter [tilespmem:s6], [sflag:$0x1], $0x10000, $0x38;
	[tilespmem:$0x12800] =	vst v63  }
0x37: {  	s31 =	rddreg [dreg:$0xe]  }
0x38: {  	[hbm4b:s31+s2] =	stream.linear.scatter [tilespmem:s6], [sflag:$0x1], $0x10000, $0x38;
	[tilespmem:$0x12800] =	vst v63  }
0x39: {  	_ = 	snop  }
0x3a: {  	[hbm4b:s11+s2] =	stream.linear.scatter [tilespmem:s7], [sflag:$0x1], $0x10000, $0x38;
	[tilespmem:$0x12800] =	vst v63  }
0x3b: {  	_ = 	snop  }
0x3c: {  	[hbm4b:s12+s2] =	stream.linear.scatter [tilespmem:s7], [sflag:$0x1], $0x10000, $0x38;
	[tilespmem:$0x12800] =	vst v63  }
0x3d: {  	_ = 	snop  }
0x3e: {  	[hbm4b:s15+s2] =	stream.linear.scatter [tilespmem:s9], [sflag:$0x1], $0x10000, $0x38;
	[tilespmem:$0x12800] =	vst v63  }
0x3f: {  	_ = 	snop  }
0x40: {  	[hbm4b:s16+s2] =	stream.linear.scatter [tilespmem:s9], [sflag:$0x1], $0x10000, $0x38;
	[tilespmem:$0x12800] =	vst v63  }
0x41: {  	_ = 	snop  }
0x42: {  	[hbm4b:s18+s2] =	stream.linear.scatter [tilespmem:s13], [sflag:$0x1], $0x10000, $0x38;
	[tilespmem:$0x12800] =	vst v63  }
0x43: {  	_ = 	snop  }
0x44: {  	[hbm4b:s19+s2] =	stream.linear.scatter [tilespmem:s13], [sflag:$0x1], $0x10000, $0x38;
	[tilespmem:$0x12800] =	vst v63  }
0x45: {  	_ = 	snop  }
0x46: {  	[hbm4b:s22+s2] =	stream.linear.scatter [tilespmem:s20], [sflag:$0x1], $0x10000, $0x38;
	[tilespmem:$0x12800] =	vst v63  }
0x47: {  	_ = 	snop  }
0x48: {  	[hbm4b:s24+s2] =	stream.linear.scatter [tilespmem:s20], [sflag:$0x1], $0x10000, $0x38;
	[tilespmem:$0x12800] =	vst v63  }
0x49: {  	_ = 	snop  }
0x4a: {  	[hbm4b:s25+s2] =	stream.linear.scatter [tilespmem:s23], [sflag:$0x1], $0x10000, $0x38;
	[tilespmem:$0x12800] =	vst v63  }
0x4b: {  	_ = 	snop  }
0x4c: {  	[hbm4b:s26+s2] =	stream.linear.scatter [tilespmem:s23], [sflag:$0x1], $0x10000, $0x38;
	[tilespmem:$0x12800] =	vst v63  }
0x4d: {  	_ = 	snop  }
0x4e: {  	[hbm4b:s28+s2] =	stream.linear.scatter [tilespmem:s21], [sflag:$0x1], $0x10000, $0x38;
	[tilespmem:$0x12800] =	vst v63  }
0x4f: {  	_ = 	snop  }
0x50: {  	[hbm4b:s29+s2] =	stream.linear.scatter [tilespmem:s21], [sflag:$0x1], $0x10000, $0x38;
	[tilespmem:$0x12800] =	vst v63  }
0x51: {  	_ =	swait.ge [sflag:s3], $0x10000  }
0x52: {  	[sflag:s3] =	ssyncset.done $0x0  }
0x53: {  	[sflag:s3] =	ssyncadd.s32 $0xFFFF0000  }
0x54: {  	_ =	swait.ge [sflag:s3], $0x10000  }
0x55: {  	[sflag:s3] =	ssyncset.done $0x0  }
0x56: {  	[sflag:s3] =	ssyncadd.s32 $0xFFFF0000  }
0x57: {  	_ =	swait.ge [sflag:s3], $0x10000  }
0x58: {  	[sflag:s3] =	ssyncset.done $0x0  }
0x59: {  	[sflag:s3] =	ssyncadd.s32 $0xFFFF0000  }
0x5a: {  	_ =	swait.ge [sflag:s3], $0x10000  }
0x5b: {  	[sflag:s3] =	ssyncset.done $0x0  }
0x5c: {  	[sflag:s3] =	ssyncadd.s32 $0xFFFF0000  }
0x5d: {  	_ =	swait.ge [sflag:s3], $0x10000  }
0x5e: {  	[sflag:s3] =	ssyncset.done $0x0  }
0x5f: {  	[sflag:s3] =	ssyncadd.s32 $0xFFFF0000  }
0x60: {  	_ =	swait.ge [sflag:s3], $0x10000  }
0x61: {  	[sflag:s3] =	ssyncset.done $0x0  }
0x62: {  	[sflag:s3] =	ssyncadd.s32 $0xFFFF0000  }
0x63: {  	_ =	swait.ge [sflag:s3], $0x10000  }
0x64: {  	[sflag:s3] =	ssyncset.done $0x0  }
0x65: {  	[sflag:s3] =	ssyncadd.s32 $0xFFFF0000  }
0x66: {  	_ =	swait.ge [sflag:s3], $0x10000  }
0x67: {  	[sflag:s3] =	ssyncset.done $0x0  }
0x68: {  	[sflag:s3] =	ssyncadd.s32 $0xFFFF0000  }
0x69: {  	_ =	swait.ge [sflag:s3], $0x10000  }
0x6a: {  	[sflag:s3] =	ssyncset.done $0x0  }
0x6b: {  	[sflag:s3] =	ssyncadd.s32 $0xFFFF0000  }
0x6c: {  	_ =	swait.ge [sflag:s3], $0x10000  }
0x6d: {  	[sflag:s3] =	ssyncset.done $0x0  }
0x6e: {  	[sflag:s3] =	ssyncadd.s32 $0xFFFF0000  }
0x6f: {  	_ =	swait.ge [sflag:s3], $0x10000  }
0x70: {  	[sflag:s3] =	ssyncset.done $0x0  }
0x71: {  	[sflag:s3] =	ssyncadd.s32 $0xFFFF0000  }
0x72: {  	_ =	swait.ge [sflag:s3], $0x10000  }
0x73: {  	[sflag:s3] =	ssyncset.done $0x0  }
0x74: {  	[sflag:s3] =	ssyncadd.s32 $0xFFFF0000  }
0x75: {  	_ =	swait.ge [sflag:s3], $0x10000  }
0x76: {  	[sflag:s3] =	ssyncset.done $0x0  }
0x77: {  	[sflag:s3] =	ssyncadd.s32 $0xFFFF0000  }
0x78: {  	_ =	swait.ge [sflag:s3], $0x10000  }
0x79: {  	[sflag:s3] =	ssyncset.done $0x0  }
0x7a: {  	[sflag:s3] =	ssyncadd.s32 $0xFFFF0000  }
0x7b: {  	_ =	swait.ge [sflag:s3], $0x10000  }
0x7c: {  	[sflag:s3] =	ssyncset.done $0x0  }
0x7d: {  	[sflag:s3] =	ssyncadd.s32 $0xFFFF0000  }
0x7e: {  	_ =	swait.ge [sflag:s3], $0x10000  }
0x7f: {  	[sflag:s3] =	ssyncset.done $0x0  }
0x80: {  	[sflag:s3] =	ssyncadd.s32 $0xFFFF0000  }
0x81: {  	_ =	swait.ge [sflag:s3], $0x10000  }
0x82: {  	[sflag:s3] =	ssyncset.done $0x0  }
0x83: {  	[sflag:s3] =	ssyncadd.s32 $0xFFFF0000  }
0x84: {  	_ =	swait.ge [sflag:s3], $0x10000  }
0x85: {  	[sflag:s3] =	ssyncset.done $0x0  }
0x86: {  	[sflag:s3] =	ssyncadd.s32 $0xFFFF0000  }
0x87: {  	_ =	swait.ge [sflag:s3], $0x10000  }
0x88: {  	[sflag:s3] =	ssyncset.done $0x0  }
0x89: {  	[sflag:s3] =	ssyncadd.s32 $0xFFFF0000  }
0x8a: {  	_ =	swait.ge [sflag:s3], $0x10000  }
0x8b: {  	[sflag:s3] =	ssyncset.done $0x0  }
0x8c: {  	[sflag:s3] =	ssyncadd.s32 $0xFFFF0000  }
0x8d: {  	_ =	swait.ge [sflag:s3], $0x10000  }
0x8e: {  	[sflag:s3] =	ssyncset.done $0x0  }
0x8f: {  	[sflag:s3] =	ssyncadd.s32 $0xFFFF0000  }
0x90: {  	_ =	swait.ge [sflag:s3], $0x10000  }
0x91: {  	[sflag:s3] =	ssyncset.done $0x0  }
0x92: {  	[sflag:s3] =	ssyncadd.s32 $0xFFFF0000  }
0x93: {  	_ =	swait.ge [sflag:s3], $0x10000  }
0x94: {  	s31 =	rddreg [dreg:$0xf]  }
0x95: {  	p1 =	sne.s32 s31, $0x1  }
.Ltmp1:
0x96: {  	_ = 	snop;
	(pc) =	sbr.rel @!p1 .LBB2_2-.Ltmp1, $4  }
0x97: {  	[sflag:s3] =	ssyncset.done $0x0  }
0x98: {  	[sflag:s3] =	ssyncadd.s32 $0xFFFF0000  }
0x99: {  	p0 =	por $0x1, $0x1;
	_ =	swait.ge [sflag:s3], $0x10000  }
0x9a: {  	s1 =	sadd.s32 $0xFFFFFFFF, s31;
	s0 =	rddreg [dreg:$0x3];
	[sflag:s3] =	ssyncset.done $0x0  }
.LBB2_3:
0x9b: {  	[sflag:s3] =	ssyncadd.s32 $0xFFFF0000;
	s31 =	simm.s32 $0x2000  }
0x9c: {  	[tilespmem:s31], [sflag:$0x2] =	stream.linear.gather [hbm4b:s0+s2], $0x10800, $0x38;
	[tilespmem:$0x12800] =	vst v63  }
0x9d: {  	_ =	swait.ge [sflag:s30], $0x10800  }
0x9e: {  	[sflag:s30] =	ssyncset.done $0x0  }
0x9f: {  	[sflag:s30] =	ssyncadd.s32 $0xFFFEF800  }
0xa0: {  	[hbm4b:s4+s2] =	stream.linear.scatter [tilespmem:s17], [sflag:$0x1], $0x10000, $0x38;
	[tilespmem:$0x12800] =	vst v63  }
0xa1: {  	s0 =	rddreg [dreg:$0x4]  }
0xa2: {  	[hbm4b:s0+s2] =	stream.linear.scatter [tilespmem:s17], [sflag:$0x1], $0x10000, $0x38;
	[tilespmem:$0x12800] =	vst v63  }
0xa3: {  	s31 =	rddreg [dreg:$0x5]  }
0xa4: {  	[hbm4b:s31+s2] =	stream.linear.scatter [tilespmem:s14], [sflag:$0x1], $0x10000, $0x38;
	[tilespmem:$0x12800] =	vst v63  }
0xa5: {  	s0 =	rddreg [dreg:$0x6]  }
0xa6: {  	[hbm4b:s0+s2] =	stream.linear.scatter [tilespmem:s14], [sflag:$0x1], $0x10000, $0x38;
	[tilespmem:$0x12800] =	vst v63  }
0xa7: {  	s31 =	rddreg [dreg:$0x7]  }
0xa8: {  	[hbm4b:s31+s2] =	stream.linear.scatter [tilespmem:s10], [sflag:$0x1], $0x10000, $0x38;
	[tilespmem:$0x12800] =	vst v63  }
0xa9: {  	s0 =	rddreg [dreg:$0x8]  }
0xaa: {  	[hbm4b:s0+s2] =	stream.linear.scatter [tilespmem:s10], [sflag:$0x1], $0x10000, $0x38;
	[tilespmem:$0x12800] =	vst v63  }
0xab: {  	s31 =	rddreg [dreg:$0x9]  }
0xac: {  	[hbm4b:s31+s2] =	stream.linear.scatter [tilespmem:s8], [sflag:$0x1], $0x10000, $0x38;
	[tilespmem:$0x12800] =	vst v63  }
0xad: {  	s0 =	rddreg [dreg:$0xa]  }
0xae: {  	[hbm4b:s0+s2] =	stream.linear.scatter [tilespmem:s8], [sflag:$0x1], $0x10000, $0x38;
	[tilespmem:$0x12800] =	vst v63  }
0xaf: {  	s31 =	rddreg [dreg:$0xb]  }
0xb0: {  	[hbm4b:s31+s2] =	stream.linear.scatter [tilespmem:s5], [sflag:$0x1], $0x10000, $0x38;
	[tilespmem:$0x12800] =	vst v63  }
0xb1: {  	s0 =	rddreg [dreg:$0xc]  }
0xb2: {  	[hbm4b:s0+s2] =	stream.linear.scatter [tilespmem:s5], [sflag:$0x1], $0x10000, $0x38;
	[tilespmem:$0x12800] =	vst v63  }
0xb3: {  	s31 =	rddreg [dreg:$0xd]  }
0xb4: {  	[hbm4b:s31+s2] =	stream.linear.scatter [tilespmem:s6], [sflag:$0x1], $0x10000, $0x38;
	[tilespmem:$0x12800] =	vst v63  }
0xb5: {  	s0 =	rddreg [dreg:$0xe]  }
0xb6: {  	[hbm4b:s0+s2] =	stream.linear.scatter [tilespmem:s6], [sflag:$0x1], $0x10000, $0x38;
	[tilespmem:$0x12800] =	vst v63  }
0xb7: {  	_ = 	snop  }
0xb8: {  	[hbm4b:s11+s2] =	stream.linear.scatter [tilespmem:s7], [sflag:$0x1], $0x10000, $0x38;
	[tilespmem:$0x12800] =	vst v63  }
0xb9: {  	_ = 	snop  }
0xba: {  	[hbm4b:s12+s2] =	stream.linear.scatter [tilespmem:s7], [sflag:$0x1], $0x10000, $0x38;
	[tilespmem:$0x12800] =	vst v63  }
0xbb: {  	_ = 	snop  }
0xbc: {  	[hbm4b:s15+s2] =	stream.linear.scatter [tilespmem:s9], [sflag:$0x1], $0x10000, $0x38;
	[tilespmem:$0x12800] =	vst v63  }
0xbd: {  	_ = 	snop  }
0xbe: {  	[hbm4b:s16+s2] =	stream.linear.scatter [tilespmem:s9], [sflag:$0x1], $0x10000, $0x38;
	[tilespmem:$0x12800] =	vst v63  }
0xbf: {  	_ = 	snop  }
0xc0: {  	[hbm4b:s18+s2] =	stream.linear.scatter [tilespmem:s13], [sflag:$0x1], $0x10000, $0x38;
	[tilespmem:$0x12800] =	vst v63  }
0xc1: {  	_ = 	snop  }
0xc2: {  	[hbm4b:s19+s2] =	stream.linear.scatter [tilespmem:s13], [sflag:$0x1], $0x10000, $0x38;
	[tilespmem:$0x12800] =	vst v63  }
0xc3: {  	_ = 	snop  }
0xc4: {  	[hbm4b:s22+s2] =	stream.linear.scatter [tilespmem:s20], [sflag:$0x1], $0x10000, $0x38;
	[tilespmem:$0x12800] =	vst v63  }
0xc5: {  	_ = 	snop  }
0xc6: {  	[hbm4b:s24+s2] =	stream.linear.scatter [tilespmem:s20], [sflag:$0x1], $0x10000, $0x38;
	[tilespmem:$0x12800] =	vst v63  }
0xc7: {  	_ = 	snop  }
0xc8: {  	[hbm4b:s25+s2] =	stream.linear.scatter [tilespmem:s23], [sflag:$0x1], $0x10000, $0x38;
	[tilespmem:$0x12800] =	vst v63  }
0xc9: {  	_ = 	snop  }
0xca: {  	[hbm4b:s26+s2] =	stream.linear.scatter [tilespmem:s23], [sflag:$0x1], $0x10000, $0x38;
	[tilespmem:$0x12800] =	vst v63  }
0xcb: {  	_ = 	snop  }
0xcc: {  	[hbm4b:s28+s2] =	stream.linear.scatter [tilespmem:s21], [sflag:$0x1], $0x10000, $0x38;
	[tilespmem:$0x12800] =	vst v63  }
0xcd: {  	_ = 	snop  }
0xce: {  	[hbm4b:s29+s2] =	stream.linear.scatter [tilespmem:s21], [sflag:$0x1], $0x10000, $0x38;
	[tilespmem:$0x12800] =	vst v63  }
0xcf: {  	_ =	swait.ge [sflag:s3], $0x10000  }
0xd0: {  	[sflag:s3] =	ssyncset.done $0x0  }
0xd1: {  	[sflag:s3] =	ssyncadd.s32 $0xFFFF0000  }
0xd2: {  	_ =	swait.ge [sflag:s3], $0x10000  }
0xd3: {  	[sflag:s3] =	ssyncset.done $0x0  }
0xd4: {  	[sflag:s3] =	ssyncadd.s32 $0xFFFF0000  }
0xd5: {  	_ =	swait.ge [sflag:s3], $0x10000  }
0xd6: {  	[sflag:s3] =	ssyncset.done $0x0  }
0xd7: {  	[sflag:s3] =	ssyncadd.s32 $0xFFFF0000  }
0xd8: {  	_ =	swait.ge [sflag:s3], $0x10000  }
0xd9: {  	[sflag:s3] =	ssyncset.done $0x0  }
0xda: {  	[sflag:s3] =	ssyncadd.s32 $0xFFFF0000  }
0xdb: {  	_ =	swait.ge [sflag:s3], $0x10000  }
0xdc: {  	[sflag:s3] =	ssyncset.done $0x0  }
0xdd: {  	[sflag:s3] =	ssyncadd.s32 $0xFFFF0000  }
0xde: {  	_ =	swait.ge [sflag:s3], $0x10000  }
0xdf: {  	[sflag:s3] =	ssyncset.done $0x0  }
0xe0: {  	[sflag:s3] =	ssyncadd.s32 $0xFFFF0000  }
0xe1: {  	_ =	swait.ge [sflag:s3], $0x10000  }
0xe2: {  	[sflag:s3] =	ssyncset.done $0x0  }
0xe3: {  	[sflag:s3] =	ssyncadd.s32 $0xFFFF0000  }
0xe4: {  	_ =	swait.ge [sflag:s3], $0x10000  }
0xe5: {  	[sflag:s3] =	ssyncset.done $0x0  }
0xe6: {  	[sflag:s3] =	ssyncadd.s32 $0xFFFF0000  }
0xe7: {  	_ =	swait.ge [sflag:s3], $0x10000  }
0xe8: {  	[sflag:s3] =	ssyncset.done $0x0  }
0xe9: {  	[sflag:s3] =	ssyncadd.s32 $0xFFFF0000  }
0xea: {  	_ =	swait.ge [sflag:s3], $0x10000  }
0xeb: {  	[sflag:s3] =	ssyncset.done $0x0  }
0xec: {  	[sflag:s3] =	ssyncadd.s32 $0xFFFF0000  }
0xed: {  	_ =	swait.ge [sflag:s3], $0x10000  }
0xee: {  	[sflag:s3] =	ssyncset.done $0x0  }
0xef: {  	[sflag:s3] =	ssyncadd.s32 $0xFFFF0000  }
0xf0: {  	_ =	swait.ge [sflag:s3], $0x10000  }
0xf1: {  	[sflag:s3] =	ssyncset.done $0x0  }
0xf2: {  	[sflag:s3] =	ssyncadd.s32 $0xFFFF0000  }
0xf3: {  	_ =	swait.ge [sflag:s3], $0x10000  }
0xf4: {  	[sflag:s3] =	ssyncset.done $0x0  }
0xf5: {  	[sflag:s3] =	ssyncadd.s32 $0xFFFF0000  }
0xf6: {  	_ =	swait.ge [sflag:s3], $0x10000  }
0xf7: {  	[sflag:s3] =	ssyncset.done $0x0  }
0xf8: {  	[sflag:s3] =	ssyncadd.s32 $0xFFFF0000  }
0xf9: {  	_ =	swait.ge [sflag:s3], $0x10000  }
0xfa: {  	[sflag:s3] =	ssyncset.done $0x0  }
0xfb: {  	[sflag:s3] =	ssyncadd.s32 $0xFFFF0000  }
0xfc: {  	_ =	swait.ge [sflag:s3], $0x10000  }
0xfd: {  	[sflag:s3] =	ssyncset.done $0x0  }
0xfe: {  	[sflag:s3] =	ssyncadd.s32 $0xFFFF0000  }
0xff: {  	_ =	swait.ge [sflag:s3], $0x10000  }
0x100: {  	[sflag:s3] =	ssyncset.done $0x0  }
0x101: {  	[sflag:s3] =	ssyncadd.s32 $0xFFFF0000  }
0x102: {  	_ =	swait.ge [sflag:s3], $0x10000  }
0x103: {  	[sflag:s3] =	ssyncset.done $0x0  }
0x104: {  	[sflag:s3] =	ssyncadd.s32 $0xFFFF0000  }
0x105: {  	_ =	swait.ge [sflag:s3], $0x10000  }
0x106: {  	[sflag:s3] =	ssyncset.done $0x0  }
0x107: {  	[sflag:s3] =	ssyncadd.s32 $0xFFFF0000  }
0x108: {  	_ =	swait.ge [sflag:s3], $0x10000  }
0x109: {  	[sflag:s3] =	ssyncset.done $0x0  }
0x10a: {  	[sflag:s3] =	ssyncadd.s32 $0xFFFF0000  }
0x10b: {  	_ =	swait.ge [sflag:s3], $0x10000  }
0x10c: {  	[sflag:s3] =	ssyncset.done $0x0  }
0x10d: {  	[sflag:s3] =	ssyncadd.s32 $0xFFFF0000  }
0x10e: {  	_ =	swait.ge [sflag:s3], $0x10000  }
0x10f: {  	[sflag:s3] =	ssyncset.done $0x0  }
0x110: {  	p1 =	sne.s32 s1, $0x1;
	[sflag:s3] =	ssyncadd.s32 $0xFFFF0000  }
.Ltmp2:
0x111: {  	_ =	swait.ge [sflag:s3], $0x10000;
	(pc) =	sbr.rel @p1 .LBB2_3-.Ltmp2, $4  }
0x112: {  	[sflag:s3] =	ssyncset.done $0x0  }
0x113: {  	[sflag:s3] =	ssyncadd.s32 $0xFFFF0000  }
0x114: {  	_ =	swait.ge [sflag:s3], $0x10000  }
0x115: {  	s1 =	sadd.s32 $0xFFFFFFFF, s1;
	s0 =	rddreg [dreg:$0x3];
	[sflag:s3] =	ssyncset.done $0x0  }
0x116: {  	s31 =	stileid.u32;
	s1 =	simm.s32 $0x2000  }
.LBB2_5:
0x117: {  	[sflag:s3] =	ssyncadd.s32 @p0 $0xFFFF0000  }
0x118: {  	[tilespmem:s1], [sflag:$0x2] =	stream.linear.gather [hbm4b:s0+s2], $0x10800, $0x38;
	[tilespmem:$0x12800] =	vst v63  }
0x119: {  	_ =	swait.ge [sflag:s30], $0x10800  }
0x11a: {  	[sflag:s30] =	ssyncset.done $0x0  }
0x11b: {  	[sflag:s30] =	ssyncadd.s32 $0xFFFEF800  }
0x11c: {  	[hbm4b:s4+s2] =	stream.linear.scatter [tilespmem:s17], [sflag:$0x1], $0x10000, $0x38;
	[tilespmem:$0x12800] =	vst v63  }
0x11d: {  	s1 =	rddreg [dreg:$0x4]  }
0x11e: {  	[hbm4b:s1+s2] =	stream.linear.scatter [tilespmem:s17], [sflag:$0x1], $0x10000, $0x38;
	[tilespmem:$0x12800] =	vst v63  }
0x11f: {  	s4 =	rddreg [dreg:$0x5]  }
0x120: {  	[hbm4b:s4+s2] =	stream.linear.scatter [tilespmem:s14], [sflag:$0x1], $0x10000, $0x38;
	[tilespmem:$0x12800] =	vst v63  }
0x121: {  	s30 =	rddreg [dreg:$0x6]  }
0x122: {  	[hbm4b:s30+s2] =	stream.linear.scatter [tilespmem:s14], [sflag:$0x1], $0x10000, $0x38;
	[tilespmem:$0x12800] =	vst v63  }
0x123: {  	s4 =	rddreg [dreg:$0x7]  }
0x124: {  	[hbm4b:s4+s2] =	stream.linear.scatter [tilespmem:s10], [sflag:$0x1], $0x10000, $0x38;
	[tilespmem:$0x12800] =	vst v63  }
0x125: {  	s17 =	rddreg [dreg:$0x8]  }
0x126: {  	[hbm4b:s17+s2] =	stream.linear.scatter [tilespmem:s10], [sflag:$0x1], $0x10000, $0x38;
	[tilespmem:$0x12800] =	vst v63  }
0x127: {  	s30 =	rddreg [dreg:$0x9]  }
0x128: {  	[hbm4b:s30+s2] =	stream.linear.scatter [tilespmem:s8], [sflag:$0x1], $0x10000, $0x38;
	[tilespmem:$0x12800] =	vst v63  }
0x129: {  	s4 =	rddreg [dreg:$0xa]  }
0x12a: {  	[hbm4b:s4+s2] =	stream.linear.scatter [tilespmem:s8], [sflag:$0x1], $0x10000, $0x38;
	[tilespmem:$0x12800] =	vst v63  }
0x12b: {  	s10 =	rddreg [dreg:$0xb]  }
0x12c: {  	[hbm4b:s10+s2] =	stream.linear.scatter [tilespmem:s5], [sflag:$0x1], $0x10000, $0x38;
	[tilespmem:$0x12800] =	vst v63  }
0x12d: {  	s14 =	rddreg [dreg:$0xc]  }
0x12e: {  	[hbm4b:s14+s2] =	stream.linear.scatter [tilespmem:s5], [sflag:$0x1], $0x10000, $0x38;
	[tilespmem:$0x12800] =	vst v63  }
0x12f: {  	s17 =	rddreg [dreg:$0xd]  }
0x130: {  	[hbm4b:s17+s2] =	stream.linear.scatter [tilespmem:s6], [sflag:$0x1], $0x10000, $0x38;
	[tilespmem:$0x12800] =	vst v63  }
0x131: {  	s30 =	rddreg [dreg:$0xe]  }
0x132: {  	[hbm4b:s30+s2] =	stream.linear.scatter [tilespmem:s6], [sflag:$0x1], $0x10000, $0x38;
	[tilespmem:$0x12800] =	vst v63  }
0x133: {  	_ = 	snop  }
0x134: {  	[hbm4b:s11+s2] =	stream.linear.scatter [tilespmem:s7], [sflag:$0x1], $0x10000, $0x38;
	[tilespmem:$0x12800] =	vst v63  }
0x135: {  	_ = 	snop  }
0x136: {  	[hbm4b:s12+s2] =	stream.linear.scatter [tilespmem:s7], [sflag:$0x1], $0x10000, $0x38;
	[tilespmem:$0x12800] =	vst v63  }
0x137: {  	_ = 	snop  }
0x138: {  	[hbm4b:s15+s2] =	stream.linear.scatter [tilespmem:s9], [sflag:$0x1], $0x10000, $0x38;
	[tilespmem:$0x12800] =	vst v63  }
0x139: {  	_ = 	snop  }
0x13a: {  	[hbm4b:s16+s2] =	stream.linear.scatter [tilespmem:s9], [sflag:$0x1], $0x10000, $0x38;
	[tilespmem:$0x12800] =	vst v63  }
0x13b: {  	_ = 	snop  }
0x13c: {  	[hbm4b:s18+s2] =	stream.linear.scatter [tilespmem:s13], [sflag:$0x1], $0x10000, $0x38;
	[tilespmem:$0x12800] =	vst v63  }
0x13d: {  	_ = 	snop  }
0x13e: {  	[hbm4b:s19+s2] =	stream.linear.scatter [tilespmem:s13], [sflag:$0x1], $0x10000, $0x38;
	[tilespmem:$0x12800] =	vst v63  }
0x13f: {  	_ = 	snop  }
0x140: {  	[hbm4b:s22+s2] =	stream.linear.scatter [tilespmem:s20], [sflag:$0x1], $0x10000, $0x38;
	[tilespmem:$0x12800] =	vst v63  }
0x141: {  	_ = 	snop  }
0x142: {  	[hbm4b:s24+s2] =	stream.linear.scatter [tilespmem:s20], [sflag:$0x1], $0x10000, $0x38;
	[tilespmem:$0x12800] =	vst v63  }
0x143: {  	_ = 	snop  }
0x144: {  	[hbm4b:s25+s2] =	stream.linear.scatter [tilespmem:s23], [sflag:$0x1], $0x10000, $0x38;
	[tilespmem:$0x12800] =	vst v63  }
0x145: {  	_ = 	snop  }
0x146: {  	[hbm4b:s26+s2] =	stream.linear.scatter [tilespmem:s23], [sflag:$0x1], $0x10000, $0x38;
	[tilespmem:$0x12800] =	vst v63  }
0x147: {  	_ = 	snop  }
0x148: {  	[hbm4b:s28+s2] =	stream.linear.scatter [tilespmem:s21], [sflag:$0x1], $0x10000, $0x38;
	[tilespmem:$0x12800] =	vst v63  }
0x149: {  	_ = 	snop  }
0x14a: {  	[hbm4b:s29+s2] =	stream.linear.scatter [tilespmem:s21], [sflag:$0x1], $0x10000, $0x38;
	[tilespmem:$0x12800] =	vst v63  }
0x14b: {  	_ =	swait.ge [sflag:s3], $0x10000  }
0x14c: {  	[sflag:s3] =	ssyncset.done $0x0  }
0x14d: {  	[sflag:s3] =	ssyncadd.s32 $0xFFFF0000  }
0x14e: {  	_ =	swait.ge [sflag:s3], $0x10000  }
0x14f: {  	[sflag:s3] =	ssyncset.done $0x0  }
0x150: {  	[sflag:s3] =	ssyncadd.s32 $0xFFFF0000  }
0x151: {  	_ =	swait.ge [sflag:s3], $0x10000  }
0x152: {  	[sflag:s3] =	ssyncset.done $0x0  }
0x153: {  	[sflag:s3] =	ssyncadd.s32 $0xFFFF0000  }
0x154: {  	_ =	swait.ge [sflag:s3], $0x10000  }
0x155: {  	[sflag:s3] =	ssyncset.done $0x0  }
0x156: {  	[sflag:s3] =	ssyncadd.s32 $0xFFFF0000  }
0x157: {  	_ =	swait.ge [sflag:s3], $0x10000  }
0x158: {  	[sflag:s3] =	ssyncset.done $0x0  }
0x159: {  	[sflag:s3] =	ssyncadd.s32 $0xFFFF0000  }
0x15a: {  	_ =	swait.ge [sflag:s3], $0x10000  }
0x15b: {  	[sflag:s3] =	ssyncset.done $0x0  }
0x15c: {  	[sflag:s3] =	ssyncadd.s32 $0xFFFF0000  }
0x15d: {  	_ =	swait.ge [sflag:s3], $0x10000  }
0x15e: {  	[sflag:s3] =	ssyncset.done $0x0  }
0x15f: {  	[sflag:s3] =	ssyncadd.s32 $0xFFFF0000  }
0x160: {  	_ =	swait.ge [sflag:s3], $0x10000  }
0x161: {  	[sflag:s3] =	ssyncset.done $0x0  }
0x162: {  	[sflag:s3] =	ssyncadd.s32 $0xFFFF0000  }
0x163: {  	_ =	swait.ge [sflag:s3], $0x10000  }
0x164: {  	[sflag:s3] =	ssyncset.done $0x0  }
0x165: {  	[sflag:s3] =	ssyncadd.s32 $0xFFFF0000  }
0x166: {  	_ =	swait.ge [sflag:s3], $0x10000  }
0x167: {  	[sflag:s3] =	ssyncset.done $0x0  }
0x168: {  	[sflag:s3] =	ssyncadd.s32 $0xFFFF0000  }
0x169: {  	_ =	swait.ge [sflag:s3], $0x10000  }
0x16a: {  	[sflag:s3] =	ssyncset.done $0x0  }
0x16b: {  	[sflag:s3] =	ssyncadd.s32 $0xFFFF0000  }
0x16c: {  	_ =	swait.ge [sflag:s3], $0x10000  }
0x16d: {  	[sflag:s3] =	ssyncset.done $0x0  }
0x16e: {  	[sflag:s3] =	ssyncadd.s32 $0xFFFF0000  }
0x16f: {  	_ =	swait.ge [sflag:s3], $0x10000  }
0x170: {  	[sflag:s3] =	ssyncset.done $0x0  }
0x171: {  	[sflag:s3] =	ssyncadd.s32 $0xFFFF0000  }
0x172: {  	_ =	swait.ge [sflag:s3], $0x10000  }
0x173: {  	[sflag:s3] =	ssyncset.done $0x0  }
0x174: {  	[sflag:s3] =	ssyncadd.s32 $0xFFFF0000  }
0x175: {  	_ =	swait.ge [sflag:s3], $0x10000  }
0x176: {  	[sflag:s3] =	ssyncset.done $0x0  }
0x177: {  	[sflag:s3] =	ssyncadd.s32 $0xFFFF0000  }
0x178: {  	_ =	swait.ge [sflag:s3], $0x10000  }
0x179: {  	[sflag:s3] =	ssyncset.done $0x0  }
0x17a: {  	[sflag:s3] =	ssyncadd.s32 $0xFFFF0000  }
0x17b: {  	_ =	swait.ge [sflag:s3], $0x10000  }
0x17c: {  	[sflag:s3] =	ssyncset.done $0x0  }
0x17d: {  	[sflag:s3] =	ssyncadd.s32 $0xFFFF0000  }
0x17e: {  	_ =	swait.ge [sflag:s3], $0x10000  }
0x17f: {  	[sflag:s3] =	ssyncset.done $0x0  }
0x180: {  	[sflag:s3] =	ssyncadd.s32 $0xFFFF0000  }
0x181: {  	_ =	swait.ge [sflag:s3], $0x10000  }
0x182: {  	[sflag:s3] =	ssyncset.done $0x0  }
0x183: {  	[sflag:s3] =	ssyncadd.s32 $0xFFFF0000  }
0x184: {  	_ =	swait.ge [sflag:s3], $0x10000  }
0x185: {  	[sflag:s3] =	ssyncset.done $0x0  }
0x186: {  	[sflag:s3] =	ssyncadd.s32 $0xFFFF0000  }
0x187: {  	_ =	swait.ge [sflag:s3], $0x10000  }
0x188: {  	[sflag:s3] =	ssyncset.done $0x0  }
0x189: {  	[sflag:s3] =	ssyncadd.s32 $0xFFFF0000  }
0x18a: {  	_ =	swait.ge [sflag:s3], $0x10000  }
0x18b: {  	[sflag:s3] =	ssyncset.done $0x0  }
0x18c: {  	[sflag:s3] =	ssyncadd.s32 $0xFFFF0000  }
0x18d: {  	_ =	swait.ge [sflag:s3], $0x10000  }
0x18e: {  	[sflag:s3] =	ssyncset.done $0x0  }
0x18f: {  	[sflag:s3] =	ssyncadd.s32 $0xFFFF0000  }
0x190: {  	_ =	swait.ge [sflag:s3], $0x10000  }
0x191: {  	[sflag:s3] =	ssyncset.done $0x0  }
0x192: {  	[sflag:s3] =	ssyncadd.s32 $0xFFFF0000  }
0x193: {  	_ =	sfence.sel $0x180000  }
0x194: {  	[bflag:$0x0] =	sbarrier.arrive $0xFFFF  }
0x195: {  	_ =	strace $0x90000047  }
0x196: {  	[bflag:$0x2] =	sbarrier.arrive $0xFFFF  }
0x197: {  	p0 =	sne.s32 s31, $0x0;
	s0 =	rddreg [dreg:$0x2]  }
0x198: {  	s0 =	sadd.s32 @!p0 $0x100000, s0  }
0x199: {  	[sflag:s0] =	ssyncadd.tile.s32 @!p0 $0x1;
	_ =	shalt  }
.LBB2_2:
.Ltmp3:
0x19a: {  	(pc) =	sbr.rel .LBB2_5-.Ltmp3, $2  }
0x19b: {  	_ =	sdelay $0x2  }
0x19c: {  	s31 =	stileid.u32;
	s1 =	simm.s32 $0x2000  }
.Lfunc_end2:
_tile_overlayer_lowered:
.L_overlay_start_2:
0x19d: {  	(tag) =	ssettag $0x2  }
0x19e: {  	s0 =	rddreg [dreg:$0x0];
	s2 =	stileid.u32  }
0x19f: {  	s1 =	rddreg [dreg:$0x1];
	p0 =	sne.s32 s2, $0x0  }
0x1a0: {  	s3 =	rddreg [dreg:$0x2];
	[bflag:$0x3] =	sbarrier.arrive $0xFFFF;
	s2 =	simm.s32 @!p0 $0x1C01  }
0x1a1: {  	[timem:s3], [sflag:s2] =	dma.local @!p0 [hbm:s0], s1  }
0x1a2: {  	s0 =	simm.s32 @!p0 $0x1  }
0x1a3: {  	_ =	swait.ge @!p0 [sflag:s0], s1  }
0x1a4: {  	s1 =	ssub.s32 @!p0 $0x0, s1;
	[sflag:s0] =	ssyncset.done @!p0 $0x0  }
0x1a5: {  	[sflag:s0] =	ssyncadd.s32 @!p0 s1  }
0x1a6: {  	[bflag:$0x3] =	sbarrier.arrive $0xFFFF  }
0x1a7: {  	_ =	shalt  }

</sc_bundles>
